<compile_context>
chip_gen: v7x
topology: tpu7x:2x2x1
jax: 0.10.2.dev20260603
libtpu: 0.0.44.dev20260713+nightly
codegen_flags: <defaults>
</compile_context>

<pallas_src>
import functools

import jax
import jax.numpy as jnp
from jax import lax
from jax.experimental import pallas as pl
from jax.experimental.pallas import tpu as pltpu
from jax.experimental.pallas import tpu_sc as plsc

_R_MAX = 0.2
_R_MIN = 0.05
_BOUNDARY = 0.1
_K = 64
_NUM_BATCH = 8
_N = 50000
_Q = 1024
_W = 8192
_NPAD = 57344
_CAND = 1024
_NTILES = 32
_QPT = _Q // _NTILES
_R2 = (_R_MAX * (1.0 + _BOUNDARY)) ** 2
_INF = float("inf")


def _minmax(ka, va, kb, vb):
    m = ka <= kb
    return (jnp.where(m, ka, kb), jnp.where(m, va, vb),
            jnp.where(m, kb, ka), jnp.where(m, vb, va))


def _sc_body(pxb_h, pyb_h, pzb_h, p2_h, batch_h, se_h, qxb_h, qyb_h, qzb_h,
             q2_h, gb_h, posx_h, posy_h, posz_h,
             oidx_h, ox_h, oy_h, oz_h, nv_h,
             win_px, win_py, win_pz, win_p2,
             cand_d, cand_i, f_px, f_py, f_pz, f_p2, f_b, pad_buf,
             qx_v, qy_v, qz_v, q2_v, gb_v, se_v,
             o_idx, g_x, g_y, g_z, nv_v, kd, vd_a, vd_b, sem):
    nc = 2
    wid = lax.axis_index("s") * nc + lax.axis_index("c")
    iota = lax.iota(jnp.int32, 16)

    pltpu.sync_copy(qxb_h.at[pl.ds(wid * _QPT, _QPT)], qx_v.at[pl.ds(0, _QPT)])
    pltpu.sync_copy(qyb_h.at[pl.ds(wid * _QPT, _QPT)], qy_v.at[pl.ds(0, _QPT)])
    pltpu.sync_copy(qzb_h.at[pl.ds(wid * _QPT, _QPT)], qz_v.at[pl.ds(0, _QPT)])
    pltpu.sync_copy(q2_h.at[pl.ds(wid * _QPT, _QPT)], q2_v.at[pl.ds(0, _QPT)])
    pltpu.sync_copy(gb_h.at[pl.ds(wid * _QPT, _QPT)], gb_v.at[pl.ds(0, _QPT)])
    pltpu.sync_copy(se_h, se_v.at[pl.ds(0, 16)])
    pltpu.sync_copy(pxb_h.at[pl.ds(0, 128)], f_px)
    pltpu.sync_copy(pyb_h.at[pl.ds(0, 128)], f_py)
    pltpu.sync_copy(pzb_h.at[pl.ds(0, 128)], f_pz)
    pltpu.sync_copy(p2_h.at[pl.ds(0, 128)], f_p2)
    pltpu.sync_copy(batch_h.at[pl.ds(0, 128)], f_b)
    kd[pl.ds(0, 16)] = jnp.full((16,), -1.0, jnp.float32)
    kd[pl.ds(80, 16)] = jnp.full((16,), -1.0, jnp.float32)

    def query_body(ql, caches):
        ca, cb, nv0, nv1 = caches
        gb = gb_v[pl.ds(ql, 16)][0]
        s = se_v[pl.ds(gb, 16)][0]
        e = se_v[pl.ds(gb + 8, 16)][0]
        qx = qx_v[pl.ds(ql, 16)][0]
        qy = qy_v[pl.ds(ql, 16)][0]
        qz = qz_v[pl.ds(ql, 16)][0]
        q2s = q2_v[pl.ds(ql, 16)][0]
        q64 = ql * _K

        k_lo = s // _W
        k_hi = jnp.maximum(e - 1, s) // _W

        def window_body(k, carry):
            ca, cb, cnt = carry
            sl = k % 2
            cached = jnp.where(sl == 0, ca, cb)

            @pl.when(cached != k)
            def _stage():
                src = pl.ds(k * _W, _W)
                dst = pl.ds(sl * _W, _W)
                pltpu.sync_copy(pxb_h.at[src], win_px.at[dst])
                pltpu.sync_copy(pyb_h.at[src], win_py.at[dst])
                pltpu.sync_copy(pzb_h.at[src], win_pz.at[dst])
                pltpu.sync_copy(p2_h.at[src], win_p2.at[dst])

            ca2 = jnp.where(sl == 0, k, ca)
            cb2 = jnp.where(sl == 1, k, cb)
            lo = jnp.maximum(s, k * _W)
            hi = jnp.minimum(e, (k + 1) * _W)
            c0 = lo & (-16)
            nch = jnp.maximum(hi - c0 + 15, 0) // 16
            lbase = c0 - k * _W + sl * _W

            def chunk_body(i, cnt):
                lb = lbase + i * 16
                px = win_px[pl.ds(lb, 16)]
                py = win_py[pl.ds(lb, 16)]
                pz = win_pz[pl.ds(lb, 16)]
                p2v = win_p2[pl.ds(lb, 16)]
                qp = qx * px + qy * py + qz * pz
                d = (q2s + p2v) - 2.0 * qp
                d = jnp.maximum(d, 0.0)
                g = iota + (c0 + i * 16)
                m = (d <= _R2) & (g >= lo) & (g < hi)
                dk = jnp.where(d == 0.0, g.astype(jnp.float32) * 1e-30, d)
                c2 = jnp.minimum(cnt, _CAND - 16)
                offs = plsc.cumsum(m.astype(jnp.int32))
                posn = jnp.maximum(c2 + offs - 1, 0)
                plsc.store_scatter(cand_d, [posn], dk, mask=m)
                plsc.store_scatter(cand_i, [posn], g, mask=m)
                return cnt + jnp.sum(m.astype(jnp.int32))

            cnt = lax.fori_loop(0, nch, chunk_body, cnt)
            return ca2, cb2, cnt

        ca, cb, cnt = lax.fori_loop(k_lo, k_hi + 1, window_body,
                                    (ca, cb, jnp.int32(0)))

        cs = jnp.minimum(cnt, _CAND)
        nsel = (cs + 15) // 16
        inf16 = jnp.full((16,), _INF, jnp.float32)
        zero16 = jnp.zeros((16,), jnp.int32)

        def sel_body(c, acc):
            a0k, a1k, a2k, a3k, a0v, a1v, a2v, a3v = acc
            base = c * 16
            kc = cand_d[pl.ds(base, 16)]
            vc = cand_i[pl.ds(base, 16)]
            lane = iota + base
            kc = jnp.where(lane < cs, kc, _INF)
            ks, vs = plsc.sort_key_val(kc, vc)
            rk = lax.rev(ks, (0,))
            rv = lax.rev(vs, (0,))
            m3 = a3k <= rk
            l3k = jnp.where(m3, a3k, rk)
            l3v = jnp.where(m3, a3v, rv)
            b0k, b0v, b2k, b2v = _minmax(a0k, a0v, a2k, a2v)
            b1k, b1v, b3k, b3v = _minmax(a1k, a1v, l3k, l3v)
            c0k, c0v, c1k, c1v = _minmax(b0k, b0v, b1k, b1v)
            c2k, c2v, c3k, c3v = _minmax(b2k, b2v, b3k, b3v)
            n0k, n0v = plsc.sort_key_val(c0k, c0v)
            n1k, n1v = plsc.sort_key_val(c1k, c1v)
            n2k, n2v = plsc.sort_key_val(c2k, c2v)
            n3k, n3v = plsc.sort_key_val(c3k, c3v)
            return n0k, n1k, n2k, n3k, n0v, n1v, n2v, n3v

        acc = lax.fori_loop(0, nsel, sel_body,
                            (inf16, inf16, inf16, inf16,
                             zero16, zero16, zero16, zero16))
        for c in range(4):
            kd[pl.ds(16 + c * 16, 16)] = acc[c]
            vd_a[pl.ds(16 + c * 16, 16)] = acc[4 + c]
        vsrc, vdst = vd_a, vd_b
        for p_par in (0, 1, 0):
            for c in range(4):
                b = 16 + c * 16
                posg = iota + c * 16
                if p_par == 0:
                    partner = posg ^ 1
                else:
                    partner = jnp.clip(((posg - 1) ^ 1) + 1, 0, 63)
                k0 = kd[pl.ds(b, 16)]
                v0 = vsrc[pl.ds(b, 16)]
                kp = plsc.load_gather(kd, [partner + 16])
                vp = plsc.load_gather(vsrc, [partner + 16])
                tie = (k0 == kp) & (partner != posg)
                take_min = posg < partner
                nv = jnp.where(
                    tie,
                    jnp.where(take_min, jnp.minimum(v0, vp),
                              jnp.maximum(v0, vp)),
                    v0)
                vdst[pl.ds(b, 16)] = nv
            vsrc, vdst = vdst, vsrc
        for c in range(4):
            o_idx[pl.ds(q64 + c * 16, 16)] = vsrc[pl.ds(16 + c * 16, 16)]
        cnt64 = jnp.minimum(cnt, _K)
        nv0 = jnp.where(iota == ql, cnt64, nv0)
        nv1 = jnp.where(iota + 16 == ql, cnt64, nv1)

        @pl.when(cnt < _K)
        def _pad():
            pcnt = jnp.int32(0)
            for c in range(8):
                g = iota + c * 16
                fx = f_px[pl.ds(c * 16, 16)]
                fy = f_py[pl.ds(c * 16, 16)]
                fz = f_pz[pl.ds(c * 16, 16)]
                fp2 = f_p2[pl.ds(c * 16, 16)]
                fb = f_b[pl.ds(c * 16, 16)]
                qp = qx * fx + qy * fy + qz * fz
                d = (q2s + fp2) - 2.0 * qp
                d = jnp.maximum(d, 0.0)
                inv = jnp.logical_not((fb == gb) & (d <= _R2))
                offs = plsc.cumsum(inv.astype(jnp.int32))
                posn = jnp.maximum(jnp.minimum(pcnt, 128) + offs - 1, 0)
                plsc.store_scatter(pad_buf, [posn], g, mask=inv)
                pcnt = pcnt + jnp.sum(inv.astype(jnp.int32))
            for c in range(4):
                slot = iota + c * 16
                cur = o_idx[pl.ds(q64 + c * 16, 16)]
                srcp = jnp.clip(slot - cnt, 0, 127)
                pv = plsc.load_gather(pad_buf, [srcp])
                o_idx[pl.ds(q64 + c * 16, 16)] = jnp.where(slot >= cnt, pv, cur)

        return ca, cb, nv0, nv1

    zero16i = jnp.zeros((16,), jnp.int32)
    _, _, nv0, nv1 = lax.fori_loop(
        0, _QPT, query_body, (jnp.int32(-1), jnp.int32(-2), zero16i, zero16i))
    nv_v[pl.ds(0, 16)] = nv0
    nv_v[pl.ds(16, 16)] = nv1

    handles = []
    for i in range(16):
        src = o_idx.at[pl.ds(i * 128, 128)]
        dst = pl.ds(i * 128, 128)
        handles.append(pltpu.async_copy(posx_h.at[src], g_x.at[dst], sem))
        handles.append(pltpu.async_copy(posy_h.at[src], g_y.at[dst], sem))
        handles.append(pltpu.async_copy(posz_h.at[src], g_z.at[dst], sem))
    for h in handles:
        h.wait()

    out = pl.ds(wid * (_QPT * _K), _QPT * _K)
    pltpu.sync_copy(o_idx, oidx_h.at[out])
    pltpu.sync_copy(g_x, ox_h.at[out])
    pltpu.sync_copy(g_y, oy_h.at[out])
    pltpu.sync_copy(g_z, oz_h.at[out])
    pltpu.sync_copy(nv_v, nv_h.at[pl.ds(wid * _QPT, _QPT)])


def _sc_search(pxb, pyb, pzb, p2, batch, se, qxb, qyb, qzb, q2, gb,
               posx, posy, posz):
    mesh = plsc.VectorSubcoreMesh(core_axis_name="c", subcore_axis_name="s",
                                  num_cores=2, num_subcores=16)
    f32 = jnp.float32
    i32 = jnp.int32
    kern = pl.kernel(
        _sc_body,
        out_type=(
            jax.ShapeDtypeStruct((_Q * _K,), i32),
            jax.ShapeDtypeStruct((_Q * _K,), f32),
            jax.ShapeDtypeStruct((_Q * _K,), f32),
            jax.ShapeDtypeStruct((_Q * _K,), f32),
            jax.ShapeDtypeStruct((_Q,), i32),
        ),
        mesh=mesh,
        compiler_params=pltpu.CompilerParams(needs_layout_passes=False),
        scratch_types=[
            pltpu.VMEM((2 * _W,), f32),
            pltpu.VMEM((2 * _W,), f32),
            pltpu.VMEM((2 * _W,), f32),
            pltpu.VMEM((2 * _W,), f32),
            pltpu.VMEM((_CAND,), f32),
            pltpu.VMEM((_CAND,), i32),
            pltpu.VMEM((128,), f32),
            pltpu.VMEM((128,), f32),
            pltpu.VMEM((128,), f32),
            pltpu.VMEM((128,), f32),
            pltpu.VMEM((128,), i32),
            pltpu.VMEM((144,), i32),
            pltpu.VMEM((_QPT + 16,), f32),
            pltpu.VMEM((_QPT + 16,), f32),
            pltpu.VMEM((_QPT + 16,), f32),
            pltpu.VMEM((_QPT + 16,), f32),
            pltpu.VMEM((_QPT + 16,), i32),
            pltpu.VMEM((32,), i32),
            pltpu.VMEM((_QPT * _K,), i32),
            pltpu.VMEM((_QPT * _K,), f32),
            pltpu.VMEM((_QPT * _K,), f32),
            pltpu.VMEM((_QPT * _K,), f32),
            pltpu.VMEM((_QPT,), i32),
            pltpu.VMEM((96,), f32),
            pltpu.VMEM((96,), i32),
            pltpu.VMEM((96,), i32),
            pltpu.SemaphoreType.DMA,
        ],
    )
    return kern(pxb, pyb, pzb, p2, batch, se, qxb, qyb, qzb, q2, gb,
                posx, posy, posz)


def _finish_body(nx_ref, ny_ref, nz_ref, cx_ref, cy_ref, cz_ref, brr_ref, nv_ref,
                 lx_ref, ly_ref, lz_ref, lbw_ref, ins_ref):
    nx = nx_ref[...]
    ny = ny_ref[...]
    nz = nz_ref[...]
    cx = cx_ref[...]
    cy = cy_ref[...]
    cz = cz_ref[...]
    br = (_R_MAX - _R_MIN) * brr_ref[...] + _R_MIN
    lx = (nx - cx) / br
    ly = (ny - cy) / br
    lz = (nz - cz) / br
    norm = jnp.sqrt(lx * lx + ly * ly + lz * lz + 1e-20)
    k_iota = jax.lax.broadcasted_iota(jnp.int32, nx.shape, 1)
    valid = k_iota < nv_ref[...]
    inside = (norm < (1.0 + _BOUNDARY)) & valid
    ratio = (norm - 1.0) / _BOUNDARY
    safe = jnp.where(inside, 1.0 - ratio + 1e-12, 1.0)
    lbw = jnp.where(inside, jnp.log(safe), 0.0)
    lx = jnp.where(inside, lx * br / _R_MAX, 0.0)
    ly = jnp.where(inside, ly * br / _R_MAX, 0.0)
    lz = jnp.where(inside, lz * br / _R_MAX, 0.0)
    lx_ref[...] = lx
    ly_ref[...] = ly
    lz_ref[...] = lz
    lbw_ref[...] = lbw
    ins_ref[...] = inside.astype(jnp.int32)


def _finish(nx, ny, nz, glimpse_center, ball_radius_ratio, n_valid):
    f32 = jnp.float32
    outs = pl.pallas_call(
        _finish_body,
        out_shape=(
            jax.ShapeDtypeStruct((_Q, _K), f32),
            jax.ShapeDtypeStruct((_Q, _K), f32),
            jax.ShapeDtypeStruct((_Q, _K), f32),
            jax.ShapeDtypeStruct((_Q, _K), f32),
            jax.ShapeDtypeStruct((_Q, _K), jnp.int32),
        ),
    )(
        nx, ny, nz,
        glimpse_center[:, 0:1], glimpse_center[:, 1:2], glimpse_center[:, 2:3],
        ball_radius_ratio, n_valid,
    )
    lx, ly, lz, lbw, ins = outs
    local = jnp.stack([lx, ly, lz], axis=-1)
    return local, lbw, ins.astype(bool)


def _round_bf16(v):
    u = jax.lax.bitcast_convert_type(v, jnp.uint32)
    r = (u + 0x7FFF + ((u >> 16) & 1)) & jnp.uint32(0xFFFF0000)
    return jax.lax.bitcast_convert_type(r, jnp.float32)


def kernel(pos, rgb, batch, glimpse_center, voxel_center, ball_radius_ratio,
           center_offset_ratio, glimpse_batch):
    f32 = jnp.float32
    i32 = jnp.int32
    posx = pos[:, 0]
    posy = pos[:, 1]
    posz = pos[:, 2]
    padv = jnp.full((_NPAD - _N,), 1e6, f32)
    px_pad = jnp.concatenate([posx, padv])
    py_pad = jnp.concatenate([posy, padv])
    pz_pad = jnp.concatenate([posz, padv])
    p2 = px_pad * px_pad + pz_pad * pz_pad + py_pad * py_pad
    pxb = _round_bf16(px_pad)
    pyb = _round_bf16(py_pad)
    pzb = _round_bf16(pz_pad)
    gx = glimpse_center[:, 0]
    gy = glimpse_center[:, 1]
    gz = glimpse_center[:, 2]
    q2 = gx * gx + gz * gz + gy * gy
    qxb = _round_bf16(gx)
    qyb = _round_bf16(gy)
    qzb = _round_bf16(gz)
    rng = jnp.arange(_NUM_BATCH, dtype=i32)
    starts = jnp.searchsorted(batch, rng, side="left").astype(i32)
    ends = jnp.searchsorted(batch, rng, side="right").astype(i32)
    se = jnp.concatenate([starts, ends])
    gb = glimpse_batch.astype(i32)

    oidx, ox, oy, oz, nv = _sc_search(
        pxb, pyb, pzb, p2, batch.astype(i32), se, qxb, qyb, qzb, q2, gb,
        posx, posy, posz)

    nbr_idx = oidx.reshape(_Q, _K)
    nx = ox.reshape(_Q, _K)
    ny = oy.reshape(_Q, _K)
    nz = oz.reshape(_Q, _K)
    local, lbw, inside = _finish(nx, ny, nz, glimpse_center,
                                 ball_radius_ratio, nv[:, None])
    return local, lbw, nbr_idx, inside

# --- scband reference (transcript-rebuilt; emitter-appended) ---
"""Pipeline reference for scband-ss3-d-spair-v1-64269890617418 (READ-ONLY COPY).

The authoritative reference and input builder live on the scoring server;
editing this copy changes nothing except your own understanding.
"""

import jax, jax.numpy as jnp
import numpy as np

BALL_RADIUS_MAX = 0.2
BALL_RADIUS_MIN = 0.05
BOUNDARY_RATIO = 0.1
MAX_NEIGHBORS = 64
NUM_BATCH = 8
N_POINTS = 50000
N_GLIMPSES = 1024


def setup_inputs(seed: int = 0) -> dict:
    key = jax.random.key(seed)
    ks = jax.random.split(key, 8)
    pos = jax.random.uniform(ks[0], (N_POINTS, 3), dtype=jnp.float32)
    rgb = jax.random.uniform(ks[1], (N_POINTS, 3), dtype=jnp.float32)
    batch = jnp.sort(jax.random.randint(ks[2], (N_POINTS,), 0, NUM_BATCH, dtype=jnp.int32))
    glimpse_center = jax.random.uniform(ks[3], (N_GLIMPSES, 3), dtype=jnp.float32)
    voxel_center = jax.random.uniform(ks[4], (N_GLIMPSES, 3), dtype=jnp.float32)
    ball_radius_ratio = jax.random.uniform(ks[5], (N_GLIMPSES, 1), dtype=jnp.float32)
    center_offset_ratio = jax.random.uniform(ks[6], (N_GLIMPSES, 3), dtype=jnp.float32)
    glimpse_batch = jnp.sort(jax.random.randint(ks[7], (N_GLIMPSES,), 0, NUM_BATCH, dtype=jnp.int32))
    return {"pos": pos, "rgb": rgb, "batch": batch, "glimpse_center": glimpse_center,
            "voxel_center": voxel_center, "ball_radius_ratio": ball_radius_ratio,
            "center_offset_ratio": center_offset_ratio, "glimpse_batch": glimpse_batch}


def reference(pos, rgb, batch, glimpse_center, voxel_center, ball_radius_ratio, center_offset_ratio, glimpse_batch):
    # radius(pos, glimpse_center, r_max*(1+boundary_ratio), batch, glimpse_batch, max_num_neighbors)
    # implemented as dense masked distance + fixed-size top-k retrieval
    search_r2 = (BALL_RADIUS_MAX * (1.0 + BOUNDARY_RATIO)) ** 2
    q2 = jnp.sum(glimpse_center * glimpse_center, axis=-1, keepdims=True)  # [Q,1]
    p2 = jnp.sum(pos * pos, axis=-1)  # [N]
    dist2 = q2 + p2[None, :] - 2.0 * (glimpse_center @ pos.T)  # [Q,N]
    dist2 = jnp.maximum(dist2, 0.0)
    same_batch = glimpse_batch[:, None] == batch[None, :]
    within = (dist2 <= search_r2) & same_batch
    score = jnp.where(within, -dist2, -jnp.inf)
    top_scores, nbr_idx = jax.lax.top_k(score, MAX_NEIGHBORS)  # [Q,K]
    valid = jnp.isfinite(top_scores)
    # glimpse_member__local_pos = (pos[nbr] - center) / ball_radius
    nbr_pos = jnp.take(pos, nbr_idx, axis=0)  # [Q,K,3]
    local = nbr_pos - glimpse_center[:, None, :]
    ball_radius = (BALL_RADIUS_MAX - BALL_RADIUS_MIN) * ball_radius_ratio + BALL_RADIUS_MIN  # [Q,1]
    local = local / ball_radius[:, :, None]
    norm = jnp.sqrt(jnp.sum(local * local, axis=-1) + 1e-20)  # [Q,K]
    inside = (norm < 1.0 + BOUNDARY_RATIO) & valid
    # boundary weight: log(1 - (norm-1)/boundary_ratio + 1e-12)
    ratio = (norm - 1.0) / BOUNDARY_RATIO
    safe = jnp.where(inside, 1.0 - ratio + 1e-12, 1.0)
    log_bw = jnp.where(inside, jnp.log(safe), 0.0)
    # fix_scale == False: rescale local pos by ball_radius / ball_radius_max
    local = local * ball_radius[:, :, None] / BALL_RADIUS_MAX
    local = jnp.where(inside[..., None], local, 0.0)
    return local, log_bw, nbr_idx, inside

if __name__ == "__main__":
    import jax
    _d = setup_inputs()
    print(jax.jit(kernel)(*tuple(_d.values())))

</pallas_src>

<mosaic_0001>
#map = affine_map<(d0, d1) -> (0)>
module attributes {stable_mosaic.version = 14 : i64} {
  func.func @_sc_body(%arg0: i32, %arg1: i32, %arg2: memref<57344xf32, #tpu.memory_space<hbm>>, %arg3: memref<57344xf32, #tpu.memory_space<hbm>>, %arg4: memref<57344xf32, #tpu.memory_space<hbm>>, %arg5: memref<57344xf32, #tpu.memory_space<hbm>>, %arg6: memref<50000xi32, #tpu.memory_space<hbm>>, %arg7: memref<16xi32, #tpu.memory_space<hbm>>, %arg8: memref<1024xf32, #tpu.memory_space<hbm>>, %arg9: memref<1024xf32, #tpu.memory_space<hbm>>, %arg10: memref<1024xf32, #tpu.memory_space<hbm>>, %arg11: memref<1024xf32, #tpu.memory_space<hbm>>, %arg12: memref<1024xi32, #tpu.memory_space<hbm>>, %arg13: memref<50000xf32, #tpu.memory_space<hbm>>, %arg14: memref<50000xf32, #tpu.memory_space<hbm>>, %arg15: memref<50000xf32, #tpu.memory_space<hbm>>, %arg16: memref<65536xi32, #tpu.memory_space<hbm>>, %arg17: memref<65536xf32, #tpu.memory_space<hbm>>, %arg18: memref<65536xf32, #tpu.memory_space<hbm>>, %arg19: memref<65536xf32, #tpu.memory_space<hbm>>, %arg20: memref<1024xi32, #tpu.memory_space<hbm>>, %arg21: memref<16384xf32, #tpu.memory_space<vmem>>, %arg22: memref<16384xf32, #tpu.memory_space<vmem>>, %arg23: memref<16384xf32, #tpu.memory_space<vmem>>, %arg24: memref<16384xf32, #tpu.memory_space<vmem>>, %arg25: memref<1024xf32, #tpu.memory_space<vmem>>, %arg26: memref<1024xi32, #tpu.memory_space<vmem>>, %arg27: memref<128xf32, #tpu.memory_space<vmem>>, %arg28: memref<128xf32, #tpu.memory_space<vmem>>, %arg29: memref<128xf32, #tpu.memory_space<vmem>>, %arg30: memref<128xf32, #tpu.memory_space<vmem>>, %arg31: memref<128xi32, #tpu.memory_space<vmem>>, %arg32: memref<144xi32, #tpu.memory_space<vmem>>, %arg33: memref<48xf32, #tpu.memory_space<vmem>>, %arg34: memref<48xf32, #tpu.memory_space<vmem>>, %arg35: memref<48xf32, #tpu.memory_space<vmem>>, %arg36: memref<48xf32, #tpu.memory_space<vmem>>, %arg37: memref<48xi32, #tpu.memory_space<vmem>>, %arg38: memref<32xi32, #tpu.memory_space<vmem>>, %arg39: memref<2048xi32, #tpu.memory_space<vmem>>, %arg40: memref<2048xf32, #tpu.memory_space<vmem>>, %arg41: memref<2048xf32, #tpu.memory_space<vmem>>, %arg42: memref<2048xf32, #tpu.memory_space<vmem>>, %arg43: memref<32xi32, #tpu.memory_space<vmem>>, %arg44: memref<96xf32, #tpu.memory_space<vmem>>, %arg45: memref<96xi32, #tpu.memory_space<vmem>>, %arg46: memref<96xi32, #tpu.memory_space<vmem>>, %arg47: memref<!tpu.dma_semaphore, #tpu.memory_space<semaphore_mem>>) attributes {dimension_semantics = [#tpu.dimension_semantics<core_parallel>, #tpu.dimension_semantics<subcore_parallel>], iteration_bounds = array<i64: 2, 16>, scalar_prefetch = 0 : i64, scratch_operands = 27 : i64, tpu.core_type = #tpu.core_type<sc_vector_subcore>, window_params = [{transform_indices = #map}, {transform_indices = #map}, {transform_indices = #map}, {transform_indices = #map}, {transform_indices = #map}, {transform_indices = #map}, {transform_indices = #map}, {transform_indices = #map}, {transform_indices = #map}, {transform_indices = #map}, {transform_indices = #map}, {transform_indices = #map}, {transform_indices = #map}, {transform_indices = #map}, {transform_indices = #map}, {transform_indices = #map}, {transform_indices = #map}, {transform_indices = #map}, {transform_indices = #map}]} {
    %mul3A = arith.constant 2 : i32
    %mul3A_0 = arith.muli %arg1, %mul3A : i32
    %add3A = arith.addi %mul3A_0, %arg0 : i32
    %iota3A = tpu.iota {dimensions = array<i32: 0>} : vector<16xi32>
    %mul3A_1 = arith.constant 32 : i32
    %mul3A_2 = arith.muli %add3A, %mul3A_1 : i32
    "tpu.region"() ({
      %run_scoped3A = tpu.sem_alloc : memref<!tpu.dma_semaphore, #tpu.memory_space<semaphore_mem>>
      %dma_start3A_608 = arith.constant 0 : i32
      %dma_start3A_609 = tpu.memref_slice %arg33[%dma_start3A_608] : memref<48xf32, #tpu.memory_space<vmem>> -> memref<32xf32, #tpu.memory_space<vmem>>
      %dma_start3A_610 = tpu.memref_slice %arg8[%mul3A_2] : memref<1024xf32, #tpu.memory_space<hbm>> -> memref<32xf32, #tpu.memory_space<hbm>>
      %dma_start3A_611 = arith.constant 0 : i32
      %dma_start3A_612 = tpu.memref_slice %arg33[%dma_start3A_611] : memref<48xf32, #tpu.memory_space<vmem>> -> memref<32xf32, #tpu.memory_space<vmem>>
      %dma_start3A_613 = tpu.memref_slice %arg8[%mul3A_2] : memref<1024xf32, #tpu.memory_space<hbm>> -> memref<32xf32, #tpu.memory_space<hbm>>
      tpu.enqueue_dma source(%dma_start3A_613 : memref<32xf32, #tpu.memory_space<hbm>>) target(%dma_start3A_612 : memref<32xf32, #tpu.memory_space<vmem>>) target_semaphore(%run_scoped3A : memref<!tpu.dma_semaphore, #tpu.memory_space<semaphore_mem>>)
      %dma_wait3A_614 = arith.constant 0 : i32
      %dma_wait3A_615 = tpu.memref_slice %arg33[%dma_wait3A_614] : memref<48xf32, #tpu.memory_space<vmem>> -> memref<32xf32, #tpu.memory_space<vmem>>
      %dma_wait3A_616 = tpu.memref_slice %arg8[%mul3A_2] : memref<1024xf32, #tpu.memory_space<hbm>> -> memref<32xf32, #tpu.memory_space<hbm>>
      %dma_wait3A_617 = arith.constant 0 : i32
      %dma_wait3A_618 = tpu.memref_slice %arg33[%dma_wait3A_617] : memref<48xf32, #tpu.memory_space<vmem>> -> memref<32xf32, #tpu.memory_space<vmem>>
      %dma_wait3A_619 = tpu.memref_slice %arg8[%mul3A_2] : memref<1024xf32, #tpu.memory_space<hbm>> -> memref<32xf32, #tpu.memory_space<hbm>>
      tpu.wait_dma2 semaphore(%run_scoped3A : memref<!tpu.dma_semaphore, #tpu.memory_space<semaphore_mem>>) src(%dma_wait3A_619 : memref<32xf32, #tpu.memory_space<hbm>>) dst(%dma_wait3A_618 : memref<32xf32, #tpu.memory_space<vmem>>)
      tpu.yield
    }) : () -> ()
    %mul3A_3 = arith.constant 32 : i32
    %mul3A_4 = arith.muli %add3A, %mul3A_3 : i32
    "tpu.region"() ({
      %run_scoped3A = tpu.sem_alloc : memref<!tpu.dma_semaphore, #tpu.memory_space<semaphore_mem>>
      %dma_start3A_608 = arith.constant 0 : i32
      %dma_start3A_609 = tpu.memref_slice %arg34[%dma_start3A_608] : memref<48xf32, #tpu.memory_space<vmem>> -> memref<32xf32, #tpu.memory_space<vmem>>
      %dma_start3A_610 = tpu.memref_slice %arg9[%mul3A_4] : memref<1024xf32, #tpu.memory_space<hbm>> -> memref<32xf32, #tpu.memory_space<hbm>>
      %dma_start3A_611 = arith.constant 0 : i32
      %dma_start3A_612 = tpu.memref_slice %arg34[%dma_start3A_611] : memref<48xf32, #tpu.memory_space<vmem>> -> memref<32xf32, #tpu.memory_space<vmem>>
      %dma_start3A_613 = tpu.memref_slice %arg9[%mul3A_4] : memref<1024xf32, #tpu.memory_space<hbm>> -> memref<32xf32, #tpu.memory_space<hbm>>
      tpu.enqueue_dma source(%dma_start3A_613 : memref<32xf32, #tpu.memory_space<hbm>>) target(%dma_start3A_612 : memref<32xf32, #tpu.memory_space<vmem>>) target_semaphore(%run_scoped3A : memref<!tpu.dma_semaphore, #tpu.memory_space<semaphore_mem>>)
      %dma_wait3A_614 = arith.constant 0 : i32
      %dma_wait3A_615 = tpu.memref_slice %arg34[%dma_wait3A_614] : memref<48xf32, #tpu.memory_space<vmem>> -> memref<32xf32, #tpu.memory_space<vmem>>
      %dma_wait3A_616 = tpu.memref_slice %arg9[%mul3A_4] : memref<1024xf32, #tpu.memory_space<hbm>> -> memref<32xf32, #tpu.memory_space<hbm>>
      %dma_wait3A_617 = arith.constant 0 : i32
      %dma_wait3A_618 = tpu.memref_slice %arg34[%dma_wait3A_617] : memref<48xf32, #tpu.memory_space<vmem>> -> memref<32xf32, #tpu.memory_space<vmem>>
      %dma_wait3A_619 = tpu.memref_slice %arg9[%mul3A_4] : memref<1024xf32, #tpu.memory_space<hbm>> -> memref<32xf32, #tpu.memory_space<hbm>>
      tpu.wait_dma2 semaphore(%run_scoped3A : memref<!tpu.dma_semaphore, #tpu.memory_space<semaphore_mem>>) src(%dma_wait3A_619 : memref<32xf32, #tpu.memory_space<hbm>>) dst(%dma_wait3A_618 : memref<32xf32, #tpu.memory_space<vmem>>)
      tpu.yield
    }) : () -> ()
    %mul3A_5 = arith.constant 32 : i32
    %mul3A_6 = arith.muli %add3A, %mul3A_5 : i32
    "tpu.region"() ({
      %run_scoped3A = tpu.sem_alloc : memref<!tpu.dma_semaphore, #tpu.memory_space<semaphore_mem>>
      %dma_start3A_608 = arith.constant 0 : i32
      %dma_start3A_609 = tpu.memref_slice %arg35[%dma_start3A_608] : memref<48xf32, #tpu.memory_space<vmem>> -> memref<32xf32, #tpu.memory_space<vmem>>
      %dma_start3A_610 = tpu.memref_slice %arg10[%mul3A_6] : memref<1024xf32, #tpu.memory_space<hbm>> -> memref<32xf32, #tpu.memory_space<hbm>>
      %dma_start3A_611 = arith.constant 0 : i32
      %dma_start3A_612 = tpu.memref_slice %arg35[%dma_start3A_611] : memref<48xf32, #tpu.memory_space<vmem>> -> memref<32xf32, #tpu.memory_space<vmem>>
      %dma_start3A_613 = tpu.memref_slice %arg10[%mul3A_6] : memref<1024xf32, #tpu.memory_space<hbm>> -> memref<32xf32, #tpu.memory_space<hbm>>
      tpu.enqueue_dma source(%dma_start3A_613 : memref<32xf32, #tpu.memory_space<hbm>>) target(%dma_start3A_612 : memref<32xf32, #tpu.memory_space<vmem>>) target_semaphore(%run_scoped3A : memref<!tpu.dma_semaphore, #tpu.memory_space<semaphore_mem>>)
      %dma_wait3A_614 = arith.constant 0 : i32
      %dma_wait3A_615 = tpu.memref_slice %arg35[%dma_wait3A_614] : memref<48xf32, #tpu.memory_space<vmem>> -> memref<32xf32, #tpu.memory_space<vmem>>
      %dma_wait3A_616 = tpu.memref_slice %arg10[%mul3A_6] : memref<1024xf32, #tpu.memory_space<hbm>> -> memref<32xf32, #tpu.memory_space<hbm>>
      %dma_wait3A_617 = arith.constant 0 : i32
      %dma_wait3A_618 = tpu.memref_slice %arg35[%dma_wait3A_617] : memref<48xf32, #tpu.memory_space<vmem>> -> memref<32xf32, #tpu.memory_space<vmem>>
      %dma_wait3A_619 = tpu.memref_slice %arg10[%mul3A_6] : memref<1024xf32, #tpu.memory_space<hbm>> -> memref<32xf32, #tpu.memory_space<hbm>>
      tpu.wait_dma2 semaphore(%run_scoped3A : memref<!tpu.dma_semaphore, #tpu.memory_space<semaphore_mem>>) src(%dma_wait3A_619 : memref<32xf32, #tpu.memory_space<hbm>>) dst(%dma_wait3A_618 : memref<32xf32, #tpu.memory_space<vmem>>)
      tpu.yield
    }) : () -> ()
    %mul3A_7 = arith.constant 32 : i32
    %mul3A_8 = arith.muli %add3A, %mul3A_7 : i32
    "tpu.region"() ({
      %run_scoped3A = tpu.sem_alloc : memref<!tpu.dma_semaphore, #tpu.memory_space<semaphore_mem>>
      %dma_start3A_608 = arith.constant 0 : i32
      %dma_start3A_609 = tpu.memref_slice %arg36[%dma_start3A_608] : memref<48xf32, #tpu.memory_space<vmem>> -> memref<32xf32, #tpu.memory_space<vmem>>
      %dma_start3A_610 = tpu.memref_slice %arg11[%mul3A_8] : memref<1024xf32, #tpu.memory_space<hbm>> -> memref<32xf32, #tpu.memory_space<hbm>>
      %dma_start3A_611 = arith.constant 0 : i32
      %dma_start3A_612 = tpu.memref_slice %arg36[%dma_start3A_611] : memref<48xf32, #tpu.memory_space<vmem>> -> memref<32xf32, #tpu.memory_space<vmem>>
      %dma_start3A_613 = tpu.memref_slice %arg11[%mul3A_8] : memref<1024xf32, #tpu.memory_space<hbm>> -> memref<32xf32, #tpu.memory_space<hbm>>
      tpu.enqueue_dma source(%dma_start3A_613 : memref<32xf32, #tpu.memory_space<hbm>>) target(%dma_start3A_612 : memref<32xf32, #tpu.memory_space<vmem>>) target_semaphore(%run_scoped3A : memref<!tpu.dma_semaphore, #tpu.memory_space<semaphore_mem>>)
      %dma_wait3A_614 = arith.constant 0 : i32
      %dma_wait3A_615 = tpu.memref_slice %arg36[%dma_wait3A_614] : memref<48xf32, #tpu.memory_space<vmem>> -> memref<32xf32, #tpu.memory_space<vmem>>
      %dma_wait3A_616 = tpu.memref_slice %arg11[%mul3A_8] : memref<1024xf32, #tpu.memory_space<hbm>> -> memref<32xf32, #tpu.memory_space<hbm>>
      %dma_wait3A_617 = arith.constant 0 : i32
      %dma_wait3A_618 = tpu.memref_slice %arg36[%dma_wait3A_617] : memref<48xf32, #tpu.memory_space<vmem>> -> memref<32xf32, #tpu.memory_space<vmem>>
      %dma_wait3A_619 = tpu.memref_slice %arg11[%mul3A_8] : memref<1024xf32, #tpu.memory_space<hbm>> -> memref<32xf32, #tpu.memory_space<hbm>>
      tpu.wait_dma2 semaphore(%run_scoped3A : memref<!tpu.dma_semaphore, #tpu.memory_space<semaphore_mem>>) src(%dma_wait3A_619 : memref<32xf32, #tpu.memory_space<hbm>>) dst(%dma_wait3A_618 : memref<32xf32, #tpu.memory_space<vmem>>)
      tpu.yield
    }) : () -> ()
    %mul3A_9 = arith.constant 32 : i32
    %mul3A_10 = arith.muli %add3A, %mul3A_9 : i32
    "tpu.region"() ({
      %run_scoped3A = tpu.sem_alloc : memref<!tpu.dma_semaphore, #tpu.memory_space<semaphore_mem>>
      %dma_start3A_608 = arith.constant 0 : i32
      %dma_start3A_609 = tpu.memref_slice %arg37[%dma_start3A_608] : memref<48xi32, #tpu.memory_space<vmem>> -> memref<32xi32, #tpu.memory_space<vmem>>
      %dma_start3A_610 = tpu.memref_slice %arg12[%mul3A_10] : memref<1024xi32, #tpu.memory_space<hbm>> -> memref<32xi32, #tpu.memory_space<hbm>>
      %dma_start3A_611 = arith.constant 0 : i32
      %dma_start3A_612 = tpu.memref_slice %arg37[%dma_start3A_611] : memref<48xi32, #tpu.memory_space<vmem>> -> memref<32xi32, #tpu.memory_space<vmem>>
      %dma_start3A_613 = tpu.memref_slice %arg12[%mul3A_10] : memref<1024xi32, #tpu.memory_space<hbm>> -> memref<32xi32, #tpu.memory_space<hbm>>
      tpu.enqueue_dma source(%dma_start3A_613 : memref<32xi32, #tpu.memory_space<hbm>>) target(%dma_start3A_612 : memref<32xi32, #tpu.memory_space<vmem>>) target_semaphore(%run_scoped3A : memref<!tpu.dma_semaphore, #tpu.memory_space<semaphore_mem>>)
      %dma_wait3A_614 = arith.constant 0 : i32
      %dma_wait3A_615 = tpu.memref_slice %arg37[%dma_wait3A_614] : memref<48xi32, #tpu.memory_space<vmem>> -> memref<32xi32, #tpu.memory_space<vmem>>
      %dma_wait3A_616 = tpu.memref_slice %arg12[%mul3A_10] : memref<1024xi32, #tpu.memory_space<hbm>> -> memref<32xi32, #tpu.memory_space<hbm>>
      %dma_wait3A_617 = arith.constant 0 : i32
      %dma_wait3A_618 = tpu.memref_slice %arg37[%dma_wait3A_617] : memref<48xi32, #tpu.memory_space<vmem>> -> memref<32xi32, #tpu.memory_space<vmem>>
      %dma_wait3A_619 = tpu.memref_slice %arg12[%mul3A_10] : memref<1024xi32, #tpu.memory_space<hbm>> -> memref<32xi32, #tpu.memory_space<hbm>>
      tpu.wait_dma2 semaphore(%run_scoped3A : memref<!tpu.dma_semaphore, #tpu.memory_space<semaphore_mem>>) src(%dma_wait3A_619 : memref<32xi32, #tpu.memory_space<hbm>>) dst(%dma_wait3A_618 : memref<32xi32, #tpu.memory_space<vmem>>)
      tpu.yield
    }) : () -> ()
    "tpu.region"() ({
      %run_scoped3A = tpu.sem_alloc : memref<!tpu.dma_semaphore, #tpu.memory_space<semaphore_mem>>
      %dma_start3A_608 = arith.constant 0 : i32
      %dma_start3A_609 = tpu.memref_slice %arg38[%dma_start3A_608] : memref<32xi32, #tpu.memory_space<vmem>> -> memref<16xi32, #tpu.memory_space<vmem>>
      %dma_start3A_610 = arith.constant 0 : i32
      %dma_start3A_611 = tpu.memref_slice %arg38[%dma_start3A_610] : memref<32xi32, #tpu.memory_space<vmem>> -> memref<16xi32, #tpu.memory_space<vmem>>
      tpu.enqueue_dma source(%arg7 : memref<16xi32, #tpu.memory_space<hbm>>) target(%dma_start3A_611 : memref<16xi32, #tpu.memory_space<vmem>>) target_semaphore(%run_scoped3A : memref<!tpu.dma_semaphore, #tpu.memory_space<semaphore_mem>>)
      %dma_wait3A_612 = arith.constant 0 : i32
      %dma_wait3A_613 = tpu.memref_slice %arg38[%dma_wait3A_612] : memref<32xi32, #tpu.memory_space<vmem>> -> memref<16xi32, #tpu.memory_space<vmem>>
      %dma_wait3A_614 = arith.constant 0 : i32
      %dma_wait3A_615 = tpu.memref_slice %arg38[%dma_wait3A_614] : memref<32xi32, #tpu.memory_space<vmem>> -> memref<16xi32, #tpu.memory_space<vmem>>
      tpu.wait_dma2 semaphore(%run_scoped3A : memref<!tpu.dma_semaphore, #tpu.memory_space<semaphore_mem>>) src(%arg7 : memref<16xi32, #tpu.memory_space<hbm>>) dst(%dma_wait3A_615 : memref<16xi32, #tpu.memory_space<vmem>>)
      tpu.yield
    }) : () -> ()
    "tpu.region"() ({
      %run_scoped3A = tpu.sem_alloc : memref<!tpu.dma_semaphore, #tpu.memory_space<semaphore_mem>>
      %dma_start3A_608 = arith.constant 0 : i32
      %dma_start3A_609 = tpu.memref_slice %arg2[%dma_start3A_608] : memref<57344xf32, #tpu.memory_space<hbm>> -> memref<128xf32, #tpu.memory_space<hbm>>
      %dma_start3A_610 = arith.constant 0 : i32
      %dma_start3A_611 = tpu.memref_slice %arg2[%dma_start3A_610] : memref<57344xf32, #tpu.memory_space<hbm>> -> memref<128xf32, #tpu.memory_space<hbm>>
      tpu.enqueue_dma source(%dma_start3A_611 : memref<128xf32, #tpu.memory_space<hbm>>) target(%arg27 : memref<128xf32, #tpu.memory_space<vmem>>) target_semaphore(%run_scoped3A : memref<!tpu.dma_semaphore, #tpu.memory_space<semaphore_mem>>)
      %dma_wait3A_612 = arith.constant 0 : i32
      %dma_wait3A_613 = tpu.memref_slice %arg2[%dma_wait3A_612] : memref<57344xf32, #tpu.memory_space<hbm>> -> memref<128xf32, #tpu.memory_space<hbm>>
      %dma_wait3A_614 = arith.constant 0 : i32
      %dma_wait3A_615 = tpu.memref_slice %arg2[%dma_wait3A_614] : memref<57344xf32, #tpu.memory_space<hbm>> -> memref<128xf32, #tpu.memory_space<hbm>>
      tpu.wait_dma2 semaphore(%run_scoped3A : memref<!tpu.dma_semaphore, #tpu.memory_space<semaphore_mem>>) src(%dma_wait3A_615 : memref<128xf32, #tpu.memory_space<hbm>>) dst(%arg27 : memref<128xf32, #tpu.memory_space<vmem>>)
      tpu.yield
    }) : () -> ()
    "tpu.region"() ({
      %run_scoped3A = tpu.sem_alloc : memref<!tpu.dma_semaphore, #tpu.memory_space<semaphore_mem>>
      %dma_start3A_608 = arith.constant 0 : i32
      %dma_start3A_609 = tpu.memref_slice %arg3[%dma_start3A_608] : memref<57344xf32, #tpu.memory_space<hbm>> -> memref<128xf32, #tpu.memory_space<hbm>>
      %dma_start3A_610 = arith.constant 0 : i32
      %dma_start3A_611 = tpu.memref_slice %arg3[%dma_start3A_610] : memref<57344xf32, #tpu.memory_space<hbm>> -> memref<128xf32, #tpu.memory_space<hbm>>
      tpu.enqueue_dma source(%dma_start3A_611 : memref<128xf32, #tpu.memory_space<hbm>>) target(%arg28 : memref<128xf32, #tpu.memory_space<vmem>>) target_semaphore(%run_scoped3A : memref<!tpu.dma_semaphore, #tpu.memory_space<semaphore_mem>>)
      %dma_wait3A_612 = arith.constant 0 : i32
      %dma_wait3A_613 = tpu.memref_slice %arg3[%dma_wait3A_612] : memref<57344xf32, #tpu.memory_space<hbm>> -> memref<128xf32, #tpu.memory_space<hbm>>
      %dma_wait3A_614 = arith.constant 0 : i32
      %dma_wait3A_615 = tpu.memref_slice %arg3[%dma_wait3A_614] : memref<57344xf32, #tpu.memory_space<hbm>> -> memref<128xf32, #tpu.memory_space<hbm>>
      tpu.wait_dma2 semaphore(%run_scoped3A : memref<!tpu.dma_semaphore, #tpu.memory_space<semaphore_mem>>) src(%dma_wait3A_615 : memref<128xf32, #tpu.memory_space<hbm>>) dst(%arg28 : memref<128xf32, #tpu.memory_space<vmem>>)
      tpu.yield
    }) : () -> ()
    "tpu.region"() ({
      %run_scoped3A = tpu.sem_alloc : memref<!tpu.dma_semaphore, #tpu.memory_space<semaphore_mem>>
      %dma_start3A_608 = arith.constant 0 : i32
      %dma_start3A_609 = tpu.memref_slice %arg4[%dma_start3A_608] : memref<57344xf32, #tpu.memory_space<hbm>> -> memref<128xf32, #tpu.memory_space<hbm>>
      %dma_start3A_610 = arith.constant 0 : i32
      %dma_start3A_611 = tpu.memref_slice %arg4[%dma_start3A_610] : memref<57344xf32, #tpu.memory_space<hbm>> -> memref<128xf32, #tpu.memory_space<hbm>>
      tpu.enqueue_dma source(%dma_start3A_611 : memref<128xf32, #tpu.memory_space<hbm>>) target(%arg29 : memref<128xf32, #tpu.memory_space<vmem>>) target_semaphore(%run_scoped3A : memref<!tpu.dma_semaphore, #tpu.memory_space<semaphore_mem>>)
      %dma_wait3A_612 = arith.constant 0 : i32
      %dma_wait3A_613 = tpu.memref_slice %arg4[%dma_wait3A_612] : memref<57344xf32, #tpu.memory_space<hbm>> -> memref<128xf32, #tpu.memory_space<hbm>>
      %dma_wait3A_614 = arith.constant 0 : i32
      %dma_wait3A_615 = tpu.memref_slice %arg4[%dma_wait3A_614] : memref<57344xf32, #tpu.memory_space<hbm>> -> memref<128xf32, #tpu.memory_space<hbm>>
      tpu.wait_dma2 semaphore(%run_scoped3A : memref<!tpu.dma_semaphore, #tpu.memory_space<semaphore_mem>>) src(%dma_wait3A_615 : memref<128xf32, #tpu.memory_space<hbm>>) dst(%arg29 : memref<128xf32, #tpu.memory_space<vmem>>)
      tpu.yield
    }) : () -> ()
    "tpu.region"() ({
      %run_scoped3A = tpu.sem_alloc : memref<!tpu.dma_semaphore, #tpu.memory_space<semaphore_mem>>
      %dma_start3A_608 = arith.constant 0 : i32
      %dma_start3A_609 = tpu.memref_slice %arg5[%dma_start3A_608] : memref<57344xf32, #tpu.memory_space<hbm>> -> memref<128xf32, #tpu.memory_space<hbm>>
      %dma_start3A_610 = arith.constant 0 : i32
      %dma_start3A_611 = tpu.memref_slice %arg5[%dma_start3A_610] : memref<57344xf32, #tpu.memory_space<hbm>> -> memref<128xf32, #tpu.memory_space<hbm>>
      tpu.enqueue_dma source(%dma_start3A_611 : memref<128xf32, #tpu.memory_space<hbm>>) target(%arg30 : memref<128xf32, #tpu.memory_space<vmem>>) target_semaphore(%run_scoped3A : memref<!tpu.dma_semaphore, #tpu.memory_space<semaphore_mem>>)
      %dma_wait3A_612 = arith.constant 0 : i32
      %dma_wait3A_613 = tpu.memref_slice %arg5[%dma_wait3A_612] : memref<57344xf32, #tpu.memory_space<hbm>> -> memref<128xf32, #tpu.memory_space<hbm>>
      %dma_wait3A_614 = arith.constant 0 : i32
      %dma_wait3A_615 = tpu.memref_slice %arg5[%dma_wait3A_614] : memref<57344xf32, #tpu.memory_space<hbm>> -> memref<128xf32, #tpu.memory_space<hbm>>
      tpu.wait_dma2 semaphore(%run_scoped3A : memref<!tpu.dma_semaphore, #tpu.memory_space<semaphore_mem>>) src(%dma_wait3A_615 : memref<128xf32, #tpu.memory_space<hbm>>) dst(%arg30 : memref<128xf32, #tpu.memory_space<vmem>>)
      tpu.yield
    }) : () -> ()
    "tpu.region"() ({
      %run_scoped3A = tpu.sem_alloc : memref<!tpu.dma_semaphore, #tpu.memory_space<semaphore_mem>>
      %dma_start3A_608 = arith.constant 0 : i32
      %dma_start3A_609 = tpu.memref_slice %arg6[%dma_start3A_608] : memref<50000xi32, #tpu.memory_space<hbm>> -> memref<128xi32, #tpu.memory_space<hbm>>
      %dma_start3A_610 = arith.constant 0 : i32
      %dma_start3A_611 = tpu.memref_slice %arg6[%dma_start3A_610] : memref<50000xi32, #tpu.memory_space<hbm>> -> memref<128xi32, #tpu.memory_space<hbm>>
      tpu.enqueue_dma source(%dma_start3A_611 : memref<128xi32, #tpu.memory_space<hbm>>) target(%arg31 : memref<128xi32, #tpu.memory_space<vmem>>) target_semaphore(%run_scoped3A : memref<!tpu.dma_semaphore, #tpu.memory_space<semaphore_mem>>)
      %dma_wait3A_612 = arith.constant 0 : i32
      %dma_wait3A_613 = tpu.memref_slice %arg6[%dma_wait3A_612] : memref<50000xi32, #tpu.memory_space<hbm>> -> memref<128xi32, #tpu.memory_space<hbm>>
      %dma_wait3A_614 = arith.constant 0 : i32
      %dma_wait3A_615 = tpu.memref_slice %arg6[%dma_wait3A_614] : memref<50000xi32, #tpu.memory_space<hbm>> -> memref<128xi32, #tpu.memory_space<hbm>>
      tpu.wait_dma2 semaphore(%run_scoped3A : memref<!tpu.dma_semaphore, #tpu.memory_space<semaphore_mem>>) src(%dma_wait3A_615 : memref<128xi32, #tpu.memory_space<hbm>>) dst(%arg31 : memref<128xi32, #tpu.memory_space<vmem>>)
      tpu.yield
    }) : () -> ()
    %broadcast_in_dim3A = arith.constant -1.000000e+00 : f32
    %broadcast_in_dim3A_11 = vector.broadcast %broadcast_in_dim3A : f32 to vector<16xf32>
    %swap3A = arith.constant 0 : index
    %swap3A_12 = tpu.vector_load %arg44[%swap3A] {strides = array<i32>} : memref<96xf32, #tpu.memory_space<vmem>>, vector<16xf32>,
    tpu.vector_store %arg44[%swap3A], %broadcast_in_dim3A_11 {strides = array<i32>} : memref<96xf32, #tpu.memory_space<vmem>>, vector<16xf32>,
    %broadcast_in_dim3A_13 = arith.constant -1.000000e+00 : f32
    %broadcast_in_dim3A_14 = vector.broadcast %broadcast_in_dim3A_13 : f32 to vector<16xf32>
    %swap3A_15 = arith.constant 80 : index
    %swap3A_16 = tpu.vector_load %arg44[%swap3A_15] {strides = array<i32>} : memref<96xf32, #tpu.memory_space<vmem>>, vector<16xf32>,
    tpu.vector_store %arg44[%swap3A_15], %broadcast_in_dim3A_14 {strides = array<i32>} : memref<96xf32, #tpu.memory_space<vmem>>, vector<16xf32>,
    %broadcast_in_dim3A_17 = arith.constant 0 : i32
    %broadcast_in_dim3A_18 = vector.broadcast %broadcast_in_dim3A_17 : i32 to vector<16xi32>
    %scan3A = arith.constant -1 : i32
    %scan3A_19 = arith.constant -2 : i32
    %scan3A_20 = arith.constant 0 : i32
    %scan3A_21 = arith.constant 32 : i32
    %scan3A_22 = arith.addi %scan3A_20, %scan3A_21 : i32
    %scan3A_23 = arith.constant 1 : i32
    %scan3A_24:4 = scf.for %scan3A_608 = %scan3A_20 to %scan3A_22 step %scan3A_23 iter_args(%scan3A_609 = %scan3A, %scan3A_610 = %scan3A_19, %scan3A_611 = %broadcast_in_dim3A_18, %scan3A_612 = %broadcast_in_dim3A_18) -> (i32, i32, vector<16xi32>, vector<16xi32>)  : i32 {
      %get3A = arith.index_cast %scan3A_608 : i32 to index
      %get3A_613 = tpu.vector_load %arg37[%get3A] {strides = array<i32>} : memref<48xi32, #tpu.memory_space<vmem>>, vector<16xi32>,
      %slice3A = vector.extract_strided_slice %get3A_613 {offsets = [0], sizes = [1], strides = [1]} : vector<16xi32> to vector<1xi32>
      %squeeze3A = vector.extract %slice3A[0] : i32 from vector<1xi32>
      %get3A_614 = arith.index_cast %squeeze3A : i32 to index
      %get3A_615 = tpu.vector_load %arg38[%get3A_614] {strides = array<i32>} : memref<32xi32, #tpu.memory_space<vmem>>, vector<16xi32>,
      %slice3A_616 = vector.extract_strided_slice %get3A_615 {offsets = [0], sizes = [1], strides = [1]} : vector<16xi32> to vector<1xi32>
      %squeeze3A_617 = vector.extract %slice3A_616[0] : i32 from vector<1xi32>
      %add3A_618 = arith.constant 8 : i32
      %add3A_619 = arith.addi %squeeze3A, %add3A_618 : i32
      %get3A_620 = arith.index_cast %add3A_619 : i32 to index
      %get3A_621 = tpu.vector_load %arg38[%get3A_620] {strides = array<i32>} : memref<32xi32, #tpu.memory_space<vmem>>, vector<16xi32>,
      %slice3A_622 = vector.extract_strided_slice %get3A_621 {offsets = [0], sizes = [1], strides = [1]} : vector<16xi32> to vector<1xi32>
      %squeeze3A_623 = vector.extract %slice3A_622[0] : i32 from vector<1xi32>
      %get3A_624 = arith.index_cast %scan3A_608 : i32 to index
      %get3A_625 = tpu.vector_load %arg33[%get3A_624] {strides = array<i32>} : memref<48xf32, #tpu.memory_space<vmem>>, vector<16xf32>,
      %slice3A_626 = vector.extract_strided_slice %get3A_625 {offsets = [0], sizes = [1], strides = [1]} : vector<16xf32> to vector<1xf32>
      %squeeze3A_627 = vector.extract %slice3A_626[0] : f32 from vector<1xf32>
      %get3A_628 = arith.index_cast %scan3A_608 : i32 to index
      %get3A_629 = tpu.vector_load %arg34[%get3A_628] {strides = array<i32>} : memref<48xf32, #tpu.memory_space<vmem>>, vector<16xf32>,
      %slice3A_630 = vector.extract_strided_slice %get3A_629 {offsets = [0], sizes = [1], strides = [1]} : vector<16xf32> to vector<1xf32>
      %squeeze3A_631 = vector.extract %slice3A_630[0] : f32 from vector<1xf32>
      %get3A_632 = arith.index_cast %scan3A_608 : i32 to index
      %get3A_633 = tpu.vector_load %arg35[%get3A_632] {strides = array<i32>} : memref<48xf32, #tpu.memory_space<vmem>>, vector<16xf32>,
      %slice3A_634 = vector.extract_strided_slice %get3A_633 {offsets = [0], sizes = [1], strides = [1]} : vector<16xf32> to vector<1xf32>
      %squeeze3A_635 = vector.extract %slice3A_634[0] : f32 from vector<1xf32>
      %get3A_636 = arith.index_cast %scan3A_608 : i32 to index
      %get3A_637 = tpu.vector_load %arg36[%get3A_636] {strides = array<i32>} : memref<48xf32, #tpu.memory_space<vmem>>, vector<16xf32>,
      %slice3A_638 = vector.extract_strided_slice %get3A_637 {offsets = [0], sizes = [1], strides = [1]} : vector<16xf32> to vector<1xf32>
      %squeeze3A_639 = vector.extract %slice3A_638[0] : f32 from vector<1xf32>
      %mul3A_640 = arith.constant 64 : i32
      %mul3A_641 = arith.muli %scan3A_608, %mul3A_640 : i32
      %jit3A = arith.constant 8192 : i32
      %div3A = arith.divsi %squeeze3A_617, %jit3A : i32
      %sign3A = arith.constant 0 : i32
      %sign3A_642 = arith.cmpi sgt, %squeeze3A_617, %sign3A : i32
      %sign3A_643 = arith.extui %sign3A_642 : i1 to i32
      %sign3A_644 = arith.constant 0 : i32
      %sign3A_645 = arith.cmpi slt, %squeeze3A_617, %sign3A_644 : i32
      %sign3A_646 = arith.extui %sign3A_645 : i1 to i32
      %sign3A_647 = arith.subi %sign3A_643, %sign3A_646 : i32
      %sign3A_648 = arith.constant 0 : i32
      %sign3A_649 = arith.cmpi sgt, %jit3A, %sign3A_648 : i32
      %sign3A_650 = arith.extui %sign3A_649 : i1 to i32
      %sign3A_651 = arith.constant 0 : i32
      %sign3A_652 = arith.cmpi slt, %jit3A, %sign3A_651 : i32
      %sign3A_653 = arith.extui %sign3A_652 : i1 to i32
      %sign3A_654 = arith.subi %sign3A_650, %sign3A_653 : i32
      %ne3A = arith.cmpi ne, %sign3A_647, %sign3A_654 : i32
      %rem3A = arith.remsi %squeeze3A_617, %jit3A : i32
      %ne3A_655 = arith.constant 0 : i32
      %ne3A_656 = arith.cmpi ne, %rem3A, %ne3A_655 : i32
      %and3A = arith.andi %ne3A, %ne3A_656 : i1
      %sub3A = arith.constant 1 : i32
      %sub3A_657 = arith.subi %div3A, %sub3A : i32
      %select_n3A = arith.select %and3A, %sub3A_657, %div3A : i32
      %sub3A_658 = arith.constant 1 : i32
      %sub3A_659 = arith.subi %squeeze3A_623, %sub3A_658 : i32
      %max3A = arith.maxsi %sub3A_659, %squeeze3A_617 : i32
      %jit3A_660 = arith.constant 8192 : i32
      %div3A_661 = arith.divsi %max3A, %jit3A_660 : i32
      %sign3A_662 = arith.constant 0 : i32
      %sign3A_663 = arith.cmpi sgt, %max3A, %sign3A_662 : i32
      %sign3A_664 = arith.extui %sign3A_663 : i1 to i32
      %sign3A_665 = arith.constant 0 : i32
      %sign3A_666 = arith.cmpi slt, %max3A, %sign3A_665 : i32
      %sign3A_667 = arith.extui %sign3A_666 : i1 to i32
      %sign3A_668 = arith.subi %sign3A_664, %sign3A_667 : i32
      %sign3A_669 = arith.constant 0 : i32
      %sign3A_670 = arith.cmpi sgt, %jit3A_660, %sign3A_669 : i32
      %sign3A_671 = arith.extui %sign3A_670 : i1 to i32
      %sign3A_672 = arith.constant 0 : i32
      %sign3A_673 = arith.cmpi slt, %jit3A_660, %sign3A_672 : i32
      %sign3A_674 = arith.extui %sign3A_673 : i1 to i32
      %sign3A_675 = arith.subi %sign3A_671, %sign3A_674 : i32
      %ne3A_676 = arith.cmpi ne, %sign3A_668, %sign3A_675 : i32
      %rem3A_677 = arith.remsi %max3A, %jit3A_660 : i32
      %ne3A_678 = arith.constant 0 : i32
      %ne3A_679 = arith.cmpi ne, %rem3A_677, %ne3A_678 : i32
      %and3A_680 = arith.andi %ne3A_676, %ne3A_679 : i1
      %sub3A_681 = arith.constant 1 : i32
      %sub3A_682 = arith.subi %div3A_661, %sub3A_681 : i32
      %select_n3A_683 = arith.select %and3A_680, %sub3A_682, %div3A_661 : i32
      %add3A_684 = arith.constant 1 : i32
      %add3A_685 = arith.addi %select_n3A_683, %add3A_684 : i32
      %while3A = arith.constant 0 : i32
      %while3A_686 = arith.subi %add3A_685, %select_n3A : i32
      %while3A_687 = arith.addi %select_n3A, %while3A_686 : i32
      %while3A_688 = arith.constant 1 : i32
      %while3A_689 = arith.divsi %while3A_686, %while3A_688 : i32
      %while3A_690 = arith.muli %while3A_689, %while3A_688 : i32
      %while3A_691 = arith.addi %select_n3A, %while3A_690 : i32
      %while3A_692 = arith.constant 1 : i32
      %while3A_693:3 = scf.for %while3A_1174 = %select_n3A to %while3A_691 step %while3A_692 iter_args(%while3A_1175 = %scan3A_609, %while3A_1176 = %scan3A_610, %while3A_1177 = %while3A) -> (i32, i32, i32)  : i32 {
        %jit3A_1178 = arith.constant 2 : i32
        %eq3A_1179 = arith.constant 0 : i32
        %eq3A_1180 = arith.cmpi eq, %jit3A_1178, %eq3A_1179 : i32
        %jit3A_1181 = arith.constant 1 : i32
        %select_n3A_1182 = arith.select %eq3A_1180, %jit3A_1181, %jit3A_1178 : i32
        %rem3A_1183 = arith.remsi %while3A_1174, %select_n3A_1182 : i32
        %ne3A_1184 = arith.constant 0 : i32
        %ne3A_1185 = arith.cmpi ne, %rem3A_1183, %ne3A_1184 : i32
        %lt3A_1186 = arith.constant 0 : i32
        %lt3A_1187 = arith.cmpi slt, %rem3A_1183, %lt3A_1186 : i32
        %lt3A_1188 = arith.constant 0 : i32
        %lt3A_1189 = arith.cmpi slt, %select_n3A_1182, %lt3A_1188 : i32
        %ne3A_1190 = arith.xori %lt3A_1187, %lt3A_1189 : i1
        %and3A_1191 = arith.andi %ne3A_1190, %ne3A_1185 : i1
        %add3A_1192 = arith.addi %rem3A_1183, %select_n3A_1182 : i32
        %select_n3A_1193 = arith.select %and3A_1191, %add3A_1192, %rem3A_1183 : i32
        %eq3A_1194 = arith.constant 0 : i32
        %eq3A_1195 = arith.cmpi eq, %select_n3A_1193, %eq3A_1194 : i32
        %select_n3A_1196 = arith.select %eq3A_1195, %while3A_1175, %while3A_1176 : i32
        %ne3A_1197 = arith.cmpi ne, %select_n3A_1196, %while3A_1174 : i32
        %convert_element_type3A_1198 = arith.extui %ne3A_1197 : i1 to i32
        %cond3A_1199 = arith.constant 0 : i32
        %cond3A_1200 = arith.cmpi ne, %convert_element_type3A_1198, %cond3A_1199 : i32
        scf.if %cond3A_1200 {
          %mul3A_1263 = arith.constant 8192 : i32
          %mul3A_1264 = arith.muli %while3A_1174, %mul3A_1263 : i32
          %mul3A_1265 = arith.constant 8192 : i32
          %mul3A_1266 = arith.muli %select_n3A_1193, %mul3A_1265 : i32
          "tpu.region"() ({
            %run_scoped3A = tpu.sem_alloc : memref<!tpu.dma_semaphore, #tpu.memory_space<semaphore_mem>>
            %dma_start3A_1267 = tpu.memref_slice %arg21[%mul3A_1266] : memref<16384xf32, #tpu.memory_space<vmem>> -> memref<8192xf32, #tpu.memory_space<vmem>>
            %dma_start3A_1268 = tpu.memref_slice %arg2[%mul3A_1264] : memref<57344xf32, #tpu.memory_space<hbm>> -> memref<8192xf32, #tpu.memory_space<hbm>>
            %dma_start3A_1269 = tpu.memref_slice %arg21[%mul3A_1266] : memref<16384xf32, #tpu.memory_space<vmem>> -> memref<8192xf32, #tpu.memory_space<vmem>>
            %dma_start3A_1270 = tpu.memref_slice %arg2[%mul3A_1264] : memref<57344xf32, #tpu.memory_space<hbm>> -> memref<8192xf32, #tpu.memory_space<hbm>>
            tpu.enqueue_dma source(%dma_start3A_1270 : memref<8192xf32, #tpu.memory_space<hbm>>) target(%dma_start3A_1269 : memref<8192xf32, #tpu.memory_space<vmem>>) target_semaphore(%run_scoped3A : memref<!tpu.dma_semaphore, #tpu.memory_space<semaphore_mem>>)
            %dma_wait3A_1271 = tpu.memref_slice %arg21[%mul3A_1266] : memref<16384xf32, #tpu.memory_space<vmem>> -> memref<8192xf32, #tpu.memory_space<vmem>>
            %dma_wait3A_1272 = tpu.memref_slice %arg2[%mul3A_1264] : memref<57344xf32, #tpu.memory_space<hbm>> -> memref<8192xf32, #tpu.memory_space<hbm>>
            %dma_wait3A_1273 = tpu.memref_slice %arg21[%mul3A_1266] : memref<16384xf32, #tpu.memory_space<vmem>> -> memref<8192xf32, #tpu.memory_space<vmem>>
            %dma_wait3A_1274 = tpu.memref_slice %arg2[%mul3A_1264] : memref<57344xf32, #tpu.memory_space<hbm>> -> memref<8192xf32, #tpu.memory_space<hbm>>
            tpu.wait_dma2 semaphore(%run_scoped3A : memref<!tpu.dma_semaphore, #tpu.memory_space<semaphore_mem>>) src(%dma_wait3A_1274 : memref<8192xf32, #tpu.memory_space<hbm>>) dst(%dma_wait3A_1273 : memref<8192xf32, #tpu.memory_space<vmem>>)
            tpu.yield
          }) : () -> ()
          "tpu.region"() ({
            %run_scoped3A = tpu.sem_alloc : memref<!tpu.dma_semaphore, #tpu.memory_space<semaphore_mem>>
            %dma_start3A_1267 = tpu.memref_slice %arg22[%mul3A_1266] : memref<16384xf32, #tpu.memory_space<vmem>> -> memref<8192xf32, #tpu.memory_space<vmem>>
            %dma_start3A_1268 = tpu.memref_slice %arg3[%mul3A_1264] : memref<57344xf32, #tpu.memory_space<hbm>> -> memref<8192xf32, #tpu.memory_space<hbm>>
            %dma_start3A_1269 = tpu.memref_slice %arg22[%mul3A_1266] : memref<16384xf32, #tpu.memory_space<vmem>> -> memref<8192xf32, #tpu.memory_space<vmem>>
            %dma_start3A_1270 = tpu.memref_slice %arg3[%mul3A_1264] : memref<57344xf32, #tpu.memory_space<hbm>> -> memref<8192xf32, #tpu.memory_space<hbm>>
            tpu.enqueue_dma source(%dma_start3A_1270 : memref<8192xf32, #tpu.memory_space<hbm>>) target(%dma_start3A_1269 : memref<8192xf32, #tpu.memory_space<vmem>>) target_semaphore(%run_scoped3A : memref<!tpu.dma_semaphore, #tpu.memory_space<semaphore_mem>>)
            %dma_wait3A_1271 = tpu.memref_slice %arg22[%mul3A_1266] : memref<16384xf32, #tpu.memory_space<vmem>> -> memref<8192xf32, #tpu.memory_space<vmem>>
            %dma_wait3A_1272 = tpu.memref_slice %arg3[%mul3A_1264] : memref<57344xf32, #tpu.memory_space<hbm>> -> memref<8192xf32, #tpu.memory_space<hbm>>
            %dma_wait3A_1273 = tpu.memref_slice %arg22[%mul3A_1266] : memref<16384xf32, #tpu.memory_space<vmem>> -> memref<8192xf32, #tpu.memory_space<vmem>>
            %dma_wait3A_1274 = tpu.memref_slice %arg3[%mul3A_1264] : memref<57344xf32, #tpu.memory_space<hbm>> -> memref<8192xf32, #tpu.memory_space<hbm>>
            tpu.wait_dma2 semaphore(%run_scoped3A : memref<!tpu.dma_semaphore, #tpu.memory_space<semaphore_mem>>) src(%dma_wait3A_1274 : memref<8192xf32, #tpu.memory_space<hbm>>) dst(%dma_wait3A_1273 : memref<8192xf32, #tpu.memory_space<vmem>>)
            tpu.yield
          }) : () -> ()
          "tpu.region"() ({
            %run_scoped3A = tpu.sem_alloc : memref<!tpu.dma_semaphore, #tpu.memory_space<semaphore_mem>>
            %dma_start3A_1267 = tpu.memref_slice %arg23[%mul3A_1266] : memref<16384xf32, #tpu.memory_space<vmem>> -> memref<8192xf32, #tpu.memory_space<vmem>>
            %dma_start3A_1268 = tpu.memref_slice %arg4[%mul3A_1264] : memref<57344xf32, #tpu.memory_space<hbm>> -> memref<8192xf32, #tpu.memory_space<hbm>>
            %dma_start3A_1269 = tpu.memref_slice %arg23[%mul3A_1266] : memref<16384xf32, #tpu.memory_space<vmem>> -> memref<8192xf32, #tpu.memory_space<vmem>>
            %dma_start3A_1270 = tpu.memref_slice %arg4[%mul3A_1264] : memref<57344xf32, #tpu.memory_space<hbm>> -> memref<8192xf32, #tpu.memory_space<hbm>>
            tpu.enqueue_dma source(%dma_start3A_1270 : memref<8192xf32, #tpu.memory_space<hbm>>) target(%dma_start3A_1269 : memref<8192xf32, #tpu.memory_space<vmem>>) target_semaphore(%run_scoped3A : memref<!tpu.dma_semaphore, #tpu.memory_space<semaphore_mem>>)
            %dma_wait3A_1271 = tpu.memref_slice %arg23[%mul3A_1266] : memref<16384xf32, #tpu.memory_space<vmem>> -> memref<8192xf32, #tpu.memory_space<vmem>>
            %dma_wait3A_1272 = tpu.memref_slice %arg4[%mul3A_1264] : memref<57344xf32, #tpu.memory_space<hbm>> -> memref<8192xf32, #tpu.memory_space<hbm>>
            %dma_wait3A_1273 = tpu.memref_slice %arg23[%mul3A_1266] : memref<16384xf32, #tpu.memory_space<vmem>> -> memref<8192xf32, #tpu.memory_space<vmem>>
            %dma_wait3A_1274 = tpu.memref_slice %arg4[%mul3A_1264] : memref<57344xf32, #tpu.memory_space<hbm>> -> memref<8192xf32, #tpu.memory_space<hbm>>
            tpu.wait_dma2 semaphore(%run_scoped3A : memref<!tpu.dma_semaphore, #tpu.memory_space<semaphore_mem>>) src(%dma_wait3A_1274 : memref<8192xf32, #tpu.memory_space<hbm>>) dst(%dma_wait3A_1273 : memref<8192xf32, #tpu.memory_space<vmem>>)
            tpu.yield
          }) : () -> ()
          "tpu.region"() ({
            %run_scoped3A = tpu.sem_alloc : memref<!tpu.dma_semaphore, #tpu.memory_space<semaphore_mem>>
            %dma_start3A_1267 = tpu.memref_slice %arg24[%mul3A_1266] : memref<16384xf32, #tpu.memory_space<vmem>> -> memref<8192xf32, #tpu.memory_space<vmem>>
            %dma_start3A_1268 = tpu.memref_slice %arg5[%mul3A_1264] : memref<57344xf32, #tpu.memory_space<hbm>> -> memref<8192xf32, #tpu.memory_space<hbm>>
            %dma_start3A_1269 = tpu.memref_slice %arg24[%mul3A_1266] : memref<16384xf32, #tpu.memory_space<vmem>> -> memref<8192xf32, #tpu.memory_space<vmem>>
            %dma_start3A_1270 = tpu.memref_slice %arg5[%mul3A_1264] : memref<57344xf32, #tpu.memory_space<hbm>> -> memref<8192xf32, #tpu.memory_space<hbm>>
            tpu.enqueue_dma source(%dma_start3A_1270 : memref<8192xf32, #tpu.memory_space<hbm>>) target(%dma_start3A_1269 : memref<8192xf32, #tpu.memory_space<vmem>>) target_semaphore(%run_scoped3A : memref<!tpu.dma_semaphore, #tpu.memory_space<semaphore_mem>>)
            %dma_wait3A_1271 = tpu.memref_slice %arg24[%mul3A_1266] : memref<16384xf32, #tpu.memory_space<vmem>> -> memref<8192xf32, #tpu.memory_space<vmem>>
            %dma_wait3A_1272 = tpu.memref_slice %arg5[%mul3A_1264] : memref<57344xf32, #tpu.memory_space<hbm>> -> memref<8192xf32, #tpu.memory_space<hbm>>
            %dma_wait3A_1273 = tpu.memref_slice %arg24[%mul3A_1266] : memref<16384xf32, #tpu.memory_space<vmem>> -> memref<8192xf32, #tpu.memory_space<vmem>>
            %dma_wait3A_1274 = tpu.memref_slice %arg5[%mul3A_1264] : memref<57344xf32, #tpu.memory_space<hbm>> -> memref<8192xf32, #tpu.memory_space<hbm>>
            tpu.wait_dma2 semaphore(%run_scoped3A : memref<!tpu.dma_semaphore, #tpu.memory_space<semaphore_mem>>) src(%dma_wait3A_1274 : memref<8192xf32, #tpu.memory_space<hbm>>) dst(%dma_wait3A_1273 : memref<8192xf32, #tpu.memory_space<vmem>>)
            tpu.yield
          }) : () -> ()
        } else {
        }
        %eq3A_1201 = arith.constant 0 : i32
        %eq3A_1202 = arith.cmpi eq, %select_n3A_1193, %eq3A_1201 : i32
        %select_n3A_1203 = arith.select %eq3A_1202, %while3A_1174, %while3A_1175 : i32
        %eq3A_1204 = arith.constant 1 : i32
        %eq3A_1205 = arith.cmpi eq, %select_n3A_1193, %eq3A_1204 : i32
        %select_n3A_1206 = arith.select %eq3A_1205, %while3A_1174, %while3A_1176 : i32
        %mul3A_1207 = arith.constant 8192 : i32
        %mul3A_1208 = arith.muli %while3A_1174, %mul3A_1207 : i32
        %max3A_1209 = arith.maxsi %squeeze3A_617, %mul3A_1208 : i32
        %add3A_1210 = arith.constant 1 : i32
        %add3A_1211 = arith.addi %while3A_1174, %add3A_1210 : i32
        %mul3A_1212 = arith.constant 8192 : i32
        %mul3A_1213 = arith.muli %add3A_1211, %mul3A_1212 : i32
        %min3A_1214 = arith.minsi %squeeze3A_623, %mul3A_1213 : i32
        %and3A_1215 = arith.constant -16 : i32
        %and3A_1216 = arith.andi %max3A_1209, %and3A_1215 : i32
        %sub3A_1217 = arith.subi %min3A_1214, %and3A_1216 : i32
        %add3A_1218 = arith.constant 15 : i32
        %add3A_1219 = arith.addi %sub3A_1217, %add3A_1218 : i32
        %max3A_1220 = arith.constant 0 : i32
        %max3A_1221 = arith.maxsi %add3A_1219, %max3A_1220 : i32
        %jit3A_1222 = arith.constant 16 : i32
        %div3A_1223 = arith.divsi %max3A_1221, %jit3A_1222 : i32
        %sign3A_1224 = arith.constant 0 : i32
        %sign3A_1225 = arith.cmpi sgt, %max3A_1221, %sign3A_1224 : i32
        %sign3A_1226 = arith.extui %sign3A_1225 : i1 to i32
        %sign3A_1227 = arith.constant 0 : i32
        %sign3A_1228 = arith.cmpi slt, %max3A_1221, %sign3A_1227 : i32
        %sign3A_1229 = arith.extui %sign3A_1228 : i1 to i32
        %sign3A_1230 = arith.subi %sign3A_1226, %sign3A_1229 : i32
        %sign3A_1231 = arith.constant 0 : i32
        %sign3A_1232 = arith.cmpi sgt, %jit3A_1222, %sign3A_1231 : i32
        %sign3A_1233 = arith.extui %sign3A_1232 : i1 to i32
        %sign3A_1234 = arith.constant 0 : i32
        %sign3A_1235 = arith.cmpi slt, %jit3A_1222, %sign3A_1234 : i32
        %sign3A_1236 = arith.extui %sign3A_1235 : i1 to i32
        %sign3A_1237 = arith.subi %sign3A_1233, %sign3A_1236 : i32
        %ne3A_1238 = arith.cmpi ne, %sign3A_1230, %sign3A_1237 : i32
        %rem3A_1239 = arith.remsi %max3A_1221, %jit3A_1222 : i32
        %ne3A_1240 = arith.constant 0 : i32
        %ne3A_1241 = arith.cmpi ne, %rem3A_1239, %ne3A_1240 : i32
        %and3A_1242 = arith.andi %ne3A_1238, %ne3A_1241 : i1
        %sub3A_1243 = arith.constant 1 : i32
        %sub3A_1244 = arith.subi %div3A_1223, %sub3A_1243 : i32
        %select_n3A_1245 = arith.select %and3A_1242, %sub3A_1244, %div3A_1223 : i32
        %mul3A_1246 = arith.constant 8192 : i32
        %mul3A_1247 = arith.muli %while3A_1174, %mul3A_1246 : i32
        %sub3A_1248 = arith.subi %and3A_1216, %mul3A_1247 : i32
        %mul3A_1249 = arith.constant 8192 : i32
        %mul3A_1250 = arith.muli %select_n3A_1193, %mul3A_1249 : i32
        %add3A_1251 = arith.addi %sub3A_1248, %mul3A_1250 : i32
        %while3A_1252 = arith.constant 0 : i32
        %while3A_1253 = arith.subi %select_n3A_1245, %while3A_1252 : i32
        %while3A_1254 = arith.addi %while3A_1252, %while3A_1253 : i32
        %while3A_1255 = arith.constant 1 : i32
        %while3A_1256 = arith.divsi %while3A_1253, %while3A_1255 : i32
        %while3A_1257 = arith.muli %while3A_1256, %while3A_1255 : i32
        %while3A_1258 = arith.addi %while3A_1252, %while3A_1257 : i32
        %while3A_1259 = arith.constant 1 : i32
        %while3A_1260 = scf.for %while3A_1263 = %while3A_1252 to %while3A_1258 step %while3A_1259 iter_args(%while3A_1264 = %while3A_1177) -> (i32)  : i32 {
          %mul3A_1265 = arith.constant 16 : i32
          %mul3A_1266 = arith.muli %while3A_1263, %mul3A_1265 : i32
          %add3A_1267 = arith.addi %add3A_1251, %mul3A_1266 : i32
          %get3A_1268 = arith.index_cast %add3A_1267 : i32 to index
          %get3A_1269 = tpu.vector_load %arg21[%get3A_1268] {strides = array<i32>} : memref<16384xf32, #tpu.memory_space<vmem>>, vector<16xf32>,
          %get3A_1270 = arith.index_cast %add3A_1267 : i32 to index
          %get3A_1271 = tpu.vector_load %arg22[%get3A_1270] {strides = array<i32>} : memref<16384xf32, #tpu.memory_space<vmem>>, vector<16xf32>,
          %get3A_1272 = arith.index_cast %add3A_1267 : i32 to index
          %get3A_1273 = tpu.vector_load %arg23[%get3A_1272] {strides = array<i32>} : memref<16384xf32, #tpu.memory_space<vmem>>, vector<16xf32>,
          %get3A_1274 = arith.index_cast %add3A_1267 : i32 to index
          %get3A_1275 = tpu.vector_load %arg24[%get3A_1274] {strides = array<i32>} : memref<16384xf32, #tpu.memory_space<vmem>>, vector<16xf32>,
          %mul3A_1276 = vector.broadcast %squeeze3A_627 : f32 to vector<16xf32>
          %mul3A_1277 = arith.mulf %mul3A_1276, %get3A_1269 : vector<16xf32>
          %mul3A_1278 = vector.broadcast %squeeze3A_631 : f32 to vector<16xf32>
          %mul3A_1279 = arith.mulf %mul3A_1278, %get3A_1271 : vector<16xf32>
          %add3A_1280 = arith.addf %mul3A_1277, %mul3A_1279 : vector<16xf32>
          %mul3A_1281 = vector.broadcast %squeeze3A_635 : f32 to vector<16xf32>
          %mul3A_1282 = arith.mulf %mul3A_1281, %get3A_1273 : vector<16xf32>
          %add3A_1283 = arith.addf %add3A_1280, %mul3A_1282 : vector<16xf32>
          %add3A_1284 = vector.broadcast %squeeze3A_639 : f32 to vector<16xf32>
          %add3A_1285 = arith.addf %add3A_1284, %get3A_1275 : vector<16xf32>
          %mul3A_1286 = arith.constant 2.000000e+00 : f32
          %mul3A_1287 = vector.broadcast %mul3A_1286 : f32 to vector<16xf32>
          %mul3A_1288 = arith.mulf %mul3A_1287, %add3A_1283 : vector<16xf32>
          %sub3A_1289 = arith.subf %add3A_1285, %mul3A_1288 : vector<16xf32>
          %max3A_1290 = arith.constant 0.000000e+00 : f32
          %max3A_1291 = vector.broadcast %max3A_1290 : f32 to vector<16xf32>
          %max3A_1292 = arith.maximumf %sub3A_1289, %max3A_1291 : vector<16xf32>
          %mul3A_1293 = arith.constant 16 : i32
          %mul3A_1294 = arith.muli %while3A_1263, %mul3A_1293 : i32
          %add3A_1295 = arith.addi %and3A_1216, %mul3A_1294 : i32
          %add3A_1296 = vector.broadcast %add3A_1295 : i32 to vector<16xi32>
          %add3A_1297 = arith.addi %iota3A, %add3A_1296 : vector<16xi32>
          %le3A = arith.constant 4.840000e-02 : f32
          %le3A_1298 = vector.broadcast %le3A : f32 to vector<16xf32>
          %le3A_1299 = arith.cmpf ole, %max3A_1292, %le3A_1298 : vector<16xf32>
          %ge3A = vector.broadcast %max3A_1209 : i32 to vector<16xi32>
          %ge3A_1300 = arith.cmpi sge, %add3A_1297, %ge3A : vector<16xi32>
          %and3A_1301 = arith.andi %le3A_1299, %ge3A_1300 : vector<16xi1>
          %lt3A_1302 = vector.broadcast %min3A_1214 : i32 to vector<16xi32>
          %lt3A_1303 = arith.cmpi slt, %add3A_1297, %lt3A_1302 : vector<16xi32>
          %and3A_1304 = arith.andi %and3A_1301, %lt3A_1303 : vector<16xi1>
          %eq3A_1305 = arith.constant 0.000000e+00 : f32
          %eq3A_1306 = vector.broadcast %eq3A_1305 : f32 to vector<16xf32>
          %eq3A_1307 = arith.cmpf oeq, %max3A_1292, %eq3A_1306 : vector<16xf32>
          %convert_element_type3A_1308 = arith.sitofp %add3A_1297 : vector<16xi32> to vector<16xf32>
          %mul3A_1309 = arith.constant 1.000000e-30 : f32
          %mul3A_1310 = vector.broadcast %mul3A_1309 : f32 to vector<16xf32>
          %mul3A_1311 = arith.mulf %convert_element_type3A_1308, %mul3A_1310 : vector<16xf32>
          %select_n3A_1312 = arith.select %eq3A_1307, %mul3A_1311, %max3A_1292 : vector<16xi1>, vector<16xf32>
          %min3A_1313 = arith.constant 1008 : i32
          %min3A_1314 = arith.minsi %while3A_1264, %min3A_1313 : i32
          %convert_element_type3A_1315 = arith.extui %and3A_1304 : vector<16xi1> to vector<16xi32>
          %broadcast_in_dim3A_1316 = arith.constant true
          %broadcast_in_dim3A_1317 = vector.broadcast %broadcast_in_dim3A_1316 : i1 to vector<16xi1>
          %masked_cumsum3A = tpu.scan <sum>, %convert_element_type3A_1315 masked %broadcast_in_dim3A_1317 : vector<16xi32>, vector<16xi1> -> vector<16xi32>
          %add3A_1318 = vector.broadcast %min3A_1314 : i32 to vector<16xi32>
          %add3A_1319 = arith.addi %add3A_1318, %masked_cumsum3A : vector<16xi32>
          %sub3A_1320 = arith.constant 1 : i32
          %sub3A_1321 = vector.broadcast %sub3A_1320 : i32 to vector<16xi32>
          %sub3A_1322 = arith.subi %add3A_1319, %sub3A_1321 : vector<16xi32>
          %max3A_1323 = arith.constant 0 : i32
          %max3A_1324 = vector.broadcast %max3A_1323 : i32 to vector<16xi32>
          %max3A_1325 = arith.maxsi %sub3A_1322, %max3A_1324 : vector<16xi32>
          tpu.vector_store_idx %arg25[%max3A_1325], %select_n3A_1312 masked %and3A_1304 : memref<1024xf32, #tpu.memory_space<vmem>>[vector<16xi32>], vector<16xf32>, vector<16xi1>
          tpu.vector_store_idx %arg26[%max3A_1325], %add3A_1297 masked %and3A_1304 : memref<1024xi32, #tpu.memory_space<vmem>>[vector<16xi32>], vector<16xi32>, vector<16xi1>
          %convert_element_type3A_1326 = arith.extui %and3A_1304 : vector<16xi1> to vector<16xi32>
          %reduce_sum3A = arith.constant true
          %reduce_sum3A_1327 = vector.broadcast %reduce_sum3A : i1 to vector<16xi1>
          %reduce_sum3A_1328 = tpu.scan <sum>, %convert_element_type3A_1326 masked %reduce_sum3A_1327 : vector<16xi32>, vector<16xi1> -> vector<16xi32>
          %reduce_sum3A_1329 = vector.extract %reduce_sum3A_1328[15] : i32 from vector<16xi32>
          %add3A_1330 = arith.addi %while3A_1264, %reduce_sum3A_1329 : i32
          scf.yield %add3A_1330 : i32
        }
        %while3A_1261 = arith.constant 1 : i32
        %while3A_1262 = scf.for %while3A_1263 = %while3A_1258 to %while3A_1254 step %while3A_1261 iter_args(%while3A_1264 = %while3A_1260) -> (i32)  : i32 {
          %mul3A_1265 = arith.constant 16 : i32
          %mul3A_1266 = arith.muli %while3A_1263, %mul3A_1265 : i32
          %add3A_1267 = arith.addi %add3A_1251, %mul3A_1266 : i32
          %get3A_1268 = arith.index_cast %add3A_1267 : i32 to index
          %get3A_1269 = tpu.vector_load %arg21[%get3A_1268] {strides = array<i32>} : memref<16384xf32, #tpu.memory_space<vmem>>, vector<16xf32>,
          %get3A_1270 = arith.index_cast %add3A_1267 : i32 to index
          %get3A_1271 = tpu.vector_load %arg22[%get3A_1270] {strides = array<i32>} : memref<16384xf32, #tpu.memory_space<vmem>>, vector<16xf32>,
          %get3A_1272 = arith.index_cast %add3A_1267 : i32 to index
          %get3A_1273 = tpu.vector_load %arg23[%get3A_1272] {strides = array<i32>} : memref<16384xf32, #tpu.memory_space<vmem>>, vector<16xf32>,
          %get3A_1274 = arith.index_cast %add3A_1267 : i32 to index
          %get3A_1275 = tpu.vector_load %arg24[%get3A_1274] {strides = array<i32>} : memref<16384xf32, #tpu.memory_space<vmem>>, vector<16xf32>,
          %mul3A_1276 = vector.broadcast %squeeze3A_627 : f32 to vector<16xf32>
          %mul3A_1277 = arith.mulf %mul3A_1276, %get3A_1269 : vector<16xf32>
          %mul3A_1278 = vector.broadcast %squeeze3A_631 : f32 to vector<16xf32>
          %mul3A_1279 = arith.mulf %mul3A_1278, %get3A_1271 : vector<16xf32>
          %add3A_1280 = arith.addf %mul3A_1277, %mul3A_1279 : vector<16xf32>
          %mul3A_1281 = vector.broadcast %squeeze3A_635 : f32 to vector<16xf32>
          %mul3A_1282 = arith.mulf %mul3A_1281, %get3A_1273 : vector<16xf32>
          %add3A_1283 = arith.addf %add3A_1280, %mul3A_1282 : vector<16xf32>
          %add3A_1284 = vector.broadcast %squeeze3A_639 : f32 to vector<16xf32>
          %add3A_1285 = arith.addf %add3A_1284, %get3A_1275 : vector<16xf32>
          %mul3A_1286 = arith.constant 2.000000e+00 : f32
          %mul3A_1287 = vector.broadcast %mul3A_1286 : f32 to vector<16xf32>
          %mul3A_1288 = arith.mulf %mul3A_1287, %add3A_1283 : vector<16xf32>
          %sub3A_1289 = arith.subf %add3A_1285, %mul3A_1288 : vector<16xf32>
          %max3A_1290 = arith.constant 0.000000e+00 : f32
          %max3A_1291 = vector.broadcast %max3A_1290 : f32 to vector<16xf32>
          %max3A_1292 = arith.maximumf %sub3A_1289, %max3A_1291 : vector<16xf32>
          %mul3A_1293 = arith.constant 16 : i32
          %mul3A_1294 = arith.muli %while3A_1263, %mul3A_1293 : i32
          %add3A_1295 = arith.addi %and3A_1216, %mul3A_1294 : i32
          %add3A_1296 = vector.broadcast %add3A_1295 : i32 to vector<16xi32>
          %add3A_1297 = arith.addi %iota3A, %add3A_1296 : vector<16xi32>
          %le3A = arith.constant 4.840000e-02 : f32
          %le3A_1298 = vector.broadcast %le3A : f32 to vector<16xf32>
          %le3A_1299 = arith.cmpf ole, %max3A_1292, %le3A_1298 : vector<16xf32>
          %ge3A = vector.broadcast %max3A_1209 : i32 to vector<16xi32>
          %ge3A_1300 = arith.cmpi sge, %add3A_1297, %ge3A : vector<16xi32>
          %and3A_1301 = arith.andi %le3A_1299, %ge3A_1300 : vector<16xi1>
          %lt3A_1302 = vector.broadcast %min3A_1214 : i32 to vector<16xi32>
          %lt3A_1303 = arith.cmpi slt, %add3A_1297, %lt3A_1302 : vector<16xi32>
          %and3A_1304 = arith.andi %and3A_1301, %lt3A_1303 : vector<16xi1>
          %eq3A_1305 = arith.constant 0.000000e+00 : f32
          %eq3A_1306 = vector.broadcast %eq3A_1305 : f32 to vector<16xf32>
          %eq3A_1307 = arith.cmpf oeq, %max3A_1292, %eq3A_1306 : vector<16xf32>
          %convert_element_type3A_1308 = arith.sitofp %add3A_1297 : vector<16xi32> to vector<16xf32>
          %mul3A_1309 = arith.constant 1.000000e-30 : f32
          %mul3A_1310 = vector.broadcast %mul3A_1309 : f32 to vector<16xf32>
          %mul3A_1311 = arith.mulf %convert_element_type3A_1308, %mul3A_1310 : vector<16xf32>
          %select_n3A_1312 = arith.select %eq3A_1307, %mul3A_1311, %max3A_1292 : vector<16xi1>, vector<16xf32>
          %min3A_1313 = arith.constant 1008 : i32
          %min3A_1314 = arith.minsi %while3A_1264, %min3A_1313 : i32
          %convert_element_type3A_1315 = arith.extui %and3A_1304 : vector<16xi1> to vector<16xi32>
          %broadcast_in_dim3A_1316 = arith.constant true
          %broadcast_in_dim3A_1317 = vector.broadcast %broadcast_in_dim3A_1316 : i1 to vector<16xi1>
          %masked_cumsum3A = tpu.scan <sum>, %convert_element_type3A_1315 masked %broadcast_in_dim3A_1317 : vector<16xi32>, vector<16xi1> -> vector<16xi32>
          %add3A_1318 = vector.broadcast %min3A_1314 : i32 to vector<16xi32>
          %add3A_1319 = arith.addi %add3A_1318, %masked_cumsum3A : vector<16xi32>
          %sub3A_1320 = arith.constant 1 : i32
          %sub3A_1321 = vector.broadcast %sub3A_1320 : i32 to vector<16xi32>
          %sub3A_1322 = arith.subi %add3A_1319, %sub3A_1321 : vector<16xi32>
          %max3A_1323 = arith.constant 0 : i32
          %max3A_1324 = vector.broadcast %max3A_1323 : i32 to vector<16xi32>
          %max3A_1325 = arith.maxsi %sub3A_1322, %max3A_1324 : vector<16xi32>
          tpu.vector_store_idx %arg25[%max3A_1325], %select_n3A_1312 masked %and3A_1304 : memref<1024xf32, #tpu.memory_space<vmem>>[vector<16xi32>], vector<16xf32>, vector<16xi1>
          tpu.vector_store_idx %arg26[%max3A_1325], %add3A_1297 masked %and3A_1304 : memref<1024xi32, #tpu.memory_space<vmem>>[vector<16xi32>], vector<16xi32>, vector<16xi1>
          %convert_element_type3A_1326 = arith.extui %and3A_1304 : vector<16xi1> to vector<16xi32>
          %reduce_sum3A = arith.constant true
          %reduce_sum3A_1327 = vector.broadcast %reduce_sum3A : i1 to vector<16xi1>
          %reduce_sum3A_1328 = tpu.scan <sum>, %convert_element_type3A_1326 masked %reduce_sum3A_1327 : vector<16xi32>, vector<16xi1> -> vector<16xi32>
          %reduce_sum3A_1329 = vector.extract %reduce_sum3A_1328[15] : i32 from vector<16xi32>
          %add3A_1330 = arith.addi %while3A_1264, %reduce_sum3A_1329 : i32
          scf.yield %add3A_1330 : i32
        }
        scf.yield %select_n3A_1203, %select_n3A_1206, %while3A_1262 : i32, i32, i32
      }
      %while3A_694 = arith.constant 1 : i32
      %while3A_695:3 = scf.for %while3A_1174 = %while3A_691 to %while3A_687 step %while3A_694 iter_args(%while3A_1175 = %while3A_693#0, %while3A_1176 = %while3A_693#1, %while3A_1177 = %while3A_693#2) -> (i32, i32, i32)  : i32 {
        %jit3A_1178 = arith.constant 2 : i32
        %eq3A_1179 = arith.constant 0 : i32
        %eq3A_1180 = arith.cmpi eq, %jit3A_1178, %eq3A_1179 : i32
        %jit3A_1181 = arith.constant 1 : i32
        %select_n3A_1182 = arith.select %eq3A_1180, %jit3A_1181, %jit3A_1178 : i32
        %rem3A_1183 = arith.remsi %while3A_1174, %select_n3A_1182 : i32
        %ne3A_1184 = arith.constant 0 : i32
        %ne3A_1185 = arith.cmpi ne, %rem3A_1183, %ne3A_1184 : i32
        %lt3A_1186 = arith.constant 0 : i32
        %lt3A_1187 = arith.cmpi slt, %rem3A_1183, %lt3A_1186 : i32
        %lt3A_1188 = arith.constant 0 : i32
        %lt3A_1189 = arith.cmpi slt, %select_n3A_1182, %lt3A_1188 : i32
        %ne3A_1190 = arith.xori %lt3A_1187, %lt3A_1189 : i1
        %and3A_1191 = arith.andi %ne3A_1190, %ne3A_1185 : i1
        %add3A_1192 = arith.addi %rem3A_1183, %select_n3A_1182 : i32
        %select_n3A_1193 = arith.select %and3A_1191, %add3A_1192, %rem3A_1183 : i32
        %eq3A_1194 = arith.constant 0 : i32
        %eq3A_1195 = arith.cmpi eq, %select_n3A_1193, %eq3A_1194 : i32
        %select_n3A_1196 = arith.select %eq3A_1195, %while3A_1175, %while3A_1176 : i32
        %ne3A_1197 = arith.cmpi ne, %select_n3A_1196, %while3A_1174 : i32
        %convert_element_type3A_1198 = arith.extui %ne3A_1197 : i1 to i32
        %cond3A_1199 = arith.constant 0 : i32
        %cond3A_1200 = arith.cmpi ne, %convert_element_type3A_1198, %cond3A_1199 : i32
        scf.if %cond3A_1200 {
          %mul3A_1263 = arith.constant 8192 : i32
          %mul3A_1264 = arith.muli %while3A_1174, %mul3A_1263 : i32
          %mul3A_1265 = arith.constant 8192 : i32
          %mul3A_1266 = arith.muli %select_n3A_1193, %mul3A_1265 : i32
          "tpu.region"() ({
            %run_scoped3A = tpu.sem_alloc : memref<!tpu.dma_semaphore, #tpu.memory_space<semaphore_mem>>
            %dma_start3A_1267 = tpu.memref_slice %arg21[%mul3A_1266] : memref<16384xf32, #tpu.memory_space<vmem>> -> memref<8192xf32, #tpu.memory_space<vmem>>
            %dma_start3A_1268 = tpu.memref_slice %arg2[%mul3A_1264] : memref<57344xf32, #tpu.memory_space<hbm>> -> memref<8192xf32, #tpu.memory_space<hbm>>
            %dma_start3A_1269 = tpu.memref_slice %arg21[%mul3A_1266] : memref<16384xf32, #tpu.memory_space<vmem>> -> memref<8192xf32, #tpu.memory_space<vmem>>
            %dma_start3A_1270 = tpu.memref_slice %arg2[%mul3A_1264] : memref<57344xf32, #tpu.memory_space<hbm>> -> memref<8192xf32, #tpu.memory_space<hbm>>
            tpu.enqueue_dma source(%dma_start3A_1270 : memref<8192xf32, #tpu.memory_space<hbm>>) target(%dma_start3A_1269 : memref<8192xf32, #tpu.memory_space<vmem>>) target_semaphore(%run_scoped3A : memref<!tpu.dma_semaphore, #tpu.memory_space<semaphore_mem>>)
            %dma_wait3A_1271 = tpu.memref_slice %arg21[%mul3A_1266] : memref<16384xf32, #tpu.memory_space<vmem>> -> memref<8192xf32, #tpu.memory_space<vmem>>
            %dma_wait3A_1272 = tpu.memref_slice %arg2[%mul3A_1264] : memref<57344xf32, #tpu.memory_space<hbm>> -> memref<8192xf32, #tpu.memory_space<hbm>>
            %dma_wait3A_1273 = tpu.memref_slice %arg21[%mul3A_1266] : memref<16384xf32, #tpu.memory_space<vmem>> -> memref<8192xf32, #tpu.memory_space<vmem>>
            %dma_wait3A_1274 = tpu.memref_slice %arg2[%mul3A_1264] : memref<57344xf32, #tpu.memory_space<hbm>> -> memref<8192xf32, #tpu.memory_space<hbm>>
            tpu.wait_dma2 semaphore(%run_scoped3A : memref<!tpu.dma_semaphore, #tpu.memory_space<semaphore_mem>>) src(%dma_wait3A_1274 : memref<8192xf32, #tpu.memory_space<hbm>>) dst(%dma_wait3A_1273 : memref<8192xf32, #tpu.memory_space<vmem>>)
            tpu.yield
          }) : () -> ()
          "tpu.region"() ({
            %run_scoped3A = tpu.sem_alloc : memref<!tpu.dma_semaphore, #tpu.memory_space<semaphore_mem>>
            %dma_start3A_1267 = tpu.memref_slice %arg22[%mul3A_1266] : memref<16384xf32, #tpu.memory_space<vmem>> -> memref<8192xf32, #tpu.memory_space<vmem>>
            %dma_start3A_1268 = tpu.memref_slice %arg3[%mul3A_1264] : memref<57344xf32, #tpu.memory_space<hbm>> -> memref<8192xf32, #tpu.memory_space<hbm>>
            %dma_start3A_1269 = tpu.memref_slice %arg22[%mul3A_1266] : memref<16384xf32, #tpu.memory_space<vmem>> -> memref<8192xf32, #tpu.memory_space<vmem>>
            %dma_start3A_1270 = tpu.memref_slice %arg3[%mul3A_1264] : memref<57344xf32, #tpu.memory_space<hbm>> -> memref<8192xf32, #tpu.memory_space<hbm>>
            tpu.enqueue_dma source(%dma_start3A_1270 : memref<8192xf32, #tpu.memory_space<hbm>>) target(%dma_start3A_1269 : memref<8192xf32, #tpu.memory_space<vmem>>) target_semaphore(%run_scoped3A : memref<!tpu.dma_semaphore, #tpu.memory_space<semaphore_mem>>)
            %dma_wait3A_1271 = tpu.memref_slice %arg22[%mul3A_1266] : memref<16384xf32, #tpu.memory_space<vmem>> -> memref<8192xf32, #tpu.memory_space<vmem>>
            %dma_wait3A_1272 = tpu.memref_slice %arg3[%mul3A_1264] : memref<57344xf32, #tpu.memory_space<hbm>> -> memref<8192xf32, #tpu.memory_space<hbm>>
            %dma_wait3A_1273 = tpu.memref_slice %arg22[%mul3A_1266] : memref<16384xf32, #tpu.memory_space<vmem>> -> memref<8192xf32, #tpu.memory_space<vmem>>
            %dma_wait3A_1274 = tpu.memref_slice %arg3[%mul3A_1264] : memref<57344xf32, #tpu.memory_space<hbm>> -> memref<8192xf32, #tpu.memory_space<hbm>>
            tpu.wait_dma2 semaphore(%run_scoped3A : memref<!tpu.dma_semaphore, #tpu.memory_space<semaphore_mem>>) src(%dma_wait3A_1274 : memref<8192xf32, #tpu.memory_space<hbm>>) dst(%dma_wait3A_1273 : memref<8192xf32, #tpu.memory_space<vmem>>)
            tpu.yield
          }) : () -> ()
          "tpu.region"() ({
            %run_scoped3A = tpu.sem_alloc : memref<!tpu.dma_semaphore, #tpu.memory_space<semaphore_mem>>
            %dma_start3A_1267 = tpu.memref_slice %arg23[%mul3A_1266] : memref<16384xf32, #tpu.memory_space<vmem>> -> memref<8192xf32, #tpu.memory_space<vmem>>
            %dma_start3A_1268 = tpu.memref_slice %arg4[%mul3A_1264] : memref<57344xf32, #tpu.memory_space<hbm>> -> memref<8192xf32, #tpu.memory_space<hbm>>
            %dma_start3A_1269 = tpu.memref_slice %arg23[%mul3A_1266] : memref<16384xf32, #tpu.memory_space<vmem>> -> memref<8192xf32, #tpu.memory_space<vmem>>
            %dma_start3A_1270 = tpu.memref_slice %arg4[%mul3A_1264] : memref<57344xf32, #tpu.memory_space<hbm>> -> memref<8192xf32, #tpu.memory_space<hbm>>
            tpu.enqueue_dma source(%dma_start3A_1270 : memref<8192xf32, #tpu.memory_space<hbm>>) target(%dma_start3A_1269 : memref<8192xf32, #tpu.memory_space<vmem>>) target_semaphore(%run_scoped3A : memref<!tpu.dma_semaphore, #tpu.memory_space<semaphore_mem>>)
            %dma_wait3A_1271 = tpu.memref_slice %arg23[%mul3A_1266] : memref<16384xf32, #tpu.memory_space<vmem>> -> memref<8192xf32, #tpu.memory_space<vmem>>
            %dma_wait3A_1272 = tpu.memref_slice %arg4[%mul3A_1264] : memref<57344xf32, #tpu.memory_space<hbm>> -> memref<8192xf32, #tpu.memory_space<hbm>>
            %dma_wait3A_1273 = tpu.memref_slice %arg23[%mul3A_1266] : memref<16384xf32, #tpu.memory_space<vmem>> -> memref<8192xf32, #tpu.memory_space<vmem>>
            %dma_wait3A_1274 = tpu.memref_slice %arg4[%mul3A_1264] : memref<57344xf32, #tpu.memory_space<hbm>> -> memref<8192xf32, #tpu.memory_space<hbm>>
            tpu.wait_dma2 semaphore(%run_scoped3A : memref<!tpu.dma_semaphore, #tpu.memory_space<semaphore_mem>>) src(%dma_wait3A_1274 : memref<8192xf32, #tpu.memory_space<hbm>>) dst(%dma_wait3A_1273 : memref<8192xf32, #tpu.memory_space<vmem>>)
            tpu.yield
          }) : () -> ()
          "tpu.region"() ({
            %run_scoped3A = tpu.sem_alloc : memref<!tpu.dma_semaphore, #tpu.memory_space<semaphore_mem>>
            %dma_start3A_1267 = tpu.memref_slice %arg24[%mul3A_1266] : memref<16384xf32, #tpu.memory_space<vmem>> -> memref<8192xf32, #tpu.memory_space<vmem>>
            %dma_start3A_1268 = tpu.memref_slice %arg5[%mul3A_1264] : memref<57344xf32, #tpu.memory_space<hbm>> -> memref<8192xf32, #tpu.memory_space<hbm>>
            %dma_start3A_1269 = tpu.memref_slice %arg24[%mul3A_1266] : memref<16384xf32, #tpu.memory_space<vmem>> -> memref<8192xf32, #tpu.memory_space<vmem>>
            %dma_start3A_1270 = tpu.memref_slice %arg5[%mul3A_1264] : memref<57344xf32, #tpu.memory_space<hbm>> -> memref<8192xf32, #tpu.memory_space<hbm>>
            tpu.enqueue_dma source(%dma_start3A_1270 : memref<8192xf32, #tpu.memory_space<hbm>>) target(%dma_start3A_1269 : memref<8192xf32, #tpu.memory_space<vmem>>) target_semaphore(%run_scoped3A : memref<!tpu.dma_semaphore, #tpu.memory_space<semaphore_mem>>)
            %dma_wait3A_1271 = tpu.memref_slice %arg24[%mul3A_1266] : memref<16384xf32, #tpu.memory_space<vmem>> -> memref<8192xf32, #tpu.memory_space<vmem>>
            %dma_wait3A_1272 = tpu.memref_slice %arg5[%mul3A_1264] : memref<57344xf32, #tpu.memory_space<hbm>> -> memref<8192xf32, #tpu.memory_space<hbm>>
            %dma_wait3A_1273 = tpu.memref_slice %arg24[%mul3A_1266] : memref<16384xf32, #tpu.memory_space<vmem>> -> memref<8192xf32, #tpu.memory_space<vmem>>
            %dma_wait3A_1274 = tpu.memref_slice %arg5[%mul3A_1264] : memref<57344xf32, #tpu.memory_space<hbm>> -> memref<8192xf32, #tpu.memory_space<hbm>>
            tpu.wait_dma2 semaphore(%run_scoped3A : memref<!tpu.dma_semaphore, #tpu.memory_space<semaphore_mem>>) src(%dma_wait3A_1274 : memref<8192xf32, #tpu.memory_space<hbm>>) dst(%dma_wait3A_1273 : memref<8192xf32, #tpu.memory_space<vmem>>)
            tpu.yield
          }) : () -> ()
        } else {
        }
        %eq3A_1201 = arith.constant 0 : i32
        %eq3A_1202 = arith.cmpi eq, %select_n3A_1193, %eq3A_1201 : i32
        %select_n3A_1203 = arith.select %eq3A_1202, %while3A_1174, %while3A_1175 : i32
        %eq3A_1204 = arith.constant 1 : i32
        %eq3A_1205 = arith.cmpi eq, %select_n3A_1193, %eq3A_1204 : i32
        %select_n3A_1206 = arith.select %eq3A_1205, %while3A_1174, %while3A_1176 : i32
        %mul3A_1207 = arith.constant 8192 : i32
        %mul3A_1208 = arith.muli %while3A_1174, %mul3A_1207 : i32
        %max3A_1209 = arith.maxsi %squeeze3A_617, %mul3A_1208 : i32
        %add3A_1210 = arith.constant 1 : i32
        %add3A_1211 = arith.addi %while3A_1174, %add3A_1210 : i32
        %mul3A_1212 = arith.constant 8192 : i32
        %mul3A_1213 = arith.muli %add3A_1211, %mul3A_1212 : i32
        %min3A_1214 = arith.minsi %squeeze3A_623, %mul3A_1213 : i32
        %and3A_1215 = arith.constant -16 : i32
        %and3A_1216 = arith.andi %max3A_1209, %and3A_1215 : i32
        %sub3A_1217 = arith.subi %min3A_1214, %and3A_1216 : i32
        %add3A_1218 = arith.constant 15 : i32
        %add3A_1219 = arith.addi %sub3A_1217, %add3A_1218 : i32
        %max3A_1220 = arith.constant 0 : i32
        %max3A_1221 = arith.maxsi %add3A_1219, %max3A_1220 : i32
        %jit3A_1222 = arith.constant 16 : i32
        %div3A_1223 = arith.divsi %max3A_1221, %jit3A_1222 : i32
        %sign3A_1224 = arith.constant 0 : i32
        %sign3A_1225 = arith.cmpi sgt, %max3A_1221, %sign3A_1224 : i32
        %sign3A_1226 = arith.extui %sign3A_1225 : i1 to i32
        %sign3A_1227 = arith.constant 0 : i32
        %sign3A_1228 = arith.cmpi slt, %max3A_1221, %sign3A_1227 : i32
        %sign3A_1229 = arith.extui %sign3A_1228 : i1 to i32
        %sign3A_1230 = arith.subi %sign3A_1226, %sign3A_1229 : i32
        %sign3A_1231 = arith.constant 0 : i32
        %sign3A_1232 = arith.cmpi sgt, %jit3A_1222, %sign3A_1231 : i32
        %sign3A_1233 = arith.extui %sign3A_1232 : i1 to i32
        %sign3A_1234 = arith.constant 0 : i32
        %sign3A_1235 = arith.cmpi slt, %jit3A_1222, %sign3A_1234 : i32
        %sign3A_1236 = arith.extui %sign3A_1235 : i1 to i32
        %sign3A_1237 = arith.subi %sign3A_1233, %sign3A_1236 : i32
        %ne3A_1238 = arith.cmpi ne, %sign3A_1230, %sign3A_1237 : i32
        %rem3A_1239 = arith.remsi %max3A_1221, %jit3A_1222 : i32
        %ne3A_1240 = arith.constant 0 : i32
        %ne3A_1241 = arith.cmpi ne, %rem3A_1239, %ne3A_1240 : i32
        %and3A_1242 = arith.andi %ne3A_1238, %ne3A_1241 : i1
        %sub3A_1243 = arith.constant 1 : i32
        %sub3A_1244 = arith.subi %div3A_1223, %sub3A_1243 : i32
        %select_n3A_1245 = arith.select %and3A_1242, %sub3A_1244, %div3A_1223 : i32
        %mul3A_1246 = arith.constant 8192 : i32
        %mul3A_1247 = arith.muli %while3A_1174, %mul3A_1246 : i32
        %sub3A_1248 = arith.subi %and3A_1216, %mul3A_1247 : i32
        %mul3A_1249 = arith.constant 8192 : i32
        %mul3A_1250 = arith.muli %select_n3A_1193, %mul3A_1249 : i32
        %add3A_1251 = arith.addi %sub3A_1248, %mul3A_1250 : i32
        %while3A_1252 = arith.constant 0 : i32
        %while3A_1253 = arith.subi %select_n3A_1245, %while3A_1252 : i32
        %while3A_1254 = arith.addi %while3A_1252, %while3A_1253 : i32
        %while3A_1255 = arith.constant 1 : i32
        %while3A_1256 = arith.divsi %while3A_1253, %while3A_1255 : i32
        %while3A_1257 = arith.muli %while3A_1256, %while3A_1255 : i32
        %while3A_1258 = arith.addi %while3A_1252, %while3A_1257 : i32
        %while3A_1259 = arith.constant 1 : i32
        %while3A_1260 = scf.for %while3A_1263 = %while3A_1252 to %while3A_1258 step %while3A_1259 iter_args(%while3A_1264 = %while3A_1177) -> (i32)  : i32 {
          %mul3A_1265 = arith.constant 16 : i32
          %mul3A_1266 = arith.muli %while3A_1263, %mul3A_1265 : i32
          %add3A_1267 = arith.addi %add3A_1251, %mul3A_1266 : i32
          %get3A_1268 = arith.index_cast %add3A_1267 : i32 to index
          %get3A_1269 = tpu.vector_load %arg21[%get3A_1268] {strides = array<i32>} : memref<16384xf32, #tpu.memory_space<vmem>>, vector<16xf32>,
          %get3A_1270 = arith.index_cast %add3A_1267 : i32 to index
          %get3A_1271 = tpu.vector_load %arg22[%get3A_1270] {strides = array<i32>} : memref<16384xf32, #tpu.memory_space<vmem>>, vector<16xf32>,
          %get3A_1272 = arith.index_cast %add3A_1267 : i32 to index
          %get3A_1273 = tpu.vector_load %arg23[%get3A_1272] {strides = array<i32>} : memref<16384xf32, #tpu.memory_space<vmem>>, vector<16xf32>,
          %get3A_1274 = arith.index_cast %add3A_1267 : i32 to index
          %get3A_1275 = tpu.vector_load %arg24[%get3A_1274] {strides = array<i32>} : memref<16384xf32, #tpu.memory_space<vmem>>, vector<16xf32>,
          %mul3A_1276 = vector.broadcast %squeeze3A_627 : f32 to vector<16xf32>
          %mul3A_1277 = arith.mulf %mul3A_1276, %get3A_1269 : vector<16xf32>
          %mul3A_1278 = vector.broadcast %squeeze3A_631 : f32 to vector<16xf32>
          %mul3A_1279 = arith.mulf %mul3A_1278, %get3A_1271 : vector<16xf32>
          %add3A_1280 = arith.addf %mul3A_1277, %mul3A_1279 : vector<16xf32>
          %mul3A_1281 = vector.broadcast %squeeze3A_635 : f32 to vector<16xf32>
          %mul3A_1282 = arith.mulf %mul3A_1281, %get3A_1273 : vector<16xf32>
          %add3A_1283 = arith.addf %add3A_1280, %mul3A_1282 : vector<16xf32>
          %add3A_1284 = vector.broadcast %squeeze3A_639 : f32 to vector<16xf32>
          %add3A_1285 = arith.addf %add3A_1284, %get3A_1275 : vector<16xf32>
          %mul3A_1286 = arith.constant 2.000000e+00 : f32
          %mul3A_1287 = vector.broadcast %mul3A_1286 : f32 to vector<16xf32>
          %mul3A_1288 = arith.mulf %mul3A_1287, %add3A_1283 : vector<16xf32>
          %sub3A_1289 = arith.subf %add3A_1285, %mul3A_1288 : vector<16xf32>
          %max3A_1290 = arith.constant 0.000000e+00 : f32
          %max3A_1291 = vector.broadcast %max3A_1290 : f32 to vector<16xf32>
          %max3A_1292 = arith.maximumf %sub3A_1289, %max3A_1291 : vector<16xf32>
          %mul3A_1293 = arith.constant 16 : i32
          %mul3A_1294 = arith.muli %while3A_1263, %mul3A_1293 : i32
          %add3A_1295 = arith.addi %and3A_1216, %mul3A_1294 : i32
          %add3A_1296 = vector.broadcast %add3A_1295 : i32 to vector<16xi32>
          %add3A_1297 = arith.addi %iota3A, %add3A_1296 : vector<16xi32>
          %le3A = arith.constant 4.840000e-02 : f32
          %le3A_1298 = vector.broadcast %le3A : f32 to vector<16xf32>
          %le3A_1299 = arith.cmpf ole, %max3A_1292, %le3A_1298 : vector<16xf32>
          %ge3A = vector.broadcast %max3A_1209 : i32 to vector<16xi32>
          %ge3A_1300 = arith.cmpi sge, %add3A_1297, %ge3A : vector<16xi32>
          %and3A_1301 = arith.andi %le3A_1299, %ge3A_1300 : vector<16xi1>
          %lt3A_1302 = vector.broadcast %min3A_1214 : i32 to vector<16xi32>
          %lt3A_1303 = arith.cmpi slt, %add3A_1297, %lt3A_1302 : vector<16xi32>
          %and3A_1304 = arith.andi %and3A_1301, %lt3A_1303 : vector<16xi1>
          %eq3A_1305 = arith.constant 0.000000e+00 : f32
          %eq3A_1306 = vector.broadcast %eq3A_1305 : f32 to vector<16xf32>
          %eq3A_1307 = arith.cmpf oeq, %max3A_1292, %eq3A_1306 : vector<16xf32>
          %convert_element_type3A_1308 = arith.sitofp %add3A_1297 : vector<16xi32> to vector<16xf32>
          %mul3A_1309 = arith.constant 1.000000e-30 : f32
          %mul3A_1310 = vector.broadcast %mul3A_1309 : f32 to vector<16xf32>
          %mul3A_1311 = arith.mulf %convert_element_type3A_1308, %mul3A_1310 : vector<16xf32>
          %select_n3A_1312 = arith.select %eq3A_1307, %mul3A_1311, %max3A_1292 : vector<16xi1>, vector<16xf32>
          %min3A_1313 = arith.constant 1008 : i32
          %min3A_1314 = arith.minsi %while3A_1264, %min3A_1313 : i32
          %convert_element_type3A_1315 = arith.extui %and3A_1304 : vector<16xi1> to vector<16xi32>
          %broadcast_in_dim3A_1316 = arith.constant true
          %broadcast_in_dim3A_1317 = vector.broadcast %broadcast_in_dim3A_1316 : i1 to vector<16xi1>
          %masked_cumsum3A = tpu.scan <sum>, %convert_element_type3A_1315 masked %broadcast_in_dim3A_1317 : vector<16xi32>, vector<16xi1> -> vector<16xi32>
          %add3A_1318 = vector.broadcast %min3A_1314 : i32 to vector<16xi32>
          %add3A_1319 = arith.addi %add3A_1318, %masked_cumsum3A : vector<16xi32>
          %sub3A_1320 = arith.constant 1 : i32
          %sub3A_1321 = vector.broadcast %sub3A_1320 : i32 to vector<16xi32>
          %sub3A_1322 = arith.subi %add3A_1319, %sub3A_1321 : vector<16xi32>
          %max3A_1323 = arith.constant 0 : i32
          %max3A_1324 = vector.broadcast %max3A_1323 : i32 to vector<16xi32>
          %max3A_1325 = arith.maxsi %sub3A_1322, %max3A_1324 : vector<16xi32>
          tpu.vector_store_idx %arg25[%max3A_1325], %select_n3A_1312 masked %and3A_1304 : memref<1024xf32, #tpu.memory_space<vmem>>[vector<16xi32>], vector<16xf32>, vector<16xi1>
          tpu.vector_store_idx %arg26[%max3A_1325], %add3A_1297 masked %and3A_1304 : memref<1024xi32, #tpu.memory_space<vmem>>[vector<16xi32>], vector<16xi32>, vector<16xi1>
          %convert_element_type3A_1326 = arith.extui %and3A_1304 : vector<16xi1> to vector<16xi32>
          %reduce_sum3A = arith.constant true
          %reduce_sum3A_1327 = vector.broadcast %reduce_sum3A : i1 to vector<16xi1>
          %reduce_sum3A_1328 = tpu.scan <sum>, %convert_element_type3A_1326 masked %reduce_sum3A_1327 : vector<16xi32>, vector<16xi1> -> vector<16xi32>
          %reduce_sum3A_1329 = vector.extract %reduce_sum3A_1328[15] : i32 from vector<16xi32>
          %add3A_1330 = arith.addi %while3A_1264, %reduce_sum3A_1329 : i32
          scf.yield %add3A_1330 : i32
        }
        %while3A_1261 = arith.constant 1 : i32
        %while3A_1262 = scf.for %while3A_1263 = %while3A_1258 to %while3A_1254 step %while3A_1261 iter_args(%while3A_1264 = %while3A_1260) -> (i32)  : i32 {
          %mul3A_1265 = arith.constant 16 : i32
          %mul3A_1266 = arith.muli %while3A_1263, %mul3A_1265 : i32
          %add3A_1267 = arith.addi %add3A_1251, %mul3A_1266 : i32
          %get3A_1268 = arith.index_cast %add3A_1267 : i32 to index
          %get3A_1269 = tpu.vector_load %arg21[%get3A_1268] {strides = array<i32>} : memref<16384xf32, #tpu.memory_space<vmem>>, vector<16xf32>,
          %get3A_1270 = arith.index_cast %add3A_1267 : i32 to index
          %get3A_1271 = tpu.vector_load %arg22[%get3A_1270] {strides = array<i32>} : memref<16384xf32, #tpu.memory_space<vmem>>, vector<16xf32>,
          %get3A_1272 = arith.index_cast %add3A_1267 : i32 to index
          %get3A_1273 = tpu.vector_load %arg23[%get3A_1272] {strides = array<i32>} : memref<16384xf32, #tpu.memory_space<vmem>>, vector<16xf32>,
          %get3A_1274 = arith.index_cast %add3A_1267 : i32 to index
          %get3A_1275 = tpu.vector_load %arg24[%get3A_1274] {strides = array<i32>} : memref<16384xf32, #tpu.memory_space<vmem>>, vector<16xf32>,
          %mul3A_1276 = vector.broadcast %squeeze3A_627 : f32 to vector<16xf32>
          %mul3A_1277 = arith.mulf %mul3A_1276, %get3A_1269 : vector<16xf32>
          %mul3A_1278 = vector.broadcast %squeeze3A_631 : f32 to vector<16xf32>
          %mul3A_1279 = arith.mulf %mul3A_1278, %get3A_1271 : vector<16xf32>
          %add3A_1280 = arith.addf %mul3A_1277, %mul3A_1279 : vector<16xf32>
          %mul3A_1281 = vector.broadcast %squeeze3A_635 : f32 to vector<16xf32>
          %mul3A_1282 = arith.mulf %mul3A_1281, %get3A_1273 : vector<16xf32>
          %add3A_1283 = arith.addf %add3A_1280, %mul3A_1282 : vector<16xf32>
          %add3A_1284 = vector.broadcast %squeeze3A_639 : f32 to vector<16xf32>
          %add3A_1285 = arith.addf %add3A_1284, %get3A_1275 : vector<16xf32>
          %mul3A_1286 = arith.constant 2.000000e+00 : f32
          %mul3A_1287 = vector.broadcast %mul3A_1286 : f32 to vector<16xf32>
          %mul3A_1288 = arith.mulf %mul3A_1287, %add3A_1283 : vector<16xf32>
          %sub3A_1289 = arith.subf %add3A_1285, %mul3A_1288 : vector<16xf32>
          %max3A_1290 = arith.constant 0.000000e+00 : f32
          %max3A_1291 = vector.broadcast %max3A_1290 : f32 to vector<16xf32>
          %max3A_1292 = arith.maximumf %sub3A_1289, %max3A_1291 : vector<16xf32>
          %mul3A_1293 = arith.constant 16 : i32
          %mul3A_1294 = arith.muli %while3A_1263, %mul3A_1293 : i32
          %add3A_1295 = arith.addi %and3A_1216, %mul3A_1294 : i32
          %add3A_1296 = vector.broadcast %add3A_1295 : i32 to vector<16xi32>
          %add3A_1297 = arith.addi %iota3A, %add3A_1296 : vector<16xi32>
          %le3A = arith.constant 4.840000e-02 : f32
          %le3A_1298 = vector.broadcast %le3A : f32 to vector<16xf32>
          %le3A_1299 = arith.cmpf ole, %max3A_1292, %le3A_1298 : vector<16xf32>
          %ge3A = vector.broadcast %max3A_1209 : i32 to vector<16xi32>
          %ge3A_1300 = arith.cmpi sge, %add3A_1297, %ge3A : vector<16xi32>
          %and3A_1301 = arith.andi %le3A_1299, %ge3A_1300 : vector<16xi1>
          %lt3A_1302 = vector.broadcast %min3A_1214 : i32 to vector<16xi32>
          %lt3A_1303 = arith.cmpi slt, %add3A_1297, %lt3A_1302 : vector<16xi32>
          %and3A_1304 = arith.andi %and3A_1301, %lt3A_1303 : vector<16xi1>
          %eq3A_1305 = arith.constant 0.000000e+00 : f32
          %eq3A_1306 = vector.broadcast %eq3A_1305 : f32 to vector<16xf32>
          %eq3A_1307 = arith.cmpf oeq, %max3A_1292, %eq3A_1306 : vector<16xf32>
          %convert_element_type3A_1308 = arith.sitofp %add3A_1297 : vector<16xi32> to vector<16xf32>
          %mul3A_1309 = arith.constant 1.000000e-30 : f32
          %mul3A_1310 = vector.broadcast %mul3A_1309 : f32 to vector<16xf32>
          %mul3A_1311 = arith.mulf %convert_element_type3A_1308, %mul3A_1310 : vector<16xf32>
          %select_n3A_1312 = arith.select %eq3A_1307, %mul3A_1311, %max3A_1292 : vector<16xi1>, vector<16xf32>
          %min3A_1313 = arith.constant 1008 : i32
          %min3A_1314 = arith.minsi %while3A_1264, %min3A_1313 : i32
          %convert_element_type3A_1315 = arith.extui %and3A_1304 : vector<16xi1> to vector<16xi32>
          %broadcast_in_dim3A_1316 = arith.constant true
          %broadcast_in_dim3A_1317 = vector.broadcast %broadcast_in_dim3A_1316 : i1 to vector<16xi1>
          %masked_cumsum3A = tpu.scan <sum>, %convert_element_type3A_1315 masked %broadcast_in_dim3A_1317 : vector<16xi32>, vector<16xi1> -> vector<16xi32>
          %add3A_1318 = vector.broadcast %min3A_1314 : i32 to vector<16xi32>
          %add3A_1319 = arith.addi %add3A_1318, %masked_cumsum3A : vector<16xi32>
          %sub3A_1320 = arith.constant 1 : i32
          %sub3A_1321 = vector.broadcast %sub3A_1320 : i32 to vector<16xi32>
          %sub3A_1322 = arith.subi %add3A_1319, %sub3A_1321 : vector<16xi32>
          %max3A_1323 = arith.constant 0 : i32
          %max3A_1324 = vector.broadcast %max3A_1323 : i32 to vector<16xi32>
          %max3A_1325 = arith.maxsi %sub3A_1322, %max3A_1324 : vector<16xi32>
          tpu.vector_store_idx %arg25[%max3A_1325], %select_n3A_1312 masked %and3A_1304 : memref<1024xf32, #tpu.memory_space<vmem>>[vector<16xi32>], vector<16xf32>, vector<16xi1>
          tpu.vector_store_idx %arg26[%max3A_1325], %add3A_1297 masked %and3A_1304 : memref<1024xi32, #tpu.memory_space<vmem>>[vector<16xi32>], vector<16xi32>, vector<16xi1>
          %convert_element_type3A_1326 = arith.extui %and3A_1304 : vector<16xi1> to vector<16xi32>
          %reduce_sum3A = arith.constant true
          %reduce_sum3A_1327 = vector.broadcast %reduce_sum3A : i1 to vector<16xi1>
          %reduce_sum3A_1328 = tpu.scan <sum>, %convert_element_type3A_1326 masked %reduce_sum3A_1327 : vector<16xi32>, vector<16xi1> -> vector<16xi32>
          %reduce_sum3A_1329 = vector.extract %reduce_sum3A_1328[15] : i32 from vector<16xi32>
          %add3A_1330 = arith.addi %while3A_1264, %reduce_sum3A_1329 : i32
          scf.yield %add3A_1330 : i32
        }
        scf.yield %select_n3A_1203, %select_n3A_1206, %while3A_1262 : i32, i32, i32
      }
      %min3A = arith.constant 1024 : i32
      %min3A_696 = arith.minsi %while3A_695#2, %min3A : i32
      %add3A_697 = arith.constant 15 : i32
      %add3A_698 = arith.addi %min3A_696, %add3A_697 : i32
      %jit3A_699 = arith.constant 16 : i32
      %div3A_700 = arith.divsi %add3A_698, %jit3A_699 : i32
      %sign3A_701 = arith.constant 0 : i32
      %sign3A_702 = arith.cmpi sgt, %add3A_698, %sign3A_701 : i32
      %sign3A_703 = arith.extui %sign3A_702 : i1 to i32
      %sign3A_704 = arith.constant 0 : i32
      %sign3A_705 = arith.cmpi slt, %add3A_698, %sign3A_704 : i32
      %sign3A_706 = arith.extui %sign3A_705 : i1 to i32
      %sign3A_707 = arith.subi %sign3A_703, %sign3A_706 : i32
      %sign3A_708 = arith.constant 0 : i32
      %sign3A_709 = arith.cmpi sgt, %jit3A_699, %sign3A_708 : i32
      %sign3A_710 = arith.extui %sign3A_709 : i1 to i32
      %sign3A_711 = arith.constant 0 : i32
      %sign3A_712 = arith.cmpi slt, %jit3A_699, %sign3A_711 : i32
      %sign3A_713 = arith.extui %sign3A_712 : i1 to i32
      %sign3A_714 = arith.subi %sign3A_710, %sign3A_713 : i32
      %ne3A_715 = arith.cmpi ne, %sign3A_707, %sign3A_714 : i32
      %rem3A_716 = arith.remsi %add3A_698, %jit3A_699 : i32
      %ne3A_717 = arith.constant 0 : i32
      %ne3A_718 = arith.cmpi ne, %rem3A_716, %ne3A_717 : i32
      %and3A_719 = arith.andi %ne3A_715, %ne3A_718 : i1
      %sub3A_720 = arith.constant 1 : i32
      %sub3A_721 = arith.subi %div3A_700, %sub3A_720 : i32
      %select_n3A_722 = arith.select %and3A_719, %sub3A_721, %div3A_700 : i32
      %broadcast_in_dim3A_723 = arith.constant 0x7F800000 : f32
      %broadcast_in_dim3A_724 = vector.broadcast %broadcast_in_dim3A_723 : f32 to vector<16xf32>
      %broadcast_in_dim3A_725 = arith.constant 0 : i32
      %broadcast_in_dim3A_726 = vector.broadcast %broadcast_in_dim3A_725 : i32 to vector<16xi32>
      %while3A_727 = arith.constant 0 : i32
      %while3A_728 = arith.subi %select_n3A_722, %while3A_727 : i32
      %while3A_729 = arith.addi %while3A_727, %while3A_728 : i32
      %while3A_730 = arith.constant 1 : i32
      %while3A_731 = arith.divsi %while3A_728, %while3A_730 : i32
      %while3A_732 = arith.muli %while3A_731, %while3A_730 : i32
      %while3A_733 = arith.addi %while3A_727, %while3A_732 : i32
      %while3A_734 = arith.constant 1 : i32
      %while3A_735:8 = scf.for %while3A_1174 = %while3A_727 to %while3A_733 step %while3A_734 iter_args(%while3A_1175 = %broadcast_in_dim3A_724, %while3A_1176 = %broadcast_in_dim3A_724, %while3A_1177 = %broadcast_in_dim3A_724, %while3A_1178 = %broadcast_in_dim3A_724, %while3A_1179 = %broadcast_in_dim3A_726, %while3A_1180 = %broadcast_in_dim3A_726, %while3A_1181 = %broadcast_in_dim3A_726, %while3A_1182 = %broadcast_in_dim3A_726) -> (vector<16xf32>, vector<16xf32>, vector<16xf32>, vector<16xf32>, vector<16xi32>, vector<16xi32>, vector<16xi32>, vector<16xi32>)  : i32 {
        %mul3A_1183 = arith.constant 16 : i32
        %mul3A_1184 = arith.muli %while3A_1174, %mul3A_1183 : i32
        %get3A_1185 = arith.index_cast %mul3A_1184 : i32 to index
        %get3A_1186 = tpu.vector_load %arg25[%get3A_1185] {strides = array<i32>} : memref<1024xf32, #tpu.memory_space<vmem>>, vector<16xf32>,
        %get3A_1187 = arith.index_cast %mul3A_1184 : i32 to index
        %get3A_1188 = tpu.vector_load %arg26[%get3A_1187] {strides = array<i32>} : memref<1024xi32, #tpu.memory_space<vmem>>, vector<16xi32>,
        %add3A_1189 = vector.broadcast %mul3A_1184 : i32 to vector<16xi32>
        %add3A_1190 = arith.addi %iota3A, %add3A_1189 : vector<16xi32>
        %lt3A_1191 = vector.broadcast %min3A_696 : i32 to vector<16xi32>
        %lt3A_1192 = arith.cmpi slt, %add3A_1190, %lt3A_1191 : vector<16xi32>
        %jit3A_1193 = arith.constant 0x7F800000 : f32
        %broadcast_in_dim3A_1194 = vector.broadcast %jit3A_1193 : f32 to vector<16xf32>
        %select_n3A_1195 = arith.select %lt3A_1192, %get3A_1186, %broadcast_in_dim3A_1194 : vector<16xi1>, vector<16xf32>
        %masked_sort3A = arith.constant dense<true> : vector<16xi1>
        %masked_sort3A_1196, %masked_sort3A_1197, %masked_sort3A_1198 = tpu.sort %select_n3A_1195, %get3A_1188 masked %masked_sort3A : (vector<16xf32>, vector<16xi32>, vector<16xi1>) -> (vector<16xi1>, vector<16xf32>, vector<16xi32>)
        %rev3A = arith.constant 15 : i32
        %rev3A_1199 = vector.broadcast %rev3A : i32 to vector<16xi32>
        %rev3A_1200 = tpu.iota {dimensions = array<i32: 0>} : vector<16xi32>
        %rev3A_1201 = arith.subi %rev3A_1199, %rev3A_1200 : vector<16xi32>
        %rev3A_1202 = tpu.dynamic_gather %masked_sort3A_1197[%rev3A_1201] in [0] : vector<16xf32>, vector<16xi32> -> vector<16xf32>
        %rev3A_1203 = arith.constant 15 : i32
        %rev3A_1204 = vector.broadcast %rev3A_1203 : i32 to vector<16xi32>
        %rev3A_1205 = tpu.iota {dimensions = array<i32: 0>} : vector<16xi32>
        %rev3A_1206 = arith.subi %rev3A_1204, %rev3A_1205 : vector<16xi32>
        %rev3A_1207 = tpu.dynamic_gather %masked_sort3A_1198[%rev3A_1206] in [0] : vector<16xi32>, vector<16xi32> -> vector<16xi32>
        %le3A = arith.cmpf ole, %while3A_1178, %rev3A_1202 : vector<16xf32>
        %select_n3A_1208 = arith.select %le3A, %while3A_1178, %rev3A_1202 : vector<16xi1>, vector<16xf32>
        %select_n3A_1209 = arith.select %le3A, %while3A_1182, %rev3A_1207 : vector<16xi1>, vector<16xi32>
        %le3A_1210 = arith.cmpf ole, %while3A_1175, %while3A_1177 : vector<16xf32>
        %select_n3A_1211 = arith.select %le3A_1210, %while3A_1175, %while3A_1177 : vector<16xi1>, vector<16xf32>
        %select_n3A_1212 = arith.select %le3A_1210, %while3A_1179, %while3A_1181 : vector<16xi1>, vector<16xi32>
        %select_n3A_1213 = arith.select %le3A_1210, %while3A_1177, %while3A_1175 : vector<16xi1>, vector<16xf32>
        %select_n3A_1214 = arith.select %le3A_1210, %while3A_1181, %while3A_1179 : vector<16xi1>, vector<16xi32>
        %le3A_1215 = arith.cmpf ole, %while3A_1176, %select_n3A_1208 : vector<16xf32>
        %select_n3A_1216 = arith.select %le3A_1215, %while3A_1176, %select_n3A_1208 : vector<16xi1>, vector<16xf32>
        %select_n3A_1217 = arith.select %le3A_1215, %while3A_1180, %select_n3A_1209 : vector<16xi1>, vector<16xi32>
        %select_n3A_1218 = arith.select %le3A_1215, %select_n3A_1208, %while3A_1176 : vector<16xi1>, vector<16xf32>
        %select_n3A_1219 = arith.select %le3A_1215, %select_n3A_1209, %while3A_1180 : vector<16xi1>, vector<16xi32>
        %le3A_1220 = arith.cmpf ole, %select_n3A_1211, %select_n3A_1216 : vector<16xf32>
        %select_n3A_1221 = arith.select %le3A_1220, %select_n3A_1211, %select_n3A_1216 : vector<16xi1>, vector<16xf32>
        %select_n3A_1222 = arith.select %le3A_1220, %select_n3A_1212, %select_n3A_1217 : vector<16xi1>, vector<16xi32>
        %select_n3A_1223 = arith.select %le3A_1220, %select_n3A_1216, %select_n3A_1211 : vector<16xi1>, vector<16xf32>
        %select_n3A_1224 = arith.select %le3A_1220, %select_n3A_1217, %select_n3A_1212 : vector<16xi1>, vector<16xi32>
        %le3A_1225 = arith.cmpf ole, %select_n3A_1213, %select_n3A_1218 : vector<16xf32>
        %select_n3A_1226 = arith.select %le3A_1225, %select_n3A_1213, %select_n3A_1218 : vector<16xi1>, vector<16xf32>
        %select_n3A_1227 = arith.select %le3A_1225, %select_n3A_1214, %select_n3A_1219 : vector<16xi1>, vector<16xi32>
        %select_n3A_1228 = arith.select %le3A_1225, %select_n3A_1218, %select_n3A_1213 : vector<16xi1>, vector<16xf32>
        %select_n3A_1229 = arith.select %le3A_1225, %select_n3A_1219, %select_n3A_1214 : vector<16xi1>, vector<16xi32>
        %masked_sort3A_1230 = arith.constant dense<true> : vector<16xi1>
        %masked_sort3A_1231, %masked_sort3A_1232, %masked_sort3A_1233 = tpu.sort %select_n3A_1221, %select_n3A_1222 masked %masked_sort3A_1230 : (vector<16xf32>, vector<16xi32>, vector<16xi1>) -> (vector<16xi1>, vector<16xf32>, vector<16xi32>)
        %masked_sort3A_1234 = arith.constant dense<true> : vector<16xi1>
        %masked_sort3A_1235, %masked_sort3A_1236, %masked_sort3A_1237 = tpu.sort %select_n3A_1223, %select_n3A_1224 masked %masked_sort3A_1234 : (vector<16xf32>, vector<16xi32>, vector<16xi1>) -> (vector<16xi1>, vector<16xf32>, vector<16xi32>)
        %masked_sort3A_1238 = arith.constant dense<true> : vector<16xi1>
        %masked_sort3A_1239, %masked_sort3A_1240, %masked_sort3A_1241 = tpu.sort %select_n3A_1226, %select_n3A_1227 masked %masked_sort3A_1238 : (vector<16xf32>, vector<16xi32>, vector<16xi1>) -> (vector<16xi1>, vector<16xf32>, vector<16xi32>)
        %masked_sort3A_1242 = arith.constant dense<true> : vector<16xi1>
        %masked_sort3A_1243, %masked_sort3A_1244, %masked_sort3A_1245 = tpu.sort %select_n3A_1228, %select_n3A_1229 masked %masked_sort3A_1242 : (vector<16xf32>, vector<16xi32>, vector<16xi1>) -> (vector<16xi1>, vector<16xf32>, vector<16xi32>)
        scf.yield %masked_sort3A_1232, %masked_sort3A_1236, %masked_sort3A_1240, %masked_sort3A_1244, %masked_sort3A_1233, %masked_sort3A_1237, %masked_sort3A_1241, %masked_sort3A_1245 : vector<16xf32>, vector<16xf32>, vector<16xf32>, vector<16xf32>, vector<16xi32>, vector<16xi32>, vector<16xi32>, vector<16xi32>
      }
      %while3A_736 = arith.constant 1 : i32
      %while3A_737:8 = scf.for %while3A_1174 = %while3A_733 to %while3A_729 step %while3A_736 iter_args(%while3A_1175 = %while3A_735#0, %while3A_1176 = %while3A_735#1, %while3A_1177 = %while3A_735#2, %while3A_1178 = %while3A_735#3, %while3A_1179 = %while3A_735#4, %while3A_1180 = %while3A_735#5, %while3A_1181 = %while3A_735#6, %while3A_1182 = %while3A_735#7) -> (vector<16xf32>, vector<16xf32>, vector<16xf32>, vector<16xf32>, vector<16xi32>, vector<16xi32>, vector<16xi32>, vector<16xi32>)  : i32 {
        %mul3A_1183 = arith.constant 16 : i32
        %mul3A_1184 = arith.muli %while3A_1174, %mul3A_1183 : i32
        %get3A_1185 = arith.index_cast %mul3A_1184 : i32 to index
        %get3A_1186 = tpu.vector_load %arg25[%get3A_1185] {strides = array<i32>} : memref<1024xf32, #tpu.memory_space<vmem>>, vector<16xf32>,
        %get3A_1187 = arith.index_cast %mul3A_1184 : i32 to index
        %get3A_1188 = tpu.vector_load %arg26[%get3A_1187] {strides = array<i32>} : memref<1024xi32, #tpu.memory_space<vmem>>, vector<16xi32>,
        %add3A_1189 = vector.broadcast %mul3A_1184 : i32 to vector<16xi32>
        %add3A_1190 = arith.addi %iota3A, %add3A_1189 : vector<16xi32>
        %lt3A_1191 = vector.broadcast %min3A_696 : i32 to vector<16xi32>
        %lt3A_1192 = arith.cmpi slt, %add3A_1190, %lt3A_1191 : vector<16xi32>
        %jit3A_1193 = arith.constant 0x7F800000 : f32
        %broadcast_in_dim3A_1194 = vector.broadcast %jit3A_1193 : f32 to vector<16xf32>
        %select_n3A_1195 = arith.select %lt3A_1192, %get3A_1186, %broadcast_in_dim3A_1194 : vector<16xi1>, vector<16xf32>
        %masked_sort3A = arith.constant dense<true> : vector<16xi1>
        %masked_sort3A_1196, %masked_sort3A_1197, %masked_sort3A_1198 = tpu.sort %select_n3A_1195, %get3A_1188 masked %masked_sort3A : (vector<16xf32>, vector<16xi32>, vector<16xi1>) -> (vector<16xi1>, vector<16xf32>, vector<16xi32>)
        %rev3A = arith.constant 15 : i32
        %rev3A_1199 = vector.broadcast %rev3A : i32 to vector<16xi32>
        %rev3A_1200 = tpu.iota {dimensions = array<i32: 0>} : vector<16xi32>
        %rev3A_1201 = arith.subi %rev3A_1199, %rev3A_1200 : vector<16xi32>
        %rev3A_1202 = tpu.dynamic_gather %masked_sort3A_1197[%rev3A_1201] in [0] : vector<16xf32>, vector<16xi32> -> vector<16xf32>
        %rev3A_1203 = arith.constant 15 : i32
        %rev3A_1204 = vector.broadcast %rev3A_1203 : i32 to vector<16xi32>
        %rev3A_1205 = tpu.iota {dimensions = array<i32: 0>} : vector<16xi32>
        %rev3A_1206 = arith.subi %rev3A_1204, %rev3A_1205 : vector<16xi32>
        %rev3A_1207 = tpu.dynamic_gather %masked_sort3A_1198[%rev3A_1206] in [0] : vector<16xi32>, vector<16xi32> -> vector<16xi32>
        %le3A = arith.cmpf ole, %while3A_1178, %rev3A_1202 : vector<16xf32>
        %select_n3A_1208 = arith.select %le3A, %while3A_1178, %rev3A_1202 : vector<16xi1>, vector<16xf32>
        %select_n3A_1209 = arith.select %le3A, %while3A_1182, %rev3A_1207 : vector<16xi1>, vector<16xi32>
        %le3A_1210 = arith.cmpf ole, %while3A_1175, %while3A_1177 : vector<16xf32>
        %select_n3A_1211 = arith.select %le3A_1210, %while3A_1175, %while3A_1177 : vector<16xi1>, vector<16xf32>
        %select_n3A_1212 = arith.select %le3A_1210, %while3A_1179, %while3A_1181 : vector<16xi1>, vector<16xi32>
        %select_n3A_1213 = arith.select %le3A_1210, %while3A_1177, %while3A_1175 : vector<16xi1>, vector<16xf32>
        %select_n3A_1214 = arith.select %le3A_1210, %while3A_1181, %while3A_1179 : vector<16xi1>, vector<16xi32>
        %le3A_1215 = arith.cmpf ole, %while3A_1176, %select_n3A_1208 : vector<16xf32>
        %select_n3A_1216 = arith.select %le3A_1215, %while3A_1176, %select_n3A_1208 : vector<16xi1>, vector<16xf32>
        %select_n3A_1217 = arith.select %le3A_1215, %while3A_1180, %select_n3A_1209 : vector<16xi1>, vector<16xi32>
        %select_n3A_1218 = arith.select %le3A_1215, %select_n3A_1208, %while3A_1176 : vector<16xi1>, vector<16xf32>
        %select_n3A_1219 = arith.select %le3A_1215, %select_n3A_1209, %while3A_1180 : vector<16xi1>, vector<16xi32>
        %le3A_1220 = arith.cmpf ole, %select_n3A_1211, %select_n3A_1216 : vector<16xf32>
        %select_n3A_1221 = arith.select %le3A_1220, %select_n3A_1211, %select_n3A_1216 : vector<16xi1>, vector<16xf32>
        %select_n3A_1222 = arith.select %le3A_1220, %select_n3A_1212, %select_n3A_1217 : vector<16xi1>, vector<16xi32>
        %select_n3A_1223 = arith.select %le3A_1220, %select_n3A_1216, %select_n3A_1211 : vector<16xi1>, vector<16xf32>
        %select_n3A_1224 = arith.select %le3A_1220, %select_n3A_1217, %select_n3A_1212 : vector<16xi1>, vector<16xi32>
        %le3A_1225 = arith.cmpf ole, %select_n3A_1213, %select_n3A_1218 : vector<16xf32>
        %select_n3A_1226 = arith.select %le3A_1225, %select_n3A_1213, %select_n3A_1218 : vector<16xi1>, vector<16xf32>
        %select_n3A_1227 = arith.select %le3A_1225, %select_n3A_1214, %select_n3A_1219 : vector<16xi1>, vector<16xi32>
        %select_n3A_1228 = arith.select %le3A_1225, %select_n3A_1218, %select_n3A_1213 : vector<16xi1>, vector<16xf32>
        %select_n3A_1229 = arith.select %le3A_1225, %select_n3A_1219, %select_n3A_1214 : vector<16xi1>, vector<16xi32>
        %masked_sort3A_1230 = arith.constant dense<true> : vector<16xi1>
        %masked_sort3A_1231, %masked_sort3A_1232, %masked_sort3A_1233 = tpu.sort %select_n3A_1221, %select_n3A_1222 masked %masked_sort3A_1230 : (vector<16xf32>, vector<16xi32>, vector<16xi1>) -> (vector<16xi1>, vector<16xf32>, vector<16xi32>)
        %masked_sort3A_1234 = arith.constant dense<true> : vector<16xi1>
        %masked_sort3A_1235, %masked_sort3A_1236, %masked_sort3A_1237 = tpu.sort %select_n3A_1223, %select_n3A_1224 masked %masked_sort3A_1234 : (vector<16xf32>, vector<16xi32>, vector<16xi1>) -> (vector<16xi1>, vector<16xf32>, vector<16xi32>)
        %masked_sort3A_1238 = arith.constant dense<true> : vector<16xi1>
        %masked_sort3A_1239, %masked_sort3A_1240, %masked_sort3A_1241 = tpu.sort %select_n3A_1226, %select_n3A_1227 masked %masked_sort3A_1238 : (vector<16xf32>, vector<16xi32>, vector<16xi1>) -> (vector<16xi1>, vector<16xf32>, vector<16xi32>)
        %masked_sort3A_1242 = arith.constant dense<true> : vector<16xi1>
        %masked_sort3A_1243, %masked_sort3A_1244, %masked_sort3A_1245 = tpu.sort %select_n3A_1228, %select_n3A_1229 masked %masked_sort3A_1242 : (vector<16xf32>, vector<16xi32>, vector<16xi1>) -> (vector<16xi1>, vector<16xf32>, vector<16xi32>)
        scf.yield %masked_sort3A_1232, %masked_sort3A_1236, %masked_sort3A_1240, %masked_sort3A_1244, %masked_sort3A_1233, %masked_sort3A_1237, %masked_sort3A_1241, %masked_sort3A_1245 : vector<16xf32>, vector<16xf32>, vector<16xf32>, vector<16xf32>, vector<16xi32>, vector<16xi32>, vector<16xi32>, vector<16xi32>
      }
      %swap3A_738 = arith.constant 16 : index
      %swap3A_739 = tpu.vector_load %arg44[%swap3A_738] {strides = array<i32>} : memref<96xf32, #tpu.memory_space<vmem>>, vector<16xf32>,
      tpu.vector_store %arg44[%swap3A_738], %while3A_737#0 {strides = array<i32>} : memref<96xf32, #tpu.memory_space<vmem>>, vector<16xf32>,
      %swap3A_740 = arith.constant 16 : index
      %swap3A_741 = tpu.vector_load %arg45[%swap3A_740] {strides = array<i32>} : memref<96xi32, #tpu.memory_space<vmem>>, vector<16xi32>,
      tpu.vector_store %arg45[%swap3A_740], %while3A_737#4 {strides = array<i32>} : memref<96xi32, #tpu.memory_space<vmem>>, vector<16xi32>,
      %swap3A_742 = arith.constant 32 : index
      %swap3A_743 = tpu.vector_load %arg44[%swap3A_742] {strides = array<i32>} : memref<96xf32, #tpu.memory_space<vmem>>, vector<16xf32>,
      tpu.vector_store %arg44[%swap3A_742], %while3A_737#1 {strides = array<i32>} : memref<96xf32, #tpu.memory_space<vmem>>, vector<16xf32>,
      %swap3A_744 = arith.constant 32 : index
      %swap3A_745 = tpu.vector_load %arg45[%swap3A_744] {strides = array<i32>} : memref<96xi32, #tpu.memory_space<vmem>>, vector<16xi32>,
      tpu.vector_store %arg45[%swap3A_744], %while3A_737#5 {strides = array<i32>} : memref<96xi32, #tpu.memory_space<vmem>>, vector<16xi32>,
      %swap3A_746 = arith.constant 48 : index
      %swap3A_747 = tpu.vector_load %arg44[%swap3A_746] {strides = array<i32>} : memref<96xf32, #tpu.memory_space<vmem>>, vector<16xf32>,
      tpu.vector_store %arg44[%swap3A_746], %while3A_737#2 {strides = array<i32>} : memref<96xf32, #tpu.memory_space<vmem>>, vector<16xf32>,
      %swap3A_748 = arith.constant 48 : index
      %swap3A_749 = tpu.vector_load %arg45[%swap3A_748] {strides = array<i32>} : memref<96xi32, #tpu.memory_space<vmem>>, vector<16xi32>,
      tpu.vector_store %arg45[%swap3A_748], %while3A_737#6 {strides = array<i32>} : memref<96xi32, #tpu.memory_space<vmem>>, vector<16xi32>,
      %swap3A_750 = arith.constant 64 : index
      %swap3A_751 = tpu.vector_load %arg44[%swap3A_750] {strides = array<i32>} : memref<96xf32, #tpu.memory_space<vmem>>, vector<16xf32>,
      tpu.vector_store %arg44[%swap3A_750], %while3A_737#3 {strides = array<i32>} : memref<96xf32, #tpu.memory_space<vmem>>, vector<16xf32>,
      %swap3A_752 = arith.constant 64 : index
      %swap3A_753 = tpu.vector_load %arg45[%swap3A_752] {strides = array<i32>} : memref<96xi32, #tpu.memory_space<vmem>>, vector<16xi32>,
      tpu.vector_store %arg45[%swap3A_752], %while3A_737#7 {strides = array<i32>} : memref<96xi32, #tpu.memory_space<vmem>>, vector<16xi32>,
      %add3A_754 = arith.constant 0 : i32
      %add3A_755 = vector.broadcast %add3A_754 : i32 to vector<16xi32>
      %add3A_756 = arith.addi %iota3A, %add3A_755 : vector<16xi32>
      %xor3A = arith.constant 1 : i32
      %xor3A_757 = vector.broadcast %xor3A : i32 to vector<16xi32>
      %xor3A_758 = arith.xori %add3A_756, %xor3A_757 : vector<16xi32>
      %get3A_759 = arith.constant 16 : index
      %get3A_760 = tpu.vector_load %arg44[%get3A_759] {strides = array<i32>} : memref<96xf32, #tpu.memory_space<vmem>>, vector<16xf32>,
      %get3A_761 = arith.constant 16 : index
      %get3A_762 = tpu.vector_load %arg45[%get3A_761] {strides = array<i32>} : memref<96xi32, #tpu.memory_space<vmem>>, vector<16xi32>,
      %add3A_763 = arith.constant 16 : i32
      %add3A_764 = vector.broadcast %add3A_763 : i32 to vector<16xi32>
      %add3A_765 = arith.addi %xor3A_758, %add3A_764 : vector<16xi32>
      %gather3A = tpu.vector_load_idx %arg44[%add3A_765] : memref<96xf32, #tpu.memory_space<vmem>>[vector<16xi32>], vector<16xf32>,
      %add3A_766 = arith.constant 16 : i32
      %add3A_767 = vector.broadcast %add3A_766 : i32 to vector<16xi32>
      %add3A_768 = arith.addi %xor3A_758, %add3A_767 : vector<16xi32>
      %gather3A_769 = tpu.vector_load_idx %arg45[%add3A_768] : memref<96xi32, #tpu.memory_space<vmem>>[vector<16xi32>], vector<16xi32>,
      %eq3A = arith.cmpf oeq, %get3A_760, %gather3A : vector<16xf32>
      %ne3A_770 = arith.cmpi ne, %xor3A_758, %add3A_756 : vector<16xi32>
      %and3A_771 = arith.andi %eq3A, %ne3A_770 : vector<16xi1>
      %lt3A = arith.cmpi slt, %add3A_756, %xor3A_758 : vector<16xi32>
      %min3A_772 = arith.minsi %get3A_762, %gather3A_769 : vector<16xi32>
      %max3A_773 = arith.maxsi %get3A_762, %gather3A_769 : vector<16xi32>
      %select_n3A_774 = arith.select %lt3A, %min3A_772, %max3A_773 : vector<16xi1>, vector<16xi32>
      %select_n3A_775 = arith.select %and3A_771, %select_n3A_774, %get3A_762 : vector<16xi1>, vector<16xi32>
      %swap3A_776 = arith.constant 16 : index
      %swap3A_777 = tpu.vector_load %arg46[%swap3A_776] {strides = array<i32>} : memref<96xi32, #tpu.memory_space<vmem>>, vector<16xi32>,
      tpu.vector_store %arg46[%swap3A_776], %select_n3A_775 {strides = array<i32>} : memref<96xi32, #tpu.memory_space<vmem>>, vector<16xi32>,
      %add3A_778 = arith.constant 16 : i32
      %add3A_779 = vector.broadcast %add3A_778 : i32 to vector<16xi32>
      %add3A_780 = arith.addi %iota3A, %add3A_779 : vector<16xi32>
      %xor3A_781 = arith.constant 1 : i32
      %xor3A_782 = vector.broadcast %xor3A_781 : i32 to vector<16xi32>
      %xor3A_783 = arith.xori %add3A_780, %xor3A_782 : vector<16xi32>
      %get3A_784 = arith.constant 32 : index
      %get3A_785 = tpu.vector_load %arg44[%get3A_784] {strides = array<i32>} : memref<96xf32, #tpu.memory_space<vmem>>, vector<16xf32>,
      %get3A_786 = arith.constant 32 : index
      %get3A_787 = tpu.vector_load %arg45[%get3A_786] {strides = array<i32>} : memref<96xi32, #tpu.memory_space<vmem>>, vector<16xi32>,
      %add3A_788 = arith.constant 16 : i32
      %add3A_789 = vector.broadcast %add3A_788 : i32 to vector<16xi32>
      %add3A_790 = arith.addi %xor3A_783, %add3A_789 : vector<16xi32>
      %gather3A_791 = tpu.vector_load_idx %arg44[%add3A_790] : memref<96xf32, #tpu.memory_space<vmem>>[vector<16xi32>], vector<16xf32>,
      %add3A_792 = arith.constant 16 : i32
      %add3A_793 = vector.broadcast %add3A_792 : i32 to vector<16xi32>
      %add3A_794 = arith.addi %xor3A_783, %add3A_793 : vector<16xi32>
      %gather3A_795 = tpu.vector_load_idx %arg45[%add3A_794] : memref<96xi32, #tpu.memory_space<vmem>>[vector<16xi32>], vector<16xi32>,
      %eq3A_796 = arith.cmpf oeq, %get3A_785, %gather3A_791 : vector<16xf32>
      %ne3A_797 = arith.cmpi ne, %xor3A_783, %add3A_780 : vector<16xi32>
      %and3A_798 = arith.andi %eq3A_796, %ne3A_797 : vector<16xi1>
      %lt3A_799 = arith.cmpi slt, %add3A_780, %xor3A_783 : vector<16xi32>
      %min3A_800 = arith.minsi %get3A_787, %gather3A_795 : vector<16xi32>
      %max3A_801 = arith.maxsi %get3A_787, %gather3A_795 : vector<16xi32>
      %select_n3A_802 = arith.select %lt3A_799, %min3A_800, %max3A_801 : vector<16xi1>, vector<16xi32>
      %select_n3A_803 = arith.select %and3A_798, %select_n3A_802, %get3A_787 : vector<16xi1>, vector<16xi32>
      %swap3A_804 = arith.constant 32 : index
      %swap3A_805 = tpu.vector_load %arg46[%swap3A_804] {strides = array<i32>} : memref<96xi32, #tpu.memory_space<vmem>>, vector<16xi32>,
      tpu.vector_store %arg46[%swap3A_804], %select_n3A_803 {strides = array<i32>} : memref<96xi32, #tpu.memory_space<vmem>>, vector<16xi32>,
      %add3A_806 = arith.constant 32 : i32
      %add3A_807 = vector.broadcast %add3A_806 : i32 to vector<16xi32>
      %add3A_808 = arith.addi %iota3A, %add3A_807 : vector<16xi32>
      %xor3A_809 = arith.constant 1 : i32
      %xor3A_810 = vector.broadcast %xor3A_809 : i32 to vector<16xi32>
      %xor3A_811 = arith.xori %add3A_808, %xor3A_810 : vector<16xi32>
      %get3A_812 = arith.constant 48 : index
      %get3A_813 = tpu.vector_load %arg44[%get3A_812] {strides = array<i32>} : memref<96xf32, #tpu.memory_space<vmem>>, vector<16xf32>,
      %get3A_814 = arith.constant 48 : index
      %get3A_815 = tpu.vector_load %arg45[%get3A_814] {strides = array<i32>} : memref<96xi32, #tpu.memory_space<vmem>>, vector<16xi32>,
      %add3A_816 = arith.constant 16 : i32
      %add3A_817 = vector.broadcast %add3A_816 : i32 to vector<16xi32>
      %add3A_818 = arith.addi %xor3A_811, %add3A_817 : vector<16xi32>
      %gather3A_819 = tpu.vector_load_idx %arg44[%add3A_818] : memref<96xf32, #tpu.memory_space<vmem>>[vector<16xi32>], vector<16xf32>,
      %add3A_820 = arith.constant 16 : i32
      %add3A_821 = vector.broadcast %add3A_820 : i32 to vector<16xi32>
      %add3A_822 = arith.addi %xor3A_811, %add3A_821 : vector<16xi32>
      %gather3A_823 = tpu.vector_load_idx %arg45[%add3A_822] : memref<96xi32, #tpu.memory_space<vmem>>[vector<16xi32>], vector<16xi32>,
      %eq3A_824 = arith.cmpf oeq, %get3A_813, %gather3A_819 : vector<16xf32>
      %ne3A_825 = arith.cmpi ne, %xor3A_811, %add3A_808 : vector<16xi32>
      %and3A_826 = arith.andi %eq3A_824, %ne3A_825 : vector<16xi1>
      %lt3A_827 = arith.cmpi slt, %add3A_808, %xor3A_811 : vector<16xi32>
      %min3A_828 = arith.minsi %get3A_815, %gather3A_823 : vector<16xi32>
      %max3A_829 = arith.maxsi %get3A_815, %gather3A_823 : vector<16xi32>
      %select_n3A_830 = arith.select %lt3A_827, %min3A_828, %max3A_829 : vector<16xi1>, vector<16xi32>
      %select_n3A_831 = arith.select %and3A_826, %select_n3A_830, %get3A_815 : vector<16xi1>, vector<16xi32>
      %swap3A_832 = arith.constant 48 : index
      %swap3A_833 = tpu.vector_load %arg46[%swap3A_832] {strides = array<i32>} : memref<96xi32, #tpu.memory_space<vmem>>, vector<16xi32>,
      tpu.vector_store %arg46[%swap3A_832], %select_n3A_831 {strides = array<i32>} : memref<96xi32, #tpu.memory_space<vmem>>, vector<16xi32>,
      %add3A_834 = arith.constant 48 : i32
      %add3A_835 = vector.broadcast %add3A_834 : i32 to vector<16xi32>
      %add3A_836 = arith.addi %iota3A, %add3A_835 : vector<16xi32>
      %xor3A_837 = arith.constant 1 : i32
      %xor3A_838 = vector.broadcast %xor3A_837 : i32 to vector<16xi32>
      %xor3A_839 = arith.xori %add3A_836, %xor3A_838 : vector<16xi32>
      %get3A_840 = arith.constant 64 : index
      %get3A_841 = tpu.vector_load %arg44[%get3A_840] {strides = array<i32>} : memref<96xf32, #tpu.memory_space<vmem>>, vector<16xf32>,
      %get3A_842 = arith.constant 64 : index
      %get3A_843 = tpu.vector_load %arg45[%get3A_842] {strides = array<i32>} : memref<96xi32, #tpu.memory_space<vmem>>, vector<16xi32>,
      %add3A_844 = arith.constant 16 : i32
      %add3A_845 = vector.broadcast %add3A_844 : i32 to vector<16xi32>
      %add3A_846 = arith.addi %xor3A_839, %add3A_845 : vector<16xi32>
      %gather3A_847 = tpu.vector_load_idx %arg44[%add3A_846] : memref<96xf32, #tpu.memory_space<vmem>>[vector<16xi32>], vector<16xf32>,
      %add3A_848 = arith.constant 16 : i32
      %add3A_849 = vector.broadcast %add3A_848 : i32 to vector<16xi32>
      %add3A_850 = arith.addi %xor3A_839, %add3A_849 : vector<16xi32>
      %gather3A_851 = tpu.vector_load_idx %arg45[%add3A_850] : memref<96xi32, #tpu.memory_space<vmem>>[vector<16xi32>], vector<16xi32>,
      %eq3A_852 = arith.cmpf oeq, %get3A_841, %gather3A_847 : vector<16xf32>
      %ne3A_853 = arith.cmpi ne, %xor3A_839, %add3A_836 : vector<16xi32>
      %and3A_854 = arith.andi %eq3A_852, %ne3A_853 : vector<16xi1>
      %lt3A_855 = arith.cmpi slt, %add3A_836, %xor3A_839 : vector<16xi32>
      %min3A_856 = arith.minsi %get3A_843, %gather3A_851 : vector<16xi32>
      %max3A_857 = arith.maxsi %get3A_843, %gather3A_851 : vector<16xi32>
      %select_n3A_858 = arith.select %lt3A_855, %min3A_856, %max3A_857 : vector<16xi1>, vector<16xi32>
      %select_n3A_859 = arith.select %and3A_854, %select_n3A_858, %get3A_843 : vector<16xi1>, vector<16xi32>
      %swap3A_860 = arith.constant 64 : index
      %swap3A_861 = tpu.vector_load %arg46[%swap3A_860] {strides = array<i32>} : memref<96xi32, #tpu.memory_space<vmem>>, vector<16xi32>,
      tpu.vector_store %arg46[%swap3A_860], %select_n3A_859 {strides = array<i32>} : memref<96xi32, #tpu.memory_space<vmem>>, vector<16xi32>,
      %add3A_862 = arith.constant 0 : i32
      %add3A_863 = vector.broadcast %add3A_862 : i32 to vector<16xi32>
      %add3A_864 = arith.addi %iota3A, %add3A_863 : vector<16xi32>
      %sub3A_865 = arith.constant 1 : i32
      %sub3A_866 = vector.broadcast %sub3A_865 : i32 to vector<16xi32>
      %sub3A_867 = arith.subi %add3A_864, %sub3A_866 : vector<16xi32>
      %xor3A_868 = arith.constant 1 : i32
      %xor3A_869 = vector.broadcast %xor3A_868 : i32 to vector<16xi32>
      %xor3A_870 = arith.xori %sub3A_867, %xor3A_869 : vector<16xi32>
      %add3A_871 = arith.constant 1 : i32
      %add3A_872 = vector.broadcast %add3A_871 : i32 to vector<16xi32>
      %add3A_873 = arith.addi %xor3A_870, %add3A_872 : vector<16xi32>
      %jit3A_874 = arith.constant 0 : i32
      %jit3A_875 = arith.constant 63 : i32
      %max3A_876 = vector.broadcast %jit3A_874 : i32 to vector<16xi32>
      %max3A_877 = arith.maxsi %max3A_876, %add3A_873 : vector<16xi32>
      %min3A_878 = vector.broadcast %jit3A_875 : i32 to vector<16xi32>
      %min3A_879 = arith.minsi %min3A_878, %max3A_877 : vector<16xi32>
      %get3A_880 = arith.constant 16 : index
      %get3A_881 = tpu.vector_load %arg44[%get3A_880] {strides = array<i32>} : memref<96xf32, #tpu.memory_space<vmem>>, vector<16xf32>,
      %get3A_882 = arith.constant 16 : index
      %get3A_883 = tpu.vector_load %arg46[%get3A_882] {strides = array<i32>} : memref<96xi32, #tpu.memory_space<vmem>>, vector<16xi32>,
      %add3A_884 = arith.constant 16 : i32
      %add3A_885 = vector.broadcast %add3A_884 : i32 to vector<16xi32>
      %add3A_886 = arith.addi %min3A_879, %add3A_885 : vector<16xi32>
      %gather3A_887 = tpu.vector_load_idx %arg44[%add3A_886] : memref<96xf32, #tpu.memory_space<vmem>>[vector<16xi32>], vector<16xf32>,
      %add3A_888 = arith.constant 16 : i32
      %add3A_889 = vector.broadcast %add3A_888 : i32 to vector<16xi32>
      %add3A_890 = arith.addi %min3A_879, %add3A_889 : vector<16xi32>
      %gather3A_891 = tpu.vector_load_idx %arg46[%add3A_890] : memref<96xi32, #tpu.memory_space<vmem>>[vector<16xi32>], vector<16xi32>,
      %eq3A_892 = arith.cmpf oeq, %get3A_881, %gather3A_887 : vector<16xf32>
      %ne3A_893 = arith.cmpi ne, %min3A_879, %add3A_864 : vector<16xi32>
      %and3A_894 = arith.andi %eq3A_892, %ne3A_893 : vector<16xi1>
      %lt3A_895 = arith.cmpi slt, %add3A_864, %min3A_879 : vector<16xi32>
      %min3A_896 = arith.minsi %get3A_883, %gather3A_891 : vector<16xi32>
      %max3A_897 = arith.maxsi %get3A_883, %gather3A_891 : vector<16xi32>
      %select_n3A_898 = arith.select %lt3A_895, %min3A_896, %max3A_897 : vector<16xi1>, vector<16xi32>
      %select_n3A_899 = arith.select %and3A_894, %select_n3A_898, %get3A_883 : vector<16xi1>, vector<16xi32>
      %swap3A_900 = arith.constant 16 : index
      %swap3A_901 = tpu.vector_load %arg45[%swap3A_900] {strides = array<i32>} : memref<96xi32, #tpu.memory_space<vmem>>, vector<16xi32>,
      tpu.vector_store %arg45[%swap3A_900], %select_n3A_899 {strides = array<i32>} : memref<96xi32, #tpu.memory_space<vmem>>, vector<16xi32>,
      %add3A_902 = arith.constant 16 : i32
      %add3A_903 = vector.broadcast %add3A_902 : i32 to vector<16xi32>
      %add3A_904 = arith.addi %iota3A, %add3A_903 : vector<16xi32>
      %sub3A_905 = arith.constant 1 : i32
      %sub3A_906 = vector.broadcast %sub3A_905 : i32 to vector<16xi32>
      %sub3A_907 = arith.subi %add3A_904, %sub3A_906 : vector<16xi32>
      %xor3A_908 = arith.constant 1 : i32
      %xor3A_909 = vector.broadcast %xor3A_908 : i32 to vector<16xi32>
      %xor3A_910 = arith.xori %sub3A_907, %xor3A_909 : vector<16xi32>
      %add3A_911 = arith.constant 1 : i32
      %add3A_912 = vector.broadcast %add3A_911 : i32 to vector<16xi32>
      %add3A_913 = arith.addi %xor3A_910, %add3A_912 : vector<16xi32>
      %jit3A_914 = arith.constant 0 : i32
      %jit3A_915 = arith.constant 63 : i32
      %max3A_916 = vector.broadcast %jit3A_914 : i32 to vector<16xi32>
      %max3A_917 = arith.maxsi %max3A_916, %add3A_913 : vector<16xi32>
      %min3A_918 = vector.broadcast %jit3A_915 : i32 to vector<16xi32>
      %min3A_919 = arith.minsi %min3A_918, %max3A_917 : vector<16xi32>
      %get3A_920 = arith.constant 32 : index
      %get3A_921 = tpu.vector_load %arg44[%get3A_920] {strides = array<i32>} : memref<96xf32, #tpu.memory_space<vmem>>, vector<16xf32>,
      %get3A_922 = arith.constant 32 : index
      %get3A_923 = tpu.vector_load %arg46[%get3A_922] {strides = array<i32>} : memref<96xi32, #tpu.memory_space<vmem>>, vector<16xi32>,
      %add3A_924 = arith.constant 16 : i32
      %add3A_925 = vector.broadcast %add3A_924 : i32 to vector<16xi32>
      %add3A_926 = arith.addi %min3A_919, %add3A_925 : vector<16xi32>
      %gather3A_927 = tpu.vector_load_idx %arg44[%add3A_926] : memref<96xf32, #tpu.memory_space<vmem>>[vector<16xi32>], vector<16xf32>,
      %add3A_928 = arith.constant 16 : i32
      %add3A_929 = vector.broadcast %add3A_928 : i32 to vector<16xi32>
      %add3A_930 = arith.addi %min3A_919, %add3A_929 : vector<16xi32>
      %gather3A_931 = tpu.vector_load_idx %arg46[%add3A_930] : memref<96xi32, #tpu.memory_space<vmem>>[vector<16xi32>], vector<16xi32>,
      %eq3A_932 = arith.cmpf oeq, %get3A_921, %gather3A_927 : vector<16xf32>
      %ne3A_933 = arith.cmpi ne, %min3A_919, %add3A_904 : vector<16xi32>
      %and3A_934 = arith.andi %eq3A_932, %ne3A_933 : vector<16xi1>
      %lt3A_935 = arith.cmpi slt, %add3A_904, %min3A_919 : vector<16xi32>
      %min3A_936 = arith.minsi %get3A_923, %gather3A_931 : vector<16xi32>
      %max3A_937 = arith.maxsi %get3A_923, %gather3A_931 : vector<16xi32>
      %select_n3A_938 = arith.select %lt3A_935, %min3A_936, %max3A_937 : vector<16xi1>, vector<16xi32>
      %select_n3A_939 = arith.select %and3A_934, %select_n3A_938, %get3A_923 : vector<16xi1>, vector<16xi32>
      %swap3A_940 = arith.constant 32 : index
      %swap3A_941 = tpu.vector_load %arg45[%swap3A_940] {strides = array<i32>} : memref<96xi32, #tpu.memory_space<vmem>>, vector<16xi32>,
      tpu.vector_store %arg45[%swap3A_940], %select_n3A_939 {strides = array<i32>} : memref<96xi32, #tpu.memory_space<vmem>>, vector<16xi32>,
      %add3A_942 = arith.constant 32 : i32
      %add3A_943 = vector.broadcast %add3A_942 : i32 to vector<16xi32>
      %add3A_944 = arith.addi %iota3A, %add3A_943 : vector<16xi32>
      %sub3A_945 = arith.constant 1 : i32
      %sub3A_946 = vector.broadcast %sub3A_945 : i32 to vector<16xi32>
      %sub3A_947 = arith.subi %add3A_944, %sub3A_946 : vector<16xi32>
      %xor3A_948 = arith.constant 1 : i32
      %xor3A_949 = vector.broadcast %xor3A_948 : i32 to vector<16xi32>
      %xor3A_950 = arith.xori %sub3A_947, %xor3A_949 : vector<16xi32>
      %add3A_951 = arith.constant 1 : i32
      %add3A_952 = vector.broadcast %add3A_951 : i32 to vector<16xi32>
      %add3A_953 = arith.addi %xor3A_950, %add3A_952 : vector<16xi32>
      %jit3A_954 = arith.constant 0 : i32
      %jit3A_955 = arith.constant 63 : i32
      %max3A_956 = vector.broadcast %jit3A_954 : i32 to vector<16xi32>
      %max3A_957 = arith.maxsi %max3A_956, %add3A_953 : vector<16xi32>
      %min3A_958 = vector.broadcast %jit3A_955 : i32 to vector<16xi32>
      %min3A_959 = arith.minsi %min3A_958, %max3A_957 : vector<16xi32>
      %get3A_960 = arith.constant 48 : index
      %get3A_961 = tpu.vector_load %arg44[%get3A_960] {strides = array<i32>} : memref<96xf32, #tpu.memory_space<vmem>>, vector<16xf32>,
      %get3A_962 = arith.constant 48 : index
      %get3A_963 = tpu.vector_load %arg46[%get3A_962] {strides = array<i32>} : memref<96xi32, #tpu.memory_space<vmem>>, vector<16xi32>,
      %add3A_964 = arith.constant 16 : i32
      %add3A_965 = vector.broadcast %add3A_964 : i32 to vector<16xi32>
      %add3A_966 = arith.addi %min3A_959, %add3A_965 : vector<16xi32>
      %gather3A_967 = tpu.vector_load_idx %arg44[%add3A_966] : memref<96xf32, #tpu.memory_space<vmem>>[vector<16xi32>], vector<16xf32>,
      %add3A_968 = arith.constant 16 : i32
      %add3A_969 = vector.broadcast %add3A_968 : i32 to vector<16xi32>
      %add3A_970 = arith.addi %min3A_959, %add3A_969 : vector<16xi32>
      %gather3A_971 = tpu.vector_load_idx %arg46[%add3A_970] : memref<96xi32, #tpu.memory_space<vmem>>[vector<16xi32>], vector<16xi32>,
      %eq3A_972 = arith.cmpf oeq, %get3A_961, %gather3A_967 : vector<16xf32>
      %ne3A_973 = arith.cmpi ne, %min3A_959, %add3A_944 : vector<16xi32>
      %and3A_974 = arith.andi %eq3A_972, %ne3A_973 : vector<16xi1>
      %lt3A_975 = arith.cmpi slt, %add3A_944, %min3A_959 : vector<16xi32>
      %min3A_976 = arith.minsi %get3A_963, %gather3A_971 : vector<16xi32>
      %max3A_977 = arith.maxsi %get3A_963, %gather3A_971 : vector<16xi32>
      %select_n3A_978 = arith.select %lt3A_975, %min3A_976, %max3A_977 : vector<16xi1>, vector<16xi32>
      %select_n3A_979 = arith.select %and3A_974, %select_n3A_978, %get3A_963 : vector<16xi1>, vector<16xi32>
      %swap3A_980 = arith.constant 48 : index
      %swap3A_981 = tpu.vector_load %arg45[%swap3A_980] {strides = array<i32>} : memref<96xi32, #tpu.memory_space<vmem>>, vector<16xi32>,
      tpu.vector_store %arg45[%swap3A_980], %select_n3A_979 {strides = array<i32>} : memref<96xi32, #tpu.memory_space<vmem>>, vector<16xi32>,
      %add3A_982 = arith.constant 48 : i32
      %add3A_983 = vector.broadcast %add3A_982 : i32 to vector<16xi32>
      %add3A_984 = arith.addi %iota3A, %add3A_983 : vector<16xi32>
      %sub3A_985 = arith.constant 1 : i32
      %sub3A_986 = vector.broadcast %sub3A_985 : i32 to vector<16xi32>
      %sub3A_987 = arith.subi %add3A_984, %sub3A_986 : vector<16xi32>
      %xor3A_988 = arith.constant 1 : i32
      %xor3A_989 = vector.broadcast %xor3A_988 : i32 to vector<16xi32>
      %xor3A_990 = arith.xori %sub3A_987, %xor3A_989 : vector<16xi32>
      %add3A_991 = arith.constant 1 : i32
      %add3A_992 = vector.broadcast %add3A_991 : i32 to vector<16xi32>
      %add3A_993 = arith.addi %xor3A_990, %add3A_992 : vector<16xi32>
      %jit3A_994 = arith.constant 0 : i32
      %jit3A_995 = arith.constant 63 : i32
      %max3A_996 = vector.broadcast %jit3A_994 : i32 to vector<16xi32>
      %max3A_997 = arith.maxsi %max3A_996, %add3A_993 : vector<16xi32>
      %min3A_998 = vector.broadcast %jit3A_995 : i32 to vector<16xi32>
      %min3A_999 = arith.minsi %min3A_998, %max3A_997 : vector<16xi32>
      %get3A_1000 = arith.constant 64 : index
      %get3A_1001 = tpu.vector_load %arg44[%get3A_1000] {strides = array<i32>} : memref<96xf32, #tpu.memory_space<vmem>>, vector<16xf32>,
      %get3A_1002 = arith.constant 64 : index
      %get3A_1003 = tpu.vector_load %arg46[%get3A_1002] {strides = array<i32>} : memref<96xi32, #tpu.memory_space<vmem>>, vector<16xi32>,
      %add3A_1004 = arith.constant 16 : i32
      %add3A_1005 = vector.broadcast %add3A_1004 : i32 to vector<16xi32>
      %add3A_1006 = arith.addi %min3A_999, %add3A_1005 : vector<16xi32>
      %gather3A_1007 = tpu.vector_load_idx %arg44[%add3A_1006] : memref<96xf32, #tpu.memory_space<vmem>>[vector<16xi32>], vector<16xf32>,
      %add3A_1008 = arith.constant 16 : i32
      %add3A_1009 = vector.broadcast %add3A_1008 : i32 to vector<16xi32>
      %add3A_1010 = arith.addi %min3A_999, %add3A_1009 : vector<16xi32>
      %gather3A_1011 = tpu.vector_load_idx %arg46[%add3A_1010] : memref<96xi32, #tpu.memory_space<vmem>>[vector<16xi32>], vector<16xi32>,
      %eq3A_1012 = arith.cmpf oeq, %get3A_1001, %gather3A_1007 : vector<16xf32>
      %ne3A_1013 = arith.cmpi ne, %min3A_999, %add3A_984 : vector<16xi32>
      %and3A_1014 = arith.andi %eq3A_1012, %ne3A_1013 : vector<16xi1>
      %lt3A_1015 = arith.cmpi slt, %add3A_984, %min3A_999 : vector<16xi32>
      %min3A_1016 = arith.minsi %get3A_1003, %gather3A_1011 : vector<16xi32>
      %max3A_1017 = arith.maxsi %get3A_1003, %gather3A_1011 : vector<16xi32>
      %select_n3A_1018 = arith.select %lt3A_1015, %min3A_1016, %max3A_1017 : vector<16xi1>, vector<16xi32>
      %select_n3A_1019 = arith.select %and3A_1014, %select_n3A_1018, %get3A_1003 : vector<16xi1>, vector<16xi32>
      %swap3A_1020 = arith.constant 64 : index
      %swap3A_1021 = tpu.vector_load %arg45[%swap3A_1020] {strides = array<i32>} : memref<96xi32, #tpu.memory_space<vmem>>, vector<16xi32>,
      tpu.vector_store %arg45[%swap3A_1020], %select_n3A_1019 {strides = array<i32>} : memref<96xi32, #tpu.memory_space<vmem>>, vector<16xi32>,
      %add3A_1022 = arith.constant 0 : i32
      %add3A_1023 = vector.broadcast %add3A_1022 : i32 to vector<16xi32>
      %add3A_1024 = arith.addi %iota3A, %add3A_1023 : vector<16xi32>
      %xor3A_1025 = arith.constant 1 : i32
      %xor3A_1026 = vector.broadcast %xor3A_1025 : i32 to vector<16xi32>
      %xor3A_1027 = arith.xori %add3A_1024, %xor3A_1026 : vector<16xi32>
      %get3A_1028 = arith.constant 16 : index
      %get3A_1029 = tpu.vector_load %arg44[%get3A_1028] {strides = array<i32>} : memref<96xf32, #tpu.memory_space<vmem>>, vector<16xf32>,
      %get3A_1030 = arith.constant 16 : index
      %get3A_1031 = tpu.vector_load %arg45[%get3A_1030] {strides = array<i32>} : memref<96xi32, #tpu.memory_space<vmem>>, vector<16xi32>,
      %add3A_1032 = arith.constant 16 : i32
      %add3A_1033 = vector.broadcast %add3A_1032 : i32 to vector<16xi32>
      %add3A_1034 = arith.addi %xor3A_1027, %add3A_1033 : vector<16xi32>
      %gather3A_1035 = tpu.vector_load_idx %arg44[%add3A_1034] : memref<96xf32, #tpu.memory_space<vmem>>[vector<16xi32>], vector<16xf32>,
      %add3A_1036 = arith.constant 16 : i32
      %add3A_1037 = vector.broadcast %add3A_1036 : i32 to vector<16xi32>
      %add3A_1038 = arith.addi %xor3A_1027, %add3A_1037 : vector<16xi32>
      %gather3A_1039 = tpu.vector_load_idx %arg45[%add3A_1038] : memref<96xi32, #tpu.memory_space<vmem>>[vector<16xi32>], vector<16xi32>,
      %eq3A_1040 = arith.cmpf oeq, %get3A_1029, %gather3A_1035 : vector<16xf32>
      %ne3A_1041 = arith.cmpi ne, %xor3A_1027, %add3A_1024 : vector<16xi32>
      %and3A_1042 = arith.andi %eq3A_1040, %ne3A_1041 : vector<16xi1>
      %lt3A_1043 = arith.cmpi slt, %add3A_1024, %xor3A_1027 : vector<16xi32>
      %min3A_1044 = arith.minsi %get3A_1031, %gather3A_1039 : vector<16xi32>
      %max3A_1045 = arith.maxsi %get3A_1031, %gather3A_1039 : vector<16xi32>
      %select_n3A_1046 = arith.select %lt3A_1043, %min3A_1044, %max3A_1045 : vector<16xi1>, vector<16xi32>
      %select_n3A_1047 = arith.select %and3A_1042, %select_n3A_1046, %get3A_1031 : vector<16xi1>, vector<16xi32>
      %swap3A_1048 = arith.constant 16 : index
      %swap3A_1049 = tpu.vector_load %arg46[%swap3A_1048] {strides = array<i32>} : memref<96xi32, #tpu.memory_space<vmem>>, vector<16xi32>,
      tpu.vector_store %arg46[%swap3A_1048], %select_n3A_1047 {strides = array<i32>} : memref<96xi32, #tpu.memory_space<vmem>>, vector<16xi32>,
      %add3A_1050 = arith.constant 16 : i32
      %add3A_1051 = vector.broadcast %add3A_1050 : i32 to vector<16xi32>
      %add3A_1052 = arith.addi %iota3A, %add3A_1051 : vector<16xi32>
      %xor3A_1053 = arith.constant 1 : i32
      %xor3A_1054 = vector.broadcast %xor3A_1053 : i32 to vector<16xi32>
      %xor3A_1055 = arith.xori %add3A_1052, %xor3A_1054 : vector<16xi32>
      %get3A_1056 = arith.constant 32 : index
      %get3A_1057 = tpu.vector_load %arg44[%get3A_1056] {strides = array<i32>} : memref<96xf32, #tpu.memory_space<vmem>>, vector<16xf32>,
      %get3A_1058 = arith.constant 32 : index
      %get3A_1059 = tpu.vector_load %arg45[%get3A_1058] {strides = array<i32>} : memref<96xi32, #tpu.memory_space<vmem>>, vector<16xi32>,
      %add3A_1060 = arith.constant 16 : i32
      %add3A_1061 = vector.broadcast %add3A_1060 : i32 to vector<16xi32>
      %add3A_1062 = arith.addi %xor3A_1055, %add3A_1061 : vector<16xi32>
      %gather3A_1063 = tpu.vector_load_idx %arg44[%add3A_1062] : memref<96xf32, #tpu.memory_space<vmem>>[vector<16xi32>], vector<16xf32>,
      %add3A_1064 = arith.constant 16 : i32
      %add3A_1065 = vector.broadcast %add3A_1064 : i32 to vector<16xi32>
      %add3A_1066 = arith.addi %xor3A_1055, %add3A_1065 : vector<16xi32>
      %gather3A_1067 = tpu.vector_load_idx %arg45[%add3A_1066] : memref<96xi32, #tpu.memory_space<vmem>>[vector<16xi32>], vector<16xi32>,
      %eq3A_1068 = arith.cmpf oeq, %get3A_1057, %gather3A_1063 : vector<16xf32>
      %ne3A_1069 = arith.cmpi ne, %xor3A_1055, %add3A_1052 : vector<16xi32>
      %and3A_1070 = arith.andi %eq3A_1068, %ne3A_1069 : vector<16xi1>
      %lt3A_1071 = arith.cmpi slt, %add3A_1052, %xor3A_1055 : vector<16xi32>
      %min3A_1072 = arith.minsi %get3A_1059, %gather3A_1067 : vector<16xi32>
      %max3A_1073 = arith.maxsi %get3A_1059, %gather3A_1067 : vector<16xi32>
      %select_n3A_1074 = arith.select %lt3A_1071, %min3A_1072, %max3A_1073 : vector<16xi1>, vector<16xi32>
      %select_n3A_1075 = arith.select %and3A_1070, %select_n3A_1074, %get3A_1059 : vector<16xi1>, vector<16xi32>
      %swap3A_1076 = arith.constant 32 : index
      %swap3A_1077 = tpu.vector_load %arg46[%swap3A_1076] {strides = array<i32>} : memref<96xi32, #tpu.memory_space<vmem>>, vector<16xi32>,
      tpu.vector_store %arg46[%swap3A_1076], %select_n3A_1075 {strides = array<i32>} : memref<96xi32, #tpu.memory_space<vmem>>, vector<16xi32>,
      %add3A_1078 = arith.constant 32 : i32
      %add3A_1079 = vector.broadcast %add3A_1078 : i32 to vector<16xi32>
      %add3A_1080 = arith.addi %iota3A, %add3A_1079 : vector<16xi32>
      %xor3A_1081 = arith.constant 1 : i32
      %xor3A_1082 = vector.broadcast %xor3A_1081 : i32 to vector<16xi32>
      %xor3A_1083 = arith.xori %add3A_1080, %xor3A_1082 : vector<16xi32>
      %get3A_1084 = arith.constant 48 : index
      %get3A_1085 = tpu.vector_load %arg44[%get3A_1084] {strides = array<i32>} : memref<96xf32, #tpu.memory_space<vmem>>, vector<16xf32>,
      %get3A_1086 = arith.constant 48 : index
      %get3A_1087 = tpu.vector_load %arg45[%get3A_1086] {strides = array<i32>} : memref<96xi32, #tpu.memory_space<vmem>>, vector<16xi32>,
      %add3A_1088 = arith.constant 16 : i32
      %add3A_1089 = vector.broadcast %add3A_1088 : i32 to vector<16xi32>
      %add3A_1090 = arith.addi %xor3A_1083, %add3A_1089 : vector<16xi32>
      %gather3A_1091 = tpu.vector_load_idx %arg44[%add3A_1090] : memref<96xf32, #tpu.memory_space<vmem>>[vector<16xi32>], vector<16xf32>,
      %add3A_1092 = arith.constant 16 : i32
      %add3A_1093 = vector.broadcast %add3A_1092 : i32 to vector<16xi32>
      %add3A_1094 = arith.addi %xor3A_1083, %add3A_1093 : vector<16xi32>
      %gather3A_1095 = tpu.vector_load_idx %arg45[%add3A_1094] : memref<96xi32, #tpu.memory_space<vmem>>[vector<16xi32>], vector<16xi32>,
      %eq3A_1096 = arith.cmpf oeq, %get3A_1085, %gather3A_1091 : vector<16xf32>
      %ne3A_1097 = arith.cmpi ne, %xor3A_1083, %add3A_1080 : vector<16xi32>
      %and3A_1098 = arith.andi %eq3A_1096, %ne3A_1097 : vector<16xi1>
      %lt3A_1099 = arith.cmpi slt, %add3A_1080, %xor3A_1083 : vector<16xi32>
      %min3A_1100 = arith.minsi %get3A_1087, %gather3A_1095 : vector<16xi32>
      %max3A_1101 = arith.maxsi %get3A_1087, %gather3A_1095 : vector<16xi32>
      %select_n3A_1102 = arith.select %lt3A_1099, %min3A_1100, %max3A_1101 : vector<16xi1>, vector<16xi32>
      %select_n3A_1103 = arith.select %and3A_1098, %select_n3A_1102, %get3A_1087 : vector<16xi1>, vector<16xi32>
      %swap3A_1104 = arith.constant 48 : index
      %swap3A_1105 = tpu.vector_load %arg46[%swap3A_1104] {strides = array<i32>} : memref<96xi32, #tpu.memory_space<vmem>>, vector<16xi32>,
      tpu.vector_store %arg46[%swap3A_1104], %select_n3A_1103 {strides = array<i32>} : memref<96xi32, #tpu.memory_space<vmem>>, vector<16xi32>,
      %add3A_1106 = arith.constant 48 : i32
      %add3A_1107 = vector.broadcast %add3A_1106 : i32 to vector<16xi32>
      %add3A_1108 = arith.addi %iota3A, %add3A_1107 : vector<16xi32>
      %xor3A_1109 = arith.constant 1 : i32
      %xor3A_1110 = vector.broadcast %xor3A_1109 : i32 to vector<16xi32>
      %xor3A_1111 = arith.xori %add3A_1108, %xor3A_1110 : vector<16xi32>
      %get3A_1112 = arith.constant 64 : index
      %get3A_1113 = tpu.vector_load %arg44[%get3A_1112] {strides = array<i32>} : memref<96xf32, #tpu.memory_space<vmem>>, vector<16xf32>,
      %get3A_1114 = arith.constant 64 : index
      %get3A_1115 = tpu.vector_load %arg45[%get3A_1114] {strides = array<i32>} : memref<96xi32, #tpu.memory_space<vmem>>, vector<16xi32>,
      %add3A_1116 = arith.constant 16 : i32
      %add3A_1117 = vector.broadcast %add3A_1116 : i32 to vector<16xi32>
      %add3A_1118 = arith.addi %xor3A_1111, %add3A_1117 : vector<16xi32>
      %gather3A_1119 = tpu.vector_load_idx %arg44[%add3A_1118] : memref<96xf32, #tpu.memory_space<vmem>>[vector<16xi32>], vector<16xf32>,
      %add3A_1120 = arith.constant 16 : i32
      %add3A_1121 = vector.broadcast %add3A_1120 : i32 to vector<16xi32>
      %add3A_1122 = arith.addi %xor3A_1111, %add3A_1121 : vector<16xi32>
      %gather3A_1123 = tpu.vector_load_idx %arg45[%add3A_1122] : memref<96xi32, #tpu.memory_space<vmem>>[vector<16xi32>], vector<16xi32>,
      %eq3A_1124 = arith.cmpf oeq, %get3A_1113, %gather3A_1119 : vector<16xf32>
      %ne3A_1125 = arith.cmpi ne, %xor3A_1111, %add3A_1108 : vector<16xi32>
      %and3A_1126 = arith.andi %eq3A_1124, %ne3A_1125 : vector<16xi1>
      %lt3A_1127 = arith.cmpi slt, %add3A_1108, %xor3A_1111 : vector<16xi32>
      %min3A_1128 = arith.minsi %get3A_1115, %gather3A_1123 : vector<16xi32>
      %max3A_1129 = arith.maxsi %get3A_1115, %gather3A_1123 : vector<16xi32>
      %select_n3A_1130 = arith.select %lt3A_1127, %min3A_1128, %max3A_1129 : vector<16xi1>, vector<16xi32>
      %select_n3A_1131 = arith.select %and3A_1126, %select_n3A_1130, %get3A_1115 : vector<16xi1>, vector<16xi32>
      %swap3A_1132 = arith.constant 64 : index
      %swap3A_1133 = tpu.vector_load %arg46[%swap3A_1132] {strides = array<i32>} : memref<96xi32, #tpu.memory_space<vmem>>, vector<16xi32>,
      tpu.vector_store %arg46[%swap3A_1132], %select_n3A_1131 {strides = array<i32>} : memref<96xi32, #tpu.memory_space<vmem>>, vector<16xi32>,
      %get3A_1134 = arith.constant 16 : index
      %get3A_1135 = tpu.vector_load %arg46[%get3A_1134] {strides = array<i32>} : memref<96xi32, #tpu.memory_space<vmem>>, vector<16xi32>,
      %add3A_1136 = arith.constant 0 : i32
      %add3A_1137 = arith.addi %mul3A_641, %add3A_1136 : i32
      %swap3A_1138 = arith.index_cast %add3A_1137 : i32 to index
      %swap3A_1139 = tpu.vector_load %arg39[%swap3A_1138] {strides = array<i32>} : memref<2048xi32, #tpu.memory_space<vmem>>, vector<16xi32>,
      tpu.vector_store %arg39[%swap3A_1138], %get3A_1135 {strides = array<i32>} : memref<2048xi32, #tpu.memory_space<vmem>>, vector<16xi32>,
      %get3A_1140 = arith.constant 32 : index
      %get3A_1141 = tpu.vector_load %arg46[%get3A_1140] {strides = array<i32>} : memref<96xi32, #tpu.memory_space<vmem>>, vector<16xi32>,
      %add3A_1142 = arith.constant 16 : i32
      %add3A_1143 = arith.addi %mul3A_641, %add3A_1142 : i32
      %swap3A_1144 = arith.index_cast %add3A_1143 : i32 to index
      %swap3A_1145 = tpu.vector_load %arg39[%swap3A_1144] {strides = array<i32>} : memref<2048xi32, #tpu.memory_space<vmem>>, vector<16xi32>,
      tpu.vector_store %arg39[%swap3A_1144], %get3A_1141 {strides = array<i32>} : memref<2048xi32, #tpu.memory_space<vmem>>, vector<16xi32>,
      %get3A_1146 = arith.constant 48 : index
      %get3A_1147 = tpu.vector_load %arg46[%get3A_1146] {strides = array<i32>} : memref<96xi32, #tpu.memory_space<vmem>>, vector<16xi32>,
      %add3A_1148 = arith.constant 32 : i32
      %add3A_1149 = arith.addi %mul3A_641, %add3A_1148 : i32
      %swap3A_1150 = arith.index_cast %add3A_1149 : i32 to index
      %swap3A_1151 = tpu.vector_load %arg39[%swap3A_1150] {strides = array<i32>} : memref<2048xi32, #tpu.memory_space<vmem>>, vector<16xi32>,
      tpu.vector_store %arg39[%swap3A_1150], %get3A_1147 {strides = array<i32>} : memref<2048xi32, #tpu.memory_space<vmem>>, vector<16xi32>,
      %get3A_1152 = arith.constant 64 : index
      %get3A_1153 = tpu.vector_load %arg46[%get3A_1152] {strides = array<i32>} : memref<96xi32, #tpu.memory_space<vmem>>, vector<16xi32>,
      %add3A_1154 = arith.constant 48 : i32
      %add3A_1155 = arith.addi %mul3A_641, %add3A_1154 : i32
      %swap3A_1156 = arith.index_cast %add3A_1155 : i32 to index
      %swap3A_1157 = tpu.vector_load %arg39[%swap3A_1156] {strides = array<i32>} : memref<2048xi32, #tpu.memory_space<vmem>>, vector<16xi32>,
      tpu.vector_store %arg39[%swap3A_1156], %get3A_1153 {strides = array<i32>} : memref<2048xi32, #tpu.memory_space<vmem>>, vector<16xi32>,
      %min3A_1158 = arith.constant 64 : i32
      %min3A_1159 = arith.minsi %while3A_695#2, %min3A_1158 : i32
      %eq3A_1160 = vector.broadcast %scan3A_608 : i32 to vector<16xi32>
      %eq3A_1161 = arith.cmpi eq, %iota3A, %eq3A_1160 : vector<16xi32>
      %broadcast_in_dim3A_1162 = vector.broadcast %min3A_1159 : i32 to vector<16xi32>
      %select_n3A_1163 = arith.select %eq3A_1161, %broadcast_in_dim3A_1162, %scan3A_611 : vector<16xi1>, vector<16xi32>
      %add3A_1164 = arith.constant 16 : i32
      %add3A_1165 = vector.broadcast %add3A_1164 : i32 to vector<16xi32>
      %add3A_1166 = arith.addi %iota3A, %add3A_1165 : vector<16xi32>
      %eq3A_1167 = vector.broadcast %scan3A_608 : i32 to vector<16xi32>
      %eq3A_1168 = arith.cmpi eq, %add3A_1166, %eq3A_1167 : vector<16xi32>
      %broadcast_in_dim3A_1169 = vector.broadcast %min3A_1159 : i32 to vector<16xi32>
      %select_n3A_1170 = arith.select %eq3A_1168, %broadcast_in_dim3A_1169, %scan3A_612 : vector<16xi1>, vector<16xi32>
      %lt3A_1171 = arith.constant 64 : i32
      %lt3A_1172 = arith.cmpi slt, %while3A_695#2, %lt3A_1171 : i32
      %convert_element_type3A = arith.extui %lt3A_1172 : i1 to i32
      %cond3A = arith.constant 0 : i32
      %cond3A_1173 = arith.cmpi ne, %convert_element_type3A, %cond3A : i32
      scf.if %cond3A_1173 {
        %add3A_1174 = arith.constant 0 : i32
        %add3A_1175 = vector.broadcast %add3A_1174 : i32 to vector<16xi32>
        %add3A_1176 = arith.addi %iota3A, %add3A_1175 : vector<16xi32>
        %get3A_1177 = arith.constant 0 : index
        %get3A_1178 = tpu.vector_load %arg27[%get3A_1177] {strides = array<i32>} : memref<128xf32, #tpu.memory_space<vmem>>, vector<16xf32>,
        %get3A_1179 = arith.constant 0 : index
        %get3A_1180 = tpu.vector_load %arg28[%get3A_1179] {strides = array<i32>} : memref<128xf32, #tpu.memory_space<vmem>>, vector<16xf32>,
        %get3A_1181 = arith.constant 0 : index
        %get3A_1182 = tpu.vector_load %arg29[%get3A_1181] {strides = array<i32>} : memref<128xf32, #tpu.memory_space<vmem>>, vector<16xf32>,
        %get3A_1183 = arith.constant 0 : index
        %get3A_1184 = tpu.vector_load %arg30[%get3A_1183] {strides = array<i32>} : memref<128xf32, #tpu.memory_space<vmem>>, vector<16xf32>,
        %get3A_1185 = arith.constant 0 : index
        %get3A_1186 = tpu.vector_load %arg31[%get3A_1185] {strides = array<i32>} : memref<128xi32, #tpu.memory_space<vmem>>, vector<16xi32>,
        %mul3A_1187 = vector.broadcast %squeeze3A_627 : f32 to vector<16xf32>
        %mul3A_1188 = arith.mulf %mul3A_1187, %get3A_1178 : vector<16xf32>
        %mul3A_1189 = vector.broadcast %squeeze3A_631 : f32 to vector<16xf32>
        %mul3A_1190 = arith.mulf %mul3A_1189, %get3A_1180 : vector<16xf32>
        %add3A_1191 = arith.addf %mul3A_1188, %mul3A_1190 : vector<16xf32>
        %mul3A_1192 = vector.broadcast %squeeze3A_635 : f32 to vector<16xf32>
        %mul3A_1193 = arith.mulf %mul3A_1192, %get3A_1182 : vector<16xf32>
        %add3A_1194 = arith.addf %add3A_1191, %mul3A_1193 : vector<16xf32>
        %add3A_1195 = vector.broadcast %squeeze3A_639 : f32 to vector<16xf32>
        %add3A_1196 = arith.addf %add3A_1195, %get3A_1184 : vector<16xf32>
        %mul3A_1197 = arith.constant 2.000000e+00 : f32
        %mul3A_1198 = vector.broadcast %mul3A_1197 : f32 to vector<16xf32>
        %mul3A_1199 = arith.mulf %mul3A_1198, %add3A_1194 : vector<16xf32>
        %sub3A_1200 = arith.subf %add3A_1196, %mul3A_1199 : vector<16xf32>
        %max3A_1201 = arith.constant 0.000000e+00 : f32
        %max3A_1202 = vector.broadcast %max3A_1201 : f32 to vector<16xf32>
        %max3A_1203 = arith.maximumf %sub3A_1200, %max3A_1202 : vector<16xf32>
        %eq3A_1204 = vector.broadcast %squeeze3A : i32 to vector<16xi32>
        %eq3A_1205 = arith.cmpi eq, %get3A_1186, %eq3A_1204 : vector<16xi32>
        %le3A = arith.constant 4.840000e-02 : f32
        %le3A_1206 = vector.broadcast %le3A : f32 to vector<16xf32>
        %le3A_1207 = arith.cmpf ole, %max3A_1203, %le3A_1206 : vector<16xf32>
        %and3A_1208 = arith.andi %eq3A_1205, %le3A_1207 : vector<16xi1>
        %not3A = arith.constant dense<true> : vector<16xi1>
        %not3A_1209 = arith.xori %and3A_1208, %not3A : vector<16xi1>
        %convert_element_type3A_1210 = arith.extui %not3A_1209 : vector<16xi1> to vector<16xi32>
        %broadcast_in_dim3A_1211 = arith.constant true
        %broadcast_in_dim3A_1212 = vector.broadcast %broadcast_in_dim3A_1211 : i1 to vector<16xi1>
        %masked_cumsum3A = tpu.scan <sum>, %convert_element_type3A_1210 masked %broadcast_in_dim3A_1212 : vector<16xi32>, vector<16xi1> -> vector<16xi32>
        %min3A_1213 = arith.constant 0 : i32
        %min3A_1214 = arith.constant 128 : i32
        %min3A_1215 = arith.minsi %min3A_1213, %min3A_1214 : i32
        %add3A_1216 = vector.broadcast %min3A_1215 : i32 to vector<16xi32>
        %add3A_1217 = arith.addi %add3A_1216, %masked_cumsum3A : vector<16xi32>
        %sub3A_1218 = arith.constant 1 : i32
        %sub3A_1219 = vector.broadcast %sub3A_1218 : i32 to vector<16xi32>
        %sub3A_1220 = arith.subi %add3A_1217, %sub3A_1219 : vector<16xi32>
        %max3A_1221 = arith.constant 0 : i32
        %max3A_1222 = vector.broadcast %max3A_1221 : i32 to vector<16xi32>
        %max3A_1223 = arith.maxsi %sub3A_1220, %max3A_1222 : vector<16xi32>
        tpu.vector_store_idx %arg32[%max3A_1223], %add3A_1176 masked %not3A_1209 : memref<144xi32, #tpu.memory_space<vmem>>[vector<16xi32>], vector<16xi32>, vector<16xi1>
        %convert_element_type3A_1224 = arith.extui %not3A_1209 : vector<16xi1> to vector<16xi32>
        %reduce_sum3A = arith.constant true
        %reduce_sum3A_1225 = vector.broadcast %reduce_sum3A : i1 to vector<16xi1>
        %reduce_sum3A_1226 = tpu.scan <sum>, %convert_element_type3A_1224 masked %reduce_sum3A_1225 : vector<16xi32>, vector<16xi1> -> vector<16xi32>
        %reduce_sum3A_1227 = vector.extract %reduce_sum3A_1226[15] : i32 from vector<16xi32>
        %add3A_1228 = arith.constant 0 : i32
        %add3A_1229 = arith.addi %add3A_1228, %reduce_sum3A_1227 : i32
        %add3A_1230 = arith.constant 16 : i32
        %add3A_1231 = vector.broadcast %add3A_1230 : i32 to vector<16xi32>
        %add3A_1232 = arith.addi %iota3A, %add3A_1231 : vector<16xi32>
        %get3A_1233 = arith.constant 16 : index
        %get3A_1234 = tpu.vector_load %arg27[%get3A_1233] {strides = array<i32>} : memref<128xf32, #tpu.memory_space<vmem>>, vector<16xf32>,
        %get3A_1235 = arith.constant 16 : index
        %get3A_1236 = tpu.vector_load %arg28[%get3A_1235] {strides = array<i32>} : memref<128xf32, #tpu.memory_space<vmem>>, vector<16xf32>,
        %get3A_1237 = arith.constant 16 : index
        %get3A_1238 = tpu.vector_load %arg29[%get3A_1237] {strides = array<i32>} : memref<128xf32, #tpu.memory_space<vmem>>, vector<16xf32>,
        %get3A_1239 = arith.constant 16 : index
        %get3A_1240 = tpu.vector_load %arg30[%get3A_1239] {strides = array<i32>} : memref<128xf32, #tpu.memory_space<vmem>>, vector<16xf32>,
        %get3A_1241 = arith.constant 16 : index
        %get3A_1242 = tpu.vector_load %arg31[%get3A_1241] {strides = array<i32>} : memref<128xi32, #tpu.memory_space<vmem>>, vector<16xi32>,
        %mul3A_1243 = vector.broadcast %squeeze3A_627 : f32 to vector<16xf32>
        %mul3A_1244 = arith.mulf %mul3A_1243, %get3A_1234 : vector<16xf32>
        %mul3A_1245 = vector.broadcast %squeeze3A_631 : f32 to vector<16xf32>
        %mul3A_1246 = arith.mulf %mul3A_1245, %get3A_1236 : vector<16xf32>
        %add3A_1247 = arith.addf %mul3A_1244, %mul3A_1246 : vector<16xf32>
        %mul3A_1248 = vector.broadcast %squeeze3A_635 : f32 to vector<16xf32>
        %mul3A_1249 = arith.mulf %mul3A_1248, %get3A_1238 : vector<16xf32>
        %add3A_1250 = arith.addf %add3A_1247, %mul3A_1249 : vector<16xf32>
        %add3A_1251 = vector.broadcast %squeeze3A_639 : f32 to vector<16xf32>
        %add3A_1252 = arith.addf %add3A_1251, %get3A_1240 : vector<16xf32>
        %mul3A_1253 = arith.constant 2.000000e+00 : f32
        %mul3A_1254 = vector.broadcast %mul3A_1253 : f32 to vector<16xf32>
        %mul3A_1255 = arith.mulf %mul3A_1254, %add3A_1250 : vector<16xf32>
        %sub3A_1256 = arith.subf %add3A_1252, %mul3A_1255 : vector<16xf32>
        %max3A_1257 = arith.constant 0.000000e+00 : f32
        %max3A_1258 = vector.broadcast %max3A_1257 : f32 to vector<16xf32>
        %max3A_1259 = arith.maximumf %sub3A_1256, %max3A_1258 : vector<16xf32>
        %eq3A_1260 = vector.broadcast %squeeze3A : i32 to vector<16xi32>
        %eq3A_1261 = arith.cmpi eq, %get3A_1242, %eq3A_1260 : vector<16xi32>
        %le3A_1262 = arith.constant 4.840000e-02 : f32
        %le3A_1263 = vector.broadcast %le3A_1262 : f32 to vector<16xf32>
        %le3A_1264 = arith.cmpf ole, %max3A_1259, %le3A_1263 : vector<16xf32>
        %and3A_1265 = arith.andi %eq3A_1261, %le3A_1264 : vector<16xi1>
        %not3A_1266 = arith.constant dense<true> : vector<16xi1>
        %not3A_1267 = arith.xori %and3A_1265, %not3A_1266 : vector<16xi1>
        %convert_element_type3A_1268 = arith.extui %not3A_1267 : vector<16xi1> to vector<16xi32>
        %broadcast_in_dim3A_1269 = arith.constant true
        %broadcast_in_dim3A_1270 = vector.broadcast %broadcast_in_dim3A_1269 : i1 to vector<16xi1>
        %masked_cumsum3A_1271 = tpu.scan <sum>, %convert_element_type3A_1268 masked %broadcast_in_dim3A_1270 : vector<16xi32>, vector<16xi1> -> vector<16xi32>
        %min3A_1272 = arith.constant 128 : i32
        %min3A_1273 = arith.minsi %add3A_1229, %min3A_1272 : i32
        %add3A_1274 = vector.broadcast %min3A_1273 : i32 to vector<16xi32>
        %add3A_1275 = arith.addi %add3A_1274, %masked_cumsum3A_1271 : vector<16xi32>
        %sub3A_1276 = arith.constant 1 : i32
        %sub3A_1277 = vector.broadcast %sub3A_1276 : i32 to vector<16xi32>
        %sub3A_1278 = arith.subi %add3A_1275, %sub3A_1277 : vector<16xi32>
        %max3A_1279 = arith.constant 0 : i32
        %max3A_1280 = vector.broadcast %max3A_1279 : i32 to vector<16xi32>
        %max3A_1281 = arith.maxsi %sub3A_1278, %max3A_1280 : vector<16xi32>
        tpu.vector_store_idx %arg32[%max3A_1281], %add3A_1232 masked %not3A_1267 : memref<144xi32, #tpu.memory_space<vmem>>[vector<16xi32>], vector<16xi32>, vector<16xi1>
        %convert_element_type3A_1282 = arith.extui %not3A_1267 : vector<16xi1> to vector<16xi32>
        %reduce_sum3A_1283 = arith.constant true
        %reduce_sum3A_1284 = vector.broadcast %reduce_sum3A_1283 : i1 to vector<16xi1>
        %reduce_sum3A_1285 = tpu.scan <sum>, %convert_element_type3A_1282 masked %reduce_sum3A_1284 : vector<16xi32>, vector<16xi1> -> vector<16xi32>
        %reduce_sum3A_1286 = vector.extract %reduce_sum3A_1285[15] : i32 from vector<16xi32>
        %add3A_1287 = arith.addi %add3A_1229, %reduce_sum3A_1286 : i32
        %add3A_1288 = arith.constant 32 : i32
        %add3A_1289 = vector.broadcast %add3A_1288 : i32 to vector<16xi32>
        %add3A_1290 = arith.addi %iota3A, %add3A_1289 : vector<16xi32>
        %get3A_1291 = arith.constant 32 : index
        %get3A_1292 = tpu.vector_load %arg27[%get3A_1291] {strides = array<i32>} : memref<128xf32, #tpu.memory_space<vmem>>, vector<16xf32>,
        %get3A_1293 = arith.constant 32 : index
        %get3A_1294 = tpu.vector_load %arg28[%get3A_1293] {strides = array<i32>} : memref<128xf32, #tpu.memory_space<vmem>>, vector<16xf32>,
        %get3A_1295 = arith.constant 32 : index
        %get3A_1296 = tpu.vector_load %arg29[%get3A_1295] {strides = array<i32>} : memref<128xf32, #tpu.memory_space<vmem>>, vector<16xf32>,
        %get3A_1297 = arith.constant 32 : index
        %get3A_1298 = tpu.vector_load %arg30[%get3A_1297] {strides = array<i32>} : memref<128xf32, #tpu.memory_space<vmem>>, vector<16xf32>,
        %get3A_1299 = arith.constant 32 : index
        %get3A_1300 = tpu.vector_load %arg31[%get3A_1299] {strides = array<i32>} : memref<128xi32, #tpu.memory_space<vmem>>, vector<16xi32>,
        %mul3A_1301 = vector.broadcast %squeeze3A_627 : f32 to vector<16xf32>
        %mul3A_1302 = arith.mulf %mul3A_1301, %get3A_1292 : vector<16xf32>
        %mul3A_1303 = vector.broadcast %squeeze3A_631 : f32 to vector<16xf32>
        %mul3A_1304 = arith.mulf %mul3A_1303, %get3A_1294 : vector<16xf32>
        %add3A_1305 = arith.addf %mul3A_1302, %mul3A_1304 : vector<16xf32>
        %mul3A_1306 = vector.broadcast %squeeze3A_635 : f32 to vector<16xf32>
        %mul3A_1307 = arith.mulf %mul3A_1306, %get3A_1296 : vector<16xf32>
        %add3A_1308 = arith.addf %add3A_1305, %mul3A_1307 : vector<16xf32>
        %add3A_1309 = vector.broadcast %squeeze3A_639 : f32 to vector<16xf32>
        %add3A_1310 = arith.addf %add3A_1309, %get3A_1298 : vector<16xf32>
        %mul3A_1311 = arith.constant 2.000000e+00 : f32
        %mul3A_1312 = vector.broadcast %mul3A_1311 : f32 to vector<16xf32>
        %mul3A_1313 = arith.mulf %mul3A_1312, %add3A_1308 : vector<16xf32>
        %sub3A_1314 = arith.subf %add3A_1310, %mul3A_1313 : vector<16xf32>
        %max3A_1315 = arith.constant 0.000000e+00 : f32
        %max3A_1316 = vector.broadcast %max3A_1315 : f32 to vector<16xf32>
        %max3A_1317 = arith.maximumf %sub3A_1314, %max3A_1316 : vector<16xf32>
        %eq3A_1318 = vector.broadcast %squeeze3A : i32 to vector<16xi32>
        %eq3A_1319 = arith.cmpi eq, %get3A_1300, %eq3A_1318 : vector<16xi32>
        %le3A_1320 = arith.constant 4.840000e-02 : f32
        %le3A_1321 = vector.broadcast %le3A_1320 : f32 to vector<16xf32>
        %le3A_1322 = arith.cmpf ole, %max3A_1317, %le3A_1321 : vector<16xf32>
        %and3A_1323 = arith.andi %eq3A_1319, %le3A_1322 : vector<16xi1>
        %not3A_1324 = arith.constant dense<true> : vector<16xi1>
        %not3A_1325 = arith.xori %and3A_1323, %not3A_1324 : vector<16xi1>
        %convert_element_type3A_1326 = arith.extui %not3A_1325 : vector<16xi1> to vector<16xi32>
        %broadcast_in_dim3A_1327 = arith.constant true
        %broadcast_in_dim3A_1328 = vector.broadcast %broadcast_in_dim3A_1327 : i1 to vector<16xi1>
        %masked_cumsum3A_1329 = tpu.scan <sum>, %convert_element_type3A_1326 masked %broadcast_in_dim3A_1328 : vector<16xi32>, vector<16xi1> -> vector<16xi32>
        %min3A_1330 = arith.constant 128 : i32
        %min3A_1331 = arith.minsi %add3A_1287, %min3A_1330 : i32
        %add3A_1332 = vector.broadcast %min3A_1331 : i32 to vector<16xi32>
        %add3A_1333 = arith.addi %add3A_1332, %masked_cumsum3A_1329 : vector<16xi32>
        %sub3A_1334 = arith.constant 1 : i32
        %sub3A_1335 = vector.broadcast %sub3A_1334 : i32 to vector<16xi32>
        %sub3A_1336 = arith.subi %add3A_1333, %sub3A_1335 : vector<16xi32>
        %max3A_1337 = arith.constant 0 : i32
        %max3A_1338 = vector.broadcast %max3A_1337 : i32 to vector<16xi32>
        %max3A_1339 = arith.maxsi %sub3A_1336, %max3A_1338 : vector<16xi32>
        tpu.vector_store_idx %arg32[%max3A_1339], %add3A_1290 masked %not3A_1325 : memref<144xi32, #tpu.memory_space<vmem>>[vector<16xi32>], vector<16xi32>, vector<16xi1>
        %convert_element_type3A_1340 = arith.extui %not3A_1325 : vector<16xi1> to vector<16xi32>
        %reduce_sum3A_1341 = arith.constant true
        %reduce_sum3A_1342 = vector.broadcast %reduce_sum3A_1341 : i1 to vector<16xi1>
        %reduce_sum3A_1343 = tpu.scan <sum>, %convert_element_type3A_1340 masked %reduce_sum3A_1342 : vector<16xi32>, vector<16xi1> -> vector<16xi32>
        %reduce_sum3A_1344 = vector.extract %reduce_sum3A_1343[15] : i32 from vector<16xi32>
        %add3A_1345 = arith.addi %add3A_1287, %reduce_sum3A_1344 : i32
        %add3A_1346 = arith.constant 48 : i32
        %add3A_1347 = vector.broadcast %add3A_1346 : i32 to vector<16xi32>
        %add3A_1348 = arith.addi %iota3A, %add3A_1347 : vector<16xi32>
        %get3A_1349 = arith.constant 48 : index
        %get3A_1350 = tpu.vector_load %arg27[%get3A_1349] {strides = array<i32>} : memref<128xf32, #tpu.memory_space<vmem>>, vector<16xf32>,
        %get3A_1351 = arith.constant 48 : index
        %get3A_1352 = tpu.vector_load %arg28[%get3A_1351] {strides = array<i32>} : memref<128xf32, #tpu.memory_space<vmem>>, vector<16xf32>,
        %get3A_1353 = arith.constant 48 : index
        %get3A_1354 = tpu.vector_load %arg29[%get3A_1353] {strides = array<i32>} : memref<128xf32, #tpu.memory_space<vmem>>, vector<16xf32>,
        %get3A_1355 = arith.constant 48 : index
        %get3A_1356 = tpu.vector_load %arg30[%get3A_1355] {strides = array<i32>} : memref<128xf32, #tpu.memory_space<vmem>>, vector<16xf32>,
        %get3A_1357 = arith.constant 48 : index
        %get3A_1358 = tpu.vector_load %arg31[%get3A_1357] {strides = array<i32>} : memref<128xi32, #tpu.memory_space<vmem>>, vector<16xi32>,
        %mul3A_1359 = vector.broadcast %squeeze3A_627 : f32 to vector<16xf32>
        %mul3A_1360 = arith.mulf %mul3A_1359, %get3A_1350 : vector<16xf32>
        %mul3A_1361 = vector.broadcast %squeeze3A_631 : f32 to vector<16xf32>
        %mul3A_1362 = arith.mulf %mul3A_1361, %get3A_1352 : vector<16xf32>
        %add3A_1363 = arith.addf %mul3A_1360, %mul3A_1362 : vector<16xf32>
        %mul3A_1364 = vector.broadcast %squeeze3A_635 : f32 to vector<16xf32>
        %mul3A_1365 = arith.mulf %mul3A_1364, %get3A_1354 : vector<16xf32>
        %add3A_1366 = arith.addf %add3A_1363, %mul3A_1365 : vector<16xf32>
        %add3A_1367 = vector.broadcast %squeeze3A_639 : f32 to vector<16xf32>
        %add3A_1368 = arith.addf %add3A_1367, %get3A_1356 : vector<16xf32>
        %mul3A_1369 = arith.constant 2.000000e+00 : f32
        %mul3A_1370 = vector.broadcast %mul3A_1369 : f32 to vector<16xf32>
        %mul3A_1371 = arith.mulf %mul3A_1370, %add3A_1366 : vector<16xf32>
        %sub3A_1372 = arith.subf %add3A_1368, %mul3A_1371 : vector<16xf32>
        %max3A_1373 = arith.constant 0.000000e+00 : f32
        %max3A_1374 = vector.broadcast %max3A_1373 : f32 to vector<16xf32>
        %max3A_1375 = arith.maximumf %sub3A_1372, %max3A_1374 : vector<16xf32>
        %eq3A_1376 = vector.broadcast %squeeze3A : i32 to vector<16xi32>
        %eq3A_1377 = arith.cmpi eq, %get3A_1358, %eq3A_1376 : vector<16xi32>
        %le3A_1378 = arith.constant 4.840000e-02 : f32
        %le3A_1379 = vector.broadcast %le3A_1378 : f32 to vector<16xf32>
        %le3A_1380 = arith.cmpf ole, %max3A_1375, %le3A_1379 : vector<16xf32>
        %and3A_1381 = arith.andi %eq3A_1377, %le3A_1380 : vector<16xi1>
        %not3A_1382 = arith.constant dense<true> : vector<16xi1>
        %not3A_1383 = arith.xori %and3A_1381, %not3A_1382 : vector<16xi1>
        %convert_element_type3A_1384 = arith.extui %not3A_1383 : vector<16xi1> to vector<16xi32>
        %broadcast_in_dim3A_1385 = arith.constant true
        %broadcast_in_dim3A_1386 = vector.broadcast %broadcast_in_dim3A_1385 : i1 to vector<16xi1>
        %masked_cumsum3A_1387 = tpu.scan <sum>, %convert_element_type3A_1384 masked %broadcast_in_dim3A_1386 : vector<16xi32>, vector<16xi1> -> vector<16xi32>
        %min3A_1388 = arith.constant 128 : i32
        %min3A_1389 = arith.minsi %add3A_1345, %min3A_1388 : i32
        %add3A_1390 = vector.broadcast %min3A_1389 : i32 to vector<16xi32>
        %add3A_1391 = arith.addi %add3A_1390, %masked_cumsum3A_1387 : vector<16xi32>
        %sub3A_1392 = arith.constant 1 : i32
        %sub3A_1393 = vector.broadcast %sub3A_1392 : i32 to vector<16xi32>
        %sub3A_1394 = arith.subi %add3A_1391, %sub3A_1393 : vector<16xi32>
        %max3A_1395 = arith.constant 0 : i32
        %max3A_1396 = vector.broadcast %max3A_1395 : i32 to vector<16xi32>
        %max3A_1397 = arith.maxsi %sub3A_1394, %max3A_1396 : vector<16xi32>
        tpu.vector_store_idx %arg32[%max3A_1397], %add3A_1348 masked %not3A_1383 : memref<144xi32, #tpu.memory_space<vmem>>[vector<16xi32>], vector<16xi32>, vector<16xi1>
        %convert_element_type3A_1398 = arith.extui %not3A_1383 : vector<16xi1> to vector<16xi32>
        %reduce_sum3A_1399 = arith.constant true
        %reduce_sum3A_1400 = vector.broadcast %reduce_sum3A_1399 : i1 to vector<16xi1>
        %reduce_sum3A_1401 = tpu.scan <sum>, %convert_element_type3A_1398 masked %reduce_sum3A_1400 : vector<16xi32>, vector<16xi1> -> vector<16xi32>
        %reduce_sum3A_1402 = vector.extract %reduce_sum3A_1401[15] : i32 from vector<16xi32>
        %add3A_1403 = arith.addi %add3A_1345, %reduce_sum3A_1402 : i32
        %add3A_1404 = arith.constant 64 : i32
        %add3A_1405 = vector.broadcast %add3A_1404 : i32 to vector<16xi32>
        %add3A_1406 = arith.addi %iota3A, %add3A_1405 : vector<16xi32>
        %get3A_1407 = arith.constant 64 : index
        %get3A_1408 = tpu.vector_load %arg27[%get3A_1407] {strides = array<i32>} : memref<128xf32, #tpu.memory_space<vmem>>, vector<16xf32>,
        %get3A_1409 = arith.constant 64 : index
        %get3A_1410 = tpu.vector_load %arg28[%get3A_1409] {strides = array<i32>} : memref<128xf32, #tpu.memory_space<vmem>>, vector<16xf32>,
        %get3A_1411 = arith.constant 64 : index
        %get3A_1412 = tpu.vector_load %arg29[%get3A_1411] {strides = array<i32>} : memref<128xf32, #tpu.memory_space<vmem>>, vector<16xf32>,
        %get3A_1413 = arith.constant 64 : index
        %get3A_1414 = tpu.vector_load %arg30[%get3A_1413] {strides = array<i32>} : memref<128xf32, #tpu.memory_space<vmem>>, vector<16xf32>,
        %get3A_1415 = arith.constant 64 : index
        %get3A_1416 = tpu.vector_load %arg31[%get3A_1415] {strides = array<i32>} : memref<128xi32, #tpu.memory_space<vmem>>, vector<16xi32>,
        %mul3A_1417 = vector.broadcast %squeeze3A_627 : f32 to vector<16xf32>
        %mul3A_1418 = arith.mulf %mul3A_1417, %get3A_1408 : vector<16xf32>
        %mul3A_1419 = vector.broadcast %squeeze3A_631 : f32 to vector<16xf32>
        %mul3A_1420 = arith.mulf %mul3A_1419, %get3A_1410 : vector<16xf32>
        %add3A_1421 = arith.addf %mul3A_1418, %mul3A_1420 : vector<16xf32>
        %mul3A_1422 = vector.broadcast %squeeze3A_635 : f32 to vector<16xf32>
        %mul3A_1423 = arith.mulf %mul3A_1422, %get3A_1412 : vector<16xf32>
        %add3A_1424 = arith.addf %add3A_1421, %mul3A_1423 : vector<16xf32>
        %add3A_1425 = vector.broadcast %squeeze3A_639 : f32 to vector<16xf32>
        %add3A_1426 = arith.addf %add3A_1425, %get3A_1414 : vector<16xf32>
        %mul3A_1427 = arith.constant 2.000000e+00 : f32
        %mul3A_1428 = vector.broadcast %mul3A_1427 : f32 to vector<16xf32>
        %mul3A_1429 = arith.mulf %mul3A_1428, %add3A_1424 : vector<16xf32>
        %sub3A_1430 = arith.subf %add3A_1426, %mul3A_1429 : vector<16xf32>
        %max3A_1431 = arith.constant 0.000000e+00 : f32
        %max3A_1432 = vector.broadcast %max3A_1431 : f32 to vector<16xf32>
        %max3A_1433 = arith.maximumf %sub3A_1430, %max3A_1432 : vector<16xf32>
        %eq3A_1434 = vector.broadcast %squeeze3A : i32 to vector<16xi32>
        %eq3A_1435 = arith.cmpi eq, %get3A_1416, %eq3A_1434 : vector<16xi32>
        %le3A_1436 = arith.constant 4.840000e-02 : f32
        %le3A_1437 = vector.broadcast %le3A_1436 : f32 to vector<16xf32>
        %le3A_1438 = arith.cmpf ole, %max3A_1433, %le3A_1437 : vector<16xf32>
        %and3A_1439 = arith.andi %eq3A_1435, %le3A_1438 : vector<16xi1>
        %not3A_1440 = arith.constant dense<true> : vector<16xi1>
        %not3A_1441 = arith.xori %and3A_1439, %not3A_1440 : vector<16xi1>
        %convert_element_type3A_1442 = arith.extui %not3A_1441 : vector<16xi1> to vector<16xi32>
        %broadcast_in_dim3A_1443 = arith.constant true
        %broadcast_in_dim3A_1444 = vector.broadcast %broadcast_in_dim3A_1443 : i1 to vector<16xi1>
        %masked_cumsum3A_1445 = tpu.scan <sum>, %convert_element_type3A_1442 masked %broadcast_in_dim3A_1444 : vector<16xi32>, vector<16xi1> -> vector<16xi32>
        %min3A_1446 = arith.constant 128 : i32
        %min3A_1447 = arith.minsi %add3A_1403, %min3A_1446 : i32
        %add3A_1448 = vector.broadcast %min3A_1447 : i32 to vector<16xi32>
        %add3A_1449 = arith.addi %add3A_1448, %masked_cumsum3A_1445 : vector<16xi32>
        %sub3A_1450 = arith.constant 1 : i32
        %sub3A_1451 = vector.broadcast %sub3A_1450 : i32 to vector<16xi32>
        %sub3A_1452 = arith.subi %add3A_1449, %sub3A_1451 : vector<16xi32>
        %max3A_1453 = arith.constant 0 : i32
        %max3A_1454 = vector.broadcast %max3A_1453 : i32 to vector<16xi32>
        %max3A_1455 = arith.maxsi %sub3A_1452, %max3A_1454 : vector<16xi32>
        tpu.vector_store_idx %arg32[%max3A_1455], %add3A_1406 masked %not3A_1441 : memref<144xi32, #tpu.memory_space<vmem>>[vector<16xi32>], vector<16xi32>, vector<16xi1>
        %convert_element_type3A_1456 = arith.extui %not3A_1441 : vector<16xi1> to vector<16xi32>
        %reduce_sum3A_1457 = arith.constant true
        %reduce_sum3A_1458 = vector.broadcast %reduce_sum3A_1457 : i1 to vector<16xi1>
        %reduce_sum3A_1459 = tpu.scan <sum>, %convert_element_type3A_1456 masked %reduce_sum3A_1458 : vector<16xi32>, vector<16xi1> -> vector<16xi32>
        %reduce_sum3A_1460 = vector.extract %reduce_sum3A_1459[15] : i32 from vector<16xi32>
        %add3A_1461 = arith.addi %add3A_1403, %reduce_sum3A_1460 : i32
        %add3A_1462 = arith.constant 80 : i32
        %add3A_1463 = vector.broadcast %add3A_1462 : i32 to vector<16xi32>
        %add3A_1464 = arith.addi %iota3A, %add3A_1463 : vector<16xi32>
        %get3A_1465 = arith.constant 80 : index
        %get3A_1466 = tpu.vector_load %arg27[%get3A_1465] {strides = array<i32>} : memref<128xf32, #tpu.memory_space<vmem>>, vector<16xf32>,
        %get3A_1467 = arith.constant 80 : index
        %get3A_1468 = tpu.vector_load %arg28[%get3A_1467] {strides = array<i32>} : memref<128xf32, #tpu.memory_space<vmem>>, vector<16xf32>,
        %get3A_1469 = arith.constant 80 : index
        %get3A_1470 = tpu.vector_load %arg29[%get3A_1469] {strides = array<i32>} : memref<128xf32, #tpu.memory_space<vmem>>, vector<16xf32>,
        %get3A_1471 = arith.constant 80 : index
        %get3A_1472 = tpu.vector_load %arg30[%get3A_1471] {strides = array<i32>} : memref<128xf32, #tpu.memory_space<vmem>>, vector<16xf32>,
        %get3A_1473 = arith.constant 80 : index
        %get3A_1474 = tpu.vector_load %arg31[%get3A_1473] {strides = array<i32>} : memref<128xi32, #tpu.memory_space<vmem>>, vector<16xi32>,
        %mul3A_1475 = vector.broadcast %squeeze3A_627 : f32 to vector<16xf32>
        %mul3A_1476 = arith.mulf %mul3A_1475, %get3A_1466 : vector<16xf32>
        %mul3A_1477 = vector.broadcast %squeeze3A_631 : f32 to vector<16xf32>
        %mul3A_1478 = arith.mulf %mul3A_1477, %get3A_1468 : vector<16xf32>
        %add3A_1479 = arith.addf %mul3A_1476, %mul3A_1478 : vector<16xf32>
        %mul3A_1480 = vector.broadcast %squeeze3A_635 : f32 to vector<16xf32>
        %mul3A_1481 = arith.mulf %mul3A_1480, %get3A_1470 : vector<16xf32>
        %add3A_1482 = arith.addf %add3A_1479, %mul3A_1481 : vector<16xf32>
        %add3A_1483 = vector.broadcast %squeeze3A_639 : f32 to vector<16xf32>
        %add3A_1484 = arith.addf %add3A_1483, %get3A_1472 : vector<16xf32>
        %mul3A_1485 = arith.constant 2.000000e+00 : f32
        %mul3A_1486 = vector.broadcast %mul3A_1485 : f32 to vector<16xf32>
        %mul3A_1487 = arith.mulf %mul3A_1486, %add3A_1482 : vector<16xf32>
        %sub3A_1488 = arith.subf %add3A_1484, %mul3A_1487 : vector<16xf32>
        %max3A_1489 = arith.constant 0.000000e+00 : f32
        %max3A_1490 = vector.broadcast %max3A_1489 : f32 to vector<16xf32>
        %max3A_1491 = arith.maximumf %sub3A_1488, %max3A_1490 : vector<16xf32>
        %eq3A_1492 = vector.broadcast %squeeze3A : i32 to vector<16xi32>
        %eq3A_1493 = arith.cmpi eq, %get3A_1474, %eq3A_1492 : vector<16xi32>
        %le3A_1494 = arith.constant 4.840000e-02 : f32
        %le3A_1495 = vector.broadcast %le3A_1494 : f32 to vector<16xf32>
        %le3A_1496 = arith.cmpf ole, %max3A_1491, %le3A_1495 : vector<16xf32>
        %and3A_1497 = arith.andi %eq3A_1493, %le3A_1496 : vector<16xi1>
        %not3A_1498 = arith.constant dense<true> : vector<16xi1>
        %not3A_1499 = arith.xori %and3A_1497, %not3A_1498 : vector<16xi1>
        %convert_element_type3A_1500 = arith.extui %not3A_1499 : vector<16xi1> to vector<16xi32>
        %broadcast_in_dim3A_1501 = arith.constant true
        %broadcast_in_dim3A_1502 = vector.broadcast %broadcast_in_dim3A_1501 : i1 to vector<16xi1>
        %masked_cumsum3A_1503 = tpu.scan <sum>, %convert_element_type3A_1500 masked %broadcast_in_dim3A_1502 : vector<16xi32>, vector<16xi1> -> vector<16xi32>
        %min3A_1504 = arith.constant 128 : i32
        %min3A_1505 = arith.minsi %add3A_1461, %min3A_1504 : i32
        %add3A_1506 = vector.broadcast %min3A_1505 : i32 to vector<16xi32>
        %add3A_1507 = arith.addi %add3A_1506, %masked_cumsum3A_1503 : vector<16xi32>
        %sub3A_1508 = arith.constant 1 : i32
        %sub3A_1509 = vector.broadcast %sub3A_1508 : i32 to vector<16xi32>
        %sub3A_1510 = arith.subi %add3A_1507, %sub3A_1509 : vector<16xi32>
        %max3A_1511 = arith.constant 0 : i32
        %max3A_1512 = vector.broadcast %max3A_1511 : i32 to vector<16xi32>
        %max3A_1513 = arith.maxsi %sub3A_1510, %max3A_1512 : vector<16xi32>
        tpu.vector_store_idx %arg32[%max3A_1513], %add3A_1464 masked %not3A_1499 : memref<144xi32, #tpu.memory_space<vmem>>[vector<16xi32>], vector<16xi32>, vector<16xi1>
        %convert_element_type3A_1514 = arith.extui %not3A_1499 : vector<16xi1> to vector<16xi32>
        %reduce_sum3A_1515 = arith.constant true
        %reduce_sum3A_1516 = vector.broadcast %reduce_sum3A_1515 : i1 to vector<16xi1>
        %reduce_sum3A_1517 = tpu.scan <sum>, %convert_element_type3A_1514 masked %reduce_sum3A_1516 : vector<16xi32>, vector<16xi1> -> vector<16xi32>
        %reduce_sum3A_1518 = vector.extract %reduce_sum3A_1517[15] : i32 from vector<16xi32>
        %add3A_1519 = arith.addi %add3A_1461, %reduce_sum3A_1518 : i32
        %add3A_1520 = arith.constant 96 : i32
        %add3A_1521 = vector.broadcast %add3A_1520 : i32 to vector<16xi32>
        %add3A_1522 = arith.addi %iota3A, %add3A_1521 : vector<16xi32>
        %get3A_1523 = arith.constant 96 : index
        %get3A_1524 = tpu.vector_load %arg27[%get3A_1523] {strides = array<i32>} : memref<128xf32, #tpu.memory_space<vmem>>, vector<16xf32>,
        %get3A_1525 = arith.constant 96 : index
        %get3A_1526 = tpu.vector_load %arg28[%get3A_1525] {strides = array<i32>} : memref<128xf32, #tpu.memory_space<vmem>>, vector<16xf32>,
        %get3A_1527 = arith.constant 96 : index
        %get3A_1528 = tpu.vector_load %arg29[%get3A_1527] {strides = array<i32>} : memref<128xf32, #tpu.memory_space<vmem>>, vector<16xf32>,
        %get3A_1529 = arith.constant 96 : index
        %get3A_1530 = tpu.vector_load %arg30[%get3A_1529] {strides = array<i32>} : memref<128xf32, #tpu.memory_space<vmem>>, vector<16xf32>,
        %get3A_1531 = arith.constant 96 : index
        %get3A_1532 = tpu.vector_load %arg31[%get3A_1531] {strides = array<i32>} : memref<128xi32, #tpu.memory_space<vmem>>, vector<16xi32>,
        %mul3A_1533 = vector.broadcast %squeeze3A_627 : f32 to vector<16xf32>
        %mul3A_1534 = arith.mulf %mul3A_1533, %get3A_1524 : vector<16xf32>
        %mul3A_1535 = vector.broadcast %squeeze3A_631 : f32 to vector<16xf32>
        %mul3A_1536 = arith.mulf %mul3A_1535, %get3A_1526 : vector<16xf32>
        %add3A_1537 = arith.addf %mul3A_1534, %mul3A_1536 : vector<16xf32>
        %mul3A_1538 = vector.broadcast %squeeze3A_635 : f32 to vector<16xf32>
        %mul3A_1539 = arith.mulf %mul3A_1538, %get3A_1528 : vector<16xf32>
        %add3A_1540 = arith.addf %add3A_1537, %mul3A_1539 : vector<16xf32>
        %add3A_1541 = vector.broadcast %squeeze3A_639 : f32 to vector<16xf32>
        %add3A_1542 = arith.addf %add3A_1541, %get3A_1530 : vector<16xf32>
        %mul3A_1543 = arith.constant 2.000000e+00 : f32
        %mul3A_1544 = vector.broadcast %mul3A_1543 : f32 to vector<16xf32>
        %mul3A_1545 = arith.mulf %mul3A_1544, %add3A_1540 : vector<16xf32>
        %sub3A_1546 = arith.subf %add3A_1542, %mul3A_1545 : vector<16xf32>
        %max3A_1547 = arith.constant 0.000000e+00 : f32
        %max3A_1548 = vector.broadcast %max3A_1547 : f32 to vector<16xf32>
        %max3A_1549 = arith.maximumf %sub3A_1546, %max3A_1548 : vector<16xf32>
        %eq3A_1550 = vector.broadcast %squeeze3A : i32 to vector<16xi32>
        %eq3A_1551 = arith.cmpi eq, %get3A_1532, %eq3A_1550 : vector<16xi32>
        %le3A_1552 = arith.constant 4.840000e-02 : f32
        %le3A_1553 = vector.broadcast %le3A_1552 : f32 to vector<16xf32>
        %le3A_1554 = arith.cmpf ole, %max3A_1549, %le3A_1553 : vector<16xf32>
        %and3A_1555 = arith.andi %eq3A_1551, %le3A_1554 : vector<16xi1>
        %not3A_1556 = arith.constant dense<true> : vector<16xi1>
        %not3A_1557 = arith.xori %and3A_1555, %not3A_1556 : vector<16xi1>
        %convert_element_type3A_1558 = arith.extui %not3A_1557 : vector<16xi1> to vector<16xi32>
        %broadcast_in_dim3A_1559 = arith.constant true
        %broadcast_in_dim3A_1560 = vector.broadcast %broadcast_in_dim3A_1559 : i1 to vector<16xi1>
        %masked_cumsum3A_1561 = tpu.scan <sum>, %convert_element_type3A_1558 masked %broadcast_in_dim3A_1560 : vector<16xi32>, vector<16xi1> -> vector<16xi32>
        %min3A_1562 = arith.constant 128 : i32
        %min3A_1563 = arith.minsi %add3A_1519, %min3A_1562 : i32
        %add3A_1564 = vector.broadcast %min3A_1563 : i32 to vector<16xi32>
        %add3A_1565 = arith.addi %add3A_1564, %masked_cumsum3A_1561 : vector<16xi32>
        %sub3A_1566 = arith.constant 1 : i32
        %sub3A_1567 = vector.broadcast %sub3A_1566 : i32 to vector<16xi32>
        %sub3A_1568 = arith.subi %add3A_1565, %sub3A_1567 : vector<16xi32>
        %max3A_1569 = arith.constant 0 : i32
        %max3A_1570 = vector.broadcast %max3A_1569 : i32 to vector<16xi32>
        %max3A_1571 = arith.maxsi %sub3A_1568, %max3A_1570 : vector<16xi32>
        tpu.vector_store_idx %arg32[%max3A_1571], %add3A_1522 masked %not3A_1557 : memref<144xi32, #tpu.memory_space<vmem>>[vector<16xi32>], vector<16xi32>, vector<16xi1>
        %convert_element_type3A_1572 = arith.extui %not3A_1557 : vector<16xi1> to vector<16xi32>
        %reduce_sum3A_1573 = arith.constant true
        %reduce_sum3A_1574 = vector.broadcast %reduce_sum3A_1573 : i1 to vector<16xi1>
        %reduce_sum3A_1575 = tpu.scan <sum>, %convert_element_type3A_1572 masked %reduce_sum3A_1574 : vector<16xi32>, vector<16xi1> -> vector<16xi32>
        %reduce_sum3A_1576 = vector.extract %reduce_sum3A_1575[15] : i32 from vector<16xi32>
        %add3A_1577 = arith.addi %add3A_1519, %reduce_sum3A_1576 : i32
        %add3A_1578 = arith.constant 112 : i32
        %add3A_1579 = vector.broadcast %add3A_1578 : i32 to vector<16xi32>
        %add3A_1580 = arith.addi %iota3A, %add3A_1579 : vector<16xi32>
        %get3A_1581 = arith.constant 112 : index
        %get3A_1582 = tpu.vector_load %arg27[%get3A_1581] {strides = array<i32>} : memref<128xf32, #tpu.memory_space<vmem>>, vector<16xf32>,
        %get3A_1583 = arith.constant 112 : index
        %get3A_1584 = tpu.vector_load %arg28[%get3A_1583] {strides = array<i32>} : memref<128xf32, #tpu.memory_space<vmem>>, vector<16xf32>,
        %get3A_1585 = arith.constant 112 : index
        %get3A_1586 = tpu.vector_load %arg29[%get3A_1585] {strides = array<i32>} : memref<128xf32, #tpu.memory_space<vmem>>, vector<16xf32>,
        %get3A_1587 = arith.constant 112 : index
        %get3A_1588 = tpu.vector_load %arg30[%get3A_1587] {strides = array<i32>} : memref<128xf32, #tpu.memory_space<vmem>>, vector<16xf32>,
        %get3A_1589 = arith.constant 112 : index
        %get3A_1590 = tpu.vector_load %arg31[%get3A_1589] {strides = array<i32>} : memref<128xi32, #tpu.memory_space<vmem>>, vector<16xi32>,
        %mul3A_1591 = vector.broadcast %squeeze3A_627 : f32 to vector<16xf32>
        %mul3A_1592 = arith.mulf %mul3A_1591, %get3A_1582 : vector<16xf32>
        %mul3A_1593 = vector.broadcast %squeeze3A_631 : f32 to vector<16xf32>
        %mul3A_1594 = arith.mulf %mul3A_1593, %get3A_1584 : vector<16xf32>
        %add3A_1595 = arith.addf %mul3A_1592, %mul3A_1594 : vector<16xf32>
        %mul3A_1596 = vector.broadcast %squeeze3A_635 : f32 to vector<16xf32>
        %mul3A_1597 = arith.mulf %mul3A_1596, %get3A_1586 : vector<16xf32>
        %add3A_1598 = arith.addf %add3A_1595, %mul3A_1597 : vector<16xf32>
        %add3A_1599 = vector.broadcast %squeeze3A_639 : f32 to vector<16xf32>
        %add3A_1600 = arith.addf %add3A_1599, %get3A_1588 : vector<16xf32>
        %mul3A_1601 = arith.constant 2.000000e+00 : f32
        %mul3A_1602 = vector.broadcast %mul3A_1601 : f32 to vector<16xf32>
        %mul3A_1603 = arith.mulf %mul3A_1602, %add3A_1598 : vector<16xf32>
        %sub3A_1604 = arith.subf %add3A_1600, %mul3A_1603 : vector<16xf32>
        %max3A_1605 = arith.constant 0.000000e+00 : f32
        %max3A_1606 = vector.broadcast %max3A_1605 : f32 to vector<16xf32>
        %max3A_1607 = arith.maximumf %sub3A_1604, %max3A_1606 : vector<16xf32>
        %eq3A_1608 = vector.broadcast %squeeze3A : i32 to vector<16xi32>
        %eq3A_1609 = arith.cmpi eq, %get3A_1590, %eq3A_1608 : vector<16xi32>
        %le3A_1610 = arith.constant 4.840000e-02 : f32
        %le3A_1611 = vector.broadcast %le3A_1610 : f32 to vector<16xf32>
        %le3A_1612 = arith.cmpf ole, %max3A_1607, %le3A_1611 : vector<16xf32>
        %and3A_1613 = arith.andi %eq3A_1609, %le3A_1612 : vector<16xi1>
        %not3A_1614 = arith.constant dense<true> : vector<16xi1>
        %not3A_1615 = arith.xori %and3A_1613, %not3A_1614 : vector<16xi1>
        %convert_element_type3A_1616 = arith.extui %not3A_1615 : vector<16xi1> to vector<16xi32>
        %broadcast_in_dim3A_1617 = arith.constant true
        %broadcast_in_dim3A_1618 = vector.broadcast %broadcast_in_dim3A_1617 : i1 to vector<16xi1>
        %masked_cumsum3A_1619 = tpu.scan <sum>, %convert_element_type3A_1616 masked %broadcast_in_dim3A_1618 : vector<16xi32>, vector<16xi1> -> vector<16xi32>
        %min3A_1620 = arith.constant 128 : i32
        %min3A_1621 = arith.minsi %add3A_1577, %min3A_1620 : i32
        %add3A_1622 = vector.broadcast %min3A_1621 : i32 to vector<16xi32>
        %add3A_1623 = arith.addi %add3A_1622, %masked_cumsum3A_1619 : vector<16xi32>
        %sub3A_1624 = arith.constant 1 : i32
        %sub3A_1625 = vector.broadcast %sub3A_1624 : i32 to vector<16xi32>
        %sub3A_1626 = arith.subi %add3A_1623, %sub3A_1625 : vector<16xi32>
        %max3A_1627 = arith.constant 0 : i32
        %max3A_1628 = vector.broadcast %max3A_1627 : i32 to vector<16xi32>
        %max3A_1629 = arith.maxsi %sub3A_1626, %max3A_1628 : vector<16xi32>
        tpu.vector_store_idx %arg32[%max3A_1629], %add3A_1580 masked %not3A_1615 : memref<144xi32, #tpu.memory_space<vmem>>[vector<16xi32>], vector<16xi32>, vector<16xi1>
        %convert_element_type3A_1630 = arith.extui %not3A_1615 : vector<16xi1> to vector<16xi32>
        %reduce_sum3A_1631 = arith.constant true
        %reduce_sum3A_1632 = vector.broadcast %reduce_sum3A_1631 : i1 to vector<16xi1>
        %reduce_sum3A_1633 = tpu.scan <sum>, %convert_element_type3A_1630 masked %reduce_sum3A_1632 : vector<16xi32>, vector<16xi1> -> vector<16xi32>
        %reduce_sum3A_1634 = vector.extract %reduce_sum3A_1633[15] : i32 from vector<16xi32>
        %add3A_1635 = arith.addi %add3A_1577, %reduce_sum3A_1634 : i32
        %add3A_1636 = arith.constant 0 : i32
        %add3A_1637 = vector.broadcast %add3A_1636 : i32 to vector<16xi32>
        %add3A_1638 = arith.addi %iota3A, %add3A_1637 : vector<16xi32>
        %add3A_1639 = arith.constant 0 : i32
        %add3A_1640 = arith.addi %mul3A_641, %add3A_1639 : i32
        %get3A_1641 = arith.index_cast %add3A_1640 : i32 to index
        %get3A_1642 = tpu.vector_load %arg39[%get3A_1641] {strides = array<i32>} : memref<2048xi32, #tpu.memory_space<vmem>>, vector<16xi32>,
        %sub3A_1643 = vector.broadcast %while3A_695#2 : i32 to vector<16xi32>
        %sub3A_1644 = arith.subi %add3A_1638, %sub3A_1643 : vector<16xi32>
        %jit3A_1645 = arith.constant 0 : i32
        %jit3A_1646 = arith.constant 127 : i32
        %max3A_1647 = vector.broadcast %jit3A_1645 : i32 to vector<16xi32>
        %max3A_1648 = arith.maxsi %max3A_1647, %sub3A_1644 : vector<16xi32>
        %min3A_1649 = vector.broadcast %jit3A_1646 : i32 to vector<16xi32>
        %min3A_1650 = arith.minsi %min3A_1649, %max3A_1648 : vector<16xi32>
        %gather3A_1651 = tpu.vector_load_idx %arg32[%min3A_1650] : memref<144xi32, #tpu.memory_space<vmem>>[vector<16xi32>], vector<16xi32>,
        %ge3A = vector.broadcast %while3A_695#2 : i32 to vector<16xi32>
        %ge3A_1652 = arith.cmpi sge, %add3A_1638, %ge3A : vector<16xi32>
        %select_n3A_1653 = arith.select %ge3A_1652, %gather3A_1651, %get3A_1642 : vector<16xi1>, vector<16xi32>
        %add3A_1654 = arith.constant 0 : i32
        %add3A_1655 = arith.addi %mul3A_641, %add3A_1654 : i32
        %swap3A_1656 = arith.index_cast %add3A_1655 : i32 to index
        %swap3A_1657 = tpu.vector_load %arg39[%swap3A_1656] {strides = array<i32>} : memref<2048xi32, #tpu.memory_space<vmem>>, vector<16xi32>,
        tpu.vector_store %arg39[%swap3A_1656], %select_n3A_1653 {strides = array<i32>} : memref<2048xi32, #tpu.memory_space<vmem>>, vector<16xi32>,
        %add3A_1658 = arith.constant 16 : i32
        %add3A_1659 = vector.broadcast %add3A_1658 : i32 to vector<16xi32>
        %add3A_1660 = arith.addi %iota3A, %add3A_1659 : vector<16xi32>
        %add3A_1661 = arith.constant 16 : i32
        %add3A_1662 = arith.addi %mul3A_641, %add3A_1661 : i32
        %get3A_1663 = arith.index_cast %add3A_1662 : i32 to index
        %get3A_1664 = tpu.vector_load %arg39[%get3A_1663] {strides = array<i32>} : memref<2048xi32, #tpu.memory_space<vmem>>, vector<16xi32>,
        %sub3A_1665 = vector.broadcast %while3A_695#2 : i32 to vector<16xi32>
        %sub3A_1666 = arith.subi %add3A_1660, %sub3A_1665 : vector<16xi32>
        %jit3A_1667 = arith.constant 0 : i32
        %jit3A_1668 = arith.constant 127 : i32
        %max3A_1669 = vector.broadcast %jit3A_1667 : i32 to vector<16xi32>
        %max3A_1670 = arith.maxsi %max3A_1669, %sub3A_1666 : vector<16xi32>
        %min3A_1671 = vector.broadcast %jit3A_1668 : i32 to vector<16xi32>
        %min3A_1672 = arith.minsi %min3A_1671, %max3A_1670 : vector<16xi32>
        %gather3A_1673 = tpu.vector_load_idx %arg32[%min3A_1672] : memref<144xi32, #tpu.memory_space<vmem>>[vector<16xi32>], vector<16xi32>,
        %ge3A_1674 = vector.broadcast %while3A_695#2 : i32 to vector<16xi32>
        %ge3A_1675 = arith.cmpi sge, %add3A_1660, %ge3A_1674 : vector<16xi32>
        %select_n3A_1676 = arith.select %ge3A_1675, %gather3A_1673, %get3A_1664 : vector<16xi1>, vector<16xi32>
        %add3A_1677 = arith.constant 16 : i32
        %add3A_1678 = arith.addi %mul3A_641, %add3A_1677 : i32
        %swap3A_1679 = arith.index_cast %add3A_1678 : i32 to index
        %swap3A_1680 = tpu.vector_load %arg39[%swap3A_1679] {strides = array<i32>} : memref<2048xi32, #tpu.memory_space<vmem>>, vector<16xi32>,
        tpu.vector_store %arg39[%swap3A_1679], %select_n3A_1676 {strides = array<i32>} : memref<2048xi32, #tpu.memory_space<vmem>>, vector<16xi32>,
        %add3A_1681 = arith.constant 32 : i32
        %add3A_1682 = vector.broadcast %add3A_1681 : i32 to vector<16xi32>
        %add3A_1683 = arith.addi %iota3A, %add3A_1682 : vector<16xi32>
        %add3A_1684 = arith.constant 32 : i32
        %add3A_1685 = arith.addi %mul3A_641, %add3A_1684 : i32
        %get3A_1686 = arith.index_cast %add3A_1685 : i32 to index
        %get3A_1687 = tpu.vector_load %arg39[%get3A_1686] {strides = array<i32>} : memref<2048xi32, #tpu.memory_space<vmem>>, vector<16xi32>,
        %sub3A_1688 = vector.broadcast %while3A_695#2 : i32 to vector<16xi32>
        %sub3A_1689 = arith.subi %add3A_1683, %sub3A_1688 : vector<16xi32>
        %jit3A_1690 = arith.constant 0 : i32
        %jit3A_1691 = arith.constant 127 : i32
        %max3A_1692 = vector.broadcast %jit3A_1690 : i32 to vector<16xi32>
        %max3A_1693 = arith.maxsi %max3A_1692, %sub3A_1689 : vector<16xi32>
        %min3A_1694 = vector.broadcast %jit3A_1691 : i32 to vector<16xi32>
        %min3A_1695 = arith.minsi %min3A_1694, %max3A_1693 : vector<16xi32>
        %gather3A_1696 = tpu.vector_load_idx %arg32[%min3A_1695] : memref<144xi32, #tpu.memory_space<vmem>>[vector<16xi32>], vector<16xi32>,
        %ge3A_1697 = vector.broadcast %while3A_695#2 : i32 to vector<16xi32>
        %ge3A_1698 = arith.cmpi sge, %add3A_1683, %ge3A_1697 : vector<16xi32>
        %select_n3A_1699 = arith.select %ge3A_1698, %gather3A_1696, %get3A_1687 : vector<16xi1>, vector<16xi32>
        %add3A_1700 = arith.constant 32 : i32
        %add3A_1701 = arith.addi %mul3A_641, %add3A_1700 : i32
        %swap3A_1702 = arith.index_cast %add3A_1701 : i32 to index
        %swap3A_1703 = tpu.vector_load %arg39[%swap3A_1702] {strides = array<i32>} : memref<2048xi32, #tpu.memory_space<vmem>>, vector<16xi32>,
        tpu.vector_store %arg39[%swap3A_1702], %select_n3A_1699 {strides = array<i32>} : memref<2048xi32, #tpu.memory_space<vmem>>, vector<16xi32>,
        %add3A_1704 = arith.constant 48 : i32
        %add3A_1705 = vector.broadcast %add3A_1704 : i32 to vector<16xi32>
        %add3A_1706 = arith.addi %iota3A, %add3A_1705 : vector<16xi32>
        %add3A_1707 = arith.constant 48 : i32
        %add3A_1708 = arith.addi %mul3A_641, %add3A_1707 : i32
        %get3A_1709 = arith.index_cast %add3A_1708 : i32 to index
        %get3A_1710 = tpu.vector_load %arg39[%get3A_1709] {strides = array<i32>} : memref<2048xi32, #tpu.memory_space<vmem>>, vector<16xi32>,
        %sub3A_1711 = vector.broadcast %while3A_695#2 : i32 to vector<16xi32>
        %sub3A_1712 = arith.subi %add3A_1706, %sub3A_1711 : vector<16xi32>
        %jit3A_1713 = arith.constant 0 : i32
        %jit3A_1714 = arith.constant 127 : i32
        %max3A_1715 = vector.broadcast %jit3A_1713 : i32 to vector<16xi32>
        %max3A_1716 = arith.maxsi %max3A_1715, %sub3A_1712 : vector<16xi32>
        %min3A_1717 = vector.broadcast %jit3A_1714 : i32 to vector<16xi32>
        %min3A_1718 = arith.minsi %min3A_1717, %max3A_1716 : vector<16xi32>
        %gather3A_1719 = tpu.vector_load_idx %arg32[%min3A_1718] : memref<144xi32, #tpu.memory_space<vmem>>[vector<16xi32>], vector<16xi32>,
        %ge3A_1720 = vector.broadcast %while3A_695#2 : i32 to vector<16xi32>
        %ge3A_1721 = arith.cmpi sge, %add3A_1706, %ge3A_1720 : vector<16xi32>
        %select_n3A_1722 = arith.select %ge3A_1721, %gather3A_1719, %get3A_1710 : vector<16xi1>, vector<16xi32>
        %add3A_1723 = arith.constant 48 : i32
        %add3A_1724 = arith.addi %mul3A_641, %add3A_1723 : i32
        %swap3A_1725 = arith.index_cast %add3A_1724 : i32 to index
        %swap3A_1726 = tpu.vector_load %arg39[%swap3A_1725] {strides = array<i32>} : memref<2048xi32, #tpu.memory_space<vmem>>, vector<16xi32>,
        tpu.vector_store %arg39[%swap3A_1725], %select_n3A_1722 {strides = array<i32>} : memref<2048xi32, #tpu.memory_space<vmem>>, vector<16xi32>,
      } else {
      }
      scf.yield %while3A_695#0, %while3A_695#1, %select_n3A_1163, %select_n3A_1170 : i32, i32, vector<16xi32>, vector<16xi32>
    }
    %scan3A_25 = arith.constant 32 : i32
    %swap3A_26 = arith.constant 0 : index
    %swap3A_27 = tpu.vector_load %arg43[%swap3A_26] {strides = array<i32>} : memref<32xi32, #tpu.memory_space<vmem>>, vector<16xi32>,
    tpu.vector_store %arg43[%swap3A_26], %scan3A_24#2 {strides = array<i32>} : memref<32xi32, #tpu.memory_space<vmem>>, vector<16xi32>,
    %swap3A_28 = arith.constant 16 : index
    %swap3A_29 = tpu.vector_load %arg43[%swap3A_28] {strides = array<i32>} : memref<32xi32, #tpu.memory_space<vmem>>, vector<16xi32>,
    tpu.vector_store %arg43[%swap3A_28], %scan3A_24#3 {strides = array<i32>} : memref<32xi32, #tpu.memory_space<vmem>>, vector<16xi32>,
    %dma_start3A = arith.constant 0 : i32
    %dma_start3A_30 = tpu.memref_slice %arg40[%dma_start3A] : memref<2048xf32, #tpu.memory_space<vmem>> -> memref<128xf32, #tpu.memory_space<vmem>>
    %dma_start3A_31 = arith.constant 0 : i32
    %dma_start3A_32 = tpu.memref_slice %arg39[%dma_start3A_31] : memref<2048xi32, #tpu.memory_space<vmem>> -> memref<128xi32, #tpu.memory_space<vmem>>
    %dma_start3A_33 = arith.constant 0 : i32
    %dma_start3A_34 = tpu.memref_slice %arg13[%dma_start3A_33] : memref<50000xf32, #tpu.memory_space<hbm>> -> memref<50000xf32, #tpu.memory_space<hbm>>
    tpu.enqueue_indirect_dma source(%dma_start3A_34 : memref<50000xf32, #tpu.memory_space<hbm>>) target(%dma_start3A_30 : memref<128xf32, #tpu.memory_space<vmem>>) offsets(%dma_start3A_32 : memref<128xi32, #tpu.memory_space<vmem>>) semaphore(%arg47 : memref<!tpu.dma_semaphore, #tpu.memory_space<semaphore_mem>>)
    %dma_start3A_35 = arith.constant 0 : i32
    %dma_start3A_36 = tpu.memref_slice %arg41[%dma_start3A_35] : memref<2048xf32, #tpu.memory_space<vmem>> -> memref<128xf32, #tpu.memory_space<vmem>>
    %dma_start3A_37 = arith.constant 0 : i32
    %dma_start3A_38 = tpu.memref_slice %arg39[%dma_start3A_37] : memref<2048xi32, #tpu.memory_space<vmem>> -> memref<128xi32, #tpu.memory_space<vmem>>
    %dma_start3A_39 = arith.constant 0 : i32
    %dma_start3A_40 = tpu.memref_slice %arg14[%dma_start3A_39] : memref<50000xf32, #tpu.memory_space<hbm>> -> memref<50000xf32, #tpu.memory_space<hbm>>
    tpu.enqueue_indirect_dma source(%dma_start3A_40 : memref<50000xf32, #tpu.memory_space<hbm>>) target(%dma_start3A_36 : memref<128xf32, #tpu.memory_space<vmem>>) offsets(%dma_start3A_38 : memref<128xi32, #tpu.memory_space<vmem>>) semaphore(%arg47 : memref<!tpu.dma_semaphore, #tpu.memory_space<semaphore_mem>>)
    %dma_start3A_41 = arith.constant 0 : i32
    %dma_start3A_42 = tpu.memref_slice %arg42[%dma_start3A_41] : memref<2048xf32, #tpu.memory_space<vmem>> -> memref<128xf32, #tpu.memory_space<vmem>>
    %dma_start3A_43 = arith.constant 0 : i32
    %dma_start3A_44 = tpu.memref_slice %arg39[%dma_start3A_43] : memref<2048xi32, #tpu.memory_space<vmem>> -> memref<128xi32, #tpu.memory_space<vmem>>
    %dma_start3A_45 = arith.constant 0 : i32
    %dma_start3A_46 = tpu.memref_slice %arg15[%dma_start3A_45] : memref<50000xf32, #tpu.memory_space<hbm>> -> memref<50000xf32, #tpu.memory_space<hbm>>
    tpu.enqueue_indirect_dma source(%dma_start3A_46 : memref<50000xf32, #tpu.memory_space<hbm>>) target(%dma_start3A_42 : memref<128xf32, #tpu.memory_space<vmem>>) offsets(%dma_start3A_44 : memref<128xi32, #tpu.memory_space<vmem>>) semaphore(%arg47 : memref<!tpu.dma_semaphore, #tpu.memory_space<semaphore_mem>>)
    %dma_start3A_47 = arith.constant 128 : i32
    %dma_start3A_48 = tpu.memref_slice %arg40[%dma_start3A_47] : memref<2048xf32, #tpu.memory_space<vmem>> -> memref<128xf32, #tpu.memory_space<vmem>>
    %dma_start3A_49 = arith.constant 128 : i32
    %dma_start3A_50 = tpu.memref_slice %arg39[%dma_start3A_49] : memref<2048xi32, #tpu.memory_space<vmem>> -> memref<128xi32, #tpu.memory_space<vmem>>
    %dma_start3A_51 = arith.constant 0 : i32
    %dma_start3A_52 = tpu.memref_slice %arg13[%dma_start3A_51] : memref<50000xf32, #tpu.memory_space<hbm>> -> memref<50000xf32, #tpu.memory_space<hbm>>
    tpu.enqueue_indirect_dma source(%dma_start3A_52 : memref<50000xf32, #tpu.memory_space<hbm>>) target(%dma_start3A_48 : memref<128xf32, #tpu.memory_space<vmem>>) offsets(%dma_start3A_50 : memref<128xi32, #tpu.memory_space<vmem>>) semaphore(%arg47 : memref<!tpu.dma_semaphore, #tpu.memory_space<semaphore_mem>>)
    %dma_start3A_53 = arith.constant 128 : i32
    %dma_start3A_54 = tpu.memref_slice %arg41[%dma_start3A_53] : memref<2048xf32, #tpu.memory_space<vmem>> -> memref<128xf32, #tpu.memory_space<vmem>>
    %dma_start3A_55 = arith.constant 128 : i32
    %dma_start3A_56 = tpu.memref_slice %arg39[%dma_start3A_55] : memref<2048xi32, #tpu.memory_space<vmem>> -> memref<128xi32, #tpu.memory_space<vmem>>
    %dma_start3A_57 = arith.constant 0 : i32
    %dma_start3A_58 = tpu.memref_slice %arg14[%dma_start3A_57] : memref<50000xf32, #tpu.memory_space<hbm>> -> memref<50000xf32, #tpu.memory_space<hbm>>
    tpu.enqueue_indirect_dma source(%dma_start3A_58 : memref<50000xf32, #tpu.memory_space<hbm>>) target(%dma_start3A_54 : memref<128xf32, #tpu.memory_space<vmem>>) offsets(%dma_start3A_56 : memref<128xi32, #tpu.memory_space<vmem>>) semaphore(%arg47 : memref<!tpu.dma_semaphore, #tpu.memory_space<semaphore_mem>>)
    %dma_start3A_59 = arith.constant 128 : i32
    %dma_start3A_60 = tpu.memref_slice %arg42[%dma_start3A_59] : memref<2048xf32, #tpu.memory_space<vmem>> -> memref<128xf32, #tpu.memory_space<vmem>>
    %dma_start3A_61 = arith.constant 128 : i32
    %dma_start3A_62 = tpu.memref_slice %arg39[%dma_start3A_61] : memref<2048xi32, #tpu.memory_space<vmem>> -> memref<128xi32, #tpu.memory_space<vmem>>
    %dma_start3A_63 = arith.constant 0 : i32
    %dma_start3A_64 = tpu.memref_slice %arg15[%dma_start3A_63] : memref<50000xf32, #tpu.memory_space<hbm>> -> memref<50000xf32, #tpu.memory_space<hbm>>
    tpu.enqueue_indirect_dma source(%dma_start3A_64 : memref<50000xf32, #tpu.memory_space<hbm>>) target(%dma_start3A_60 : memref<128xf32, #tpu.memory_space<vmem>>) offsets(%dma_start3A_62 : memref<128xi32, #tpu.memory_space<vmem>>) semaphore(%arg47 : memref<!tpu.dma_semaphore, #tpu.memory_space<semaphore_mem>>)
    %dma_start3A_65 = arith.constant 256 : i32
    %dma_start3A_66 = tpu.memref_slice %arg40[%dma_start3A_65] : memref<2048xf32, #tpu.memory_space<vmem>> -> memref<128xf32, #tpu.memory_space<vmem>>
    %dma_start3A_67 = arith.constant 256 : i32
    %dma_start3A_68 = tpu.memref_slice %arg39[%dma_start3A_67] : memref<2048xi32, #tpu.memory_space<vmem>> -> memref<128xi32, #tpu.memory_space<vmem>>
    %dma_start3A_69 = arith.constant 0 : i32
    %dma_start3A_70 = tpu.memref_slice %arg13[%dma_start3A_69] : memref<50000xf32, #tpu.memory_space<hbm>> -> memref<50000xf32, #tpu.memory_space<hbm>>
    tpu.enqueue_indirect_dma source(%dma_start3A_70 : memref<50000xf32, #tpu.memory_space<hbm>>) target(%dma_start3A_66 : memref<128xf32, #tpu.memory_space<vmem>>) offsets(%dma_start3A_68 : memref<128xi32, #tpu.memory_space<vmem>>) semaphore(%arg47 : memref<!tpu.dma_semaphore, #tpu.memory_space<semaphore_mem>>)
    %dma_start3A_71 = arith.constant 256 : i32
    %dma_start3A_72 = tpu.memref_slice %arg41[%dma_start3A_71] : memref<2048xf32, #tpu.memory_space<vmem>> -> memref<128xf32, #tpu.memory_space<vmem>>
    %dma_start3A_73 = arith.constant 256 : i32
    %dma_start3A_74 = tpu.memref_slice %arg39[%dma_start3A_73] : memref<2048xi32, #tpu.memory_space<vmem>> -> memref<128xi32, #tpu.memory_space<vmem>>
    %dma_start3A_75 = arith.constant 0 : i32
    %dma_start3A_76 = tpu.memref_slice %arg14[%dma_start3A_75] : memref<50000xf32, #tpu.memory_space<hbm>> -> memref<50000xf32, #tpu.memory_space<hbm>>
    tpu.enqueue_indirect_dma source(%dma_start3A_76 : memref<50000xf32, #tpu.memory_space<hbm>>) target(%dma_start3A_72 : memref<128xf32, #tpu.memory_space<vmem>>) offsets(%dma_start3A_74 : memref<128xi32, #tpu.memory_space<vmem>>) semaphore(%arg47 : memref<!tpu.dma_semaphore, #tpu.memory_space<semaphore_mem>>)
    %dma_start3A_77 = arith.constant 256 : i32
    %dma_start3A_78 = tpu.memref_slice %arg42[%dma_start3A_77] : memref<2048xf32, #tpu.memory_space<vmem>> -> memref<128xf32, #tpu.memory_space<vmem>>
    %dma_start3A_79 = arith.constant 256 : i32
    %dma_start3A_80 = tpu.memref_slice %arg39[%dma_start3A_79] : memref<2048xi32, #tpu.memory_space<vmem>> -> memref<128xi32, #tpu.memory_space<vmem>>
    %dma_start3A_81 = arith.constant 0 : i32
    %dma_start3A_82 = tpu.memref_slice %arg15[%dma_start3A_81] : memref<50000xf32, #tpu.memory_space<hbm>> -> memref<50000xf32, #tpu.memory_space<hbm>>
    tpu.enqueue_indirect_dma source(%dma_start3A_82 : memref<50000xf32, #tpu.memory_space<hbm>>) target(%dma_start3A_78 : memref<128xf32, #tpu.memory_space<vmem>>) offsets(%dma_start3A_80 : memref<128xi32, #tpu.memory_space<vmem>>) semaphore(%arg47 : memref<!tpu.dma_semaphore, #tpu.memory_space<semaphore_mem>>)
    %dma_start3A_83 = arith.constant 384 : i32
    %dma_start3A_84 = tpu.memref_slice %arg40[%dma_start3A_83] : memref<2048xf32, #tpu.memory_space<vmem>> -> memref<128xf32, #tpu.memory_space<vmem>>
    %dma_start3A_85 = arith.constant 384 : i32
    %dma_start3A_86 = tpu.memref_slice %arg39[%dma_start3A_85] : memref<2048xi32, #tpu.memory_space<vmem>> -> memref<128xi32, #tpu.memory_space<vmem>>
    %dma_start3A_87 = arith.constant 0 : i32
    %dma_start3A_88 = tpu.memref_slice %arg13[%dma_start3A_87] : memref<50000xf32, #tpu.memory_space<hbm>> -> memref<50000xf32, #tpu.memory_space<hbm>>
    tpu.enqueue_indirect_dma source(%dma_start3A_88 : memref<50000xf32, #tpu.memory_space<hbm>>) target(%dma_start3A_84 : memref<128xf32, #tpu.memory_space<vmem>>) offsets(%dma_start3A_86 : memref<128xi32, #tpu.memory_space<vmem>>) semaphore(%arg47 : memref<!tpu.dma_semaphore, #tpu.memory_space<semaphore_mem>>)
    %dma_start3A_89 = arith.constant 384 : i32
    %dma_start3A_90 = tpu.memref_slice %arg41[%dma_start3A_89] : memref<2048xf32, #tpu.memory_space<vmem>> -> memref<128xf32, #tpu.memory_space<vmem>>
    %dma_start3A_91 = arith.constant 384 : i32
    %dma_start3A_92 = tpu.memref_slice %arg39[%dma_start3A_91] : memref<2048xi32, #tpu.memory_space<vmem>> -> memref<128xi32, #tpu.memory_space<vmem>>
    %dma_start3A_93 = arith.constant 0 : i32
    %dma_start3A_94 = tpu.memref_slice %arg14[%dma_start3A_93] : memref<50000xf32, #tpu.memory_space<hbm>> -> memref<50000xf32, #tpu.memory_space<hbm>>
    tpu.enqueue_indirect_dma source(%dma_start3A_94 : memref<50000xf32, #tpu.memory_space<hbm>>) target(%dma_start3A_90 : memref<128xf32, #tpu.memory_space<vmem>>) offsets(%dma_start3A_92 : memref<128xi32, #tpu.memory_space<vmem>>) semaphore(%arg47 : memref<!tpu.dma_semaphore, #tpu.memory_space<semaphore_mem>>)
    %dma_start3A_95 = arith.constant 384 : i32
    %dma_start3A_96 = tpu.memref_slice %arg42[%dma_start3A_95] : memref<2048xf32, #tpu.memory_space<vmem>> -> memref<128xf32, #tpu.memory_space<vmem>>
    %dma_start3A_97 = arith.constant 384 : i32
    %dma_start3A_98 = tpu.memref_slice %arg39[%dma_start3A_97] : memref<2048xi32, #tpu.memory_space<vmem>> -> memref<128xi32, #tpu.memory_space<vmem>>
    %dma_start3A_99 = arith.constant 0 : i32
    %dma_start3A_100 = tpu.memref_slice %arg15[%dma_start3A_99] : memref<50000xf32, #tpu.memory_space<hbm>> -> memref<50000xf32, #tpu.memory_space<hbm>>
    tpu.enqueue_indirect_dma source(%dma_start3A_100 : memref<50000xf32, #tpu.memory_space<hbm>>) target(%dma_start3A_96 : memref<128xf32, #tpu.memory_space<vmem>>) offsets(%dma_start3A_98 : memref<128xi32, #tpu.memory_space<vmem>>) semaphore(%arg47 : memref<!tpu.dma_semaphore, #tpu.memory_space<semaphore_mem>>)
    %dma_start3A_101 = arith.constant 512 : i32
    %dma_start3A_102 = tpu.memref_slice %arg40[%dma_start3A_101] : memref<2048xf32, #tpu.memory_space<vmem>> -> memref<128xf32, #tpu.memory_space<vmem>>
    %dma_start3A_103 = arith.constant 512 : i32
    %dma_start3A_104 = tpu.memref_slice %arg39[%dma_start3A_103] : memref<2048xi32, #tpu.memory_space<vmem>> -> memref<128xi32, #tpu.memory_space<vmem>>
    %dma_start3A_105 = arith.constant 0 : i32
    %dma_start3A_106 = tpu.memref_slice %arg13[%dma_start3A_105] : memref<50000xf32, #tpu.memory_space<hbm>> -> memref<50000xf32, #tpu.memory_space<hbm>>
    tpu.enqueue_indirect_dma source(%dma_start3A_106 : memref<50000xf32, #tpu.memory_space<hbm>>) target(%dma_start3A_102 : memref<128xf32, #tpu.memory_space<vmem>>) offsets(%dma_start3A_104 : memref<128xi32, #tpu.memory_space<vmem>>) semaphore(%arg47 : memref<!tpu.dma_semaphore, #tpu.memory_space<semaphore_mem>>)
    %dma_start3A_107 = arith.constant 512 : i32
    %dma_start3A_108 = tpu.memref_slice %arg41[%dma_start3A_107] : memref<2048xf32, #tpu.memory_space<vmem>> -> memref<128xf32, #tpu.memory_space<vmem>>
    %dma_start3A_109 = arith.constant 512 : i32
    %dma_start3A_110 = tpu.memref_slice %arg39[%dma_start3A_109] : memref<2048xi32, #tpu.memory_space<vmem>> -> memref<128xi32, #tpu.memory_space<vmem>>
    %dma_start3A_111 = arith.constant 0 : i32
    %dma_start3A_112 = tpu.memref_slice %arg14[%dma_start3A_111] : memref<50000xf32, #tpu.memory_space<hbm>> -> memref<50000xf32, #tpu.memory_space<hbm>>
    tpu.enqueue_indirect_dma source(%dma_start3A_112 : memref<50000xf32, #tpu.memory_space<hbm>>) target(%dma_start3A_108 : memref<128xf32, #tpu.memory_space<vmem>>) offsets(%dma_start3A_110 : memref<128xi32, #tpu.memory_space<vmem>>) semaphore(%arg47 : memref<!tpu.dma_semaphore, #tpu.memory_space<semaphore_mem>>)
    %dma_start3A_113 = arith.constant 512 : i32
    %dma_start3A_114 = tpu.memref_slice %arg42[%dma_start3A_113] : memref<2048xf32, #tpu.memory_space<vmem>> -> memref<128xf32, #tpu.memory_space<vmem>>
    %dma_start3A_115 = arith.constant 512 : i32
    %dma_start3A_116 = tpu.memref_slice %arg39[%dma_start3A_115] : memref<2048xi32, #tpu.memory_space<vmem>> -> memref<128xi32, #tpu.memory_space<vmem>>
    %dma_start3A_117 = arith.constant 0 : i32
    %dma_start3A_118 = tpu.memref_slice %arg15[%dma_start3A_117] : memref<50000xf32, #tpu.memory_space<hbm>> -> memref<50000xf32, #tpu.memory_space<hbm>>
    tpu.enqueue_indirect_dma source(%dma_start3A_118 : memref<50000xf32, #tpu.memory_space<hbm>>) target(%dma_start3A_114 : memref<128xf32, #tpu.memory_space<vmem>>) offsets(%dma_start3A_116 : memref<128xi32, #tpu.memory_space<vmem>>) semaphore(%arg47 : memref<!tpu.dma_semaphore, #tpu.memory_space<semaphore_mem>>)
    %dma_start3A_119 = arith.constant 640 : i32
    %dma_start3A_120 = tpu.memref_slice %arg40[%dma_start3A_119] : memref<2048xf32, #tpu.memory_space<vmem>> -> memref<128xf32, #tpu.memory_space<vmem>>
    %dma_start3A_121 = arith.constant 640 : i32
    %dma_start3A_122 = tpu.memref_slice %arg39[%dma_start3A_121] : memref<2048xi32, #tpu.memory_space<vmem>> -> memref<128xi32, #tpu.memory_space<vmem>>
    %dma_start3A_123 = arith.constant 0 : i32
    %dma_start3A_124 = tpu.memref_slice %arg13[%dma_start3A_123] : memref<50000xf32, #tpu.memory_space<hbm>> -> memref<50000xf32, #tpu.memory_space<hbm>>
    tpu.enqueue_indirect_dma source(%dma_start3A_124 : memref<50000xf32, #tpu.memory_space<hbm>>) target(%dma_start3A_120 : memref<128xf32, #tpu.memory_space<vmem>>) offsets(%dma_start3A_122 : memref<128xi32, #tpu.memory_space<vmem>>) semaphore(%arg47 : memref<!tpu.dma_semaphore, #tpu.memory_space<semaphore_mem>>)
    %dma_start3A_125 = arith.constant 640 : i32
    %dma_start3A_126 = tpu.memref_slice %arg41[%dma_start3A_125] : memref<2048xf32, #tpu.memory_space<vmem>> -> memref<128xf32, #tpu.memory_space<vmem>>
    %dma_start3A_127 = arith.constant 640 : i32
    %dma_start3A_128 = tpu.memref_slice %arg39[%dma_start3A_127] : memref<2048xi32, #tpu.memory_space<vmem>> -> memref<128xi32, #tpu.memory_space<vmem>>
    %dma_start3A_129 = arith.constant 0 : i32
    %dma_start3A_130 = tpu.memref_slice %arg14[%dma_start3A_129] : memref<50000xf32, #tpu.memory_space<hbm>> -> memref<50000xf32, #tpu.memory_space<hbm>>
    tpu.enqueue_indirect_dma source(%dma_start3A_130 : memref<50000xf32, #tpu.memory_space<hbm>>) target(%dma_start3A_126 : memref<128xf32, #tpu.memory_space<vmem>>) offsets(%dma_start3A_128 : memref<128xi32, #tpu.memory_space<vmem>>) semaphore(%arg47 : memref<!tpu.dma_semaphore, #tpu.memory_space<semaphore_mem>>)
    %dma_start3A_131 = arith.constant 640 : i32
    %dma_start3A_132 = tpu.memref_slice %arg42[%dma_start3A_131] : memref<2048xf32, #tpu.memory_space<vmem>> -> memref<128xf32, #tpu.memory_space<vmem>>
    %dma_start3A_133 = arith.constant 640 : i32
    %dma_start3A_134 = tpu.memref_slice %arg39[%dma_start3A_133] : memref<2048xi32, #tpu.memory_space<vmem>> -> memref<128xi32, #tpu.memory_space<vmem>>
    %dma_start3A_135 = arith.constant 0 : i32
    %dma_start3A_136 = tpu.memref_slice %arg15[%dma_start3A_135] : memref<50000xf32, #tpu.memory_space<hbm>> -> memref<50000xf32, #tpu.memory_space<hbm>>
    tpu.enqueue_indirect_dma source(%dma_start3A_136 : memref<50000xf32, #tpu.memory_space<hbm>>) target(%dma_start3A_132 : memref<128xf32, #tpu.memory_space<vmem>>) offsets(%dma_start3A_134 : memref<128xi32, #tpu.memory_space<vmem>>) semaphore(%arg47 : memref<!tpu.dma_semaphore, #tpu.memory_space<semaphore_mem>>)
    %dma_start3A_137 = arith.constant 768 : i32
    %dma_start3A_138 = tpu.memref_slice %arg40[%dma_start3A_137] : memref<2048xf32, #tpu.memory_space<vmem>> -> memref<128xf32, #tpu.memory_space<vmem>>
    %dma_start3A_139 = arith.constant 768 : i32
    %dma_start3A_140 = tpu.memref_slice %arg39[%dma_start3A_139] : memref<2048xi32, #tpu.memory_space<vmem>> -> memref<128xi32, #tpu.memory_space<vmem>>
    %dma_start3A_141 = arith.constant 0 : i32
    %dma_start3A_142 = tpu.memref_slice %arg13[%dma_start3A_141] : memref<50000xf32, #tpu.memory_space<hbm>> -> memref<50000xf32, #tpu.memory_space<hbm>>
    tpu.enqueue_indirect_dma source(%dma_start3A_142 : memref<50000xf32, #tpu.memory_space<hbm>>) target(%dma_start3A_138 : memref<128xf32, #tpu.memory_space<vmem>>) offsets(%dma_start3A_140 : memref<128xi32, #tpu.memory_space<vmem>>) semaphore(%arg47 : memref<!tpu.dma_semaphore, #tpu.memory_space<semaphore_mem>>)
    %dma_start3A_143 = arith.constant 768 : i32
    %dma_start3A_144 = tpu.memref_slice %arg41[%dma_start3A_143] : memref<2048xf32, #tpu.memory_space<vmem>> -> memref<128xf32, #tpu.memory_space<vmem>>
    %dma_start3A_145 = arith.constant 768 : i32
    %dma_start3A_146 = tpu.memref_slice %arg39[%dma_start3A_145] : memref<2048xi32, #tpu.memory_space<vmem>> -> memref<128xi32, #tpu.memory_space<vmem>>
    %dma_start3A_147 = arith.constant 0 : i32
    %dma_start3A_148 = tpu.memref_slice %arg14[%dma_start3A_147] : memref<50000xf32, #tpu.memory_space<hbm>> -> memref<50000xf32, #tpu.memory_space<hbm>>
    tpu.enqueue_indirect_dma source(%dma_start3A_148 : memref<50000xf32, #tpu.memory_space<hbm>>) target(%dma_start3A_144 : memref<128xf32, #tpu.memory_space<vmem>>) offsets(%dma_start3A_146 : memref<128xi32, #tpu.memory_space<vmem>>) semaphore(%arg47 : memref<!tpu.dma_semaphore, #tpu.memory_space<semaphore_mem>>)
    %dma_start3A_149 = arith.constant 768 : i32
    %dma_start3A_150 = tpu.memref_slice %arg42[%dma_start3A_149] : memref<2048xf32, #tpu.memory_space<vmem>> -> memref<128xf32, #tpu.memory_space<vmem>>
    %dma_start3A_151 = arith.constant 768 : i32
    %dma_start3A_152 = tpu.memref_slice %arg39[%dma_start3A_151] : memref<2048xi32, #tpu.memory_space<vmem>> -> memref<128xi32, #tpu.memory_space<vmem>>
    %dma_start3A_153 = arith.constant 0 : i32
    %dma_start3A_154 = tpu.memref_slice %arg15[%dma_start3A_153] : memref<50000xf32, #tpu.memory_space<hbm>> -> memref<50000xf32, #tpu.memory_space<hbm>>
    tpu.enqueue_indirect_dma source(%dma_start3A_154 : memref<50000xf32, #tpu.memory_space<hbm>>) target(%dma_start3A_150 : memref<128xf32, #tpu.memory_space<vmem>>) offsets(%dma_start3A_152 : memref<128xi32, #tpu.memory_space<vmem>>) semaphore(%arg47 : memref<!tpu.dma_semaphore, #tpu.memory_space<semaphore_mem>>)
    %dma_start3A_155 = arith.constant 896 : i32
    %dma_start3A_156 = tpu.memref_slice %arg40[%dma_start3A_155] : memref<2048xf32, #tpu.memory_space<vmem>> -> memref<128xf32, #tpu.memory_space<vmem>>
    %dma_start3A_157 = arith.constant 896 : i32
    %dma_start3A_158 = tpu.memref_slice %arg39[%dma_start3A_157] : memref<2048xi32, #tpu.memory_space<vmem>> -> memref<128xi32, #tpu.memory_space<vmem>>
    %dma_start3A_159 = arith.constant 0 : i32
    %dma_start3A_160 = tpu.memref_slice %arg13[%dma_start3A_159] : memref<50000xf32, #tpu.memory_space<hbm>> -> memref<50000xf32, #tpu.memory_space<hbm>>
    tpu.enqueue_indirect_dma source(%dma_start3A_160 : memref<50000xf32, #tpu.memory_space<hbm>>) target(%dma_start3A_156 : memref<128xf32, #tpu.memory_space<vmem>>) offsets(%dma_start3A_158 : memref<128xi32, #tpu.memory_space<vmem>>) semaphore(%arg47 : memref<!tpu.dma_semaphore, #tpu.memory_space<semaphore_mem>>)
    %dma_start3A_161 = arith.constant 896 : i32
    %dma_start3A_162 = tpu.memref_slice %arg41[%dma_start3A_161] : memref<2048xf32, #tpu.memory_space<vmem>> -> memref<128xf32, #tpu.memory_space<vmem>>
    %dma_start3A_163 = arith.constant 896 : i32
    %dma_start3A_164 = tpu.memref_slice %arg39[%dma_start3A_163] : memref<2048xi32, #tpu.memory_space<vmem>> -> memref<128xi32, #tpu.memory_space<vmem>>
    %dma_start3A_165 = arith.constant 0 : i32
    %dma_start3A_166 = tpu.memref_slice %arg14[%dma_start3A_165] : memref<50000xf32, #tpu.memory_space<hbm>> -> memref<50000xf32, #tpu.memory_space<hbm>>
    tpu.enqueue_indirect_dma source(%dma_start3A_166 : memref<50000xf32, #tpu.memory_space<hbm>>) target(%dma_start3A_162 : memref<128xf32, #tpu.memory_space<vmem>>) offsets(%dma_start3A_164 : memref<128xi32, #tpu.memory_space<vmem>>) semaphore(%arg47 : memref<!tpu.dma_semaphore, #tpu.memory_space<semaphore_mem>>)
    %dma_start3A_167 = arith.constant 896 : i32
    %dma_start3A_168 = tpu.memref_slice %arg42[%dma_start3A_167] : memref<2048xf32, #tpu.memory_space<vmem>> -> memref<128xf32, #tpu.memory_space<vmem>>
    %dma_start3A_169 = arith.constant 896 : i32
    %dma_start3A_170 = tpu.memref_slice %arg39[%dma_start3A_169] : memref<2048xi32, #tpu.memory_space<vmem>> -> memref<128xi32, #tpu.memory_space<vmem>>
    %dma_start3A_171 = arith.constant 0 : i32
    %dma_start3A_172 = tpu.memref_slice %arg15[%dma_start3A_171] : memref<50000xf32, #tpu.memory_space<hbm>> -> memref<50000xf32, #tpu.memory_space<hbm>>
    tpu.enqueue_indirect_dma source(%dma_start3A_172 : memref<50000xf32, #tpu.memory_space<hbm>>) target(%dma_start3A_168 : memref<128xf32, #tpu.memory_space<vmem>>) offsets(%dma_start3A_170 : memref<128xi32, #tpu.memory_space<vmem>>) semaphore(%arg47 : memref<!tpu.dma_semaphore, #tpu.memory_space<semaphore_mem>>)
    %dma_start3A_173 = arith.constant 1024 : i32
    %dma_start3A_174 = tpu.memref_slice %arg40[%dma_start3A_173] : memref<2048xf32, #tpu.memory_space<vmem>> -> memref<128xf32, #tpu.memory_space<vmem>>
    %dma_start3A_175 = arith.constant 1024 : i32
    %dma_start3A_176 = tpu.memref_slice %arg39[%dma_start3A_175] : memref<2048xi32, #tpu.memory_space<vmem>> -> memref<128xi32, #tpu.memory_space<vmem>>
    %dma_start3A_177 = arith.constant 0 : i32
    %dma_start3A_178 = tpu.memref_slice %arg13[%dma_start3A_177] : memref<50000xf32, #tpu.memory_space<hbm>> -> memref<50000xf32, #tpu.memory_space<hbm>>
    tpu.enqueue_indirect_dma source(%dma_start3A_178 : memref<50000xf32, #tpu.memory_space<hbm>>) target(%dma_start3A_174 : memref<128xf32, #tpu.memory_space<vmem>>) offsets(%dma_start3A_176 : memref<128xi32, #tpu.memory_space<vmem>>) semaphore(%arg47 : memref<!tpu.dma_semaphore, #tpu.memory_space<semaphore_mem>>)
    %dma_start3A_179 = arith.constant 1024 : i32
    %dma_start3A_180 = tpu.memref_slice %arg41[%dma_start3A_179] : memref<2048xf32, #tpu.memory_space<vmem>> -> memref<128xf32, #tpu.memory_space<vmem>>
    %dma_start3A_181 = arith.constant 1024 : i32
    %dma_start3A_182 = tpu.memref_slice %arg39[%dma_start3A_181] : memref<2048xi32, #tpu.memory_space<vmem>> -> memref<128xi32, #tpu.memory_space<vmem>>
    %dma_start3A_183 = arith.constant 0 : i32
    %dma_start3A_184 = tpu.memref_slice %arg14[%dma_start3A_183] : memref<50000xf32, #tpu.memory_space<hbm>> -> memref<50000xf32, #tpu.memory_space<hbm>>
    tpu.enqueue_indirect_dma source(%dma_start3A_184 : memref<50000xf32, #tpu.memory_space<hbm>>) target(%dma_start3A_180 : memref<128xf32, #tpu.memory_space<vmem>>) offsets(%dma_start3A_182 : memref<128xi32, #tpu.memory_space<vmem>>) semaphore(%arg47 : memref<!tpu.dma_semaphore, #tpu.memory_space<semaphore_mem>>)
    %dma_start3A_185 = arith.constant 1024 : i32
    %dma_start3A_186 = tpu.memref_slice %arg42[%dma_start3A_185] : memref<2048xf32, #tpu.memory_space<vmem>> -> memref<128xf32, #tpu.memory_space<vmem>>
    %dma_start3A_187 = arith.constant 1024 : i32
    %dma_start3A_188 = tpu.memref_slice %arg39[%dma_start3A_187] : memref<2048xi32, #tpu.memory_space<vmem>> -> memref<128xi32, #tpu.memory_space<vmem>>
    %dma_start3A_189 = arith.constant 0 : i32
    %dma_start3A_190 = tpu.memref_slice %arg15[%dma_start3A_189] : memref<50000xf32, #tpu.memory_space<hbm>> -> memref<50000xf32, #tpu.memory_space<hbm>>
    tpu.enqueue_indirect_dma source(%dma_start3A_190 : memref<50000xf32, #tpu.memory_space<hbm>>) target(%dma_start3A_186 : memref<128xf32, #tpu.memory_space<vmem>>) offsets(%dma_start3A_188 : memref<128xi32, #tpu.memory_space<vmem>>) semaphore(%arg47 : memref<!tpu.dma_semaphore, #tpu.memory_space<semaphore_mem>>)
    %dma_start3A_191 = arith.constant 1152 : i32
    %dma_start3A_192 = tpu.memref_slice %arg40[%dma_start3A_191] : memref<2048xf32, #tpu.memory_space<vmem>> -> memref<128xf32, #tpu.memory_space<vmem>>
    %dma_start3A_193 = arith.constant 1152 : i32
    %dma_start3A_194 = tpu.memref_slice %arg39[%dma_start3A_193] : memref<2048xi32, #tpu.memory_space<vmem>> -> memref<128xi32, #tpu.memory_space<vmem>>
    %dma_start3A_195 = arith.constant 0 : i32
    %dma_start3A_196 = tpu.memref_slice %arg13[%dma_start3A_195] : memref<50000xf32, #tpu.memory_space<hbm>> -> memref<50000xf32, #tpu.memory_space<hbm>>
    tpu.enqueue_indirect_dma source(%dma_start3A_196 : memref<50000xf32, #tpu.memory_space<hbm>>) target(%dma_start3A_192 : memref<128xf32, #tpu.memory_space<vmem>>) offsets(%dma_start3A_194 : memref<128xi32, #tpu.memory_space<vmem>>) semaphore(%arg47 : memref<!tpu.dma_semaphore, #tpu.memory_space<semaphore_mem>>)
    %dma_start3A_197 = arith.constant 1152 : i32
    %dma_start3A_198 = tpu.memref_slice %arg41[%dma_start3A_197] : memref<2048xf32, #tpu.memory_space<vmem>> -> memref<128xf32, #tpu.memory_space<vmem>>
    %dma_start3A_199 = arith.constant 1152 : i32
    %dma_start3A_200 = tpu.memref_slice %arg39[%dma_start3A_199] : memref<2048xi32, #tpu.memory_space<vmem>> -> memref<128xi32, #tpu.memory_space<vmem>>
    %dma_start3A_201 = arith.constant 0 : i32
    %dma_start3A_202 = tpu.memref_slice %arg14[%dma_start3A_201] : memref<50000xf32, #tpu.memory_space<hbm>> -> memref<50000xf32, #tpu.memory_space<hbm>>
    tpu.enqueue_indirect_dma source(%dma_start3A_202 : memref<50000xf32, #tpu.memory_space<hbm>>) target(%dma_start3A_198 : memref<128xf32, #tpu.memory_space<vmem>>) offsets(%dma_start3A_200 : memref<128xi32, #tpu.memory_space<vmem>>) semaphore(%arg47 : memref<!tpu.dma_semaphore, #tpu.memory_space<semaphore_mem>>)
    %dma_start3A_203 = arith.constant 1152 : i32
    %dma_start3A_204 = tpu.memref_slice %arg42[%dma_start3A_203] : memref<2048xf32, #tpu.memory_space<vmem>> -> memref<128xf32, #tpu.memory_space<vmem>>
    %dma_start3A_205 = arith.constant 1152 : i32
    %dma_start3A_206 = tpu.memref_slice %arg39[%dma_start3A_205] : memref<2048xi32, #tpu.memory_space<vmem>> -> memref<128xi32, #tpu.memory_space<vmem>>
    %dma_start3A_207 = arith.constant 0 : i32
    %dma_start3A_208 = tpu.memref_slice %arg15[%dma_start3A_207] : memref<50000xf32, #tpu.memory_space<hbm>> -> memref<50000xf32, #tpu.memory_space<hbm>>
    tpu.enqueue_indirect_dma source(%dma_start3A_208 : memref<50000xf32, #tpu.memory_space<hbm>>) target(%dma_start3A_204 : memref<128xf32, #tpu.memory_space<vmem>>) offsets(%dma_start3A_206 : memref<128xi32, #tpu.memory_space<vmem>>) semaphore(%arg47 : memref<!tpu.dma_semaphore, #tpu.memory_space<semaphore_mem>>)
    %dma_start3A_209 = arith.constant 1280 : i32
    %dma_start3A_210 = tpu.memref_slice %arg40[%dma_start3A_209] : memref<2048xf32, #tpu.memory_space<vmem>> -> memref<128xf32, #tpu.memory_space<vmem>>
    %dma_start3A_211 = arith.constant 1280 : i32
    %dma_start3A_212 = tpu.memref_slice %arg39[%dma_start3A_211] : memref<2048xi32, #tpu.memory_space<vmem>> -> memref<128xi32, #tpu.memory_space<vmem>>
    %dma_start3A_213 = arith.constant 0 : i32
    %dma_start3A_214 = tpu.memref_slice %arg13[%dma_start3A_213] : memref<50000xf32, #tpu.memory_space<hbm>> -> memref<50000xf32, #tpu.memory_space<hbm>>
    tpu.enqueue_indirect_dma source(%dma_start3A_214 : memref<50000xf32, #tpu.memory_space<hbm>>) target(%dma_start3A_210 : memref<128xf32, #tpu.memory_space<vmem>>) offsets(%dma_start3A_212 : memref<128xi32, #tpu.memory_space<vmem>>) semaphore(%arg47 : memref<!tpu.dma_semaphore, #tpu.memory_space<semaphore_mem>>)
    %dma_start3A_215 = arith.constant 1280 : i32
    %dma_start3A_216 = tpu.memref_slice %arg41[%dma_start3A_215] : memref<2048xf32, #tpu.memory_space<vmem>> -> memref<128xf32, #tpu.memory_space<vmem>>
    %dma_start3A_217 = arith.constant 1280 : i32
    %dma_start3A_218 = tpu.memref_slice %arg39[%dma_start3A_217] : memref<2048xi32, #tpu.memory_space<vmem>> -> memref<128xi32, #tpu.memory_space<vmem>>
    %dma_start3A_219 = arith.constant 0 : i32
    %dma_start3A_220 = tpu.memref_slice %arg14[%dma_start3A_219] : memref<50000xf32, #tpu.memory_space<hbm>> -> memref<50000xf32, #tpu.memory_space<hbm>>
    tpu.enqueue_indirect_dma source(%dma_start3A_220 : memref<50000xf32, #tpu.memory_space<hbm>>) target(%dma_start3A_216 : memref<128xf32, #tpu.memory_space<vmem>>) offsets(%dma_start3A_218 : memref<128xi32, #tpu.memory_space<vmem>>) semaphore(%arg47 : memref<!tpu.dma_semaphore, #tpu.memory_space<semaphore_mem>>)
    %dma_start3A_221 = arith.constant 1280 : i32
    %dma_start3A_222 = tpu.memref_slice %arg42[%dma_start3A_221] : memref<2048xf32, #tpu.memory_space<vmem>> -> memref<128xf32, #tpu.memory_space<vmem>>
    %dma_start3A_223 = arith.constant 1280 : i32
    %dma_start3A_224 = tpu.memref_slice %arg39[%dma_start3A_223] : memref<2048xi32, #tpu.memory_space<vmem>> -> memref<128xi32, #tpu.memory_space<vmem>>
    %dma_start3A_225 = arith.constant 0 : i32
    %dma_start3A_226 = tpu.memref_slice %arg15[%dma_start3A_225] : memref<50000xf32, #tpu.memory_space<hbm>> -> memref<50000xf32, #tpu.memory_space<hbm>>
    tpu.enqueue_indirect_dma source(%dma_start3A_226 : memref<50000xf32, #tpu.memory_space<hbm>>) target(%dma_start3A_222 : memref<128xf32, #tpu.memory_space<vmem>>) offsets(%dma_start3A_224 : memref<128xi32, #tpu.memory_space<vmem>>) semaphore(%arg47 : memref<!tpu.dma_semaphore, #tpu.memory_space<semaphore_mem>>)
    %dma_start3A_227 = arith.constant 1408 : i32
    %dma_start3A_228 = tpu.memref_slice %arg40[%dma_start3A_227] : memref<2048xf32, #tpu.memory_space<vmem>> -> memref<128xf32, #tpu.memory_space<vmem>>
    %dma_start3A_229 = arith.constant 1408 : i32
    %dma_start3A_230 = tpu.memref_slice %arg39[%dma_start3A_229] : memref<2048xi32, #tpu.memory_space<vmem>> -> memref<128xi32, #tpu.memory_space<vmem>>
    %dma_start3A_231 = arith.constant 0 : i32
    %dma_start3A_232 = tpu.memref_slice %arg13[%dma_start3A_231] : memref<50000xf32, #tpu.memory_space<hbm>> -> memref<50000xf32, #tpu.memory_space<hbm>>
    tpu.enqueue_indirect_dma source(%dma_start3A_232 : memref<50000xf32, #tpu.memory_space<hbm>>) target(%dma_start3A_228 : memref<128xf32, #tpu.memory_space<vmem>>) offsets(%dma_start3A_230 : memref<128xi32, #tpu.memory_space<vmem>>) semaphore(%arg47 : memref<!tpu.dma_semaphore, #tpu.memory_space<semaphore_mem>>)
    %dma_start3A_233 = arith.constant 1408 : i32
    %dma_start3A_234 = tpu.memref_slice %arg41[%dma_start3A_233] : memref<2048xf32, #tpu.memory_space<vmem>> -> memref<128xf32, #tpu.memory_space<vmem>>
    %dma_start3A_235 = arith.constant 1408 : i32
    %dma_start3A_236 = tpu.memref_slice %arg39[%dma_start3A_235] : memref<2048xi32, #tpu.memory_space<vmem>> -> memref<128xi32, #tpu.memory_space<vmem>>
    %dma_start3A_237 = arith.constant 0 : i32
    %dma_start3A_238 = tpu.memref_slice %arg14[%dma_start3A_237] : memref<50000xf32, #tpu.memory_space<hbm>> -> memref<50000xf32, #tpu.memory_space<hbm>>
    tpu.enqueue_indirect_dma source(%dma_start3A_238 : memref<50000xf32, #tpu.memory_space<hbm>>) target(%dma_start3A_234 : memref<128xf32, #tpu.memory_space<vmem>>) offsets(%dma_start3A_236 : memref<128xi32, #tpu.memory_space<vmem>>) semaphore(%arg47 : memref<!tpu.dma_semaphore, #tpu.memory_space<semaphore_mem>>)
    %dma_start3A_239 = arith.constant 1408 : i32
    %dma_start3A_240 = tpu.memref_slice %arg42[%dma_start3A_239] : memref<2048xf32, #tpu.memory_space<vmem>> -> memref<128xf32, #tpu.memory_space<vmem>>
    %dma_start3A_241 = arith.constant 1408 : i32
    %dma_start3A_242 = tpu.memref_slice %arg39[%dma_start3A_241] : memref<2048xi32, #tpu.memory_space<vmem>> -> memref<128xi32, #tpu.memory_space<vmem>>
    %dma_start3A_243 = arith.constant 0 : i32
    %dma_start3A_244 = tpu.memref_slice %arg15[%dma_start3A_243] : memref<50000xf32, #tpu.memory_space<hbm>> -> memref<50000xf32, #tpu.memory_space<hbm>>
    tpu.enqueue_indirect_dma source(%dma_start3A_244 : memref<50000xf32, #tpu.memory_space<hbm>>) target(%dma_start3A_240 : memref<128xf32, #tpu.memory_space<vmem>>) offsets(%dma_start3A_242 : memref<128xi32, #tpu.memory_space<vmem>>) semaphore(%arg47 : memref<!tpu.dma_semaphore, #tpu.memory_space<semaphore_mem>>)
    %dma_start3A_245 = arith.constant 1536 : i32
    %dma_start3A_246 = tpu.memref_slice %arg40[%dma_start3A_245] : memref<2048xf32, #tpu.memory_space<vmem>> -> memref<128xf32, #tpu.memory_space<vmem>>
    %dma_start3A_247 = arith.constant 1536 : i32
    %dma_start3A_248 = tpu.memref_slice %arg39[%dma_start3A_247] : memref<2048xi32, #tpu.memory_space<vmem>> -> memref<128xi32, #tpu.memory_space<vmem>>
    %dma_start3A_249 = arith.constant 0 : i32
    %dma_start3A_250 = tpu.memref_slice %arg13[%dma_start3A_249] : memref<50000xf32, #tpu.memory_space<hbm>> -> memref<50000xf32, #tpu.memory_space<hbm>>
    tpu.enqueue_indirect_dma source(%dma_start3A_250 : memref<50000xf32, #tpu.memory_space<hbm>>) target(%dma_start3A_246 : memref<128xf32, #tpu.memory_space<vmem>>) offsets(%dma_start3A_248 : memref<128xi32, #tpu.memory_space<vmem>>) semaphore(%arg47 : memref<!tpu.dma_semaphore, #tpu.memory_space<semaphore_mem>>)
    %dma_start3A_251 = arith.constant 1536 : i32
    %dma_start3A_252 = tpu.memref_slice %arg41[%dma_start3A_251] : memref<2048xf32, #tpu.memory_space<vmem>> -> memref<128xf32, #tpu.memory_space<vmem>>
    %dma_start3A_253 = arith.constant 1536 : i32
    %dma_start3A_254 = tpu.memref_slice %arg39[%dma_start3A_253] : memref<2048xi32, #tpu.memory_space<vmem>> -> memref<128xi32, #tpu.memory_space<vmem>>
    %dma_start3A_255 = arith.constant 0 : i32
    %dma_start3A_256 = tpu.memref_slice %arg14[%dma_start3A_255] : memref<50000xf32, #tpu.memory_space<hbm>> -> memref<50000xf32, #tpu.memory_space<hbm>>
    tpu.enqueue_indirect_dma source(%dma_start3A_256 : memref<50000xf32, #tpu.memory_space<hbm>>) target(%dma_start3A_252 : memref<128xf32, #tpu.memory_space<vmem>>) offsets(%dma_start3A_254 : memref<128xi32, #tpu.memory_space<vmem>>) semaphore(%arg47 : memref<!tpu.dma_semaphore, #tpu.memory_space<semaphore_mem>>)
    %dma_start3A_257 = arith.constant 1536 : i32
    %dma_start3A_258 = tpu.memref_slice %arg42[%dma_start3A_257] : memref<2048xf32, #tpu.memory_space<vmem>> -> memref<128xf32, #tpu.memory_space<vmem>>
    %dma_start3A_259 = arith.constant 1536 : i32
    %dma_start3A_260 = tpu.memref_slice %arg39[%dma_start3A_259] : memref<2048xi32, #tpu.memory_space<vmem>> -> memref<128xi32, #tpu.memory_space<vmem>>
    %dma_start3A_261 = arith.constant 0 : i32
    %dma_start3A_262 = tpu.memref_slice %arg15[%dma_start3A_261] : memref<50000xf32, #tpu.memory_space<hbm>> -> memref<50000xf32, #tpu.memory_space<hbm>>
    tpu.enqueue_indirect_dma source(%dma_start3A_262 : memref<50000xf32, #tpu.memory_space<hbm>>) target(%dma_start3A_258 : memref<128xf32, #tpu.memory_space<vmem>>) offsets(%dma_start3A_260 : memref<128xi32, #tpu.memory_space<vmem>>) semaphore(%arg47 : memref<!tpu.dma_semaphore, #tpu.memory_space<semaphore_mem>>)
    %dma_start3A_263 = arith.constant 1664 : i32
    %dma_start3A_264 = tpu.memref_slice %arg40[%dma_start3A_263] : memref<2048xf32, #tpu.memory_space<vmem>> -> memref<128xf32, #tpu.memory_space<vmem>>
    %dma_start3A_265 = arith.constant 1664 : i32
    %dma_start3A_266 = tpu.memref_slice %arg39[%dma_start3A_265] : memref<2048xi32, #tpu.memory_space<vmem>> -> memref<128xi32, #tpu.memory_space<vmem>>
    %dma_start3A_267 = arith.constant 0 : i32
    %dma_start3A_268 = tpu.memref_slice %arg13[%dma_start3A_267] : memref<50000xf32, #tpu.memory_space<hbm>> -> memref<50000xf32, #tpu.memory_space<hbm>>
    tpu.enqueue_indirect_dma source(%dma_start3A_268 : memref<50000xf32, #tpu.memory_space<hbm>>) target(%dma_start3A_264 : memref<128xf32, #tpu.memory_space<vmem>>) offsets(%dma_start3A_266 : memref<128xi32, #tpu.memory_space<vmem>>) semaphore(%arg47 : memref<!tpu.dma_semaphore, #tpu.memory_space<semaphore_mem>>)
    %dma_start3A_269 = arith.constant 1664 : i32
    %dma_start3A_270 = tpu.memref_slice %arg41[%dma_start3A_269] : memref<2048xf32, #tpu.memory_space<vmem>> -> memref<128xf32, #tpu.memory_space<vmem>>
    %dma_start3A_271 = arith.constant 1664 : i32
    %dma_start3A_272 = tpu.memref_slice %arg39[%dma_start3A_271] : memref<2048xi32, #tpu.memory_space<vmem>> -> memref<128xi32, #tpu.memory_space<vmem>>
    %dma_start3A_273 = arith.constant 0 : i32
    %dma_start3A_274 = tpu.memref_slice %arg14[%dma_start3A_273] : memref<50000xf32, #tpu.memory_space<hbm>> -> memref<50000xf32, #tpu.memory_space<hbm>>
    tpu.enqueue_indirect_dma source(%dma_start3A_274 : memref<50000xf32, #tpu.memory_space<hbm>>) target(%dma_start3A_270 : memref<128xf32, #tpu.memory_space<vmem>>) offsets(%dma_start3A_272 : memref<128xi32, #tpu.memory_space<vmem>>) semaphore(%arg47 : memref<!tpu.dma_semaphore, #tpu.memory_space<semaphore_mem>>)
    %dma_start3A_275 = arith.constant 1664 : i32
    %dma_start3A_276 = tpu.memref_slice %arg42[%dma_start3A_275] : memref<2048xf32, #tpu.memory_space<vmem>> -> memref<128xf32, #tpu.memory_space<vmem>>
    %dma_start3A_277 = arith.constant 1664 : i32
    %dma_start3A_278 = tpu.memref_slice %arg39[%dma_start3A_277] : memref<2048xi32, #tpu.memory_space<vmem>> -> memref<128xi32, #tpu.memory_space<vmem>>
    %dma_start3A_279 = arith.constant 0 : i32
    %dma_start3A_280 = tpu.memref_slice %arg15[%dma_start3A_279] : memref<50000xf32, #tpu.memory_space<hbm>> -> memref<50000xf32, #tpu.memory_space<hbm>>
    tpu.enqueue_indirect_dma source(%dma_start3A_280 : memref<50000xf32, #tpu.memory_space<hbm>>) target(%dma_start3A_276 : memref<128xf32, #tpu.memory_space<vmem>>) offsets(%dma_start3A_278 : memref<128xi32, #tpu.memory_space<vmem>>) semaphore(%arg47 : memref<!tpu.dma_semaphore, #tpu.memory_space<semaphore_mem>>)
    %dma_start3A_281 = arith.constant 1792 : i32
    %dma_start3A_282 = tpu.memref_slice %arg40[%dma_start3A_281] : memref<2048xf32, #tpu.memory_space<vmem>> -> memref<128xf32, #tpu.memory_space<vmem>>
    %dma_start3A_283 = arith.constant 1792 : i32
    %dma_start3A_284 = tpu.memref_slice %arg39[%dma_start3A_283] : memref<2048xi32, #tpu.memory_space<vmem>> -> memref<128xi32, #tpu.memory_space<vmem>>
    %dma_start3A_285 = arith.constant 0 : i32
    %dma_start3A_286 = tpu.memref_slice %arg13[%dma_start3A_285] : memref<50000xf32, #tpu.memory_space<hbm>> -> memref<50000xf32, #tpu.memory_space<hbm>>
    tpu.enqueue_indirect_dma source(%dma_start3A_286 : memref<50000xf32, #tpu.memory_space<hbm>>) target(%dma_start3A_282 : memref<128xf32, #tpu.memory_space<vmem>>) offsets(%dma_start3A_284 : memref<128xi32, #tpu.memory_space<vmem>>) semaphore(%arg47 : memref<!tpu.dma_semaphore, #tpu.memory_space<semaphore_mem>>)
    %dma_start3A_287 = arith.constant 1792 : i32
    %dma_start3A_288 = tpu.memref_slice %arg41[%dma_start3A_287] : memref<2048xf32, #tpu.memory_space<vmem>> -> memref<128xf32, #tpu.memory_space<vmem>>
    %dma_start3A_289 = arith.constant 1792 : i32
    %dma_start3A_290 = tpu.memref_slice %arg39[%dma_start3A_289] : memref<2048xi32, #tpu.memory_space<vmem>> -> memref<128xi32, #tpu.memory_space<vmem>>
    %dma_start3A_291 = arith.constant 0 : i32
    %dma_start3A_292 = tpu.memref_slice %arg14[%dma_start3A_291] : memref<50000xf32, #tpu.memory_space<hbm>> -> memref<50000xf32, #tpu.memory_space<hbm>>
    tpu.enqueue_indirect_dma source(%dma_start3A_292 : memref<50000xf32, #tpu.memory_space<hbm>>) target(%dma_start3A_288 : memref<128xf32, #tpu.memory_space<vmem>>) offsets(%dma_start3A_290 : memref<128xi32, #tpu.memory_space<vmem>>) semaphore(%arg47 : memref<!tpu.dma_semaphore, #tpu.memory_space<semaphore_mem>>)
    %dma_start3A_293 = arith.constant 1792 : i32
    %dma_start3A_294 = tpu.memref_slice %arg42[%dma_start3A_293] : memref<2048xf32, #tpu.memory_space<vmem>> -> memref<128xf32, #tpu.memory_space<vmem>>
    %dma_start3A_295 = arith.constant 1792 : i32
    %dma_start3A_296 = tpu.memref_slice %arg39[%dma_start3A_295] : memref<2048xi32, #tpu.memory_space<vmem>> -> memref<128xi32, #tpu.memory_space<vmem>>
    %dma_start3A_297 = arith.constant 0 : i32
    %dma_start3A_298 = tpu.memref_slice %arg15[%dma_start3A_297] : memref<50000xf32, #tpu.memory_space<hbm>> -> memref<50000xf32, #tpu.memory_space<hbm>>
    tpu.enqueue_indirect_dma source(%dma_start3A_298 : memref<50000xf32, #tpu.memory_space<hbm>>) target(%dma_start3A_294 : memref<128xf32, #tpu.memory_space<vmem>>) offsets(%dma_start3A_296 : memref<128xi32, #tpu.memory_space<vmem>>) semaphore(%arg47 : memref<!tpu.dma_semaphore, #tpu.memory_space<semaphore_mem>>)
    %dma_start3A_299 = arith.constant 1920 : i32
    %dma_start3A_300 = tpu.memref_slice %arg40[%dma_start3A_299] : memref<2048xf32, #tpu.memory_space<vmem>> -> memref<128xf32, #tpu.memory_space<vmem>>
    %dma_start3A_301 = arith.constant 1920 : i32
    %dma_start3A_302 = tpu.memref_slice %arg39[%dma_start3A_301] : memref<2048xi32, #tpu.memory_space<vmem>> -> memref<128xi32, #tpu.memory_space<vmem>>
    %dma_start3A_303 = arith.constant 0 : i32
    %dma_start3A_304 = tpu.memref_slice %arg13[%dma_start3A_303] : memref<50000xf32, #tpu.memory_space<hbm>> -> memref<50000xf32, #tpu.memory_space<hbm>>
    tpu.enqueue_indirect_dma source(%dma_start3A_304 : memref<50000xf32, #tpu.memory_space<hbm>>) target(%dma_start3A_300 : memref<128xf32, #tpu.memory_space<vmem>>) offsets(%dma_start3A_302 : memref<128xi32, #tpu.memory_space<vmem>>) semaphore(%arg47 : memref<!tpu.dma_semaphore, #tpu.memory_space<semaphore_mem>>)
    %dma_start3A_305 = arith.constant 1920 : i32
    %dma_start3A_306 = tpu.memref_slice %arg41[%dma_start3A_305] : memref<2048xf32, #tpu.memory_space<vmem>> -> memref<128xf32, #tpu.memory_space<vmem>>
    %dma_start3A_307 = arith.constant 1920 : i32
    %dma_start3A_308 = tpu.memref_slice %arg39[%dma_start3A_307] : memref<2048xi32, #tpu.memory_space<vmem>> -> memref<128xi32, #tpu.memory_space<vmem>>
    %dma_start3A_309 = arith.constant 0 : i32
    %dma_start3A_310 = tpu.memref_slice %arg14[%dma_start3A_309] : memref<50000xf32, #tpu.memory_space<hbm>> -> memref<50000xf32, #tpu.memory_space<hbm>>
    tpu.enqueue_indirect_dma source(%dma_start3A_310 : memref<50000xf32, #tpu.memory_space<hbm>>) target(%dma_start3A_306 : memref<128xf32, #tpu.memory_space<vmem>>) offsets(%dma_start3A_308 : memref<128xi32, #tpu.memory_space<vmem>>) semaphore(%arg47 : memref<!tpu.dma_semaphore, #tpu.memory_space<semaphore_mem>>)
    %dma_start3A_311 = arith.constant 1920 : i32
    %dma_start3A_312 = tpu.memref_slice %arg42[%dma_start3A_311] : memref<2048xf32, #tpu.memory_space<vmem>> -> memref<128xf32, #tpu.memory_space<vmem>>
    %dma_start3A_313 = arith.constant 1920 : i32
    %dma_start3A_314 = tpu.memref_slice %arg39[%dma_start3A_313] : memref<2048xi32, #tpu.memory_space<vmem>> -> memref<128xi32, #tpu.memory_space<vmem>>
    %dma_start3A_315 = arith.constant 0 : i32
    %dma_start3A_316 = tpu.memref_slice %arg15[%dma_start3A_315] : memref<50000xf32, #tpu.memory_space<hbm>> -> memref<50000xf32, #tpu.memory_space<hbm>>
    tpu.enqueue_indirect_dma source(%dma_start3A_316 : memref<50000xf32, #tpu.memory_space<hbm>>) target(%dma_start3A_312 : memref<128xf32, #tpu.memory_space<vmem>>) offsets(%dma_start3A_314 : memref<128xi32, #tpu.memory_space<vmem>>) semaphore(%arg47 : memref<!tpu.dma_semaphore, #tpu.memory_space<semaphore_mem>>)
    %dma_wait3A = arith.constant 0 : i32
    %dma_wait3A_317 = tpu.memref_slice %arg40[%dma_wait3A] : memref<2048xf32, #tpu.memory_space<vmem>> -> memref<128xf32, #tpu.memory_space<vmem>>
    %dma_wait3A_318 = arith.constant 0 : i32
    %dma_wait3A_319 = tpu.memref_slice %arg39[%dma_wait3A_318] : memref<2048xi32, #tpu.memory_space<vmem>> -> memref<128xi32, #tpu.memory_space<vmem>>
    %dma_wait3A_320 = arith.constant 0 : i32
    %dma_wait3A_321 = tpu.memref_slice %arg13[%dma_wait3A_320] : memref<50000xf32, #tpu.memory_space<hbm>> -> memref<50000xf32, #tpu.memory_space<hbm>>
    tpu.wait_indirect_dma semaphore(%arg47 : memref<!tpu.dma_semaphore, #tpu.memory_space<semaphore_mem>>) src(%dma_wait3A_321 : memref<50000xf32, #tpu.memory_space<hbm>>) dst(%dma_wait3A_317 : memref<128xf32, #tpu.memory_space<vmem>>)
    %dma_wait3A_322 = arith.constant 0 : i32
    %dma_wait3A_323 = tpu.memref_slice %arg41[%dma_wait3A_322] : memref<2048xf32, #tpu.memory_space<vmem>> -> memref<128xf32, #tpu.memory_space<vmem>>
    %dma_wait3A_324 = arith.constant 0 : i32
    %dma_wait3A_325 = tpu.memref_slice %arg39[%dma_wait3A_324] : memref<2048xi32, #tpu.memory_space<vmem>> -> memref<128xi32, #tpu.memory_space<vmem>>
    %dma_wait3A_326 = arith.constant 0 : i32
    %dma_wait3A_327 = tpu.memref_slice %arg14[%dma_wait3A_326] : memref<50000xf32, #tpu.memory_space<hbm>> -> memref<50000xf32, #tpu.memory_space<hbm>>
    tpu.wait_indirect_dma semaphore(%arg47 : memref<!tpu.dma_semaphore, #tpu.memory_space<semaphore_mem>>) src(%dma_wait3A_327 : memref<50000xf32, #tpu.memory_space<hbm>>) dst(%dma_wait3A_323 : memref<128xf32, #tpu.memory_space<vmem>>)
    %dma_wait3A_328 = arith.constant 0 : i32
    %dma_wait3A_329 = tpu.memref_slice %arg42[%dma_wait3A_328] : memref<2048xf32, #tpu.memory_space<vmem>> -> memref<128xf32, #tpu.memory_space<vmem>>
    %dma_wait3A_330 = arith.constant 0 : i32
    %dma_wait3A_331 = tpu.memref_slice %arg39[%dma_wait3A_330] : memref<2048xi32, #tpu.memory_space<vmem>> -> memref<128xi32, #tpu.memory_space<vmem>>
    %dma_wait3A_332 = arith.constant 0 : i32
    %dma_wait3A_333 = tpu.memref_slice %arg15[%dma_wait3A_332] : memref<50000xf32, #tpu.memory_space<hbm>> -> memref<50000xf32, #tpu.memory_space<hbm>>
    tpu.wait_indirect_dma semaphore(%arg47 : memref<!tpu.dma_semaphore, #tpu.memory_space<semaphore_mem>>) src(%dma_wait3A_333 : memref<50000xf32, #tpu.memory_space<hbm>>) dst(%dma_wait3A_329 : memref<128xf32, #tpu.memory_space<vmem>>)
    %dma_wait3A_334 = arith.constant 128 : i32
    %dma_wait3A_335 = tpu.memref_slice %arg40[%dma_wait3A_334] : memref<2048xf32, #tpu.memory_space<vmem>> -> memref<128xf32, #tpu.memory_space<vmem>>
    %dma_wait3A_336 = arith.constant 128 : i32
    %dma_wait3A_337 = tpu.memref_slice %arg39[%dma_wait3A_336] : memref<2048xi32, #tpu.memory_space<vmem>> -> memref<128xi32, #tpu.memory_space<vmem>>
    %dma_wait3A_338 = arith.constant 0 : i32
    %dma_wait3A_339 = tpu.memref_slice %arg13[%dma_wait3A_338] : memref<50000xf32, #tpu.memory_space<hbm>> -> memref<50000xf32, #tpu.memory_space<hbm>>
    tpu.wait_indirect_dma semaphore(%arg47 : memref<!tpu.dma_semaphore, #tpu.memory_space<semaphore_mem>>) src(%dma_wait3A_339 : memref<50000xf32, #tpu.memory_space<hbm>>) dst(%dma_wait3A_335 : memref<128xf32, #tpu.memory_space<vmem>>)
    %dma_wait3A_340 = arith.constant 128 : i32
    %dma_wait3A_341 = tpu.memref_slice %arg41[%dma_wait3A_340] : memref<2048xf32, #tpu.memory_space<vmem>> -> memref<128xf32, #tpu.memory_space<vmem>>
    %dma_wait3A_342 = arith.constant 128 : i32
    %dma_wait3A_343 = tpu.memref_slice %arg39[%dma_wait3A_342] : memref<2048xi32, #tpu.memory_space<vmem>> -> memref<128xi32, #tpu.memory_space<vmem>>
    %dma_wait3A_344 = arith.constant 0 : i32
    %dma_wait3A_345 = tpu.memref_slice %arg14[%dma_wait3A_344] : memref<50000xf32, #tpu.memory_space<hbm>> -> memref<50000xf32, #tpu.memory_space<hbm>>
    tpu.wait_indirect_dma semaphore(%arg47 : memref<!tpu.dma_semaphore, #tpu.memory_space<semaphore_mem>>) src(%dma_wait3A_345 : memref<50000xf32, #tpu.memory_space<hbm>>) dst(%dma_wait3A_341 : memref<128xf32, #tpu.memory_space<vmem>>)
    %dma_wait3A_346 = arith.constant 128 : i32
    %dma_wait3A_347 = tpu.memref_slice %arg42[%dma_wait3A_346] : memref<2048xf32, #tpu.memory_space<vmem>> -> memref<128xf32, #tpu.memory_space<vmem>>
    %dma_wait3A_348 = arith.constant 128 : i32
    %dma_wait3A_349 = tpu.memref_slice %arg39[%dma_wait3A_348] : memref<2048xi32, #tpu.memory_space<vmem>> -> memref<128xi32, #tpu.memory_space<vmem>>
    %dma_wait3A_350 = arith.constant 0 : i32
    %dma_wait3A_351 = tpu.memref_slice %arg15[%dma_wait3A_350] : memref<50000xf32, #tpu.memory_space<hbm>> -> memref<50000xf32, #tpu.memory_space<hbm>>
    tpu.wait_indirect_dma semaphore(%arg47 : memref<!tpu.dma_semaphore, #tpu.memory_space<semaphore_mem>>) src(%dma_wait3A_351 : memref<50000xf32, #tpu.memory_space<hbm>>) dst(%dma_wait3A_347 : memref<128xf32, #tpu.memory_space<vmem>>)
    %dma_wait3A_352 = arith.constant 256 : i32
    %dma_wait3A_353 = tpu.memref_slice %arg40[%dma_wait3A_352] : memref<2048xf32, #tpu.memory_space<vmem>> -> memref<128xf32, #tpu.memory_space<vmem>>
    %dma_wait3A_354 = arith.constant 256 : i32
    %dma_wait3A_355 = tpu.memref_slice %arg39[%dma_wait3A_354] : memref<2048xi32, #tpu.memory_space<vmem>> -> memref<128xi32, #tpu.memory_space<vmem>>
    %dma_wait3A_356 = arith.constant 0 : i32
    %dma_wait3A_357 = tpu.memref_slice %arg13[%dma_wait3A_356] : memref<50000xf32, #tpu.memory_space<hbm>> -> memref<50000xf32, #tpu.memory_space<hbm>>
    tpu.wait_indirect_dma semaphore(%arg47 : memref<!tpu.dma_semaphore, #tpu.memory_space<semaphore_mem>>) src(%dma_wait3A_357 : memref<50000xf32, #tpu.memory_space<hbm>>) dst(%dma_wait3A_353 : memref<128xf32, #tpu.memory_space<vmem>>)
    %dma_wait3A_358 = arith.constant 256 : i32
    %dma_wait3A_359 = tpu.memref_slice %arg41[%dma_wait3A_358] : memref<2048xf32, #tpu.memory_space<vmem>> -> memref<128xf32, #tpu.memory_space<vmem>>
    %dma_wait3A_360 = arith.constant 256 : i32
    %dma_wait3A_361 = tpu.memref_slice %arg39[%dma_wait3A_360] : memref<2048xi32, #tpu.memory_space<vmem>> -> memref<128xi32, #tpu.memory_space<vmem>>
    %dma_wait3A_362 = arith.constant 0 : i32
    %dma_wait3A_363 = tpu.memref_slice %arg14[%dma_wait3A_362] : memref<50000xf32, #tpu.memory_space<hbm>> -> memref<50000xf32, #tpu.memory_space<hbm>>
    tpu.wait_indirect_dma semaphore(%arg47 : memref<!tpu.dma_semaphore, #tpu.memory_space<semaphore_mem>>) src(%dma_wait3A_363 : memref<50000xf32, #tpu.memory_space<hbm>>) dst(%dma_wait3A_359 : memref<128xf32, #tpu.memory_space<vmem>>)
    %dma_wait3A_364 = arith.constant 256 : i32
    %dma_wait3A_365 = tpu.memref_slice %arg42[%dma_wait3A_364] : memref<2048xf32, #tpu.memory_space<vmem>> -> memref<128xf32, #tpu.memory_space<vmem>>
    %dma_wait3A_366 = arith.constant 256 : i32
    %dma_wait3A_367 = tpu.memref_slice %arg39[%dma_wait3A_366] : memref<2048xi32, #tpu.memory_space<vmem>> -> memref<128xi32, #tpu.memory_space<vmem>>
    %dma_wait3A_368 = arith.constant 0 : i32
    %dma_wait3A_369 = tpu.memref_slice %arg15[%dma_wait3A_368] : memref<50000xf32, #tpu.memory_space<hbm>> -> memref<50000xf32, #tpu.memory_space<hbm>>
    tpu.wait_indirect_dma semaphore(%arg47 : memref<!tpu.dma_semaphore, #tpu.memory_space<semaphore_mem>>) src(%dma_wait3A_369 : memref<50000xf32, #tpu.memory_space<hbm>>) dst(%dma_wait3A_365 : memref<128xf32, #tpu.memory_space<vmem>>)
    %dma_wait3A_370 = arith.constant 384 : i32
    %dma_wait3A_371 = tpu.memref_slice %arg40[%dma_wait3A_370] : memref<2048xf32, #tpu.memory_space<vmem>> -> memref<128xf32, #tpu.memory_space<vmem>>
    %dma_wait3A_372 = arith.constant 384 : i32
    %dma_wait3A_373 = tpu.memref_slice %arg39[%dma_wait3A_372] : memref<2048xi32, #tpu.memory_space<vmem>> -> memref<128xi32, #tpu.memory_space<vmem>>
    %dma_wait3A_374 = arith.constant 0 : i32
    %dma_wait3A_375 = tpu.memref_slice %arg13[%dma_wait3A_374] : memref<50000xf32, #tpu.memory_space<hbm>> -> memref<50000xf32, #tpu.memory_space<hbm>>
    tpu.wait_indirect_dma semaphore(%arg47 : memref<!tpu.dma_semaphore, #tpu.memory_space<semaphore_mem>>) src(%dma_wait3A_375 : memref<50000xf32, #tpu.memory_space<hbm>>) dst(%dma_wait3A_371 : memref<128xf32, #tpu.memory_space<vmem>>)
    %dma_wait3A_376 = arith.constant 384 : i32
    %dma_wait3A_377 = tpu.memref_slice %arg41[%dma_wait3A_376] : memref<2048xf32, #tpu.memory_space<vmem>> -> memref<128xf32, #tpu.memory_space<vmem>>
    %dma_wait3A_378 = arith.constant 384 : i32
    %dma_wait3A_379 = tpu.memref_slice %arg39[%dma_wait3A_378] : memref<2048xi32, #tpu.memory_space<vmem>> -> memref<128xi32, #tpu.memory_space<vmem>>
    %dma_wait3A_380 = arith.constant 0 : i32
    %dma_wait3A_381 = tpu.memref_slice %arg14[%dma_wait3A_380] : memref<50000xf32, #tpu.memory_space<hbm>> -> memref<50000xf32, #tpu.memory_space<hbm>>
    tpu.wait_indirect_dma semaphore(%arg47 : memref<!tpu.dma_semaphore, #tpu.memory_space<semaphore_mem>>) src(%dma_wait3A_381 : memref<50000xf32, #tpu.memory_space<hbm>>) dst(%dma_wait3A_377 : memref<128xf32, #tpu.memory_space<vmem>>)
    %dma_wait3A_382 = arith.constant 384 : i32
    %dma_wait3A_383 = tpu.memref_slice %arg42[%dma_wait3A_382] : memref<2048xf32, #tpu.memory_space<vmem>> -> memref<128xf32, #tpu.memory_space<vmem>>
    %dma_wait3A_384 = arith.constant 384 : i32
    %dma_wait3A_385 = tpu.memref_slice %arg39[%dma_wait3A_384] : memref<2048xi32, #tpu.memory_space<vmem>> -> memref<128xi32, #tpu.memory_space<vmem>>
    %dma_wait3A_386 = arith.constant 0 : i32
    %dma_wait3A_387 = tpu.memref_slice %arg15[%dma_wait3A_386] : memref<50000xf32, #tpu.memory_space<hbm>> -> memref<50000xf32, #tpu.memory_space<hbm>>
    tpu.wait_indirect_dma semaphore(%arg47 : memref<!tpu.dma_semaphore, #tpu.memory_space<semaphore_mem>>) src(%dma_wait3A_387 : memref<50000xf32, #tpu.memory_space<hbm>>) dst(%dma_wait3A_383 : memref<128xf32, #tpu.memory_space<vmem>>)
    %dma_wait3A_388 = arith.constant 512 : i32
    %dma_wait3A_389 = tpu.memref_slice %arg40[%dma_wait3A_388] : memref<2048xf32, #tpu.memory_space<vmem>> -> memref<128xf32, #tpu.memory_space<vmem>>
    %dma_wait3A_390 = arith.constant 512 : i32
    %dma_wait3A_391 = tpu.memref_slice %arg39[%dma_wait3A_390] : memref<2048xi32, #tpu.memory_space<vmem>> -> memref<128xi32, #tpu.memory_space<vmem>>
    %dma_wait3A_392 = arith.constant 0 : i32
    %dma_wait3A_393 = tpu.memref_slice %arg13[%dma_wait3A_392] : memref<50000xf32, #tpu.memory_space<hbm>> -> memref<50000xf32, #tpu.memory_space<hbm>>
    tpu.wait_indirect_dma semaphore(%arg47 : memref<!tpu.dma_semaphore, #tpu.memory_space<semaphore_mem>>) src(%dma_wait3A_393 : memref<50000xf32, #tpu.memory_space<hbm>>) dst(%dma_wait3A_389 : memref<128xf32, #tpu.memory_space<vmem>>)
    %dma_wait3A_394 = arith.constant 512 : i32
    %dma_wait3A_395 = tpu.memref_slice %arg41[%dma_wait3A_394] : memref<2048xf32, #tpu.memory_space<vmem>> -> memref<128xf32, #tpu.memory_space<vmem>>
    %dma_wait3A_396 = arith.constant 512 : i32
    %dma_wait3A_397 = tpu.memref_slice %arg39[%dma_wait3A_396] : memref<2048xi32, #tpu.memory_space<vmem>> -> memref<128xi32, #tpu.memory_space<vmem>>
    %dma_wait3A_398 = arith.constant 0 : i32
    %dma_wait3A_399 = tpu.memref_slice %arg14[%dma_wait3A_398] : memref<50000xf32, #tpu.memory_space<hbm>> -> memref<50000xf32, #tpu.memory_space<hbm>>
    tpu.wait_indirect_dma semaphore(%arg47 : memref<!tpu.dma_semaphore, #tpu.memory_space<semaphore_mem>>) src(%dma_wait3A_399 : memref<50000xf32, #tpu.memory_space<hbm>>) dst(%dma_wait3A_395 : memref<128xf32, #tpu.memory_space<vmem>>)
    %dma_wait3A_400 = arith.constant 512 : i32
    %dma_wait3A_401 = tpu.memref_slice %arg42[%dma_wait3A_400] : memref<2048xf32, #tpu.memory_space<vmem>> -> memref<128xf32, #tpu.memory_space<vmem>>
    %dma_wait3A_402 = arith.constant 512 : i32
    %dma_wait3A_403 = tpu.memref_slice %arg39[%dma_wait3A_402] : memref<2048xi32, #tpu.memory_space<vmem>> -> memref<128xi32, #tpu.memory_space<vmem>>
    %dma_wait3A_404 = arith.constant 0 : i32
    %dma_wait3A_405 = tpu.memref_slice %arg15[%dma_wait3A_404] : memref<50000xf32, #tpu.memory_space<hbm>> -> memref<50000xf32, #tpu.memory_space<hbm>>
    tpu.wait_indirect_dma semaphore(%arg47 : memref<!tpu.dma_semaphore, #tpu.memory_space<semaphore_mem>>) src(%dma_wait3A_405 : memref<50000xf32, #tpu.memory_space<hbm>>) dst(%dma_wait3A_401 : memref<128xf32, #tpu.memory_space<vmem>>)
    %dma_wait3A_406 = arith.constant 640 : i32
    %dma_wait3A_407 = tpu.memref_slice %arg40[%dma_wait3A_406] : memref<2048xf32, #tpu.memory_space<vmem>> -> memref<128xf32, #tpu.memory_space<vmem>>
    %dma_wait3A_408 = arith.constant 640 : i32
    %dma_wait3A_409 = tpu.memref_slice %arg39[%dma_wait3A_408] : memref<2048xi32, #tpu.memory_space<vmem>> -> memref<128xi32, #tpu.memory_space<vmem>>
    %dma_wait3A_410 = arith.constant 0 : i32
    %dma_wait3A_411 = tpu.memref_slice %arg13[%dma_wait3A_410] : memref<50000xf32, #tpu.memory_space<hbm>> -> memref<50000xf32, #tpu.memory_space<hbm>>
    tpu.wait_indirect_dma semaphore(%arg47 : memref<!tpu.dma_semaphore, #tpu.memory_space<semaphore_mem>>) src(%dma_wait3A_411 : memref<50000xf32, #tpu.memory_space<hbm>>) dst(%dma_wait3A_407 : memref<128xf32, #tpu.memory_space<vmem>>)
    %dma_wait3A_412 = arith.constant 640 : i32
    %dma_wait3A_413 = tpu.memref_slice %arg41[%dma_wait3A_412] : memref<2048xf32, #tpu.memory_space<vmem>> -> memref<128xf32, #tpu.memory_space<vmem>>
    %dma_wait3A_414 = arith.constant 640 : i32
    %dma_wait3A_415 = tpu.memref_slice %arg39[%dma_wait3A_414] : memref<2048xi32, #tpu.memory_space<vmem>> -> memref<128xi32, #tpu.memory_space<vmem>>
    %dma_wait3A_416 = arith.constant 0 : i32
    %dma_wait3A_417 = tpu.memref_slice %arg14[%dma_wait3A_416] : memref<50000xf32, #tpu.memory_space<hbm>> -> memref<50000xf32, #tpu.memory_space<hbm>>
    tpu.wait_indirect_dma semaphore(%arg47 : memref<!tpu.dma_semaphore, #tpu.memory_space<semaphore_mem>>) src(%dma_wait3A_417 : memref<50000xf32, #tpu.memory_space<hbm>>) dst(%dma_wait3A_413 : memref<128xf32, #tpu.memory_space<vmem>>)
    %dma_wait3A_418 = arith.constant 640 : i32
    %dma_wait3A_419 = tpu.memref_slice %arg42[%dma_wait3A_418] : memref<2048xf32, #tpu.memory_space<vmem>> -> memref<128xf32, #tpu.memory_space<vmem>>
    %dma_wait3A_420 = arith.constant 640 : i32
    %dma_wait3A_421 = tpu.memref_slice %arg39[%dma_wait3A_420] : memref<2048xi32, #tpu.memory_space<vmem>> -> memref<128xi32, #tpu.memory_space<vmem>>
    %dma_wait3A_422 = arith.constant 0 : i32
    %dma_wait3A_423 = tpu.memref_slice %arg15[%dma_wait3A_422] : memref<50000xf32, #tpu.memory_space<hbm>> -> memref<50000xf32, #tpu.memory_space<hbm>>
    tpu.wait_indirect_dma semaphore(%arg47 : memref<!tpu.dma_semaphore, #tpu.memory_space<semaphore_mem>>) src(%dma_wait3A_423 : memref<50000xf32, #tpu.memory_space<hbm>>) dst(%dma_wait3A_419 : memref<128xf32, #tpu.memory_space<vmem>>)
    %dma_wait3A_424 = arith.constant 768 : i32
    %dma_wait3A_425 = tpu.memref_slice %arg40[%dma_wait3A_424] : memref<2048xf32, #tpu.memory_space<vmem>> -> memref<128xf32, #tpu.memory_space<vmem>>
    %dma_wait3A_426 = arith.constant 768 : i32
    %dma_wait3A_427 = tpu.memref_slice %arg39[%dma_wait3A_426] : memref<2048xi32, #tpu.memory_space<vmem>> -> memref<128xi32, #tpu.memory_space<vmem>>
    %dma_wait3A_428 = arith.constant 0 : i32
    %dma_wait3A_429 = tpu.memref_slice %arg13[%dma_wait3A_428] : memref<50000xf32, #tpu.memory_space<hbm>> -> memref<50000xf32, #tpu.memory_space<hbm>>
    tpu.wait_indirect_dma semaphore(%arg47 : memref<!tpu.dma_semaphore, #tpu.memory_space<semaphore_mem>>) src(%dma_wait3A_429 : memref<50000xf32, #tpu.memory_space<hbm>>) dst(%dma_wait3A_425 : memref<128xf32, #tpu.memory_space<vmem>>)
    %dma_wait3A_430 = arith.constant 768 : i32
    %dma_wait3A_431 = tpu.memref_slice %arg41[%dma_wait3A_430] : memref<2048xf32, #tpu.memory_space<vmem>> -> memref<128xf32, #tpu.memory_space<vmem>>
    %dma_wait3A_432 = arith.constant 768 : i32
    %dma_wait3A_433 = tpu.memref_slice %arg39[%dma_wait3A_432] : memref<2048xi32, #tpu.memory_space<vmem>> -> memref<128xi32, #tpu.memory_space<vmem>>
    %dma_wait3A_434 = arith.constant 0 : i32
    %dma_wait3A_435 = tpu.memref_slice %arg14[%dma_wait3A_434] : memref<50000xf32, #tpu.memory_space<hbm>> -> memref<50000xf32, #tpu.memory_space<hbm>>
    tpu.wait_indirect_dma semaphore(%arg47 : memref<!tpu.dma_semaphore, #tpu.memory_space<semaphore_mem>>) src(%dma_wait3A_435 : memref<50000xf32, #tpu.memory_space<hbm>>) dst(%dma_wait3A_431 : memref<128xf32, #tpu.memory_space<vmem>>)
    %dma_wait3A_436 = arith.constant 768 : i32
    %dma_wait3A_437 = tpu.memref_slice %arg42[%dma_wait3A_436] : memref<2048xf32, #tpu.memory_space<vmem>> -> memref<128xf32, #tpu.memory_space<vmem>>
    %dma_wait3A_438 = arith.constant 768 : i32
    %dma_wait3A_439 = tpu.memref_slice %arg39[%dma_wait3A_438] : memref<2048xi32, #tpu.memory_space<vmem>> -> memref<128xi32, #tpu.memory_space<vmem>>
    %dma_wait3A_440 = arith.constant 0 : i32
    %dma_wait3A_441 = tpu.memref_slice %arg15[%dma_wait3A_440] : memref<50000xf32, #tpu.memory_space<hbm>> -> memref<50000xf32, #tpu.memory_space<hbm>>
    tpu.wait_indirect_dma semaphore(%arg47 : memref<!tpu.dma_semaphore, #tpu.memory_space<semaphore_mem>>) src(%dma_wait3A_441 : memref<50000xf32, #tpu.memory_space<hbm>>) dst(%dma_wait3A_437 : memref<128xf32, #tpu.memory_space<vmem>>)
    %dma_wait3A_442 = arith.constant 896 : i32
    %dma_wait3A_443 = tpu.memref_slice %arg40[%dma_wait3A_442] : memref<2048xf32, #tpu.memory_space<vmem>> -> memref<128xf32, #tpu.memory_space<vmem>>
    %dma_wait3A_444 = arith.constant 896 : i32
    %dma_wait3A_445 = tpu.memref_slice %arg39[%dma_wait3A_444] : memref<2048xi32, #tpu.memory_space<vmem>> -> memref<128xi32, #tpu.memory_space<vmem>>
    %dma_wait3A_446 = arith.constant 0 : i32
    %dma_wait3A_447 = tpu.memref_slice %arg13[%dma_wait3A_446] : memref<50000xf32, #tpu.memory_space<hbm>> -> memref<50000xf32, #tpu.memory_space<hbm>>
    tpu.wait_indirect_dma semaphore(%arg47 : memref<!tpu.dma_semaphore, #tpu.memory_space<semaphore_mem>>) src(%dma_wait3A_447 : memref<50000xf32, #tpu.memory_space<hbm>>) dst(%dma_wait3A_443 : memref<128xf32, #tpu.memory_space<vmem>>)
    %dma_wait3A_448 = arith.constant 896 : i32
    %dma_wait3A_449 = tpu.memref_slice %arg41[%dma_wait3A_448] : memref<2048xf32, #tpu.memory_space<vmem>> -> memref<128xf32, #tpu.memory_space<vmem>>
    %dma_wait3A_450 = arith.constant 896 : i32
    %dma_wait3A_451 = tpu.memref_slice %arg39[%dma_wait3A_450] : memref<2048xi32, #tpu.memory_space<vmem>> -> memref<128xi32, #tpu.memory_space<vmem>>
    %dma_wait3A_452 = arith.constant 0 : i32
    %dma_wait3A_453 = tpu.memref_slice %arg14[%dma_wait3A_452] : memref<50000xf32, #tpu.memory_space<hbm>> -> memref<50000xf32, #tpu.memory_space<hbm>>
    tpu.wait_indirect_dma semaphore(%arg47 : memref<!tpu.dma_semaphore, #tpu.memory_space<semaphore_mem>>) src(%dma_wait3A_453 : memref<50000xf32, #tpu.memory_space<hbm>>) dst(%dma_wait3A_449 : memref<128xf32, #tpu.memory_space<vmem>>)
    %dma_wait3A_454 = arith.constant 896 : i32
    %dma_wait3A_455 = tpu.memref_slice %arg42[%dma_wait3A_454] : memref<2048xf32, #tpu.memory_space<vmem>> -> memref<128xf32, #tpu.memory_space<vmem>>
    %dma_wait3A_456 = arith.constant 896 : i32
    %dma_wait3A_457 = tpu.memref_slice %arg39[%dma_wait3A_456] : memref<2048xi32, #tpu.memory_space<vmem>> -> memref<128xi32, #tpu.memory_space<vmem>>
    %dma_wait3A_458 = arith.constant 0 : i32
    %dma_wait3A_459 = tpu.memref_slice %arg15[%dma_wait3A_458] : memref<50000xf32, #tpu.memory_space<hbm>> -> memref<50000xf32, #tpu.memory_space<hbm>>
    tpu.wait_indirect_dma semaphore(%arg47 : memref<!tpu.dma_semaphore, #tpu.memory_space<semaphore_mem>>) src(%dma_wait3A_459 : memref<50000xf32, #tpu.memory_space<hbm>>) dst(%dma_wait3A_455 : memref<128xf32, #tpu.memory_space<vmem>>)
    %dma_wait3A_460 = arith.constant 1024 : i32
    %dma_wait3A_461 = tpu.memref_slice %arg40[%dma_wait3A_460] : memref<2048xf32, #tpu.memory_space<vmem>> -> memref<128xf32, #tpu.memory_space<vmem>>
    %dma_wait3A_462 = arith.constant 1024 : i32
    %dma_wait3A_463 = tpu.memref_slice %arg39[%dma_wait3A_462] : memref<2048xi32, #tpu.memory_space<vmem>> -> memref<128xi32, #tpu.memory_space<vmem>>
    %dma_wait3A_464 = arith.constant 0 : i32
    %dma_wait3A_465 = tpu.memref_slice %arg13[%dma_wait3A_464] : memref<50000xf32, #tpu.memory_space<hbm>> -> memref<50000xf32, #tpu.memory_space<hbm>>
    tpu.wait_indirect_dma semaphore(%arg47 : memref<!tpu.dma_semaphore, #tpu.memory_space<semaphore_mem>>) src(%dma_wait3A_465 : memref<50000xf32, #tpu.memory_space<hbm>>) dst(%dma_wait3A_461 : memref<128xf32, #tpu.memory_space<vmem>>)
    %dma_wait3A_466 = arith.constant 1024 : i32
    %dma_wait3A_467 = tpu.memref_slice %arg41[%dma_wait3A_466] : memref<2048xf32, #tpu.memory_space<vmem>> -> memref<128xf32, #tpu.memory_space<vmem>>
    %dma_wait3A_468 = arith.constant 1024 : i32
    %dma_wait3A_469 = tpu.memref_slice %arg39[%dma_wait3A_468] : memref<2048xi32, #tpu.memory_space<vmem>> -> memref<128xi32, #tpu.memory_space<vmem>>
    %dma_wait3A_470 = arith.constant 0 : i32
    %dma_wait3A_471 = tpu.memref_slice %arg14[%dma_wait3A_470] : memref<50000xf32, #tpu.memory_space<hbm>> -> memref<50000xf32, #tpu.memory_space<hbm>>
    tpu.wait_indirect_dma semaphore(%arg47 : memref<!tpu.dma_semaphore, #tpu.memory_space<semaphore_mem>>) src(%dma_wait3A_471 : memref<50000xf32, #tpu.memory_space<hbm>>) dst(%dma_wait3A_467 : memref<128xf32, #tpu.memory_space<vmem>>)
    %dma_wait3A_472 = arith.constant 1024 : i32
    %dma_wait3A_473 = tpu.memref_slice %arg42[%dma_wait3A_472] : memref<2048xf32, #tpu.memory_space<vmem>> -> memref<128xf32, #tpu.memory_space<vmem>>
    %dma_wait3A_474 = arith.constant 1024 : i32
    %dma_wait3A_475 = tpu.memref_slice %arg39[%dma_wait3A_474] : memref<2048xi32, #tpu.memory_space<vmem>> -> memref<128xi32, #tpu.memory_space<vmem>>
    %dma_wait3A_476 = arith.constant 0 : i32
    %dma_wait3A_477 = tpu.memref_slice %arg15[%dma_wait3A_476] : memref<50000xf32, #tpu.memory_space<hbm>> -> memref<50000xf32, #tpu.memory_space<hbm>>
    tpu.wait_indirect_dma semaphore(%arg47 : memref<!tpu.dma_semaphore, #tpu.memory_space<semaphore_mem>>) src(%dma_wait3A_477 : memref<50000xf32, #tpu.memory_space<hbm>>) dst(%dma_wait3A_473 : memref<128xf32, #tpu.memory_space<vmem>>)
    %dma_wait3A_478 = arith.constant 1152 : i32
    %dma_wait3A_479 = tpu.memref_slice %arg40[%dma_wait3A_478] : memref<2048xf32, #tpu.memory_space<vmem>> -> memref<128xf32, #tpu.memory_space<vmem>>
    %dma_wait3A_480 = arith.constant 1152 : i32
    %dma_wait3A_481 = tpu.memref_slice %arg39[%dma_wait3A_480] : memref<2048xi32, #tpu.memory_space<vmem>> -> memref<128xi32, #tpu.memory_space<vmem>>
    %dma_wait3A_482 = arith.constant 0 : i32
    %dma_wait3A_483 = tpu.memref_slice %arg13[%dma_wait3A_482] : memref<50000xf32, #tpu.memory_space<hbm>> -> memref<50000xf32, #tpu.memory_space<hbm>>
    tpu.wait_indirect_dma semaphore(%arg47 : memref<!tpu.dma_semaphore, #tpu.memory_space<semaphore_mem>>) src(%dma_wait3A_483 : memref<50000xf32, #tpu.memory_space<hbm>>) dst(%dma_wait3A_479 : memref<128xf32, #tpu.memory_space<vmem>>)
    %dma_wait3A_484 = arith.constant 1152 : i32
    %dma_wait3A_485 = tpu.memref_slice %arg41[%dma_wait3A_484] : memref<2048xf32, #tpu.memory_space<vmem>> -> memref<128xf32, #tpu.memory_space<vmem>>
    %dma_wait3A_486 = arith.constant 1152 : i32
    %dma_wait3A_487 = tpu.memref_slice %arg39[%dma_wait3A_486] : memref<2048xi32, #tpu.memory_space<vmem>> -> memref<128xi32, #tpu.memory_space<vmem>>
    %dma_wait3A_488 = arith.constant 0 : i32
    %dma_wait3A_489 = tpu.memref_slice %arg14[%dma_wait3A_488] : memref<50000xf32, #tpu.memory_space<hbm>> -> memref<50000xf32, #tpu.memory_space<hbm>>
    tpu.wait_indirect_dma semaphore(%arg47 : memref<!tpu.dma_semaphore, #tpu.memory_space<semaphore_mem>>) src(%dma_wait3A_489 : memref<50000xf32, #tpu.memory_space<hbm>>) dst(%dma_wait3A_485 : memref<128xf32, #tpu.memory_space<vmem>>)
    %dma_wait3A_490 = arith.constant 1152 : i32
    %dma_wait3A_491 = tpu.memref_slice %arg42[%dma_wait3A_490] : memref<2048xf32, #tpu.memory_space<vmem>> -> memref<128xf32, #tpu.memory_space<vmem>>
    %dma_wait3A_492 = arith.constant 1152 : i32
    %dma_wait3A_493 = tpu.memref_slice %arg39[%dma_wait3A_492] : memref<2048xi32, #tpu.memory_space<vmem>> -> memref<128xi32, #tpu.memory_space<vmem>>
    %dma_wait3A_494 = arith.constant 0 : i32
    %dma_wait3A_495 = tpu.memref_slice %arg15[%dma_wait3A_494] : memref<50000xf32, #tpu.memory_space<hbm>> -> memref<50000xf32, #tpu.memory_space<hbm>>
    tpu.wait_indirect_dma semaphore(%arg47 : memref<!tpu.dma_semaphore, #tpu.memory_space<semaphore_mem>>) src(%dma_wait3A_495 : memref<50000xf32, #tpu.memory_space<hbm>>) dst(%dma_wait3A_491 : memref<128xf32, #tpu.memory_space<vmem>>)
    %dma_wait3A_496 = arith.constant 1280 : i32
    %dma_wait3A_497 = tpu.memref_slice %arg40[%dma_wait3A_496] : memref<2048xf32, #tpu.memory_space<vmem>> -> memref<128xf32, #tpu.memory_space<vmem>>
    %dma_wait3A_498 = arith.constant 1280 : i32
    %dma_wait3A_499 = tpu.memref_slice %arg39[%dma_wait3A_498] : memref<2048xi32, #tpu.memory_space<vmem>> -> memref<128xi32, #tpu.memory_space<vmem>>
    %dma_wait3A_500 = arith.constant 0 : i32
    %dma_wait3A_501 = tpu.memref_slice %arg13[%dma_wait3A_500] : memref<50000xf32, #tpu.memory_space<hbm>> -> memref<50000xf32, #tpu.memory_space<hbm>>
    tpu.wait_indirect_dma semaphore(%arg47 : memref<!tpu.dma_semaphore, #tpu.memory_space<semaphore_mem>>) src(%dma_wait3A_501 : memref<50000xf32, #tpu.memory_space<hbm>>) dst(%dma_wait3A_497 : memref<128xf32, #tpu.memory_space<vmem>>)
    %dma_wait3A_502 = arith.constant 1280 : i32
    %dma_wait3A_503 = tpu.memref_slice %arg41[%dma_wait3A_502] : memref<2048xf32, #tpu.memory_space<vmem>> -> memref<128xf32, #tpu.memory_space<vmem>>
    %dma_wait3A_504 = arith.constant 1280 : i32
    %dma_wait3A_505 = tpu.memref_slice %arg39[%dma_wait3A_504] : memref<2048xi32, #tpu.memory_space<vmem>> -> memref<128xi32, #tpu.memory_space<vmem>>
    %dma_wait3A_506 = arith.constant 0 : i32
    %dma_wait3A_507 = tpu.memref_slice %arg14[%dma_wait3A_506] : memref<50000xf32, #tpu.memory_space<hbm>> -> memref<50000xf32, #tpu.memory_space<hbm>>
    tpu.wait_indirect_dma semaphore(%arg47 : memref<!tpu.dma_semaphore, #tpu.memory_space<semaphore_mem>>) src(%dma_wait3A_507 : memref<50000xf32, #tpu.memory_space<hbm>>) dst(%dma_wait3A_503 : memref<128xf32, #tpu.memory_space<vmem>>)
    %dma_wait3A_508 = arith.constant 1280 : i32
    %dma_wait3A_509 = tpu.memref_slice %arg42[%dma_wait3A_508] : memref<2048xf32, #tpu.memory_space<vmem>> -> memref<128xf32, #tpu.memory_space<vmem>>
    %dma_wait3A_510 = arith.constant 1280 : i32
    %dma_wait3A_511 = tpu.memref_slice %arg39[%dma_wait3A_510] : memref<2048xi32, #tpu.memory_space<vmem>> -> memref<128xi32, #tpu.memory_space<vmem>>
    %dma_wait3A_512 = arith.constant 0 : i32
    %dma_wait3A_513 = tpu.memref_slice %arg15[%dma_wait3A_512] : memref<50000xf32, #tpu.memory_space<hbm>> -> memref<50000xf32, #tpu.memory_space<hbm>>
    tpu.wait_indirect_dma semaphore(%arg47 : memref<!tpu.dma_semaphore, #tpu.memory_space<semaphore_mem>>) src(%dma_wait3A_513 : memref<50000xf32, #tpu.memory_space<hbm>>) dst(%dma_wait3A_509 : memref<128xf32, #tpu.memory_space<vmem>>)
    %dma_wait3A_514 = arith.constant 1408 : i32
    %dma_wait3A_515 = tpu.memref_slice %arg40[%dma_wait3A_514] : memref<2048xf32, #tpu.memory_space<vmem>> -> memref<128xf32, #tpu.memory_space<vmem>>
    %dma_wait3A_516 = arith.constant 1408 : i32
    %dma_wait3A_517 = tpu.memref_slice %arg39[%dma_wait3A_516] : memref<2048xi32, #tpu.memory_space<vmem>> -> memref<128xi32, #tpu.memory_space<vmem>>
    %dma_wait3A_518 = arith.constant 0 : i32
    %dma_wait3A_519 = tpu.memref_slice %arg13[%dma_wait3A_518] : memref<50000xf32, #tpu.memory_space<hbm>> -> memref<50000xf32, #tpu.memory_space<hbm>>
    tpu.wait_indirect_dma semaphore(%arg47 : memref<!tpu.dma_semaphore, #tpu.memory_space<semaphore_mem>>) src(%dma_wait3A_519 : memref<50000xf32, #tpu.memory_space<hbm>>) dst(%dma_wait3A_515 : memref<128xf32, #tpu.memory_space<vmem>>)
    %dma_wait3A_520 = arith.constant 1408 : i32
    %dma_wait3A_521 = tpu.memref_slice %arg41[%dma_wait3A_520] : memref<2048xf32, #tpu.memory_space<vmem>> -> memref<128xf32, #tpu.memory_space<vmem>>
    %dma_wait3A_522 = arith.constant 1408 : i32
    %dma_wait3A_523 = tpu.memref_slice %arg39[%dma_wait3A_522] : memref<2048xi32, #tpu.memory_space<vmem>> -> memref<128xi32, #tpu.memory_space<vmem>>
    %dma_wait3A_524 = arith.constant 0 : i32
    %dma_wait3A_525 = tpu.memref_slice %arg14[%dma_wait3A_524] : memref<50000xf32, #tpu.memory_space<hbm>> -> memref<50000xf32, #tpu.memory_space<hbm>>
    tpu.wait_indirect_dma semaphore(%arg47 : memref<!tpu.dma_semaphore, #tpu.memory_space<semaphore_mem>>) src(%dma_wait3A_525 : memref<50000xf32, #tpu.memory_space<hbm>>) dst(%dma_wait3A_521 : memref<128xf32, #tpu.memory_space<vmem>>)
    %dma_wait3A_526 = arith.constant 1408 : i32
    %dma_wait3A_527 = tpu.memref_slice %arg42[%dma_wait3A_526] : memref<2048xf32, #tpu.memory_space<vmem>> -> memref<128xf32, #tpu.memory_space<vmem>>
    %dma_wait3A_528 = arith.constant 1408 : i32
    %dma_wait3A_529 = tpu.memref_slice %arg39[%dma_wait3A_528] : memref<2048xi32, #tpu.memory_space<vmem>> -> memref<128xi32, #tpu.memory_space<vmem>>
    %dma_wait3A_530 = arith.constant 0 : i32
    %dma_wait3A_531 = tpu.memref_slice %arg15[%dma_wait3A_530] : memref<50000xf32, #tpu.memory_space<hbm>> -> memref<50000xf32, #tpu.memory_space<hbm>>
    tpu.wait_indirect_dma semaphore(%arg47 : memref<!tpu.dma_semaphore, #tpu.memory_space<semaphore_mem>>) src(%dma_wait3A_531 : memref<50000xf32, #tpu.memory_space<hbm>>) dst(%dma_wait3A_527 : memref<128xf32, #tpu.memory_space<vmem>>)
    %dma_wait3A_532 = arith.constant 1536 : i32
    %dma_wait3A_533 = tpu.memref_slice %arg40[%dma_wait3A_532] : memref<2048xf32, #tpu.memory_space<vmem>> -> memref<128xf32, #tpu.memory_space<vmem>>
    %dma_wait3A_534 = arith.constant 1536 : i32
    %dma_wait3A_535 = tpu.memref_slice %arg39[%dma_wait3A_534] : memref<2048xi32, #tpu.memory_space<vmem>> -> memref<128xi32, #tpu.memory_space<vmem>>
    %dma_wait3A_536 = arith.constant 0 : i32
    %dma_wait3A_537 = tpu.memref_slice %arg13[%dma_wait3A_536] : memref<50000xf32, #tpu.memory_space<hbm>> -> memref<50000xf32, #tpu.memory_space<hbm>>
    tpu.wait_indirect_dma semaphore(%arg47 : memref<!tpu.dma_semaphore, #tpu.memory_space<semaphore_mem>>) src(%dma_wait3A_537 : memref<50000xf32, #tpu.memory_space<hbm>>) dst(%dma_wait3A_533 : memref<128xf32, #tpu.memory_space<vmem>>)
    %dma_wait3A_538 = arith.constant 1536 : i32
    %dma_wait3A_539 = tpu.memref_slice %arg41[%dma_wait3A_538] : memref<2048xf32, #tpu.memory_space<vmem>> -> memref<128xf32, #tpu.memory_space<vmem>>
    %dma_wait3A_540 = arith.constant 1536 : i32
    %dma_wait3A_541 = tpu.memref_slice %arg39[%dma_wait3A_540] : memref<2048xi32, #tpu.memory_space<vmem>> -> memref<128xi32, #tpu.memory_space<vmem>>
    %dma_wait3A_542 = arith.constant 0 : i32
    %dma_wait3A_543 = tpu.memref_slice %arg14[%dma_wait3A_542] : memref<50000xf32, #tpu.memory_space<hbm>> -> memref<50000xf32, #tpu.memory_space<hbm>>
    tpu.wait_indirect_dma semaphore(%arg47 : memref<!tpu.dma_semaphore, #tpu.memory_space<semaphore_mem>>) src(%dma_wait3A_543 : memref<50000xf32, #tpu.memory_space<hbm>>) dst(%dma_wait3A_539 : memref<128xf32, #tpu.memory_space<vmem>>)
    %dma_wait3A_544 = arith.constant 1536 : i32
    %dma_wait3A_545 = tpu.memref_slice %arg42[%dma_wait3A_544] : memref<2048xf32, #tpu.memory_space<vmem>> -> memref<128xf32, #tpu.memory_space<vmem>>
    %dma_wait3A_546 = arith.constant 1536 : i32
    %dma_wait3A_547 = tpu.memref_slice %arg39[%dma_wait3A_546] : memref<2048xi32, #tpu.memory_space<vmem>> -> memref<128xi32, #tpu.memory_space<vmem>>
    %dma_wait3A_548 = arith.constant 0 : i32
    %dma_wait3A_549 = tpu.memref_slice %arg15[%dma_wait3A_548] : memref<50000xf32, #tpu.memory_space<hbm>> -> memref<50000xf32, #tpu.memory_space<hbm>>
    tpu.wait_indirect_dma semaphore(%arg47 : memref<!tpu.dma_semaphore, #tpu.memory_space<semaphore_mem>>) src(%dma_wait3A_549 : memref<50000xf32, #tpu.memory_space<hbm>>) dst(%dma_wait3A_545 : memref<128xf32, #tpu.memory_space<vmem>>)
    %dma_wait3A_550 = arith.constant 1664 : i32
    %dma_wait3A_551 = tpu.memref_slice %arg40[%dma_wait3A_550] : memref<2048xf32, #tpu.memory_space<vmem>> -> memref<128xf32, #tpu.memory_space<vmem>>
    %dma_wait3A_552 = arith.constant 1664 : i32
    %dma_wait3A_553 = tpu.memref_slice %arg39[%dma_wait3A_552] : memref<2048xi32, #tpu.memory_space<vmem>> -> memref<128xi32, #tpu.memory_space<vmem>>
    %dma_wait3A_554 = arith.constant 0 : i32
    %dma_wait3A_555 = tpu.memref_slice %arg13[%dma_wait3A_554] : memref<50000xf32, #tpu.memory_space<hbm>> -> memref<50000xf32, #tpu.memory_space<hbm>>
    tpu.wait_indirect_dma semaphore(%arg47 : memref<!tpu.dma_semaphore, #tpu.memory_space<semaphore_mem>>) src(%dma_wait3A_555 : memref<50000xf32, #tpu.memory_space<hbm>>) dst(%dma_wait3A_551 : memref<128xf32, #tpu.memory_space<vmem>>)
    %dma_wait3A_556 = arith.constant 1664 : i32
    %dma_wait3A_557 = tpu.memref_slice %arg41[%dma_wait3A_556] : memref<2048xf32, #tpu.memory_space<vmem>> -> memref<128xf32, #tpu.memory_space<vmem>>
    %dma_wait3A_558 = arith.constant 1664 : i32
    %dma_wait3A_559 = tpu.memref_slice %arg39[%dma_wait3A_558] : memref<2048xi32, #tpu.memory_space<vmem>> -> memref<128xi32, #tpu.memory_space<vmem>>
    %dma_wait3A_560 = arith.constant 0 : i32
    %dma_wait3A_561 = tpu.memref_slice %arg14[%dma_wait3A_560] : memref<50000xf32, #tpu.memory_space<hbm>> -> memref<50000xf32, #tpu.memory_space<hbm>>
    tpu.wait_indirect_dma semaphore(%arg47 : memref<!tpu.dma_semaphore, #tpu.memory_space<semaphore_mem>>) src(%dma_wait3A_561 : memref<50000xf32, #tpu.memory_space<hbm>>) dst(%dma_wait3A_557 : memref<128xf32, #tpu.memory_space<vmem>>)
    %dma_wait3A_562 = arith.constant 1664 : i32
    %dma_wait3A_563 = tpu.memref_slice %arg42[%dma_wait3A_562] : memref<2048xf32, #tpu.memory_space<vmem>> -> memref<128xf32, #tpu.memory_space<vmem>>
    %dma_wait3A_564 = arith.constant 1664 : i32
    %dma_wait3A_565 = tpu.memref_slice %arg39[%dma_wait3A_564] : memref<2048xi32, #tpu.memory_space<vmem>> -> memref<128xi32, #tpu.memory_space<vmem>>
    %dma_wait3A_566 = arith.constant 0 : i32
    %dma_wait3A_567 = tpu.memref_slice %arg15[%dma_wait3A_566] : memref<50000xf32, #tpu.memory_space<hbm>> -> memref<50000xf32, #tpu.memory_space<hbm>>
    tpu.wait_indirect_dma semaphore(%arg47 : memref<!tpu.dma_semaphore, #tpu.memory_space<semaphore_mem>>) src(%dma_wait3A_567 : memref<50000xf32, #tpu.memory_space<hbm>>) dst(%dma_wait3A_563 : memref<128xf32, #tpu.memory_space<vmem>>)
    %dma_wait3A_568 = arith.constant 1792 : i32
    %dma_wait3A_569 = tpu.memref_slice %arg40[%dma_wait3A_568] : memref<2048xf32, #tpu.memory_space<vmem>> -> memref<128xf32, #tpu.memory_space<vmem>>
    %dma_wait3A_570 = arith.constant 1792 : i32
    %dma_wait3A_571 = tpu.memref_slice %arg39[%dma_wait3A_570] : memref<2048xi32, #tpu.memory_space<vmem>> -> memref<128xi32, #tpu.memory_space<vmem>>
    %dma_wait3A_572 = arith.constant 0 : i32
    %dma_wait3A_573 = tpu.memref_slice %arg13[%dma_wait3A_572] : memref<50000xf32, #tpu.memory_space<hbm>> -> memref<50000xf32, #tpu.memory_space<hbm>>
    tpu.wait_indirect_dma semaphore(%arg47 : memref<!tpu.dma_semaphore, #tpu.memory_space<semaphore_mem>>) src(%dma_wait3A_573 : memref<50000xf32, #tpu.memory_space<hbm>>) dst(%dma_wait3A_569 : memref<128xf32, #tpu.memory_space<vmem>>)
    %dma_wait3A_574 = arith.constant 1792 : i32
    %dma_wait3A_575 = tpu.memref_slice %arg41[%dma_wait3A_574] : memref<2048xf32, #tpu.memory_space<vmem>> -> memref<128xf32, #tpu.memory_space<vmem>>
    %dma_wait3A_576 = arith.constant 1792 : i32
    %dma_wait3A_577 = tpu.memref_slice %arg39[%dma_wait3A_576] : memref<2048xi32, #tpu.memory_space<vmem>> -> memref<128xi32, #tpu.memory_space<vmem>>
    %dma_wait3A_578 = arith.constant 0 : i32
    %dma_wait3A_579 = tpu.memref_slice %arg14[%dma_wait3A_578] : memref<50000xf32, #tpu.memory_space<hbm>> -> memref<50000xf32, #tpu.memory_space<hbm>>
    tpu.wait_indirect_dma semaphore(%arg47 : memref<!tpu.dma_semaphore, #tpu.memory_space<semaphore_mem>>) src(%dma_wait3A_579 : memref<50000xf32, #tpu.memory_space<hbm>>) dst(%dma_wait3A_575 : memref<128xf32, #tpu.memory_space<vmem>>)
    %dma_wait3A_580 = arith.constant 1792 : i32
    %dma_wait3A_581 = tpu.memref_slice %arg42[%dma_wait3A_580] : memref<2048xf32, #tpu.memory_space<vmem>> -> memref<128xf32, #tpu.memory_space<vmem>>
    %dma_wait3A_582 = arith.constant 1792 : i32
    %dma_wait3A_583 = tpu.memref_slice %arg39[%dma_wait3A_582] : memref<2048xi32, #tpu.memory_space<vmem>> -> memref<128xi32, #tpu.memory_space<vmem>>
    %dma_wait3A_584 = arith.constant 0 : i32
    %dma_wait3A_585 = tpu.memref_slice %arg15[%dma_wait3A_584] : memref<50000xf32, #tpu.memory_space<hbm>> -> memref<50000xf32, #tpu.memory_space<hbm>>
    tpu.wait_indirect_dma semaphore(%arg47 : memref<!tpu.dma_semaphore, #tpu.memory_space<semaphore_mem>>) src(%dma_wait3A_585 : memref<50000xf32, #tpu.memory_space<hbm>>) dst(%dma_wait3A_581 : memref<128xf32, #tpu.memory_space<vmem>>)
    %dma_wait3A_586 = arith.constant 1920 : i32
    %dma_wait3A_587 = tpu.memref_slice %arg40[%dma_wait3A_586] : memref<2048xf32, #tpu.memory_space<vmem>> -> memref<128xf32, #tpu.memory_space<vmem>>
    %dma_wait3A_588 = arith.constant 1920 : i32
    %dma_wait3A_589 = tpu.memref_slice %arg39[%dma_wait3A_588] : memref<2048xi32, #tpu.memory_space<vmem>> -> memref<128xi32, #tpu.memory_space<vmem>>
    %dma_wait3A_590 = arith.constant 0 : i32
    %dma_wait3A_591 = tpu.memref_slice %arg13[%dma_wait3A_590] : memref<50000xf32, #tpu.memory_space<hbm>> -> memref<50000xf32, #tpu.memory_space<hbm>>
    tpu.wait_indirect_dma semaphore(%arg47 : memref<!tpu.dma_semaphore, #tpu.memory_space<semaphore_mem>>) src(%dma_wait3A_591 : memref<50000xf32, #tpu.memory_space<hbm>>) dst(%dma_wait3A_587 : memref<128xf32, #tpu.memory_space<vmem>>)
    %dma_wait3A_592 = arith.constant 1920 : i32
    %dma_wait3A_593 = tpu.memref_slice %arg41[%dma_wait3A_592] : memref<2048xf32, #tpu.memory_space<vmem>> -> memref<128xf32, #tpu.memory_space<vmem>>
    %dma_wait3A_594 = arith.constant 1920 : i32
    %dma_wait3A_595 = tpu.memref_slice %arg39[%dma_wait3A_594] : memref<2048xi32, #tpu.memory_space<vmem>> -> memref<128xi32, #tpu.memory_space<vmem>>
    %dma_wait3A_596 = arith.constant 0 : i32
    %dma_wait3A_597 = tpu.memref_slice %arg14[%dma_wait3A_596] : memref<50000xf32, #tpu.memory_space<hbm>> -> memref<50000xf32, #tpu.memory_space<hbm>>
    tpu.wait_indirect_dma semaphore(%arg47 : memref<!tpu.dma_semaphore, #tpu.memory_space<semaphore_mem>>) src(%dma_wait3A_597 : memref<50000xf32, #tpu.memory_space<hbm>>) dst(%dma_wait3A_593 : memref<128xf32, #tpu.memory_space<vmem>>)
    %dma_wait3A_598 = arith.constant 1920 : i32
    %dma_wait3A_599 = tpu.memref_slice %arg42[%dma_wait3A_598] : memref<2048xf32, #tpu.memory_space<vmem>> -> memref<128xf32, #tpu.memory_space<vmem>>
    %dma_wait3A_600 = arith.constant 1920 : i32
    %dma_wait3A_601 = tpu.memref_slice %arg39[%dma_wait3A_600] : memref<2048xi32, #tpu.memory_space<vmem>> -> memref<128xi32, #tpu.memory_space<vmem>>
    %dma_wait3A_602 = arith.constant 0 : i32
    %dma_wait3A_603 = tpu.memref_slice %arg15[%dma_wait3A_602] : memref<50000xf32, #tpu.memory_space<hbm>> -> memref<50000xf32, #tpu.memory_space<hbm>>
    tpu.wait_indirect_dma semaphore(%arg47 : memref<!tpu.dma_semaphore, #tpu.memory_space<semaphore_mem>>) src(%dma_wait3A_603 : memref<50000xf32, #tpu.memory_space<hbm>>) dst(%dma_wait3A_599 : memref<128xf32, #tpu.memory_space<vmem>>)
    %mul3A_604 = arith.constant 2048 : i32
    %mul3A_605 = arith.muli %add3A, %mul3A_604 : i32
    "tpu.region"() ({
      %run_scoped3A = tpu.sem_alloc : memref<!tpu.dma_semaphore, #tpu.memory_space<semaphore_mem>>
      %dma_start3A_608 = tpu.memref_slice %arg16[%mul3A_605] : memref<65536xi32, #tpu.memory_space<hbm>> -> memref<2048xi32, #tpu.memory_space<hbm>>
      %dma_start3A_609 = tpu.memref_slice %arg16[%mul3A_605] : memref<65536xi32, #tpu.memory_space<hbm>> -> memref<2048xi32, #tpu.memory_space<hbm>>
      tpu.enqueue_dma source(%arg39 : memref<2048xi32, #tpu.memory_space<vmem>>) target(%dma_start3A_609 : memref<2048xi32, #tpu.memory_space<hbm>>) target_semaphore(%run_scoped3A : memref<!tpu.dma_semaphore, #tpu.memory_space<semaphore_mem>>)
      %dma_wait3A_610 = tpu.memref_slice %arg16[%mul3A_605] : memref<65536xi32, #tpu.memory_space<hbm>> -> memref<2048xi32, #tpu.memory_space<hbm>>
      %dma_wait3A_611 = tpu.memref_slice %arg16[%mul3A_605] : memref<65536xi32, #tpu.memory_space<hbm>> -> memref<2048xi32, #tpu.memory_space<hbm>>
      tpu.wait_dma2 semaphore(%run_scoped3A : memref<!tpu.dma_semaphore, #tpu.memory_space<semaphore_mem>>) src(%arg39 : memref<2048xi32, #tpu.memory_space<vmem>>) dst(%dma_wait3A_611 : memref<2048xi32, #tpu.memory_space<hbm>>)
      tpu.yield
    }) : () -> ()
    "tpu.region"() ({
      %run_scoped3A = tpu.sem_alloc : memref<!tpu.dma_semaphore, #tpu.memory_space<semaphore_mem>>
      %dma_start3A_608 = tpu.memref_slice %arg17[%mul3A_605] : memref<65536xf32, #tpu.memory_space<hbm>> -> memref<2048xf32, #tpu.memory_space<hbm>>
      %dma_start3A_609 = tpu.memref_slice %arg17[%mul3A_605] : memref<65536xf32, #tpu.memory_space<hbm>> -> memref<2048xf32, #tpu.memory_space<hbm>>
      tpu.enqueue_dma source(%arg40 : memref<2048xf32, #tpu.memory_space<vmem>>) target(%dma_start3A_609 : memref<2048xf32, #tpu.memory_space<hbm>>) target_semaphore(%run_scoped3A : memref<!tpu.dma_semaphore, #tpu.memory_space<semaphore_mem>>)
      %dma_wait3A_610 = tpu.memref_slice %arg17[%mul3A_605] : memref<65536xf32, #tpu.memory_space<hbm>> -> memref<2048xf32, #tpu.memory_space<hbm>>
      %dma_wait3A_611 = tpu.memref_slice %arg17[%mul3A_605] : memref<65536xf32, #tpu.memory_space<hbm>> -> memref<2048xf32, #tpu.memory_space<hbm>>
      tpu.wait_dma2 semaphore(%run_scoped3A : memref<!tpu.dma_semaphore, #tpu.memory_space<semaphore_mem>>) src(%arg40 : memref<2048xf32, #tpu.memory_space<vmem>>) dst(%dma_wait3A_611 : memref<2048xf32, #tpu.memory_space<hbm>>)
      tpu.yield
    }) : () -> ()
    "tpu.region"() ({
      %run_scoped3A = tpu.sem_alloc : memref<!tpu.dma_semaphore, #tpu.memory_space<semaphore_mem>>
      %dma_start3A_608 = tpu.memref_slice %arg18[%mul3A_605] : memref<65536xf32, #tpu.memory_space<hbm>> -> memref<2048xf32, #tpu.memory_space<hbm>>
      %dma_start3A_609 = tpu.memref_slice %arg18[%mul3A_605] : memref<65536xf32, #tpu.memory_space<hbm>> -> memref<2048xf32, #tpu.memory_space<hbm>>
      tpu.enqueue_dma source(%arg41 : memref<2048xf32, #tpu.memory_space<vmem>>) target(%dma_start3A_609 : memref<2048xf32, #tpu.memory_space<hbm>>) target_semaphore(%run_scoped3A : memref<!tpu.dma_semaphore, #tpu.memory_space<semaphore_mem>>)
      %dma_wait3A_610 = tpu.memref_slice %arg18[%mul3A_605] : memref<65536xf32, #tpu.memory_space<hbm>> -> memref<2048xf32, #tpu.memory_space<hbm>>
      %dma_wait3A_611 = tpu.memref_slice %arg18[%mul3A_605] : memref<65536xf32, #tpu.memory_space<hbm>> -> memref<2048xf32, #tpu.memory_space<hbm>>
      tpu.wait_dma2 semaphore(%run_scoped3A : memref<!tpu.dma_semaphore, #tpu.memory_space<semaphore_mem>>) src(%arg41 : memref<2048xf32, #tpu.memory_space<vmem>>) dst(%dma_wait3A_611 : memref<2048xf32, #tpu.memory_space<hbm>>)
      tpu.yield
    }) : () -> ()
    "tpu.region"() ({
      %run_scoped3A = tpu.sem_alloc : memref<!tpu.dma_semaphore, #tpu.memory_space<semaphore_mem>>
      %dma_start3A_608 = tpu.memref_slice %arg19[%mul3A_605] : memref<65536xf32, #tpu.memory_space<hbm>> -> memref<2048xf32, #tpu.memory_space<hbm>>
      %dma_start3A_609 = tpu.memref_slice %arg19[%mul3A_605] : memref<65536xf32, #tpu.memory_space<hbm>> -> memref<2048xf32, #tpu.memory_space<hbm>>
      tpu.enqueue_dma source(%arg42 : memref<2048xf32, #tpu.memory_space<vmem>>) target(%dma_start3A_609 : memref<2048xf32, #tpu.memory_space<hbm>>) target_semaphore(%run_scoped3A : memref<!tpu.dma_semaphore, #tpu.memory_space<semaphore_mem>>)
      %dma_wait3A_610 = tpu.memref_slice %arg19[%mul3A_605] : memref<65536xf32, #tpu.memory_space<hbm>> -> memref<2048xf32, #tpu.memory_space<hbm>>
      %dma_wait3A_611 = tpu.memref_slice %arg19[%mul3A_605] : memref<65536xf32, #tpu.memory_space<hbm>> -> memref<2048xf32, #tpu.memory_space<hbm>>
      tpu.wait_dma2 semaphore(%run_scoped3A : memref<!tpu.dma_semaphore, #tpu.memory_space<semaphore_mem>>) src(%arg42 : memref<2048xf32, #tpu.memory_space<vmem>>) dst(%dma_wait3A_611 : memref<2048xf32, #tpu.memory_space<hbm>>)
      tpu.yield
    }) : () -> ()
    %mul3A_606 = arith.constant 32 : i32
    %mul3A_607 = arith.muli %add3A, %mul3A_606 : i32
    "tpu.region"() ({
      %run_scoped3A = tpu.sem_alloc : memref<!tpu.dma_semaphore, #tpu.memory_space<semaphore_mem>>
      %dma_start3A_608 = tpu.memref_slice %arg20[%mul3A_607] : memref<1024xi32, #tpu.memory_space<hbm>> -> memref<32xi32, #tpu.memory_space<hbm>>
      %dma_start3A_609 = tpu.memref_slice %arg20[%mul3A_607] : memref<1024xi32, #tpu.memory_space<hbm>> -> memref<32xi32, #tpu.memory_space<hbm>>
      tpu.enqueue_dma source(%arg43 : memref<32xi32, #tpu.memory_space<vmem>>) target(%dma_start3A_609 : memref<32xi32, #tpu.memory_space<hbm>>) target_semaphore(%run_scoped3A : memref<!tpu.dma_semaphore, #tpu.memory_space<semaphore_mem>>)
      %dma_wait3A_610 = tpu.memref_slice %arg20[%mul3A_607] : memref<1024xi32, #tpu.memory_space<hbm>> -> memref<32xi32, #tpu.memory_space<hbm>>
      %dma_wait3A_611 = tpu.memref_slice %arg20[%mul3A_607] : memref<1024xi32, #tpu.memory_space<hbm>> -> memref<32xi32, #tpu.memory_space<hbm>>
      tpu.wait_dma2 semaphore(%run_scoped3A : memref<!tpu.dma_semaphore, #tpu.memory_space<semaphore_mem>>) src(%arg43 : memref<32xi32, #tpu.memory_space<vmem>>) dst(%dma_wait3A_611 : memref<32xi32, #tpu.memory_space<hbm>>)
      tpu.yield
    }) : () -> ()
    return
  }
}

module attributes {stable_mosaic.version = 14 : i64} {
  func.func @_finish_body(%arg0: memref<1024x64xf32, #tpu.memory_space<vmem>>, %arg1: memref<1024x64xf32, #tpu.memory_space<vmem>>, %arg2: memref<1024x64xf32, #tpu.memory_space<vmem>>, %arg3: memref<1024x1xf32, #tpu.memory_space<vmem>>, %arg4: memref<1024x1xf32, #tpu.memory_space<vmem>>, %arg5: memref<1024x1xf32, #tpu.memory_space<vmem>>, %arg6: memref<1024x1xf32, #tpu.memory_space<vmem>>, %arg7: memref<1024x1xi32, #tpu.memory_space<vmem>>, %arg8: memref<1024x64xf32, #tpu.memory_space<vmem>>, %arg9: memref<1024x64xf32, #tpu.memory_space<vmem>>, %arg10: memref<1024x64xf32, #tpu.memory_space<vmem>>, %arg11: memref<1024x64xf32, #tpu.memory_space<vmem>>, %arg12: memref<1024x64xi32, #tpu.memory_space<vmem>>) attributes {dimension_semantics = [], scalar_prefetch = 0 : i64, scratch_operands = 0 : i64, tpu.core_type = #tpu.core_type<tc>} {
    %get3A = arith.constant 0 : index
    %get3A_0 = arith.constant 0 : index
    %get3A_1 = vector.load %arg0[%get3A, %get3A_0] : memref<1024x64xf32, #tpu.memory_space<vmem>>, vector<1024x64xf32>
    %get3A_2 = arith.constant 0 : index
    %get3A_3 = arith.constant 0 : index
    %get3A_4 = vector.load %arg1[%get3A_2, %get3A_3] : memref<1024x64xf32, #tpu.memory_space<vmem>>, vector<1024x64xf32>
    %get3A_5 = arith.constant 0 : index
    %get3A_6 = arith.constant 0 : index
    %get3A_7 = vector.load %arg2[%get3A_5, %get3A_6] : memref<1024x64xf32, #tpu.memory_space<vmem>>, vector<1024x64xf32>
    %get3A_8 = arith.constant 0 : index
    %get3A_9 = arith.constant 0 : index
    %get3A_10 = vector.load %arg3[%get3A_8, %get3A_9] : memref<1024x1xf32, #tpu.memory_space<vmem>>, vector<1024x1xf32>
    %get3A_11 = arith.constant 0 : index
    %get3A_12 = arith.constant 0 : index
    %get3A_13 = vector.load %arg4[%get3A_11, %get3A_12] : memref<1024x1xf32, #tpu.memory_space<vmem>>, vector<1024x1xf32>
    %get3A_14 = arith.constant 0 : index
    %get3A_15 = arith.constant 0 : index
    %get3A_16 = vector.load %arg5[%get3A_14, %get3A_15] : memref<1024x1xf32, #tpu.memory_space<vmem>>, vector<1024x1xf32>
    %get3A_17 = arith.constant 0 : index
    %get3A_18 = arith.constant 0 : index
    %get3A_19 = vector.load %arg6[%get3A_17, %get3A_18] : memref<1024x1xf32, #tpu.memory_space<vmem>>, vector<1024x1xf32>
    %mul3A = arith.constant 1.500000e-01 : f32
    %mul3A_20 = vector.broadcast %mul3A : f32 to vector<1024x1xf32>
    %mul3A_21 = arith.mulf %mul3A_20, %get3A_19 : vector<1024x1xf32>
    %add3A = arith.constant 5.000000e-02 : f32
    %add3A_22 = vector.broadcast %add3A : f32 to vector<1024x1xf32>
    %add3A_23 = arith.addf %mul3A_21, %add3A_22 : vector<1024x1xf32>
    %sub3A = vector.broadcast %get3A_10 : vector<1024x1xf32> to vector<1024x64xf32>
    %sub3A_24 = arith.subf %get3A_1, %sub3A : vector<1024x64xf32>
    %div3A = vector.broadcast %add3A_23 : vector<1024x1xf32> to vector<1024x64xf32>
    %div3A_25 = arith.divf %sub3A_24, %div3A : vector<1024x64xf32>
    %sub3A_26 = vector.broadcast %get3A_13 : vector<1024x1xf32> to vector<1024x64xf32>
    %sub3A_27 = arith.subf %get3A_4, %sub3A_26 : vector<1024x64xf32>
    %div3A_28 = vector.broadcast %add3A_23 : vector<1024x1xf32> to vector<1024x64xf32>
    %div3A_29 = arith.divf %sub3A_27, %div3A_28 : vector<1024x64xf32>
    %sub3A_30 = vector.broadcast %get3A_16 : vector<1024x1xf32> to vector<1024x64xf32>
    %sub3A_31 = arith.subf %get3A_7, %sub3A_30 : vector<1024x64xf32>
    %div3A_32 = vector.broadcast %add3A_23 : vector<1024x1xf32> to vector<1024x64xf32>
    %div3A_33 = arith.divf %sub3A_31, %div3A_32 : vector<1024x64xf32>
    %mul3A_34 = arith.mulf %div3A_25, %div3A_25 : vector<1024x64xf32>
    %mul3A_35 = arith.mulf %div3A_29, %div3A_29 : vector<1024x64xf32>
    %add3A_36 = arith.addf %mul3A_34, %mul3A_35 : vector<1024x64xf32>
    %mul3A_37 = arith.mulf %div3A_33, %div3A_33 : vector<1024x64xf32>
    %add3A_38 = arith.addf %add3A_36, %mul3A_37 : vector<1024x64xf32>
    %add3A_39 = arith.constant 9.99999968E-21 : f32
    %add3A_40 = vector.broadcast %add3A_39 : f32 to vector<1024x64xf32>
    %add3A_41 = arith.addf %add3A_38, %add3A_40 : vector<1024x64xf32>
    %sqrt3A = math.sqrt %add3A_41 : vector<1024x64xf32>
    %iota3A = tpu.iota {dimensions = array<i32: 1>} : vector<1024x64xi32>
    %get3A_42 = arith.constant 0 : index
    %get3A_43 = arith.constant 0 : index
    %get3A_44 = vector.load %arg7[%get3A_42, %get3A_43] : memref<1024x1xi32, #tpu.memory_space<vmem>>, vector<1024x1xi32>
    %lt3A = vector.broadcast %get3A_44 : vector<1024x1xi32> to vector<1024x64xi32>
    %lt3A_45 = arith.cmpi slt, %iota3A, %lt3A : vector<1024x64xi32>
    %lt3A_46 = arith.constant 1.100000e+00 : f32
    %lt3A_47 = vector.broadcast %lt3A_46 : f32 to vector<1024x64xf32>
    %lt3A_48 = arith.cmpf olt, %sqrt3A, %lt3A_47 : vector<1024x64xf32>
    %and3A = arith.andi %lt3A_48, %lt3A_45 : vector<1024x64xi1>
    %sub3A_49 = arith.constant 1.000000e+00 : f32
    %sub3A_50 = vector.broadcast %sub3A_49 : f32 to vector<1024x64xf32>
    %sub3A_51 = arith.subf %sqrt3A, %sub3A_50 : vector<1024x64xf32>
    %div3A_52 = arith.constant 1.000000e-01 : f32
    %div3A_53 = vector.broadcast %div3A_52 : f32 to vector<1024x64xf32>
    %div3A_54 = arith.divf %sub3A_51, %div3A_53 : vector<1024x64xf32>
    %sub3A_55 = arith.constant 1.000000e+00 : f32
    %sub3A_56 = vector.broadcast %sub3A_55 : f32 to vector<1024x64xf32>
    %sub3A_57 = arith.subf %sub3A_56, %div3A_54 : vector<1024x64xf32>
    %add3A_58 = arith.constant 9.99999996E-13 : f32
    %add3A_59 = vector.broadcast %add3A_58 : f32 to vector<1024x64xf32>
    %add3A_60 = arith.addf %sub3A_57, %add3A_59 : vector<1024x64xf32>
    %jit3A = arith.constant 1.000000e+00 : f32
    %broadcast_in_dim3A = vector.broadcast %jit3A : f32 to vector<1024x64xf32>
    %select_n3A = arith.select %and3A, %add3A_60, %broadcast_in_dim3A : vector<1024x64xi1>, vector<1024x64xf32>
    %log3A = math.log %select_n3A : vector<1024x64xf32>
    %jit3A_61 = arith.constant 0.000000e+00 : f32
    %broadcast_in_dim3A_62 = vector.broadcast %jit3A_61 : f32 to vector<1024x64xf32>
    %select_n3A_63 = arith.select %and3A, %log3A, %broadcast_in_dim3A_62 : vector<1024x64xi1>, vector<1024x64xf32>
    %mul3A_64 = vector.broadcast %add3A_23 : vector<1024x1xf32> to vector<1024x64xf32>
    %mul3A_65 = arith.mulf %div3A_25, %mul3A_64 : vector<1024x64xf32>
    %div3A_66 = arith.constant 2.000000e-01 : f32
    %div3A_67 = vector.broadcast %div3A_66 : f32 to vector<1024x64xf32>
    %div3A_68 = arith.divf %mul3A_65, %div3A_67 : vector<1024x64xf32>
    %jit3A_69 = arith.constant 0.000000e+00 : f32
    %broadcast_in_dim3A_70 = vector.broadcast %jit3A_69 : f32 to vector<1024x64xf32>
    %select_n3A_71 = arith.select %and3A, %div3A_68, %broadcast_in_dim3A_70 : vector<1024x64xi1>, vector<1024x64xf32>
    %mul3A_72 = vector.broadcast %add3A_23 : vector<1024x1xf32> to vector<1024x64xf32>
    %mul3A_73 = arith.mulf %div3A_29, %mul3A_72 : vector<1024x64xf32>
    %div3A_74 = arith.constant 2.000000e-01 : f32
    %div3A_75 = vector.broadcast %div3A_74 : f32 to vector<1024x64xf32>
    %div3A_76 = arith.divf %mul3A_73, %div3A_75 : vector<1024x64xf32>
    %jit3A_77 = arith.constant 0.000000e+00 : f32
    %broadcast_in_dim3A_78 = vector.broadcast %jit3A_77 : f32 to vector<1024x64xf32>
    %select_n3A_79 = arith.select %and3A, %div3A_76, %broadcast_in_dim3A_78 : vector<1024x64xi1>, vector<1024x64xf32>
    %mul3A_80 = vector.broadcast %add3A_23 : vector<1024x1xf32> to vector<1024x64xf32>
    %mul3A_81 = arith.mulf %div3A_33, %mul3A_80 : vector<1024x64xf32>
    %div3A_82 = arith.constant 2.000000e-01 : f32
    %div3A_83 = vector.broadcast %div3A_82 : f32 to vector<1024x64xf32>
    %div3A_84 = arith.divf %mul3A_81, %div3A_83 : vector<1024x64xf32>
    %jit3A_85 = arith.constant 0.000000e+00 : f32
    %broadcast_in_dim3A_86 = vector.broadcast %jit3A_85 : f32 to vector<1024x64xf32>
    %select_n3A_87 = arith.select %and3A, %div3A_84, %broadcast_in_dim3A_86 : vector<1024x64xi1>, vector<1024x64xf32>
    %swap3A = arith.constant 0 : index
    %swap3A_88 = arith.constant 0 : index
    %swap3A_89 = vector.load %arg8[%swap3A, %swap3A_88] : memref<1024x64xf32, #tpu.memory_space<vmem>>, vector<1024x64xf32>
    tpu.vector_store %arg8[%swap3A, %swap3A_88], %select_n3A_71 {strides = array<i32>} : memref<1024x64xf32, #tpu.memory_space<vmem>>, vector<1024x64xf32>,
    %swap3A_90 = arith.constant 0 : index
    %swap3A_91 = arith.constant 0 : index
    %swap3A_92 = vector.load %arg9[%swap3A_90, %swap3A_91] : memref<1024x64xf32, #tpu.memory_space<vmem>>, vector<1024x64xf32>
    tpu.vector_store %arg9[%swap3A_90, %swap3A_91], %select_n3A_79 {strides = array<i32>} : memref<1024x64xf32, #tpu.memory_space<vmem>>, vector<1024x64xf32>,
    %swap3A_93 = arith.constant 0 : index
    %swap3A_94 = arith.constant 0 : index
    %swap3A_95 = vector.load %arg10[%swap3A_93, %swap3A_94] : memref<1024x64xf32, #tpu.memory_space<vmem>>, vector<1024x64xf32>
    tpu.vector_store %arg10[%swap3A_93, %swap3A_94], %select_n3A_87 {strides = array<i32>} : memref<1024x64xf32, #tpu.memory_space<vmem>>, vector<1024x64xf32>,
    %swap3A_96 = arith.constant 0 : index
    %swap3A_97 = arith.constant 0 : index
    %swap3A_98 = vector.load %arg11[%swap3A_96, %swap3A_97] : memref<1024x64xf32, #tpu.memory_space<vmem>>, vector<1024x64xf32>
    tpu.vector_store %arg11[%swap3A_96, %swap3A_97], %select_n3A_63 {strides = array<i32>} : memref<1024x64xf32, #tpu.memory_space<vmem>>, vector<1024x64xf32>,
    %convert_element_type3A = arith.extui %and3A : vector<1024x64xi1> to vector<1024x64xi32>
    %swap3A_99 = arith.constant 0 : index
    %swap3A_100 = arith.constant 0 : index
    %swap3A_101 = vector.load %arg12[%swap3A_99, %swap3A_100] : memref<1024x64xi32, #tpu.memory_space<vmem>>, vector<1024x64xi32>
    tpu.vector_store %arg12[%swap3A_99, %swap3A_100], %convert_element_type3A {strides = array<i32>} : memref<1024x64xi32, #tpu.memory_space<vmem>>, vector<1024x64xi32>,
    return
  }
}

</mosaic_0001>

<sc_bundles>
// kernel: kernel.4.cloned.1.call-start
scs
__scs_entry_jumppad:
0x0: {  	(pc) =	sbr.rel $0x88, $3  }
0x1: {  	(tag) =	ssettag $0x0;
	lr =	simm.s32 $0x1  }
0x2: {  	[smem:$0x3F9C] =	sst lr;
	_ =	strace $0xD0000000  }
0x3: {  	_ = 	snop  }
0x4: {  	_ = 	snop  }
0x5: {  	_ = 	snop  }
0x6: {  	_ = 	snop  }
0x7: {  	_ = 	snop  }
__scs_overlays_trampoline_lowered:
0x8: {  	[smem:$0x3FAB] =	sst s0  }
0x9: {  	[smem:$0x3FAC] =	sst s1  }
0xa: {  	[smem:$0x3FAD] =	sst s2  }
0xb: {  	[smem:$0x3FAE] =	sst s3  }
0xc: {  	[smem:$0x3FAF] =	sst s4  }
0xd: {  	[smem:$0x3FB0] =	sst s5  }
0xe: {  	[smem:$0x3FB1] =	sst s6  }
0xf: {  	[smem:$0x3FB2] =	sst s7  }
0x10: {  	[smem:$0x3FB3] =	sst s8  }
0x11: {  	[smem:$0x3FB4] =	sst s9;
	s0 =	simm.s32 @!p0 $0x0  }
0x12: {  	s1 =	sld [smem:$0x3F9A];
	s0 =	simm.s32 @p0 $0x1  }
0x13: {  	[smem:$0x3FB5] =	sst s0;
	s0 =	simm.s32 @!p1 $0x0  }
0x14: {  	s2 =	sld [smem:$0x3F99];
	s0 =	simm.s32 @p1 $0x1  }
0x15: {  	[smem:$0x3FB6] =	sst s0;
	s0 =	simm.s32 @!p2 $0x0  }
0x16: {  	s3 =	sld [smem:$0x3FDB];
	s0 =	simm.s32 @p2 $0x1  }
0x17: {  	s4 =	simm.s32 $0x1BF5;
	[smem:$0x3FB8] =	sst s0  }
0x18: {  	s0 =	sld [smem:$0x3F9B];
	_ =	swait.ge [sflag:s4], $0x0  }
0x19: {  	s7 =	sld [smem:$0x3F9C]  }
0x1a: {  	s8 =	sadd.s32 $0xFFFFE003, lr  }
0x1b: {  	s9 =	sadd.s32 $0xFFFFFEF7, lr;
	s5 =	simm.s32 $0xFFFFFFFF;
	p2 =	slt.u32 s8, $0xFFFFF086  }
0x1c: {  	p1 =	slt.u32 s9, $0xF7A;
	s5 =	simm.s32 @!p2 $0x0  }
0x1d: {  	s5 =	simm.s32 @p1 $0x1;
	p0 =	seq.s32 s7, s2  }
0x1e: {  	s7 =	smul.u32 @!p0 $0xF7A, s2;
	p2 =	seq.s32 @!p0 s5, $0x0  }
0x1f: {  	s9 =	smul.u32 $0xF7A, s1;
	s8 =	simm.s32 @!p0 $0x1BF5;
	p2 =	por !p2, p0  }
0x20: {  	[sflag:s8] =	ssyncset.s32 @!p0 $0xFFFFF086;
	s6 =	sadd.s32 @!p0 s3, s7;
	s7 =	simm.s32 @!p0 $0x108  }
0x21: {  	s3 =	sadd.s32 s3, s9;
	s6 =	sadd.s32 @!p0 $0x88, s6;
	s7 =	simm.s32 @p2 $0x1082  }
0x22: {  	[simem:s7], [sflag:s8] =	dma.local @!p0 [hbm:s6], $0xF7A  }
0x23: {  	s9 =	sor.u32 $0xD0000000, s2;
	s6 =	simm.s32 $0x108;
	_ =	swait.ge @!p0 [sflag:s8], $0x0  }
0x24: {  	s3 =	sadd.s32 $0x88, s3;
	s6 =	simm.s32 @!p1 $0x1082;
	[sflag:s4] =	ssyncset.s32 $0xFFFFF086  }
0x25: {  	[simem:s6], [sflag:s4] =	dma.local [hbm:s3], $0xF7A  }
0x26: {  	[smem:$0x3F9C] =	sst s1;
	(tag) =	ssettag s2;
	_ =	strace s9  }
0x27: {  	s1 =	sld [smem:$0x3FAC]  }
0x28: {  	s2 =	sld [smem:$0x3FAD]  }
0x29: {  	s4 =	sld [smem:$0x3FAF]  }
0x2a: {  	p0 =	seq.s32 s5, $0x0;
	s5 =	sld [smem:$0x3FB0]  }
0x2b: {  	s6 =	sld [smem:$0x3FB1]  }
0x2c: {  	s7 =	sld [smem:$0x3FB2]  }
0x2d: {  	s3 =	simm.s32 $0x108;
	s8 =	sld [smem:$0x3FB3]  }
0x2e: {  	s3 =	simm.s32 @!p0 $0x1082;
	s9 =	sld [smem:$0x3FB4]  }
0x2f: {  	lr =	sadd.s32 s0, s3;
	s0 =	sld [smem:$0x3FAB]  }
0x30: {  	s3 =	sld [smem:$0x3FAE]  }
0x31: {  	[smem:$0x3FB7] =	sst s10  }
0x32: {  	s10 =	sld [smem:$0x3FB5];
	_ =	sdelay $0x3  }
0x33: {  	p0 =	seq.s32 s10, $0x1;
	s10 =	sld [smem:$0x3FB7];
	_ =	sdelay $0x3  }
0x34: {  	[smem:$0x3FB7] =	sst s10  }
0x35: {  	s10 =	sld [smem:$0x3FB6];
	_ =	sdelay $0x3  }
0x36: {  	p1 =	seq.s32 s10, $0x1;
	s10 =	sld [smem:$0x3FB7];
	_ =	sdelay $0x3  }
0x37: {  	[smem:$0x3FB7] =	sst s10  }
0x38: {  	s10 =	sld [smem:$0x3FB8]  }
0x39: {  	_ = 	snop;
	(pc) =	sbr.ind lr, $3  }
0x3a: {  	_ = 	snop  }
0x3b: {  	_ = 	snop  }
0x3c: {  	p2 =	seq.s32 s10, $0x1;
	s10 =	sld [smem:$0x3FB7]  }
0x3d: {  	_ =	shalt  }
0x3e: {  	_ =	shalt  }
0x3f: {  	_ =	shalt  }
0x40: {  	_ =	shalt  }
0x41: {  	_ =	shalt  }
0x42: {  	_ =	shalt  }
0x43: {  	_ =	shalt  }
0x44: {  	_ =	shalt  }
0x45: {  	_ =	shalt  }
0x46: {  	_ =	shalt  }
0x47: {  	_ =	shalt  }
0x48: {  	_ =	shalt  }
0x49: {  	_ =	shalt  }
0x4a: {  	_ =	shalt  }
0x4b: {  	_ =	shalt  }
0x4c: {  	_ =	shalt  }
0x4d: {  	_ =	shalt  }
0x4e: {  	_ =	shalt  }
0x4f: {  	_ =	shalt  }
0x50: {  	_ =	shalt  }
0x51: {  	_ =	shalt  }
0x52: {  	_ =	shalt  }
0x53: {  	_ =	shalt  }
0x54: {  	_ =	shalt  }
0x55: {  	_ =	shalt  }
0x56: {  	_ =	shalt  }
0x57: {  	_ =	shalt  }
0x58: {  	_ =	shalt  }
0x59: {  	_ =	shalt  }
0x5a: {  	_ =	shalt  }
0x5b: {  	_ =	shalt  }
0x5c: {  	_ =	shalt  }
0x5d: {  	_ =	shalt  }
0x5e: {  	_ =	shalt  }
0x5f: {  	_ =	shalt  }
0x60: {  	_ =	shalt  }
0x61: {  	_ =	shalt  }
0x62: {  	_ =	shalt  }
0x63: {  	_ =	shalt  }
0x64: {  	_ =	shalt  }
0x65: {  	_ =	shalt  }
0x66: {  	_ =	shalt  }
0x67: {  	_ =	shalt  }
0x68: {  	_ =	shalt  }
0x69: {  	_ =	shalt  }
0x6a: {  	_ =	shalt  }
0x6b: {  	_ =	shalt  }
0x6c: {  	_ =	shalt  }
0x6d: {  	_ =	shalt  }
0x6e: {  	_ =	shalt  }
0x6f: {  	_ =	shalt  }
0x70: {  	_ =	shalt  }
0x71: {  	_ =	shalt  }
0x72: {  	_ =	shalt  }
0x73: {  	_ =	shalt  }
0x74: {  	_ =	shalt  }
0x75: {  	_ =	shalt  }
0x76: {  	_ =	shalt  }
0x77: {  	_ =	shalt  }
0x78: {  	_ =	shalt  }
0x79: {  	_ =	shalt  }
0x7a: {  	_ =	shalt  }
0x7b: {  	_ =	shalt  }
0x7c: {  	_ =	shalt  }
0x7d: {  	_ =	shalt  }
0x7e: {  	_ =	shalt  }
0x7f: {  	_ =	shalt  }
0x80: {  	_ =	shalt  }
0x81: {  	_ =	shalt  }
0x82: {  	_ =	shalt  }
0x83: {  	_ =	shalt  }
0x84: {  	_ =	shalt  }
0x85: {  	_ =	shalt  }
0x86: {  	_ =	shalt  }
0x87: {  	_ =	shalt  }
.Lfunc_end0:
.L_simem_size_0:
called_computation_lowered:
.L_overlay_start_0:
0x88: {  	s2 =	sld [smem:$0x3FD9]  }
0x89: {  	s3 =	sld [smem:$0x3FFE];
	_ =	sdelay $0x1  }
0x8a: {  	s1 =	srdreg.scid  }
0x8b: {  	s0 =	sand.u32 $0x1, s1  }
0x8c: {  	s14 =	sshll.u32 s0, $0xA;
	s2 =	sadd.s32 s3, s2  }
0x8d: {  	s2 =	sadd.s32 s2, s14  }
0x8e: {  	[smem:$0x3FC3] =	sst s2  }
0x8f: {  	_ = 	snop  }
0x90: {  	s2 =	sld [smem:$0x3FD0];
	_ =	sdelay $0x1  }
0x91: {  	s15 =	sld [smem:$0x3FC8]  }
0x92: {  	s5 =	simm.s32 $0xA;
	s6 =	simm.s32 $0x10;
	s4 =	sld [smem:$0x3FC5]  }
0x93: {  	[smem:s6], [sflag:s5] =	dma.local [hbm:s2], $0x1  }
0x94: {  	_ =	swait.eq [sflag:s5], $0x1  }
0x95: {  	s16 =	sld [smem:$0x10]  }
0x96: {  	s17 =	sld [smem:$0x11];
	[sflag:s5] =	ssyncset.done $0x0  }
0x97: {  	s7 =	sld [smem:$0x12];
	[sflag:s5] =	ssyncadd.s32 $0xFFFFFFFF  }
0x98: {  	s18 =	sld [smem:$0x13];
	(tm) =	ssettm $0x1  }
0x99: {  	s8 =	sld [smem:$0x3FFB];
	_ =	sdelay $0x3  }
0x9a: {  	_ =	strace s8  }
0x9b: {  	s8 =	sld [smem:$0x3FFC];
	_ =	sdelay $0x3  }
0x9c: {  	_ =	strace s8  }
0x9d: {  	s8 =	sld [smem:$0x3FFD];
	_ =	sdelay $0x3  }
0x9e: {  	_ =	strace s8  }
0x9f: {  	_ =	strace $0x8FFFFFFF  }
0xa0: {  	s19 =	sld [smem:$0x3FDB];
	_ =	sdelay $0x1  }
0xa1: {  	s9 =	simm.s32 $_scs_section_size  }
0xa2: {  	s10 =	simm.s32 $_size__tile_overlayer_lowered;
	s11 =	simm.s32 $_tile_overlayer_lowered  }
0xa3: {  	s22 =	simm.s32 $0x1BFF;
	s21 =	sshll.u32 s11, $0x1;
	s8 =	sadd.s32 s9, s19  }
0xa4: {  	s12 =	simm.s32 $0x0;
	s20 =	sshll.u32 s10, $0x1;
	s10 =	sadd.s32 s21, s8  }
0xa5: {  	[timem:s12], [sflag:s22] =	dma.local [hbm:s10], s20  }
0xa6: {  	_ =	swait.ge [sflag:s22], s20  }
0xa7: {  	s9 =	ssub.s32 $0x0, s20;
	[sflag:s22] =	ssyncset.done $0x0  }
0xa8: {  	[sflag:s22] =	ssyncadd.s32 s9;
	_ =	sdelay $0x1  }
0xa9: {  	s23 =	simm.s32 $0x1B8B  }
0xaa: {  	_ =	swait.ge [sflag:s23], $0x1  }
0xab: {  	[sflag:s23] =	ssyncset.done $0x0  }
0xac: {  	s25 =	simm.s32 $0x1B8E;
	s24 =	sld [smem:$0x3FFE];
	[sflag:s23] =	ssyncadd.s32 $0xFFFFFFFF  }
0xad: {  	s26 =	simm.s32 $execute0_lowered;
	[smem:$0x3FD2] =	sst s25  }
0xae: {  	s10 =	sshll.u32 s26, $0x1;
	_ =	strace $0x80000046;
	[dreg:$0x1] =	wrdreg $0xFFFFFFFF  }
0xaf: {  	s28 =	simm.s32 $_size_execute0_lowered;
	s8 =	sadd.s32 s8, s10;
	[dreg:$0x0] =	wrdreg $0x0  }
0xb0: {  	s10 =	sshll.u32 s28, $0x1;
	[dreg:$0x2] =	wrdreg s8  }
0xb1: {  	[dreg:$0x3] =	wrdreg s10  }
0xb2: {  	[dreg:$0x4] =	wrdreg $0xC0  }
0xb3: {  	_ =	task [dreg:s12], $0x5FFFF  }
0xb4: {  	[dreg:$0x1] =	wrdreg $0xFFFFFFFF  }
0xb5: {  	[dreg:$0x0] =	wrdreg $0x60  }
0xb6: {  	[dreg:$0x2] =	wrdreg s24  }
0xb7: {  	[dreg:$0x3] =	wrdreg s15  }
0xb8: {  	[dreg:$0x4] =	wrdreg s18  }
0xb9: {  	[dreg:$0x5] =	wrdreg s4  }
0xba: {  	[dreg:$0x6] =	wrdreg s7  }
0xbb: {  	[dreg:$0x7] =	wrdreg s17  }
0xbc: {  	[dreg:$0x8] =	wrdreg s16  }
0xbd: {  	[dreg:$0x9] =	wrdreg $0x9  }
0xbe: {  	_ =	task.clear_ibuf [dreg:s12], $0xAFFFF;
	_ =	strace $0x90000046  }
0xbf: {  	s29 =	simm.s32 $0x9;
	_ =	strace $0x80000048  }
0xc0: {  	_ =	swait.ge [sflag:s29], $0x1  }
0xc1: {  	[sflag:s29] =	ssyncadd.s32 $0xFFFFFFFF  }
0xc2: {  	_ =	strace $0x90000048  }
0xc3: {  	_ =	sfence  }
0xc4: {  	s30 =	sld [smem:$0x0];
	_ =	sdelay $0x2  }
0xc5: {  	s31 =	sshll.u32 s1, $0xD;
	s1 =	sshrl.u32 s1, $0x2  }
0xc6: {  	s3 =	sand.u32 $0x4000, s31;
	s1 =	sadd.s32 s1, s30  }
0xc7: {  	s0 =	sor.u32 s3, s0;
	s1 =	sshll.u32 s1, $0x11  }
0xc8: {  	s0 =	sor.u32 s1, s0  }
0xc9: {  	s0 =	sadd.s32 $0x8F2B, s0  }
0xca: {  	[sflag:s0] =	ssyncadd.remote.s32 $0x1  }
0xcb: {  	_ =	sfence.sel $0xFFFF  }
0xcc: {  	[dreg:$0x0] =	wrdreg $0xFFFFFFFF;
	(pc) =	sbr.abs _section_cstart, $3  }
0xcd: {  	[dreg:$0x1] =	wrdreg $0xFFFFFFFF  }
0xce: {  	_ =	task.clear_ibuf [dreg:s12], $0x2FFFF;
	_ =	strace $0x9FFFFFFF  }
0xcf: {  	(tm) =	ssettm $0x7FFFFFFF  }
tec
execute0_lowered:
.L_overlay_start_1:
0x0: {  	(tag) =	ssettag $0x1  }
0x1: {  	v0 =	vimm.s32 $0x1A1B1819;
	v1 =	vimm.s32 $0x12131011  }
0x2: {  	v3 =	vimm.s32 $0x16171415;
	vm2 =	vcmask $0x1F10;
	vm0 =	vcmask $0xB08  }
0x3: {  	vm1 =	vcmask $0x300;
	v6 =	vimm.s32 $0x26272425;
	v7 =	vimm.s32 $0x3E3F3C3D  }
0x4: {  	v8 =	vimm.s32 $0x4E4F4C4D;
	v10 =	vimm.s32 $0x42434041;
	v11 =	vimm.s32 $0x46474445  }
0x5: {  	v12 =	vimm.s32 $0x2C292A27;
	vm15 =	vcmask $0x3330;
	vm8 =	vcmask $0x338  }
0x6: {  	vm9 =	vcmask $0x3B38;
	v2 =	vunpack.c.0.s8.s32 v0;
	v0 =	vimm.s32 $0x1E1F1C1D  }
0x7: {  	v5 =	vunpack.c.0.s8.s32 v1;
	v3 =	vunpack.c.0.s8.s32 v3;
	v1 =	vlaneseq.u32  }
0x8: {  	vm3 =	vmor vm1, vm0;
	v6 =	vunpack.c.0.s8.s32 v6;
	v4 =	vunpack.c.0.s8.s32 v0  }
0x9: {  	v8 =	vunpack.c.0.s8.s32 v8;
	vm1 =	vcmask $0x1310;
	v3 =	vsel vm2, v3, v5  }
0xa: {  	v5 =	vimm.s32 $0x22232021;
	v2 =	vsel vm2, v4, v2;
	v4 =	vimm.s32 $0x2E2F2C2D  }
0xb: {  	v5 =	vunpack.c.0.s8.s32 v5;
	v2 =	vcombine.low v3, v2;
	v3 =	vimm.s32 $0x2A2B2829  }
0xc: {  	vm0 =	vmor vm8, vm0;
	v4 =	vunpack.c.0.s8.s32 v4;
	v3 =	vunpack.c.0.s8.s32 v3  }
0xd: {  	v0 =	vimm.f32 $-1.000000000e+00;
	v5 =	vsel vm2, v6, v5;
	v6 =	vunpack.c.0.s8.s32 v7  }
0xe: {  	v7 =	vimm.s32 $0x36373435;
	v3 =	vsel vm2, v4, v3;
	v4 =	vimm.s32 $0x3A3B3839  }
0xf: {  	s0 =	rddreg [dreg:$0x0];
	v4 =	vunpack.c.0.s8.s32 v4;
	v3 =	vcombine.low v5, v3;
	v5 =	vimm.s32 $0x32333031  }
0x10: {  	s1 =	rddreg [dreg:$0x2];
	v9 =	vmul.u32 $0xFFFFFFFF, v1;
	v7 =	vunpack.c.0.s8.s32 v7;
	v5 =	vunpack.c.0.s8.s32 v5  }
0x11: {  	s2 =	rddreg [dreg:$0x3];
	vm4 =	vmor vm3, vm1;
	v4 =	vsel vm2, v6, v4;
	v6 =	vimm.s32 $0x4A4B4849  }
0x12: {  	s6 =	rddreg [dreg:$0x4];
	v6 =	vunpack.c.0.s8.s32 v6;
	v5 =	vsel vm2, v7, v5;
	v7 =	vunpack.c.0.s8.s32 v10  }
0x13: {  	s8 =	rddreg [dreg:$0x5];
	v10 =	vunpack.c.0.s8.s32 v11;
	v11 =	vimm.s32 $0x18151613;
	v4 =	vcombine.low v5, v4  }
0x14: {  	s9 =	rddreg [dreg:$0x6];
	v11 =	vunpack.c.0.s8.s32 v11;
	v5 =	vsel vm2, v8, v6;
	v6 =	vimm.s32 $0x1C191A17  }
0x15: {  	s16 =	simm.s32 $0x0;
	s10 =	srdreg.scid;
	s11 =	stileid.u32;
	v7 =	vsel vm2, v10, v7;
	v8 =	vimm.s32 $0x201D1E1B;
	v10 =	vimm.s32 $0x14111210  }
0x16: {  	s28 =	simm.s32 $0x12F80;
	s29 =	simm.s32 $0x13000;
	s30 =	simm.s32 $0x10A80;
	v6 =	vunpack.c.0.s8.s32 v6;
	v8 =	vunpack.c.0.s8.s32 v8;
	v10 =	vunpack.c.0.s8.s32 v10  }
0x17: {  	s31 =	simm.s32 $0x80;
	[smem:$0x7FF] =	sst s16;
	s3 =	sadd.s32 $0xAC00, s0;
	vm3 =	vcmask $0x1B18;
	vm1 =	vmor vm0, vm1;
	v5 =	vcombine.low v7, v5  }
0x18: {  	s4 =	sadd.s32 $0x9000, s0;
	s5 =	sadd.s32 $0x7400, s0;
	s7 =	sadd.s32 $0x5800, s0;
	v7 =	vimm.s32 $0x302D2E2B;
	v6 =	vsel vm2, v8, v6;
	v8 =	vsel vm2, v11, v10  }
0x19: {  	s12 =	sadd.s32 $0x5000, s0;
	s10 =	sand.u32 $0x1, s10;
	s11 =	sshll.u32 s11, $0x1;
	v10 =	vimm.s32 $0x2421221F;
	v11 =	vunpack.c.0.s8.s32 v12;
	v12 =	vimm.s32 $0x28252623  }
0x1a: {  	s13 =	sadd.s32 $0x3600, s0;
	_ =	strace $0x80000047;
	[dreg:$0x8] =	wrdreg s12;
	v7 =	vunpack.c.0.s8.s32 v7;
	v10 =	vunpack.c.0.s8.s32 v10;
	v12 =	vunpack.c.0.s8.s32 v12  }
0x1b: {  	s14 =	sadd.s32 $0x1C00, s0;
	[dreg:$0x9] =	wrdreg s13;
	s15 =	sor.u32 s10, s11;
	vm5 =	vmor vm4, vm3;
	vm4 =	vcmask $0x2320;
	v6 =	vcombine.low v8, v6  }
0x1c: {  	s17 =	sadd.s32 $0x200, s0;
	[dreg:$0xa] =	wrdreg s14;
	s13 =	sshll.u32 s15, $0x2;
	v8 =	vimm.s32 $0x3431322F;
	v7 =	vsel vm2, v7, v11;
	v10 =	vsel vm2, v12, v10  }
0x1d: {  	[dreg:$0xb] =	wrdreg s17;
	s10 =	ssub.s32 $0x2, s10;
	s1 =	sadd.s32 s1, s13;
	v11 =	vimm.s32 $0x3C393A37;
	v12 =	vimm.s32 $0x403D3E3B;
	v7 =	vcombine.low v10, v7  }
0x1e: {  	s12 =	sshll.u32 s15, $0x8;
	s21 =	sadd.s32 s2, s13;
	[dreg:$0xf] =	wrdreg s1;
	v10 =	vunpack.c.0.s8.s32 v11;
	v11 =	vunpack.c.0.s8.s32 v12;
	v12 =	vimm.s32 $0x38353633  }
0x1f: {  	s15 =	sshrl.u32 s10, $0x1;
	vm3 =	vmor vm1, vm3;
	s22 =	sadd.s32 s6, s12;
	[dreg:$0x10] =	wrdreg s21;
	v8 =	vunpack.c.0.s8.s32 v8;
	v12 =	vunpack.c.0.s8.s32 v12  }
0x20: {  	vm1 =	vcmask $0x3F04;
	s14 =	sadd.s32 s13, s0;
	s23 =	sadd.s32 s8, s12;
	vm6 =	vmor vm5, vm4;
	[dreg:$0x11] =	wrdreg s22;
	v10 =	vsel vm2, v11, v10  }
0x21: {  	s0 =	sadd.s32 s12, s0;
	s24 =	sadd.s32 s9, s12;
	[dreg:$0x12] =	wrdreg s23;
	v11 =	vimm.s32 $0x4C494A47;
	v8 =	vsel vm2, v12, v8;
	v12 =	vimm.s32 $0x4F4D4E4B  }
0x22: {  	s10 =	ssub.s32 s10, s15;
	vm5 =	vcmask $0x2B28;
	s18 =	sadd.s32 $0x5200, s14;
	[dreg:$0x13] =	wrdreg s24;
	v11 =	vunpack.c.0.s8.s32 v11;
	v12 =	vunpack.c.0.s8.s32 v12  }
0x23: {  	vm3 =	vmor vm3, vm4;
	s8 =	simm.s32 $0x10000;
	s19 =	sadd.s32 $0x5600, s14;
	vm7 =	vmor vm6, vm5;
	[dreg:$0xc] =	wrdreg s18;
	v8 =	vcombine.low v8, v10  }
.Ltmp0:
0x24: {  	s20 =	sadd.s32 $0x5400, s14;
	[dreg:$0xd] =	wrdreg s19;
	v10 =	vimm.s32 $0x4441423F;
	v11 =	vsel vm2, v12, v11;
	v12 =	vimm.s32 $0x48454643;
	(pc) =	sbr.rel .LBB2_1-.Ltmp0, $4  }
0x25: {  	s12 =	simm.s32 $0x10400;
	s0 =	sadd.s32 $0xC800, s0;
	vm3 =	vmor vm3, vm5;
	[dreg:$0xe] =	wrdreg s20;
	v10 =	vunpack.c.0.s8.s32 v10;
	v12 =	vunpack.c.0.s8.s32 v12  }
0x26: {  	v9 =	vadd.s32 $0xF, v9;
	s25 =	sadd.s32 $0xE800, s14;
	s26 =	smax.u32 s10, $0x1;
	[dreg:$0x14] =	wrdreg s0;
	vm7 =	vmor vm7, vm15;
	vm3 =	vmor vm3, vm15  }
0x27: {  	s24 =	simm.s32 $0x1;
	s1 =	simm.s32 $0x0;
	[dreg:$0x15] =	wrdreg s25;
	vm0 =	vmor vm7, vm9;
	v10 =	vsel vm2, v12, v10;
	vm2 =	vmmov $0x7fff  }
0x28: {  	[dreg:$0x16] =	wrdreg s26;
	s25 =	simm.s32 $0x2;
	s26 =	simm.s32 $0x12F00;
	v12 =	vimm.s32 $0x0;
	v10 =	vcombine.low v10, v11;
	v11 =	vor.u32 $0x10, v1  }
.LBB2_23:
0x29: {  	[tilespmem:$0x12E80] =	vst v14  }
0x2a: {  	[tilespmem:$0x12E90] =	vst v13;
	s0 =	rddreg [dreg:$0x9];
	s6 =	simm.s32 $0x10E80;
	s9 =	simm.s32 $0x11680  }
0x2b: {  	[tilespmem:s9], [sflag:$0x1] =	stream.indirect.gather [hbm4b:s0+s31], $0x1, s6, s31, $0xb8;
	[tilespmem:$0x13080] =	vst v63  }
0x2c: {  	s1 =	rddreg [dreg:$0xa];
	s10 =	simm.s32 $0x11E80  }
0x2d: {  	[tilespmem:s10], [sflag:$0x1] =	stream.indirect.gather [hbm4b:s1+s31], $0x1, s6, s31, $0xb8;
	[tilespmem:$0x13080] =	vst v63  }
0x2e: {  	s2 =	rddreg [dreg:$0xb];
	s11 =	simm.s32 $0x12680  }
0x2f: {  	[tilespmem:s11], [sflag:$0x1] =	stream.indirect.gather [hbm4b:s2+s31], $0x1, s6, s31, $0xb8;
	[tilespmem:$0x13080] =	vst v63  }
0x30: {  	s13 =	simm.s32 $0x10F00;
	s14 =	simm.s32 $0x11700  }
0x31: {  	[tilespmem:s14], [sflag:$0x1] =	stream.indirect.gather [hbm4b:s0+s31], $0x1, s13, s31, $0xb8;
	[tilespmem:$0x13080] =	vst v63  }
0x32: {  	s21 =	simm.s32 $0x11F00  }
0x33: {  	[tilespmem:s21], [sflag:$0x1] =	stream.indirect.gather [hbm4b:s1+s31], $0x1, s13, s31, $0xb8;
	[tilespmem:$0x13080] =	vst v63  }
0x34: {  	s22 =	simm.s32 $0x12700  }
0x35: {  	[tilespmem:s22], [sflag:$0x1] =	stream.indirect.gather [hbm4b:s2+s31], $0x1, s13, s31, $0xb8;
	[tilespmem:$0x13080] =	vst v63  }
0x36: {  	s23 =	simm.s32 $0x10F80;
	s15 =	simm.s32 $0x11780  }
0x37: {  	[tilespmem:s15], [sflag:$0x1] =	stream.indirect.gather [hbm4b:s0+s31], $0x1, s23, s31, $0xb8;
	[tilespmem:$0x13080] =	vst v63  }
0x38: {  	s16 =	simm.s32 $0x11F80  }
0x39: {  	[tilespmem:s16], [sflag:$0x1] =	stream.indirect.gather [hbm4b:s1+s31], $0x1, s23, s31, $0xb8;
	[tilespmem:$0x13080] =	vst v63  }
0x3a: {  	s17 =	simm.s32 $0x12780  }
0x3b: {  	[tilespmem:s17], [sflag:$0x1] =	stream.indirect.gather [hbm4b:s2+s31], $0x1, s23, s31, $0xb8;
	[tilespmem:$0x13080] =	vst v63  }
0x3c: {  	s18 =	simm.s32 $0x11000;
	s19 =	simm.s32 $0x11800  }
0x3d: {  	[tilespmem:s19], [sflag:$0x1] =	stream.indirect.gather [hbm4b:s0+s31], $0x1, s18, s31, $0xb8;
	[tilespmem:$0x13080] =	vst v63  }
0x3e: {  	s20 =	simm.s32 $0x12000  }
0x3f: {  	[tilespmem:s20], [sflag:$0x1] =	stream.indirect.gather [hbm4b:s1+s31], $0x1, s18, s31, $0xb8;
	[tilespmem:$0x13080] =	vst v63  }
0x40: {  	s21 =	simm.s32 $0x12800  }
0x41: {  	[tilespmem:s21], [sflag:$0x1] =	stream.indirect.gather [hbm4b:s2+s31], $0x1, s18, s31, $0xb8;
	[tilespmem:$0x13080] =	vst v63  }
0x42: {  	s22 =	simm.s32 $0x11080;
	s23 =	simm.s32 $0x11880  }
0x43: {  	[tilespmem:s23], [sflag:$0x1] =	stream.indirect.gather [hbm4b:s0+s31], $0x1, s22, s31, $0xb8;
	[tilespmem:$0x13080] =	vst v63  }
0x44: {  	s15 =	simm.s32 $0x12080  }
0x45: {  	[tilespmem:s15], [sflag:$0x1] =	stream.indirect.gather [hbm4b:s1+s31], $0x1, s22, s31, $0xb8;
	[tilespmem:$0x13080] =	vst v63  }
0x46: {  	s16 =	simm.s32 $0x12880  }
0x47: {  	[tilespmem:s16], [sflag:$0x1] =	stream.indirect.gather [hbm4b:s2+s31], $0x1, s22, s31, $0xb8;
	[tilespmem:$0x13080] =	vst v63  }
0x48: {  	s17 =	simm.s32 $0x11100;
	s18 =	simm.s32 $0x11900  }
0x49: {  	[tilespmem:s18], [sflag:$0x1] =	stream.indirect.gather [hbm4b:s0+s31], $0x1, s17, s31, $0xb8;
	[tilespmem:$0x13080] =	vst v63  }
0x4a: {  	s19 =	simm.s32 $0x12100  }
0x4b: {  	[tilespmem:s19], [sflag:$0x1] =	stream.indirect.gather [hbm4b:s1+s31], $0x1, s17, s31, $0xb8;
	[tilespmem:$0x13080] =	vst v63  }
0x4c: {  	s20 =	simm.s32 $0x12900  }
0x4d: {  	[tilespmem:s20], [sflag:$0x1] =	stream.indirect.gather [hbm4b:s2+s31], $0x1, s17, s31, $0xb8;
	[tilespmem:$0x13080] =	vst v63  }
0x4e: {  	s21 =	simm.s32 $0x11180;
	s22 =	simm.s32 $0x11980  }
0x4f: {  	[tilespmem:s22], [sflag:$0x1] =	stream.indirect.gather [hbm4b:s0+s31], $0x1, s21, s31, $0xb8;
	[tilespmem:$0x13080] =	vst v63  }
0x50: {  	s23 =	simm.s32 $0x12180  }
0x51: {  	[tilespmem:s23], [sflag:$0x1] =	stream.indirect.gather [hbm4b:s1+s31], $0x1, s21, s31, $0xb8;
	[tilespmem:$0x13080] =	vst v63  }
0x52: {  	s15 =	simm.s32 $0x12980  }
0x53: {  	[tilespmem:s15], [sflag:$0x1] =	stream.indirect.gather [hbm4b:s2+s31], $0x1, s21, s31, $0xb8;
	[tilespmem:$0x13080] =	vst v63  }
0x54: {  	s16 =	simm.s32 $0x11200;
	s17 =	simm.s32 $0x11A00  }
0x55: {  	[tilespmem:s17], [sflag:$0x1] =	stream.indirect.gather [hbm4b:s0+s31], $0x1, s16, s31, $0xb8;
	[tilespmem:$0x13080] =	vst v63  }
0x56: {  	s18 =	simm.s32 $0x12200  }
0x57: {  	[tilespmem:s18], [sflag:$0x1] =	stream.indirect.gather [hbm4b:s1+s31], $0x1, s16, s31, $0xb8;
	[tilespmem:$0x13080] =	vst v63  }
0x58: {  	s19 =	simm.s32 $0x12A00  }
0x59: {  	[tilespmem:s19], [sflag:$0x1] =	stream.indirect.gather [hbm4b:s2+s31], $0x1, s16, s31, $0xb8;
	[tilespmem:$0x13080] =	vst v63  }
0x5a: {  	s20 =	simm.s32 $0x11280;
	s21 =	simm.s32 $0x11A80  }
0x5b: {  	[tilespmem:s21], [sflag:$0x1] =	stream.indirect.gather [hbm4b:s0+s31], $0x1, s20, s31, $0xb8;
	[tilespmem:$0x13080] =	vst v63  }
0x5c: {  	s22 =	simm.s32 $0x12280  }
0x5d: {  	[tilespmem:s22], [sflag:$0x1] =	stream.indirect.gather [hbm4b:s1+s31], $0x1, s20, s31, $0xb8;
	[tilespmem:$0x13080] =	vst v63  }
0x5e: {  	s23 =	simm.s32 $0x12A80  }
0x5f: {  	[tilespmem:s23], [sflag:$0x1] =	stream.indirect.gather [hbm4b:s2+s31], $0x1, s20, s31, $0xb8;
	[tilespmem:$0x13080] =	vst v63  }
0x60: {  	s15 =	simm.s32 $0x11300;
	s16 =	simm.s32 $0x11B00  }
0x61: {  	[tilespmem:s16], [sflag:$0x1] =	stream.indirect.gather [hbm4b:s0+s31], $0x1, s15, s31, $0xb8;
	[tilespmem:$0x13080] =	vst v63  }
0x62: {  	s17 =	simm.s32 $0x12300  }
0x63: {  	[tilespmem:s17], [sflag:$0x1] =	stream.indirect.gather [hbm4b:s1+s31], $0x1, s15, s31, $0xb8;
	[tilespmem:$0x13080] =	vst v63  }
0x64: {  	s18 =	simm.s32 $0x12B00  }
0x65: {  	[tilespmem:s18], [sflag:$0x1] =	stream.indirect.gather [hbm4b:s2+s31], $0x1, s15, s31, $0xb8;
	[tilespmem:$0x13080] =	vst v63  }
0x66: {  	s19 =	simm.s32 $0x11380;
	s20 =	simm.s32 $0x11B80  }
0x67: {  	[tilespmem:s20], [sflag:$0x1] =	stream.indirect.gather [hbm4b:s0+s31], $0x1, s19, s31, $0xb8;
	[tilespmem:$0x13080] =	vst v63  }
0x68: {  	s21 =	simm.s32 $0x12380  }
0x69: {  	[tilespmem:s21], [sflag:$0x1] =	stream.indirect.gather [hbm4b:s1+s31], $0x1, s19, s31, $0xb8;
	[tilespmem:$0x13080] =	vst v63  }
0x6a: {  	s22 =	simm.s32 $0x12B80  }
0x6b: {  	[tilespmem:s22], [sflag:$0x1] =	stream.indirect.gather [hbm4b:s2+s31], $0x1, s19, s31, $0xb8;
	[tilespmem:$0x13080] =	vst v63  }
0x6c: {  	s23 =	simm.s32 $0x11400;
	s15 =	simm.s32 $0x11C00  }
0x6d: {  	[tilespmem:s15], [sflag:$0x1] =	stream.indirect.gather [hbm4b:s0+s31], $0x1, s23, s31, $0xb8;
	[tilespmem:$0x13080] =	vst v63  }
0x6e: {  	s16 =	simm.s32 $0x12400  }
0x6f: {  	[tilespmem:s16], [sflag:$0x1] =	stream.indirect.gather [hbm4b:s1+s31], $0x1, s23, s31, $0xb8;
	[tilespmem:$0x13080] =	vst v63  }
0x70: {  	s17 =	simm.s32 $0x12C00  }
0x71: {  	[tilespmem:s17], [sflag:$0x1] =	stream.indirect.gather [hbm4b:s2+s31], $0x1, s23, s31, $0xb8;
	[tilespmem:$0x13080] =	vst v63  }
0x72: {  	s18 =	simm.s32 $0x11480;
	s19 =	simm.s32 $0x11C80  }
0x73: {  	[tilespmem:s19], [sflag:$0x1] =	stream.indirect.gather [hbm4b:s0+s31], $0x1, s18, s31, $0xb8;
	[tilespmem:$0x13080] =	vst v63  }
0x74: {  	s20 =	simm.s32 $0x12480  }
0x75: {  	[tilespmem:s20], [sflag:$0x1] =	stream.indirect.gather [hbm4b:s1+s31], $0x1, s18, s31, $0xb8;
	[tilespmem:$0x13080] =	vst v63  }
0x76: {  	s21 =	simm.s32 $0x12C80  }
0x77: {  	[tilespmem:s21], [sflag:$0x1] =	stream.indirect.gather [hbm4b:s2+s31], $0x1, s18, s31, $0xb8;
	[tilespmem:$0x13080] =	vst v63  }
0x78: {  	s22 =	simm.s32 $0x11500;
	s23 =	simm.s32 $0x11D00  }
0x79: {  	[tilespmem:s23], [sflag:$0x1] =	stream.indirect.gather [hbm4b:s0+s31], $0x1, s22, s31, $0xb8;
	[tilespmem:$0x13080] =	vst v63  }
0x7a: {  	s15 =	simm.s32 $0x12500  }
0x7b: {  	[tilespmem:s15], [sflag:$0x1] =	stream.indirect.gather [hbm4b:s1+s31], $0x1, s22, s31, $0xb8;
	[tilespmem:$0x13080] =	vst v63  }
0x7c: {  	s16 =	simm.s32 $0x12D00  }
0x7d: {  	[tilespmem:s16], [sflag:$0x1] =	stream.indirect.gather [hbm4b:s2+s31], $0x1, s22, s31, $0xb8;
	[tilespmem:$0x13080] =	vst v63  }
0x7e: {  	s17 =	simm.s32 $0x11580;
	s18 =	simm.s32 $0x11D80  }
0x7f: {  	[tilespmem:s18], [sflag:$0x1] =	stream.indirect.gather [hbm4b:s0+s31], $0x1, s17, s31, $0xb8;
	[tilespmem:$0x13080] =	vst v63  }
0x80: {  	s19 =	simm.s32 $0x12580  }
0x81: {  	[tilespmem:s19], [sflag:$0x1] =	stream.indirect.gather [hbm4b:s1+s31], $0x1, s17, s31, $0xb8;
	[tilespmem:$0x13080] =	vst v63  }
0x82: {  	s20 =	simm.s32 $0x12D80  }
0x83: {  	[tilespmem:s20], [sflag:$0x1] =	stream.indirect.gather [hbm4b:s2+s31], $0x1, s17, s31, $0xb8;
	[tilespmem:$0x13080] =	vst v63  }
0x84: {  	s21 =	simm.s32 $0x11600;
	s22 =	simm.s32 $0x11E00  }
0x85: {  	[tilespmem:s22], [sflag:$0x1] =	stream.indirect.gather [hbm4b:s0+s31], $0x1, s21, s31, $0xb8;
	[tilespmem:$0x13080] =	vst v63  }
0x86: {  	s23 =	simm.s32 $0x12600  }
0x87: {  	[tilespmem:s23], [sflag:$0x1] =	stream.indirect.gather [hbm4b:s1+s31], $0x1, s21, s31, $0xb8;
	[tilespmem:$0x13080] =	vst v63  }
0x88: {  	s14 =	simm.s32 $0x12E00  }
0x89: {  	[tilespmem:s14], [sflag:$0x1] =	stream.indirect.gather [hbm4b:s2+s31], $0x1, s21, s31, $0xb8;
	[tilespmem:$0x13080] =	vst v63  }
0x8a: {  	_ =	swait.ge [sflag:s24], $0x80  }
0x8b: {  	[sflag:s24] =	ssyncset.done $0x0  }
0x8c: {  	[sflag:s24] =	ssyncadd.s32 $0xFFFFFF80  }
0x8d: {  	_ =	swait.ge [sflag:s24], $0x80  }
0x8e: {  	[sflag:s24] =	ssyncset.done $0x0  }
0x8f: {  	[sflag:s24] =	ssyncadd.s32 $0xFFFFFF80  }
0x90: {  	_ =	swait.ge [sflag:s24], $0x80  }
0x91: {  	[sflag:s24] =	ssyncset.done $0x0  }
0x92: {  	[sflag:s24] =	ssyncadd.s32 $0xFFFFFF80  }
0x93: {  	_ =	swait.ge [sflag:s24], $0x80  }
0x94: {  	[sflag:s24] =	ssyncset.done $0x0  }
0x95: {  	[sflag:s24] =	ssyncadd.s32 $0xFFFFFF80  }
0x96: {  	_ =	swait.ge [sflag:s24], $0x80  }
0x97: {  	[sflag:s24] =	ssyncset.done $0x0  }
0x98: {  	[sflag:s24] =	ssyncadd.s32 $0xFFFFFF80  }
0x99: {  	_ =	swait.ge [sflag:s24], $0x80  }
0x9a: {  	[sflag:s24] =	ssyncset.done $0x0  }
0x9b: {  	[sflag:s24] =	ssyncadd.s32 $0xFFFFFF80  }
0x9c: {  	_ =	swait.ge [sflag:s24], $0x80  }
0x9d: {  	[sflag:s24] =	ssyncset.done $0x0  }
0x9e: {  	[sflag:s24] =	ssyncadd.s32 $0xFFFFFF80  }
0x9f: {  	_ =	swait.ge [sflag:s24], $0x80  }
0xa0: {  	[sflag:s24] =	ssyncset.done $0x0  }
0xa1: {  	[sflag:s24] =	ssyncadd.s32 $0xFFFFFF80  }
0xa2: {  	_ =	swait.ge [sflag:s24], $0x80  }
0xa3: {  	[sflag:s24] =	ssyncset.done $0x0  }
0xa4: {  	[sflag:s24] =	ssyncadd.s32 $0xFFFFFF80  }
0xa5: {  	_ =	swait.ge [sflag:s24], $0x80  }
0xa6: {  	[sflag:s24] =	ssyncset.done $0x0  }
0xa7: {  	[sflag:s24] =	ssyncadd.s32 $0xFFFFFF80  }
0xa8: {  	_ =	swait.ge [sflag:s24], $0x80  }
0xa9: {  	[sflag:s24] =	ssyncset.done $0x0  }
0xaa: {  	[sflag:s24] =	ssyncadd.s32 $0xFFFFFF80  }
0xab: {  	_ =	swait.ge [sflag:s24], $0x80  }
0xac: {  	[sflag:s24] =	ssyncset.done $0x0  }
0xad: {  	[sflag:s24] =	ssyncadd.s32 $0xFFFFFF80  }
0xae: {  	_ =	swait.ge [sflag:s24], $0x80  }
0xaf: {  	[sflag:s24] =	ssyncset.done $0x0  }
0xb0: {  	[sflag:s24] =	ssyncadd.s32 $0xFFFFFF80  }
0xb1: {  	_ =	swait.ge [sflag:s24], $0x80  }
0xb2: {  	[sflag:s24] =	ssyncset.done $0x0  }
0xb3: {  	[sflag:s24] =	ssyncadd.s32 $0xFFFFFF80  }
0xb4: {  	_ =	swait.ge [sflag:s24], $0x80  }
0xb5: {  	[sflag:s24] =	ssyncset.done $0x0  }
0xb6: {  	[sflag:s24] =	ssyncadd.s32 $0xFFFFFF80  }
0xb7: {  	_ =	swait.ge [sflag:s24], $0x80  }
0xb8: {  	[sflag:s24] =	ssyncset.done $0x0  }
0xb9: {  	[sflag:s24] =	ssyncadd.s32 $0xFFFFFF80  }
0xba: {  	_ =	swait.ge [sflag:s24], $0x80  }
0xbb: {  	[sflag:s24] =	ssyncset.done $0x0  }
0xbc: {  	[sflag:s24] =	ssyncadd.s32 $0xFFFFFF80  }
0xbd: {  	_ =	swait.ge [sflag:s24], $0x80  }
0xbe: {  	[sflag:s24] =	ssyncset.done $0x0  }
0xbf: {  	[sflag:s24] =	ssyncadd.s32 $0xFFFFFF80  }
0xc0: {  	_ =	swait.ge [sflag:s24], $0x80  }
0xc1: {  	[sflag:s24] =	ssyncset.done $0x0  }
0xc2: {  	[sflag:s24] =	ssyncadd.s32 $0xFFFFFF80  }
0xc3: {  	_ =	swait.ge [sflag:s24], $0x80  }
0xc4: {  	[sflag:s24] =	ssyncset.done $0x0  }
0xc5: {  	[sflag:s24] =	ssyncadd.s32 $0xFFFFFF80  }
0xc6: {  	_ =	swait.ge [sflag:s24], $0x80  }
0xc7: {  	[sflag:s24] =	ssyncset.done $0x0  }
0xc8: {  	[sflag:s24] =	ssyncadd.s32 $0xFFFFFF80  }
0xc9: {  	_ =	swait.ge [sflag:s24], $0x80  }
0xca: {  	[sflag:s24] =	ssyncset.done $0x0  }
0xcb: {  	[sflag:s24] =	ssyncadd.s32 $0xFFFFFF80  }
0xcc: {  	_ =	swait.ge [sflag:s24], $0x80  }
0xcd: {  	[sflag:s24] =	ssyncset.done $0x0  }
0xce: {  	[sflag:s24] =	ssyncadd.s32 $0xFFFFFF80  }
0xcf: {  	_ =	swait.ge [sflag:s24], $0x80  }
0xd0: {  	[sflag:s24] =	ssyncset.done $0x0  }
0xd1: {  	[sflag:s24] =	ssyncadd.s32 $0xFFFFFF80  }
0xd2: {  	_ =	swait.ge [sflag:s24], $0x80  }
0xd3: {  	[sflag:s24] =	ssyncset.done $0x0  }
0xd4: {  	[sflag:s24] =	ssyncadd.s32 $0xFFFFFF80  }
0xd5: {  	_ =	swait.ge [sflag:s24], $0x80  }
0xd6: {  	[sflag:s24] =	ssyncset.done $0x0  }
0xd7: {  	[sflag:s24] =	ssyncadd.s32 $0xFFFFFF80  }
0xd8: {  	_ =	swait.ge [sflag:s24], $0x80  }
0xd9: {  	[sflag:s24] =	ssyncset.done $0x0  }
0xda: {  	[sflag:s24] =	ssyncadd.s32 $0xFFFFFF80  }
0xdb: {  	_ =	swait.ge [sflag:s24], $0x80  }
0xdc: {  	[sflag:s24] =	ssyncset.done $0x0  }
0xdd: {  	[sflag:s24] =	ssyncadd.s32 $0xFFFFFF80  }
0xde: {  	_ =	swait.ge [sflag:s24], $0x80  }
0xdf: {  	[sflag:s24] =	ssyncset.done $0x0  }
0xe0: {  	[sflag:s24] =	ssyncadd.s32 $0xFFFFFF80  }
0xe1: {  	_ =	swait.ge [sflag:s24], $0x80  }
0xe2: {  	[sflag:s24] =	ssyncset.done $0x0  }
0xe3: {  	[sflag:s24] =	ssyncadd.s32 $0xFFFFFF80  }
0xe4: {  	_ =	swait.ge [sflag:s24], $0x80  }
0xe5: {  	[sflag:s24] =	ssyncset.done $0x0  }
0xe6: {  	[sflag:s24] =	ssyncadd.s32 $0xFFFFFF80  }
0xe7: {  	_ =	swait.ge [sflag:s24], $0x80  }
0xe8: {  	[sflag:s24] =	ssyncset.done $0x0  }
0xe9: {  	[sflag:s24] =	ssyncadd.s32 $0xFFFFFF80  }
0xea: {  	_ =	swait.ge [sflag:s24], $0x80  }
0xeb: {  	[sflag:s24] =	ssyncset.done $0x0  }
0xec: {  	[sflag:s24] =	ssyncadd.s32 $0xFFFFFF80  }
0xed: {  	_ =	swait.ge [sflag:s24], $0x80  }
0xee: {  	[sflag:s24] =	ssyncset.done $0x0  }
0xef: {  	[sflag:s24] =	ssyncadd.s32 $0xFFFFFF80  }
0xf0: {  	_ =	swait.ge [sflag:s24], $0x80  }
0xf1: {  	[sflag:s24] =	ssyncset.done $0x0  }
0xf2: {  	[sflag:s24] =	ssyncadd.s32 $0xFFFFFF80  }
0xf3: {  	_ =	swait.ge [sflag:s24], $0x80  }
0xf4: {  	[sflag:s24] =	ssyncset.done $0x0  }
0xf5: {  	[sflag:s24] =	ssyncadd.s32 $0xFFFFFF80  }
0xf6: {  	_ =	swait.ge [sflag:s24], $0x80  }
0xf7: {  	[sflag:s24] =	ssyncset.done $0x0  }
0xf8: {  	[sflag:s24] =	ssyncadd.s32 $0xFFFFFF80  }
0xf9: {  	_ =	swait.ge [sflag:s24], $0x80  }
0xfa: {  	[sflag:s24] =	ssyncset.done $0x0  }
0xfb: {  	[sflag:s24] =	ssyncadd.s32 $0xFFFFFF80  }
0xfc: {  	_ =	swait.ge [sflag:s24], $0x80  }
0xfd: {  	[sflag:s24] =	ssyncset.done $0x0  }
0xfe: {  	[sflag:s24] =	ssyncadd.s32 $0xFFFFFF80  }
0xff: {  	_ =	swait.ge [sflag:s24], $0x80  }
0x100: {  	[sflag:s24] =	ssyncset.done $0x0  }
0x101: {  	[sflag:s24] =	ssyncadd.s32 $0xFFFFFF80  }
0x102: {  	_ =	swait.ge [sflag:s24], $0x80  }
0x103: {  	[sflag:s24] =	ssyncset.done $0x0  }
0x104: {  	[sflag:s24] =	ssyncadd.s32 $0xFFFFFF80  }
0x105: {  	_ =	swait.ge [sflag:s24], $0x80  }
0x106: {  	[sflag:s24] =	ssyncset.done $0x0  }
0x107: {  	[sflag:s24] =	ssyncadd.s32 $0xFFFFFF80  }
0x108: {  	_ =	swait.ge [sflag:s24], $0x80  }
0x109: {  	[sflag:s24] =	ssyncset.done $0x0  }
0x10a: {  	[sflag:s24] =	ssyncadd.s32 $0xFFFFFF80  }
0x10b: {  	_ =	swait.ge [sflag:s24], $0x80  }
0x10c: {  	[sflag:s24] =	ssyncset.done $0x0  }
0x10d: {  	[sflag:s24] =	ssyncadd.s32 $0xFFFFFF80  }
0x10e: {  	_ =	swait.ge [sflag:s24], $0x80  }
0x10f: {  	[sflag:s24] =	ssyncset.done $0x0  }
0x110: {  	[sflag:s24] =	ssyncadd.s32 $0xFFFFFF80  }
0x111: {  	_ =	swait.ge [sflag:s24], $0x80  }
0x112: {  	[sflag:s24] =	ssyncset.done $0x0  }
0x113: {  	[sflag:s24] =	ssyncadd.s32 $0xFFFFFF80  }
0x114: {  	_ =	swait.ge [sflag:s24], $0x80  }
0x115: {  	[sflag:s24] =	ssyncset.done $0x0  }
0x116: {  	[sflag:s24] =	ssyncadd.s32 $0xFFFFFF80  }
0x117: {  	_ =	swait.ge [sflag:s24], $0x80  }
0x118: {  	[sflag:s24] =	ssyncset.done $0x0  }
0x119: {  	s16 =	simm.s32 $0x0;
	s15 =	rddreg [dreg:$0x11];
	[sflag:s24] =	ssyncadd.s32 $0xFFFFFF80  }
0x11a: {  	[hbm4b:s15+s16] =	stream.linear.scatter [tilespmem:s6], [sflag:$0x2], $0x800, $0x38;
	[tilespmem:$0x13080] =	vst v63  }
0x11b: {  	_ =	swait.ge [sflag:s25], $0x800  }
0x11c: {  	[sflag:s25] =	ssyncset.done $0x0  }
0x11d: {  	s17 =	rddreg [dreg:$0x12];
	[sflag:s25] =	ssyncadd.s32 $0xFFFFF800  }
0x11e: {  	[hbm4b:s17+s16] =	stream.linear.scatter [tilespmem:s9], [sflag:$0x2], $0x800, $0x38;
	[tilespmem:$0x13080] =	vst v63  }
0x11f: {  	_ =	swait.ge [sflag:s25], $0x800  }
0x120: {  	[sflag:s25] =	ssyncset.done $0x0  }
0x121: {  	s18 =	rddreg [dreg:$0x13];
	[sflag:s25] =	ssyncadd.s32 $0xFFFFF800  }
0x122: {  	[hbm4b:s18+s16] =	stream.linear.scatter [tilespmem:s10], [sflag:$0x2], $0x800, $0x38;
	[tilespmem:$0x13080] =	vst v63  }
0x123: {  	_ =	swait.ge [sflag:s25], $0x800  }
0x124: {  	[sflag:s25] =	ssyncset.done $0x0  }
0x125: {  	s19 =	rddreg [dreg:$0x14];
	[sflag:s25] =	ssyncadd.s32 $0xFFFFF800  }
0x126: {  	[hbm4b:s19+s16] =	stream.linear.scatter [tilespmem:s11], [sflag:$0x2], $0x800, $0x38;
	[tilespmem:$0x13080] =	vst v63  }
0x127: {  	_ =	swait.ge [sflag:s25], $0x800  }
0x128: {  	[sflag:s25] =	ssyncset.done $0x0  }
0x129: {  	s21 =	simm.s32 $0x12E80;
	s20 =	rddreg [dreg:$0x15];
	[sflag:s25] =	ssyncadd.s32 $0xFFFFF800  }
0x12a: {  	[hbm4b:s20+s16] =	stream.linear.scatter [tilespmem:s21], [sflag:$0x2], $0x20, $0x38;
	[tilespmem:$0x13080] =	vst v63  }
0x12b: {  	_ =	swait.ge [sflag:s25], $0x20  }
0x12c: {  	s22 =	rddreg [dreg:$0x17]  }
0x12d: {  	s23 =	rddreg [dreg:$0x16];
	s1 =	sadd.s32 $0x1, s22  }
0x12e: {  	p0 =	sne.s32 s1, s23  }
.Ltmp1:
0x12f: {  	_ = 	snop;
	(pc) =	sbr.rel @!p0 .LBB2_24-.Ltmp1, $3  }
0x130: {  	_ =	sdelay $0x1  }
0x131: {  	[sflag:s25] =	ssyncset.done $0x0  }
0x132: {  	[sflag:s25] =	ssyncadd.s32 $0xFFFFFFE0  }
.LBB2_1:
0x133: {  	[dreg:$0x17] =	wrdreg s1  }
0x134: {  	s0 =	rddreg [dreg:$0xc];
	s23 =	simm.s32 $0x10B80  }
0x135: {  	[tilespmem:s23], [sflag:$0x2] =	stream.linear.gather [hbm4b:s0+s16], $0x20, $0x38;
	[tilespmem:$0x13080] =	vst v63  }
0x136: {  	_ =	swait.ge [sflag:s25], $0x20  }
0x137: {  	[sflag:s25] =	ssyncset.done $0x0  }
0x138: {  	s2 =	simm.s32 $0x10C00;
	s1 =	rddreg [dreg:$0xd];
	[sflag:s25] =	ssyncadd.s32 $0xFFFFFFE0  }
0x139: {  	[tilespmem:s2], [sflag:$0x2] =	stream.linear.gather [hbm4b:s1+s16], $0x20, $0x38;
	[tilespmem:$0x13080] =	vst v63  }
0x13a: {  	_ =	swait.ge [sflag:s25], $0x20  }
0x13b: {  	[sflag:s25] =	ssyncset.done $0x0  }
0x13c: {  	s9 =	simm.s32 $0x10C80;
	s6 =	rddreg [dreg:$0xe];
	[sflag:s25] =	ssyncadd.s32 $0xFFFFFFE0  }
0x13d: {  	[tilespmem:s9], [sflag:$0x2] =	stream.linear.gather [hbm4b:s6+s16], $0x20, $0x38;
	[tilespmem:$0x13080] =	vst v63  }
0x13e: {  	_ =	swait.ge [sflag:s25], $0x20  }
0x13f: {  	[sflag:s25] =	ssyncset.done $0x0  }
0x140: {  	s11 =	simm.s32 $0x10D00;
	s10 =	rddreg [dreg:$0xf];
	[sflag:s25] =	ssyncadd.s32 $0xFFFFFFE0  }
0x141: {  	[tilespmem:s11], [sflag:$0x2] =	stream.linear.gather [hbm4b:s10+s16], $0x20, $0x38;
	[tilespmem:$0x13080] =	vst v63  }
0x142: {  	_ =	swait.ge [sflag:s25], $0x20  }
0x143: {  	[sflag:s25] =	ssyncset.done $0x0  }
0x144: {  	s14 =	simm.s32 $0x10D80;
	s13 =	rddreg [dreg:$0x10];
	[sflag:s25] =	ssyncadd.s32 $0xFFFFFFE0  }
0x145: {  	[tilespmem:s14], [sflag:$0x2] =	stream.linear.gather [hbm4b:s13+s16], $0x20, $0x38;
	[tilespmem:$0x13080] =	vst v63  }
0x146: {  	_ =	swait.ge [sflag:s25], $0x20  }
0x147: {  	[sflag:s25] =	ssyncset.done $0x0  }
0x148: {  	s17 =	simm.s32 $0x10E00;
	s15 =	rddreg [dreg:$0x8];
	[sflag:s25] =	ssyncadd.s32 $0xFFFFFFE0  }
0x149: {  	[tilespmem:s17], [sflag:$0x2] =	stream.linear.gather [hbm4b:s15+s16], $0x10, $0x38;
	[tilespmem:$0x13080] =	vst v63  }
0x14a: {  	_ =	swait.ge [sflag:s25], $0x10  }
0x14b: {  	[sflag:s25] =	ssyncset.done $0x0  }
0x14c: {  	s18 =	simm.s32 $0x10800;
	[sflag:s25] =	ssyncadd.s32 $0xFFFFFFF0  }
0x14d: {  	[tilespmem:s18], [sflag:$0x2] =	stream.linear.gather [hbm4b:s3+s16], $0x80, $0x38;
	[tilespmem:$0x13080] =	vst v63  }
0x14e: {  	_ =	swait.ge [sflag:s25], $0x80  }
0x14f: {  	[sflag:s25] =	ssyncset.done $0x0  }
0x150: {  	s19 =	simm.s32 $0x10880;
	[sflag:s25] =	ssyncadd.s32 $0xFFFFFF80  }
0x151: {  	[tilespmem:s19], [sflag:$0x2] =	stream.linear.gather [hbm4b:s4+s16], $0x80, $0x38;
	[tilespmem:$0x13080] =	vst v63  }
0x152: {  	_ =	swait.ge [sflag:s25], $0x80  }
0x153: {  	[sflag:s25] =	ssyncset.done $0x0  }
0x154: {  	s20 =	simm.s32 $0x10900;
	[sflag:s25] =	ssyncadd.s32 $0xFFFFFF80  }
0x155: {  	[tilespmem:s20], [sflag:$0x2] =	stream.linear.gather [hbm4b:s5+s16], $0x80, $0x38;
	[tilespmem:$0x13080] =	vst v63  }
0x156: {  	_ =	swait.ge [sflag:s25], $0x80  }
0x157: {  	[sflag:s25] =	ssyncset.done $0x0  }
0x158: {  	s21 =	simm.s32 $0x10980;
	[sflag:s25] =	ssyncadd.s32 $0xFFFFFF80  }
0x159: {  	[tilespmem:s21], [sflag:$0x2] =	stream.linear.gather [hbm4b:s7+s16], $0x80, $0x38;
	[tilespmem:$0x13080] =	vst v63  }
0x15a: {  	_ =	swait.ge [sflag:s25], $0x80  }
0x15b: {  	[sflag:s25] =	ssyncset.done $0x0  }
0x15c: {  	[sflag:s25] =	ssyncadd.s32 $0xFFFFFF80  }
0x15d: {  	s23 =	simm.s32 $0x10A00;
	s22 =	rddreg [dreg:$0x1]  }
0x15e: {  	[tilespmem:s23], [sflag:$0x2] =	stream.linear.gather [hbm4b:s22+s16], $0x80, $0x38;
	[tilespmem:$0x13080] =	vst v63  }
.Ltmp2:
0x15f: {  	_ =	swait.ge [sflag:s25], $0x80;
	(pc) =	sbr.rel .LBB2_2-.Ltmp2, $4  }
0x160: {  	[sflag:s25] =	ssyncset.done $0x0  }
0x161: {  	[sflag:s25] =	ssyncadd.s32 $0xFFFFFF80  }
0x162: {  	[tilespmem:$0x12F00] =	vst v0  }
0x163: {  	v13 =	vimm.s32 $0x0;
	v14 =	vimm.s32 $0x0;
	s6 =	simm.s32 $0xFFFFFFFE;
	s14 =	simm.s32 $0xFFFFFFFF;
	s15 =	simm.s32 $0x0;
	[tilespmem:$0x12F50] =	vst v0  }
.LBB2_22:
0x164: {  	v15 =	vmov s15;
	p0 =	slt.s32 s2, $0x40;
	s15 =	sadd.s32 $0x1, s15  }
0x165: {  	s2 =	simm.s32 @!p0 $0x40;
	p0 =	sne.s32 s15, $0x20  }
.Ltmp3:
0x166: {  	_ = 	snop;
	(pc) =	sbr.rel @!p0 .LBB2_23-.Ltmp3, $3  }
0x167: {  	_ =	sdelay $0x1  }
0x168: {  	vm4 =	veq.s32 v15, v1;
	vm5 =	veq.s32 v15, v11  }
0x169: {  	v14 =	vsel vm4, s2, v14;
	v13 =	vsel vm5, s2, v13  }
.LBB2_2:
0x16a: {  	v15 =	vld [tilespmem:s15+$0x10D80];
	_ =	sdelay $0x4  }
0x16b: {  	(v2sf) =	vpush v15, $0x0;
	_ =	sdelay $0xe  }
0x16c: {  	s0 =	spop (v2sf)  }
0x16d: {  	v16 =	vld [tilespmem:s0+$0x10E00]  }
0x16e: {  	v17 =	vld [tilespmem:s0+$0x10E08];
	_ =	sdelay $0x3  }
0x16f: {  	(v2sf) =	vpush v16, $0x0  }
0x170: {  	(v2sf) =	vpush v17, $0x0;
	_ =	sdelay $0xd  }
0x171: {  	s18 =	spop (v2sf)  }
0x172: {  	s19 =	spop (v2sf);
	s23 =	sshra.s32 s18, $0x1F;
	s1 =	sand.u32 $0x1FFF, s18  }
0x173: {  	p0 =	slt.s32 s18, $0x1;
	s0 =	sshrl.u32 s23, $0x13;
	s2 =	sadd.s32 $0xFFFFFFFF, s19  }
0x174: {  	p1 =	sne.s32 s1, $0x0;
	s1 =	smov.u32 s18;
	p2 =	sgt.s32 s2, s18  }
0x175: {  	s0 =	sadd.s32 s0, s18;
	p0 =	por !p0, !p1;
	s1 =	smov.u32 @p2 s2  }
0x176: {  	s0 =	sshra.s32 s0, $0xD;
	p1 =	por !p0, !p0;
	s2 =	sand.u32 $0x1FFF, s1  }
0x177: {  	s9 =	sshra.s32 s1, $0x1F;
	p5 =	slt.s32 s1, $0x1;
	p6 =	sne.s32 s2, $0x0  }
0x178: {  	s2 =	simm.s32 $0x1;
	s9 =	sshrl.u32 s9, $0x13;
	p0 =	por !p5, !p6  }
0x179: {  	s1 =	sadd.s32 s9, s1;
	s9 =	simm.s32 $0x1;
	p0 =	por !p0, !p0  }
0x17a: {  	s2 =	simm.s32 @!p1 $0x0;
	s10 =	sshra.s32 s1, $0xD;
	s9 =	simm.s32 @!p0 $0x0  }
0x17b: {  	s1 =	ssub.s32 s0, s2;
	s20 =	ssub.s32 s10, s9  }
0x17c: {  	p0 =	sgt.s32 s1, s20  }
.Ltmp4:
0x17d: {  	_ = 	snop;
	(pc) =	sbr.rel @!p0 .LBB2_3-.Ltmp4, $4  }
0x17e: {  	v18 =	vld [tilespmem:s15+$0x10C00]  }
0x17f: {  	v19 =	vld [tilespmem:s15+$0x10C80]  }
0x180: {  	v16 =	vld [tilespmem:s15+$0x10B80]  }
0x181: {  	v17 =	vld [tilespmem:s15+$0x10D00];
	s2 =	simm.s32 $0x0  }
.LBB2_12:
0x182: {  	p0 =	slt.s32 s2, $0x400;
	s0 =	smov.u32 s2  }
0x183: {  	s0 =	simm.s32 @!p0 $0x400  }
0x184: {  	s1 =	sadd.s32 $0xF, s0  }
0x185: {  	s9 =	sand.u32 $0xF, s1  }
0x186: {  	p1 =	slt.s32 s2, $0xFFFFFFF2;
	s23 =	sshra.s32 s1, $0x1F;
	p6 =	sne.s32 s9, $0x0  }
0x187: {  	s9 =	sshrl.u32 s23, $0x1C;
	p0 =	por !p1, !p6  }
0x188: {  	s1 =	sadd.s32 s9, s1;
	s9 =	simm.s32 $0x1;
	p0 =	por !p0, !p0  }
0x189: {  	s1 =	sshra.s32 s1, $0x4;
	s9 =	simm.s32 @!p0 $0x0  }
0x18a: {  	s1 =	ssub.s32 s1, s9  }
0x18b: {  	p0 =	slt.s32 s1, $0x1  }
.Ltmp5:
0x18c: {  	_ = 	snop;
	(pc) =	sbr.rel @p0 .LBB2_13-.Ltmp5, $1  }
0x18d: {  	_ =	sdelay $0x3  }
0x18e: {  	s9 =	simm.s32 $0x10000  }
0x18f: {  	p1 =	sne.s32 s1, $0x1;
	v23 =	vld [tilespmem:s9+$0x0]  }
.Ltmp6:
0x190: {  	_ = 	snop;
	(pc) =	sbr.rel @!p1 .LBB2_15-.Ltmp6, $4  }
0x191: {  	s22 =	simm.s32 $0x0  }
0x192: {  	v22 =	vmov s0;
	v20 =	vor.u32 s22, v1  }
0x193: {  	s23 =	simm.s32 $0x10400;
	vm4 =	vlt.s32 v20, v22  }
0x194: {  	v21 =	vimm.f32 $+Inf;
	s10 =	sadd.s32 $0xFFFFFFFF, s1;
	p0 =	por $0x0, $0x0;
	v26 =	vld [tilespmem:s23+$0x0];
	v20 =	vimm.s32 $0x0;
	v27 =	vnsel vm4, $0x7F800000, v23  }
0x195: {  	_ =	sdelay $0x3  }
0x196: {  	(xrf1) =	vsort.ascd.msk.f32 $0xffff, v27, v26;
	_ =	sdelay $0xd  }
0x197: {  	s0 =	simm.s32 $0x10010;
	v23, v24, _ =	vpop (xrf1)  }
0x198: {  	v25 =	vld [tilespmem:s0+$0x0];
	v23 =	vperm.xlane v23, v9  }
0x199: {  	p1 =	sne.s32 s10, $0x1;
	v26 =	vperm.xlane v24, v9  }
.Ltmp7:
0x19a: {  	s1 =	simm.s32 $0x10;
	s9 =	simm.s32 $0x10410;
	v28 =	vimm.f32 $+Inf;
	v32 =	vimm.f32 $+Inf;
	vm4 =	vle.f32 v21, v23;
	(pc) =	sbr.rel @!p1 .LBB2_17-.Ltmp7, $4  }
0x19b: {  	v27 =	vor.u32 s1, v1;
	v24 =	vsel vm4, v21, v23;
	v23 =	vsel vm4, v20, v26;
	v26 =	vld [tilespmem:s9+$0x0]  }
0x19c: {  	v30 =	vimm.s32 $0x0;
	v29 =	vimm.s32 $0x0;
	vm5 =	vlt.s32 v27, v22  }
0x19d: {  	v33 =	vimm.f32 $+Inf;
	v27 =	vnsel vm5, $0x7F800000, v25;
	vm4 =	vle.f32 v21, v24  }
0x19e: {  	s10 =	sadd.s32 $0xFFFFFFFF, s10;
	p0 =	por $0x1, $0x1;
	vm5 =	vle.f32 v21, v21;
	v25 =	vimm.s32 $0x0;
	v31 =	vsel vm4, v24, v21  }
.LBB2_18:
0x19f: {  	p1 =	sne.s32 s10, $0x1;
	s10 =	sadd.s32 $0xFFFFFFFF, s10;
	v34 =	vsel vm5, v28, v32;
	v35 =	vsel vm5, v25, v30;
	v36 =	vsel vm4, v23, v29  }
0x1a0: {  	(xrf1) =	vsort.ascd.msk.f32 $0xffff, v27, v26;
	v26 =	vsel vm5, v32, v28;
	vm6 =	vle.f32 v34, v31  }
0x1a1: {  	v27 =	vsel vm6, v34, v31;
	v28 =	vsel vm6, v31, v34;
	v31 =	vsel vm6, v36, v35  }
0x1a2: {  	v24 =	vsel vm4, v33, v24;
	v32 =	vsel vm6, v35, v36;
	(xrf1) =	vsort.ascd.msk.f32 $0xffff, v28, v31  }
0x1a3: {  	v25 =	vsel vm5, v30, v25;
	v23 =	vsel vm4, v29, v23;
	vm4 =	vle.f32 v26, v24  }
0x1a4: {  	v28 =	vsel vm4, v24, v26;
	v29 =	vsel vm4, v23, v25;
	(xrf1) =	vsort.ascd.msk.f32 $0xffff, v27, v32  }
0x1a5: {  	v24 =	vsel vm4, v26, v24;
	v23 =	vsel vm4, v25, v23;
	(xrf1) =	vsort.ascd.msk.f32 $0xffff, v28, v29  }
0x1a6: {  	(xrf1) =	vsort.ascd.msk.f32 $0xffff, v24, v23;
	_ =	sdelay $0x7  }
0x1a7: {  	v23, v24, _ =	vpop (xrf1)  }
0x1a8: {  	s0 =	sadd.s32 $0x10, s0;
	v23 =	vperm.xlane v23, v9;
	v30 =	vperm.xlane v24, v9  }
0x1a9: {  	s9 =	sadd.s32 $0x10, s9;
	v27 =	vld [tilespmem:s0+$0x0];
	v24, v28, _ =	vpop (xrf1)  }
.Ltmp8:
0x1aa: {  	vm4 =	vle.f32 v24, v23;
	(pc) =	sbr.rel @p1 .LBB2_18-.Ltmp8, $4  }
0x1ab: {  	s1 =	sadd.s32 $0x10, s1;
	v26 =	vld [tilespmem:s9+$0x0];
	v24 =	vsel vm4, v24, v23;
	v23 =	vsel vm4, v28, v30;
	v28, v25, _ =	vpop (xrf1)  }
0x1ac: {  	v31 =	vor.u32 s1, v1;
	v33, v29, _ =	vpop (xrf1)  }
0x1ad: {  	vm5 =	vlt.s32 v31, v22;
	vm4 =	vle.f32 v33, v24;
	v32, v30, _ =	vpop (xrf1)  }
0x1ae: {  	v27 =	vnsel vm5, $0x7F800000, v27;
	vm5 =	vle.f32 v32, v28;
	v31 =	vsel vm4, v24, v33  }
.LBB2_19:
0x1af: {  	v22 =	vsel @p0 vm5, v28, v32;
	v34 =	vsel @p0 vm5, v25, v30;
	v35 =	vsel @p0 vm4, v23, v29  }
0x1b0: {  	v24 =	vsel @p0 vm4, v33, v24;
	v23 =	vsel @p0 vm4, v29, v23;
	vm6 =	vle.f32 @p0 v22, v31  }
0x1b1: {  	(xrf1) =	vsort.ascd.msk.f32 $0xffff, v27, v26;
	v26 =	vsel @p0 vm5, v32, v28;
	v27 =	vsel @p0 vm6, v22, v31  }
0x1b2: {  	v22 =	vsel @p0 vm6, v31, v22;
	v28 =	vsel @p0 vm6, v35, v34;
	v31 =	vsel @p0 vm6, v34, v35  }
0x1b3: {  	vm4 =	vle.f32 @p0 v26, v24;
	(xrf1) =	vsort.ascd.msk.f32 @p0 $0xffff, v22, v28;
	v22 =	vsel @p0 vm5, v30, v25  }
0x1b4: {  	v25 =	vsel @p0 vm4, v24, v26;
	v28 =	vsel @p0 vm4, v23, v22;
	(xrf1) =	vsort.ascd.msk.f32 @p0 $0xffff, v27, v31  }
0x1b5: {  	v24 =	vsel @p0 vm4, v26, v24;
	v22 =	vsel @p0 vm4, v22, v23;
	(xrf1) =	vsort.ascd.msk.f32 @p0 $0xffff, v25, v28  }
0x1b6: {  	(xrf1) =	vsort.ascd.msk.f32 @p0 $0xffff, v24, v22;
	_ =	sdelay $0x9  }
0x1b7: {  	v22, v23, _ =	vpop (xrf1)  }
0x1b8: {  	v22 =	vperm.xlane v22, v9;
	v24, v25, _ =	vpop @p0 (xrf1)  }
0x1b9: {  	v24 =	vpsel p0, v24, v21;
	v26, v27, _ =	vpop @p0 (xrf1)  }
0x1ba: {  	vm4 =	vle.f32 v24, v22;
	v28, v29, _ =	vpop @p0 (xrf1)  }
0x1bb: {  	v23 =	vperm.xlane v23, v9;
	v22 =	vsel vm4, v24, v22;
	v24 =	vpsel p0, v25, v20;
	v25, v30, _ =	vpop @p0 (xrf1)  }
0x1bc: {  	v28 =	vpsel p0, v28, v21;
	v25 =	vpsel p0, v25, v21;
	v21 =	vpsel p0, v26, v21  }
0x1bd: {  	v23 =	vsel vm4, v24, v23;
	vm4 =	vle.f32 v28, v22;
	v26 =	vpsel p0, v27, v20  }
0x1be: {  	v27 =	vpsel p0, v30, v20;
	v20 =	vpsel p0, v29, v20;
	vm5 =	vle.f32 v25, v21  }
0x1bf: {  	v24 =	vsel vm4, v22, v28;
	v63 =	vsel vm4, v23, v20;
	v22 =	vsel vm4, v28, v22  }
0x1c0: {  	v20 =	vsel vm4, v20, v23;
	v29 =	vsel vm5, v21, v25;
	v21 =	vsel vm5, v25, v21  }
0x1c1: {  	v30 =	vsel vm5, v26, v27;
	vm15 =	vle.f32 v29, v24;
	vm4 =	vle.f32 v21, v22  }
0x1c2: {  	v25 =	vsel vm15, v29, v24;
	v24 =	vsel vm15, v24, v29;
	v29 =	vsel vm15, v63, v30  }
0x1c3: {  	v28 =	vsel vm15, v30, v63;
	(xrf1) =	vsort.ascd.msk.f32 $0xffff, v24, v29;
	v24 =	vsel vm5, v27, v26  }
0x1c4: {  	v23 =	vsel vm4, v22, v21;
	v26 =	vsel vm4, v20, v24;
	(xrf1) =	vsort.ascd.msk.f32 $0xffff, v25, v28  }
0x1c5: {  	v21 =	vsel vm4, v21, v22;
	v20 =	vsel vm4, v24, v20;
	(xrf1) =	vsort.ascd.msk.f32 $0xffff, v23, v26  }
0x1c6: {  	(xrf1) =	vsort.ascd.msk.f32 $0xffff, v21, v20;
	_ =	sdelay $0x9  }
.Ltmp9:
0x1c7: {  	_ = 	snop;
	(pc) =	sbr.rel .LBB2_20-.Ltmp9, $4  }
0x1c8: {  	v20, v22, _ =	vpop (xrf1)  }
0x1c9: {  	v21, v25, _ =	vpop (xrf1)  }
0x1ca: {  	v23, v27, _ =	vpop (xrf1)  }
0x1cb: {  	v26, v24, _ =	vpop (xrf1)  }
.LBB2_3:
.Ltmp10:
0x1cc: {  	_ = 	snop;
	(pc) =	sbr.rel .LBB2_5-.Ltmp10, $4  }
0x1cd: {  	s0 =	sand.u32 $0x1, s0  }
0x1ce: {  	p2 =	seq.s32 s0, $0x1  }
0x1cf: {  	s21 =	sshll.u32 s1, $0xD;
	s2 =	simm.s32 $0x0;
	v21 =	vbroadcast v18, $0x0;
	p0 =	por !p2, !p2;
	v22 =	vbroadcast v19, $0x0  }
0x1d0: {  	s16 =	smov.u32 s6;
	s22 =	ssub.s32 $0x0, s21;
	v20 =	vbroadcast v16, $0x0;
	p0 =	por @!p1 p2, p2;
	v23 =	vbroadcast v17, $0x0  }
.LBB2_13:
0x1d1: {  	v24 =	vimm.s32 $0x0;
	v26 =	vimm.f32 $+Inf  }
0x1d2: {  	v23 =	vimm.f32 $+Inf;
	v21 =	vimm.f32 $+Inf;
	v20 =	vimm.f32 $+Inf  }
0x1d3: {  	v27 =	vimm.s32 $0x0;
	v25 =	vimm.s32 $0x0;
	v22 =	vimm.s32 $0x0  }
.LBB2_20:
0x1d4: {  	[tilespmem:$0x12F10] =	vst v26  }
0x1d5: {  	[tilespmem:$0x12F90] =	vst v24  }
0x1d6: {  	[tilespmem:$0x12F20] =	vst v23  }
0x1d7: {  	[tilespmem:$0x12FA0] =	vst v27  }
0x1d8: {  	[tilespmem:$0x12F30] =	vst v21  }
0x1d9: {  	[tilespmem:$0x12FB0] =	vst v25  }
0x1da: {  	[tilespmem:$0x12F40] =	vst v20  }
0x1db: {  	[tilespmem:$0x12FC0] =	vst v22;
	v20 =	vld [tilespmem:$0x12F90]  }
0x1dc: {  	v21 =	vld.idx.msk [tilespmem:v2+s28+$0x0], $0xffff  }
0x1dd: {  	v47 =	vld [tilespmem:$0x12F10]  }
0x1de: {  	v23 =	vld.idx.msk [tilespmem:v2+s26+$0x0], $0xffff;
	_ =	sdelay $0x2  }
0x1df: {  	vm4 =	vgt.s32 v20, v21  }
0x1e0: {  	v48 =	vsel vm4, v21, v20;
	v21 =	vsel vm4, v20, v21  }
0x1e1: {  	vm4 =	veq.f32 v47, v23;
	v21 =	vsel vm0, v48, v21  }
0x1e2: {  	v20 =	vsel vm4, v21, v20  }
0x1e3: {  	v49 =	vld [tilespmem:$0x12FA0];
	[tilespmem:$0x13010] =	vst v20  }
0x1e4: {  	v50 =	vld.idx.msk [tilespmem:v3+s28+$0x0], $0xffff  }
0x1e5: {  	v51 =	vld [tilespmem:$0x12F20]  }
0x1e6: {  	v52 =	vld.idx.msk [tilespmem:v3+s26+$0x0], $0xffff;
	_ =	sdelay $0x2  }
0x1e7: {  	vm4 =	vgt.s32 v49, v50  }
0x1e8: {  	v53 =	vsel vm4, v50, v49;
	v22 =	vsel vm4, v49, v50  }
0x1e9: {  	vm4 =	veq.f32 v51, v52;
	v22 =	vsel vm0, v53, v22  }
0x1ea: {  	v21 =	vsel vm4, v22, v49  }
0x1eb: {  	v54 =	vld [tilespmem:$0x12FB0];
	[tilespmem:$0x13020] =	vst v21  }
0x1ec: {  	v55 =	vld.idx.msk [tilespmem:v4+s28+$0x0], $0xffff  }
0x1ed: {  	v56 =	vld [tilespmem:$0x12F30]  }
0x1ee: {  	v57 =	vld.idx.msk [tilespmem:v4+s26+$0x0], $0xffff;
	_ =	sdelay $0x2  }
0x1ef: {  	vm4 =	vgt.s32 v54, v55  }
0x1f0: {  	v58 =	vsel vm4, v55, v54;
	v22 =	vsel vm4, v54, v55  }
0x1f1: {  	vm4 =	veq.f32 v56, v57;
	v22 =	vsel vm0, v58, v22  }
0x1f2: {  	v21 =	vsel vm4, v22, v54  }
0x1f3: {  	v59 =	vld [tilespmem:$0x12FC0];
	[tilespmem:$0x13030] =	vst v21  }
0x1f4: {  	v60 =	vld.idx.msk [tilespmem:v5+s28+$0x0], $0xffff  }
0x1f5: {  	v61 =	vld [tilespmem:$0x12F40]  }
0x1f6: {  	v62 =	vld.idx.msk [tilespmem:v5+s26+$0x0], $0xffff;
	_ =	sdelay $0x2  }
0x1f7: {  	vm4 =	vgt.s32 v59, v60  }
0x1f8: {  	v63 =	vsel vm4, v60, v59;
	v22 =	vsel vm4, v59, v60  }
0x1f9: {  	vm4 =	veq.f32 v61, v62;
	v22 =	vsel vm0, v63, v22  }
0x1fa: {  	v21 =	vsel vm4, v22, v59  }
0x1fb: {  	v27 =	vld [tilespmem:$0x12F10];
	[tilespmem:$0x13040] =	vst v21  }
0x1fc: {  	v28 =	vld.idx.msk [tilespmem:v6+s29+$0x0], $0xffff  }
0x1fd: {  	v29 =	vld.idx.msk [tilespmem:v6+s26+$0x0], $0xffff;
	_ =	sdelay $0x3  }
0x1fe: {  	vm4 =	vgt.s32 v20, v28  }
0x1ff: {  	vm5 =	veq.f32 v27, v29;
	v30 =	vsel vm4, v28, v20;
	v22 =	vsel vm4, v20, v28  }
0x200: {  	vm4 =	vmand vm5, vm1;
	v21 =	vsel vm0, v22, v30  }
0x201: {  	v20 =	vsel vm4, v21, v20  }
0x202: {  	v31 =	vld [tilespmem:$0x13020];
	[tilespmem:$0x12F90] =	vst v20  }
0x203: {  	v32 =	vld.idx.msk [tilespmem:v7+s29+$0x0], $0xffff  }
0x204: {  	v33 =	vld [tilespmem:$0x12F20]  }
0x205: {  	v34 =	vld.idx.msk [tilespmem:v7+s26+$0x0], $0xffff;
	_ =	sdelay $0x2  }
0x206: {  	vm4 =	vgt.s32 v31, v32  }
0x207: {  	v35 =	vsel vm4, v32, v31;
	v22 =	vsel vm4, v31, v32  }
0x208: {  	vm4 =	veq.f32 v33, v34;
	v22 =	vsel vm0, v22, v35  }
0x209: {  	v21 =	vsel vm4, v22, v31  }
0x20a: {  	v36 =	vld [tilespmem:$0x13030];
	[tilespmem:$0x12FA0] =	vst v21  }
0x20b: {  	v37 =	vld.idx.msk [tilespmem:v8+s29+$0x0], $0xffff  }
0x20c: {  	v38 =	vld [tilespmem:$0x12F30]  }
0x20d: {  	v39 =	vld.idx.msk [tilespmem:v8+s26+$0x0], $0xffff;
	_ =	sdelay $0x2  }
0x20e: {  	vm4 =	vgt.s32 v36, v37  }
0x20f: {  	v40 =	vsel vm4, v37, v36;
	v22 =	vsel vm4, v36, v37  }
0x210: {  	vm4 =	veq.f32 v38, v39;
	v22 =	vsel vm0, v22, v40  }
0x211: {  	v41 =	vld [tilespmem:$0x12F40];
	v21 =	vsel vm4, v22, v36  }
0x212: {  	v42 =	vld [tilespmem:$0x13040];
	[tilespmem:$0x12FB0] =	vst v21  }
0x213: {  	v43 =	vld.idx.msk [tilespmem:v10+s29+$0x0], $0xffff  }
0x214: {  	v44 =	vld.idx.msk [tilespmem:v10+s26+$0x0], $0xffff;
	_ =	sdelay $0x3  }
0x215: {  	vm4 =	vgt.s32 v42, v43  }
0x216: {  	vm5 =	veq.f32 v41, v44;
	v45 =	vsel vm4, v43, v42;
	v23 =	vsel vm4, v42, v43  }
0x217: {  	vm4 =	vmand vm5, vm2;
	v22 =	vsel vm3, v23, v45  }
0x218: {  	v21 =	vsel vm4, v22, v42  }
0x219: {  	[tilespmem:$0x12FC0] =	vst v21  }
0x21a: {  	v21 =	vld.idx.msk [tilespmem:v2+s28+$0x0], $0xffff  }
0x21b: {  	v46 =	vld [tilespmem:$0x12F10]  }
0x21c: {  	v47 =	vld.idx.msk [tilespmem:v2+s26+$0x0], $0xffff;
	_ =	sdelay $0x2  }
0x21d: {  	vm4 =	vgt.s32 v20, v21  }
0x21e: {  	v48 =	vsel vm4, v21, v20;
	v21 =	vsel vm4, v20, v21  }
0x21f: {  	vm4 =	veq.f32 v46, v47;
	v21 =	vsel vm0, v48, v21  }
0x220: {  	v20 =	vsel vm4, v21, v20  }
0x221: {  	v49 =	vld [tilespmem:$0x12FA0];
	[tilespmem:$0x13010] =	vst v20  }
0x222: {  	v50 =	vld.idx.msk [tilespmem:v3+s28+$0x0], $0xffff  }
0x223: {  	v51 =	vld [tilespmem:$0x12F20]  }
0x224: {  	v52 =	vld.idx.msk [tilespmem:v3+s26+$0x0], $0xffff;
	_ =	sdelay $0x2  }
0x225: {  	vm4 =	vgt.s32 v49, v50  }
0x226: {  	v53 =	vsel vm4, v50, v49;
	v22 =	vsel vm4, v49, v50  }
0x227: {  	vm4 =	veq.f32 v51, v52;
	v22 =	vsel vm0, v53, v22  }
0x228: {  	v21 =	vsel vm4, v22, v49  }
0x229: {  	v54 =	vld [tilespmem:$0x12FB0];
	[tilespmem:$0x13020] =	vst v21  }
0x22a: {  	v55 =	vld.idx.msk [tilespmem:v4+s28+$0x0], $0xffff  }
0x22b: {  	v56 =	vld [tilespmem:$0x12F30]  }
0x22c: {  	v57 =	vld.idx.msk [tilespmem:v4+s26+$0x0], $0xffff;
	_ =	sdelay $0x2  }
0x22d: {  	vm4 =	vgt.s32 v54, v55  }
0x22e: {  	v58 =	vsel vm4, v55, v54;
	v22 =	vsel vm4, v54, v55  }
0x22f: {  	vm4 =	veq.f32 v56, v57;
	v22 =	vsel vm0, v58, v22  }
0x230: {  	v21 =	vsel vm4, v22, v54  }
0x231: {  	v59 =	vld [tilespmem:$0x12FC0];
	[tilespmem:$0x13030] =	vst v21  }
0x232: {  	v60 =	vld.idx.msk [tilespmem:v5+s28+$0x0], $0xffff  }
0x233: {  	v61 =	vld [tilespmem:$0x12F40]  }
0x234: {  	v62 =	vld.idx.msk [tilespmem:v5+s26+$0x0], $0xffff;
	_ =	sdelay $0x2  }
0x235: {  	vm4 =	vgt.s32 v59, v60  }
0x236: {  	v63 =	vsel vm4, v60, v59;
	v22 =	vsel vm4, v59, v60  }
0x237: {  	vm4 =	veq.f32 v61, v62;
	v22 =	vsel vm0, v63, v22  }
0x238: {  	s0 =	sshll.u32 s15, $0x6;
	v21 =	vsel vm4, v22, v59  }
0x239: {  	s18 =	sand.u32 $0x3FFFFFC0, s0;
	[tilespmem:$0x13040] =	vst v21  }
0x23a: {  	[tilespmem:s18+$0x10E80] =	vst v20  }
0x23b: {  	v20 =	vld [tilespmem:$0x13020];
	_ =	sdelay $0x4  }
0x23c: {  	[tilespmem:s18+$0x10E90] =	vst v20  }
0x23d: {  	v20 =	vld [tilespmem:$0x13030];
	_ =	sdelay $0x4  }
0x23e: {  	[tilespmem:s18+$0x10EA0] =	vst v20  }
0x23f: {  	p0 =	sgt.s32 s2, $0x3F;
	v20 =	vld [tilespmem:$0x13040]  }
.Ltmp11:
0x240: {  	_ = 	snop;
	(pc) =	sbr.rel @p0 .LBB2_22-.Ltmp11, $2  }
0x241: {  	_ =	sdelay $0x2  }
0x242: {  	[tilespmem:s18+$0x10EB0] =	vst v20  }
0x243: {  	v20 =	vld [tilespmem:$0x10800]  }
0x244: {  	v21 =	vld [tilespmem:$0x10880];
	_ =	sdelay $0x1  }
0x245: {  	v22 =	vld [tilespmem:$0x10900]  }
0x246: {  	v16 =	vbroadcast v16, $0x0;
	v18 =	vbroadcast v18, $0x0  }
0x247: {  	v19 =	vbroadcast v19, $0x0  }
0x248: {  	v20 =	vmul.f32 v20, v16;
	v21 =	vmul.f32 v21, v18  }
0x249: {  	v23 =	vld [tilespmem:$0x10980]  }
0x24a: {  	v55 =	vmul.f32 v22, v19;
	v20 =	vadd.f32 v21, v20;
	_ =	sdelay $0x1  }
0x24b: {  	v17 =	vbroadcast v17, $0x0;
	v20 =	vadd.f32 v55, v20;
	_ =	sdelay $0x1  }
0x24c: {  	v56 =	vadd.f32 v23, v17;
	v20 =	vadd.f32 v20, v20  }
0x24d: {  	v57 =	vld [tilespmem:$0x10A00]  }
0x24e: {  	v20 =	vsub.f32 v56, v20;
	_ =	sdelay $0x1  }
0x24f: {  	v15 =	vbroadcast v15, $0x0;
	v20 =	vmax.f32 v20, $0.0e+00  }
0x250: {  	vm4 =	vle.f32 v20, $4.839999970e-02  }
0x251: {  	vm5 =	vne.s32 v57, v15;
	vm4 =	vmneg vm4  }
0x252: {  	vm4 =	vmor vm5, vm4  }
0x253: {  	v58 =	vsel vm4, $0x1, v12  }
0x254: {  	(xrf0) =	vadd.scan.msk.s32 $0xffff, v58;
	_ =	sdelay $0x5  }
0x255: {  	v20, _, _ =	vpop (xrf0)  }
0x256: {  	v59 =	vadd.s32 $0xFFFFFFFF, v20  }
0x257: {  	vm5 =	vgt.s32 v59, $0x0  }
0x258: {  	v21 =	vnsel vm5, $0x0, v59;
	_ =	sdelay $0x4  }
0x259: {  	[tilespmem:v21+s30+$0x0] =	vst.idx.msk vm4, v1  }
0x25a: {  	v21 =	vld [tilespmem:$0x10810]  }
0x25b: {  	v60 =	vld [tilespmem:$0x10890];
	_ =	sdelay $0x1  }
0x25c: {  	v61 =	vld [tilespmem:$0x10910];
	_ =	sdelay $0x2  }
0x25d: {  	(v2sf) =	vpush v20, $0xF;
	v62 =	vmul.f32 v21, v16;
	v63 =	vmul.f32 v60, v18  }
0x25e: {  	v24 =	vld [tilespmem:$0x10990]  }
0x25f: {  	v25 =	vmul.f32 v61, v19;
	v20 =	vadd.f32 v63, v62;
	_ =	sdelay $0x1  }
0x260: {  	v20 =	vadd.f32 v25, v20;
	_ =	sdelay $0x1  }
0x261: {  	v26 =	vadd.f32 v24, v17;
	v20 =	vadd.f32 v20, v20  }
0x262: {  	v27 =	vld [tilespmem:$0x10A10]  }
0x263: {  	v20 =	vsub.f32 v26, v20;
	_ =	sdelay $0x1  }
0x264: {  	v20 =	vmax.f32 v20, $0.0e+00  }
0x265: {  	vm4 =	vle.f32 v20, $4.839999970e-02  }
0x266: {  	vm5 =	vne.s32 v27, v15;
	vm4 =	vmneg vm4  }
0x267: {  	vm4 =	vmor vm5, vm4  }
0x268: {  	v28 =	vsel vm4, $0x1, v12  }
0x269: {  	s0 =	spop (v2sf);
	(xrf0) =	vadd.scan.msk.s32 $0xffff, v28  }
0x26a: {  	p0 =	slt.s32 s0, $0x80;
	s1 =	smov.u32 s0  }
0x26b: {  	s1 =	simm.s32 @!p0 $0x80  }
0x26c: {  	v29 =	vmov s1  }
0x26d: {  	v20 =	vadd.s32 $0xFFFFFFFF, v29  }
0x26e: {  	v20 =	vbroadcast v20, $0x0  }
0x26f: {  	v30, _, _ =	vpop (xrf0)  }
0x270: {  	v20 =	vadd.s32 v30, v20  }
0x271: {  	vm5 =	vgt.s32 v20, $0x0  }
0x272: {  	v20 =	vnsel vm5, $0x0, v20;
	_ =	sdelay $0x4  }
0x273: {  	[tilespmem:v20+s30+$0x0] =	vst.idx.msk vm4, v11  }
0x274: {  	v20 =	vld [tilespmem:$0x10820]  }
0x275: {  	v31 =	vld [tilespmem:$0x108A0];
	_ =	sdelay $0x1  }
0x276: {  	v32 =	vld [tilespmem:$0x10920];
	_ =	sdelay $0x1  }
0x277: {  	(v2sf) =	vpush v30, $0xF  }
0x278: {  	v20 =	vmul.f32 v20, v16;
	v33 =	vmul.f32 v31, v18  }
0x279: {  	v34 =	vld [tilespmem:$0x109A0]  }
0x27a: {  	v35 =	vmul.f32 v32, v19;
	v20 =	vadd.f32 v33, v20;
	_ =	sdelay $0x1  }
0x27b: {  	v20 =	vadd.f32 v35, v20;
	_ =	sdelay $0x1  }
0x27c: {  	v36 =	vadd.f32 v34, v17;
	v20 =	vadd.f32 v20, v20  }
0x27d: {  	v37 =	vld [tilespmem:$0x10A20]  }
0x27e: {  	v20 =	vsub.f32 v36, v20;
	_ =	sdelay $0x1  }
0x27f: {  	v20 =	vmax.f32 v20, $0.0e+00  }
0x280: {  	vm4 =	vle.f32 v20, $4.839999970e-02  }
0x281: {  	vm5 =	vne.s32 v37, v15;
	vm4 =	vmneg vm4  }
0x282: {  	vm4 =	vmor vm5, vm4  }
0x283: {  	s17 =	spop (v2sf);
	v38 =	vsel vm4, $0x1, v12  }
0x284: {  	s0 =	sadd.s32 s0, s17;
	(xrf0) =	vadd.scan.msk.s32 $0xffff, v38  }
0x285: {  	p0 =	slt.s32 s0, $0x80;
	s1 =	smov.u32 s0  }
0x286: {  	s1 =	simm.s32 @!p0 $0x80  }
0x287: {  	v39 =	vmov s1  }
0x288: {  	v20 =	vadd.s32 $0xFFFFFFFF, v39  }
0x289: {  	v20 =	vbroadcast v20, $0x0  }
0x28a: {  	v40, _, _ =	vpop (xrf0)  }
0x28b: {  	v20 =	vadd.s32 v40, v20  }
0x28c: {  	vm5 =	vgt.s32 v20, $0x0  }
0x28d: {  	v41 =	vnsel vm5, $0x0, v20;
	_ =	sdelay $0x3  }
0x28e: {  	v20 =	vor.u32 $0x20, v1  }
0x28f: {  	[tilespmem:v41+s30+$0x0] =	vst.idx.msk vm4, v20  }
0x290: {  	v22 =	vld [tilespmem:$0x10830]  }
0x291: {  	v42 =	vld [tilespmem:$0x108B0];
	_ =	sdelay $0x1  }
0x292: {  	v24 =	vld [tilespmem:$0x10930];
	_ =	sdelay $0x1  }
0x293: {  	(v2sf) =	vpush v40, $0xF  }
0x294: {  	v43 =	vmul.f32 v22, v16;
	v44 =	vmul.f32 v42, v18  }
0x295: {  	v45 =	vld [tilespmem:$0x109B0]  }
0x296: {  	v46 =	vmul.f32 v24, v19;
	v21 =	vadd.f32 v44, v43;
	_ =	sdelay $0x1  }
0x297: {  	v21 =	vadd.f32 v46, v21;
	_ =	sdelay $0x1  }
0x298: {  	v47 =	vadd.f32 v45, v17;
	v21 =	vadd.f32 v21, v21  }
0x299: {  	v48 =	vld [tilespmem:$0x10A30]  }
0x29a: {  	v21 =	vsub.f32 v47, v21;
	_ =	sdelay $0x1  }
0x29b: {  	v21 =	vmax.f32 v21, $0.0e+00  }
0x29c: {  	vm4 =	vle.f32 v21, $4.839999970e-02  }
0x29d: {  	vm5 =	vne.s32 v48, v15;
	vm4 =	vmneg vm4  }
0x29e: {  	vm4 =	vmor vm5, vm4  }
0x29f: {  	s19 =	spop (v2sf);
	v49 =	vsel vm4, $0x1, v12  }
0x2a0: {  	s0 =	sadd.s32 s0, s19;
	(xrf0) =	vadd.scan.msk.s32 $0xffff, v49  }
0x2a1: {  	p0 =	slt.s32 s0, $0x80;
	s1 =	smov.u32 s0  }
0x2a2: {  	s1 =	simm.s32 @!p0 $0x80  }
0x2a3: {  	v50 =	vmov s1  }
0x2a4: {  	v21 =	vadd.s32 $0xFFFFFFFF, v50  }
0x2a5: {  	v21 =	vbroadcast v21, $0x0  }
0x2a6: {  	v51, _, _ =	vpop (xrf0)  }
0x2a7: {  	v21 =	vadd.s32 v51, v21  }
0x2a8: {  	vm5 =	vgt.s32 v21, $0x0  }
0x2a9: {  	v52 =	vnsel vm5, $0x0, v21;
	_ =	sdelay $0x3  }
0x2aa: {  	v21 =	vor.u32 $0x30, v1  }
0x2ab: {  	[tilespmem:v52+s30+$0x0] =	vst.idx.msk vm4, v21  }
0x2ac: {  	v23 =	vld [tilespmem:$0x10840]  }
0x2ad: {  	v53 =	vld [tilespmem:$0x108C0];
	_ =	sdelay $0x1  }
0x2ae: {  	v25 =	vld [tilespmem:$0x10940];
	_ =	sdelay $0x1  }
0x2af: {  	(v2sf) =	vpush v51, $0xF  }
0x2b0: {  	v54 =	vmul.f32 v23, v16;
	v55 =	vmul.f32 v53, v18  }
0x2b1: {  	v56 =	vld [tilespmem:$0x109C0]  }
0x2b2: {  	v57 =	vmul.f32 v25, v19;
	v22 =	vadd.f32 v55, v54;
	_ =	sdelay $0x1  }
0x2b3: {  	v22 =	vadd.f32 v57, v22;
	_ =	sdelay $0x1  }
0x2b4: {  	v58 =	vadd.f32 v56, v17;
	v22 =	vadd.f32 v22, v22  }
0x2b5: {  	v59 =	vld [tilespmem:$0x10A40]  }
0x2b6: {  	v22 =	vsub.f32 v58, v22;
	_ =	sdelay $0x1  }
0x2b7: {  	v22 =	vmax.f32 v22, $0.0e+00  }
0x2b8: {  	vm4 =	vle.f32 v22, $4.839999970e-02  }
0x2b9: {  	vm5 =	vne.s32 v59, v15;
	vm4 =	vmneg vm4  }
0x2ba: {  	vm4 =	vmor vm5, vm4  }
0x2bb: {  	s20 =	spop (v2sf);
	v60 =	vsel vm4, $0x1, v12  }
0x2bc: {  	s0 =	sadd.s32 s0, s20;
	(xrf0) =	vadd.scan.msk.s32 $0xffff, v60  }
0x2bd: {  	p0 =	slt.s32 s0, $0x80;
	s1 =	smov.u32 s0  }
0x2be: {  	s1 =	simm.s32 @!p0 $0x80  }
0x2bf: {  	v61 =	vmov s1  }
0x2c0: {  	v22 =	vadd.s32 $0xFFFFFFFF, v61  }
0x2c1: {  	v22 =	vbroadcast v22, $0x0  }
0x2c2: {  	v62, _, _ =	vpop (xrf0)  }
0x2c3: {  	v22 =	vadd.s32 v62, v22  }
0x2c4: {  	vm5 =	vgt.s32 v22, $0x0  }
0x2c5: {  	v22 =	vnsel vm5, $0x0, v22;
	_ =	sdelay $0x3  }
0x2c6: {  	v63 =	vor.u32 $0x40, v1  }
0x2c7: {  	[tilespmem:v22+s30+$0x0] =	vst.idx.msk vm4, v63  }
0x2c8: {  	v22 =	vld [tilespmem:$0x10850]  }
0x2c9: {  	v24 =	vld [tilespmem:$0x108D0];
	_ =	sdelay $0x1  }
0x2ca: {  	v28 =	vld [tilespmem:$0x10950];
	_ =	sdelay $0x1  }
0x2cb: {  	(v2sf) =	vpush v62, $0xF  }
0x2cc: {  	v22 =	vmul.f32 v22, v16;
	v29 =	vmul.f32 v24, v18  }
0x2cd: {  	v30 =	vld [tilespmem:$0x109D0]  }
0x2ce: {  	v31 =	vmul.f32 v28, v19;
	v22 =	vadd.f32 v29, v22;
	_ =	sdelay $0x1  }
0x2cf: {  	v22 =	vadd.f32 v31, v22;
	_ =	sdelay $0x1  }
0x2d0: {  	v32 =	vadd.f32 v30, v17;
	v22 =	vadd.f32 v22, v22  }
0x2d1: {  	v33 =	vld [tilespmem:$0x10A50]  }
0x2d2: {  	v22 =	vsub.f32 v32, v22;
	_ =	sdelay $0x1  }
0x2d3: {  	v22 =	vmax.f32 v22, $0.0e+00  }
0x2d4: {  	vm4 =	vle.f32 v22, $4.839999970e-02  }
0x2d5: {  	vm5 =	vne.s32 v33, v15;
	vm4 =	vmneg vm4  }
0x2d6: {  	vm4 =	vmor vm5, vm4  }
0x2d7: {  	s21 =	spop (v2sf);
	v34 =	vsel vm4, $0x1, v12  }
0x2d8: {  	s0 =	sadd.s32 s0, s21;
	(xrf0) =	vadd.scan.msk.s32 $0xffff, v34  }
0x2d9: {  	p0 =	slt.s32 s0, $0x80;
	s1 =	smov.u32 s0  }
0x2da: {  	s1 =	simm.s32 @!p0 $0x80  }
0x2db: {  	v35 =	vmov s1  }
0x2dc: {  	v22 =	vadd.s32 $0xFFFFFFFF, v35  }
0x2dd: {  	v22 =	vbroadcast v22, $0x0  }
0x2de: {  	v36, _, _ =	vpop (xrf0)  }
0x2df: {  	v22 =	vadd.s32 v36, v22  }
0x2e0: {  	vm5 =	vgt.s32 v22, $0x0  }
0x2e1: {  	v22 =	vnsel vm5, $0x0, v22;
	_ =	sdelay $0x3  }
0x2e2: {  	v37 =	vor.u32 $0x50, v1  }
0x2e3: {  	[tilespmem:v22+s30+$0x0] =	vst.idx.msk vm4, v37  }
0x2e4: {  	v22 =	vld [tilespmem:$0x10860]  }
0x2e5: {  	v24 =	vld [tilespmem:$0x108E0];
	_ =	sdelay $0x1  }
0x2e6: {  	v38 =	vld [tilespmem:$0x10960];
	_ =	sdelay $0x1  }
0x2e7: {  	(v2sf) =	vpush v36, $0xF  }
0x2e8: {  	v22 =	vmul.f32 v22, v16;
	v39 =	vmul.f32 v24, v18  }
0x2e9: {  	v40 =	vld [tilespmem:$0x109E0]  }
0x2ea: {  	v41 =	vmul.f32 v38, v19;
	v22 =	vadd.f32 v39, v22;
	_ =	sdelay $0x1  }
0x2eb: {  	v22 =	vadd.f32 v41, v22;
	_ =	sdelay $0x1  }
0x2ec: {  	v42 =	vadd.f32 v40, v17;
	v22 =	vadd.f32 v22, v22  }
0x2ed: {  	v43 =	vld [tilespmem:$0x10A60]  }
0x2ee: {  	v22 =	vsub.f32 v42, v22;
	_ =	sdelay $0x1  }
0x2ef: {  	v22 =	vmax.f32 v22, $0.0e+00  }
0x2f0: {  	vm4 =	vle.f32 v22, $4.839999970e-02  }
0x2f1: {  	vm5 =	vne.s32 v43, v15;
	vm4 =	vmneg vm4  }
0x2f2: {  	vm4 =	vmor vm5, vm4  }
0x2f3: {  	s22 =	spop (v2sf);
	v44 =	vsel vm4, $0x1, v12  }
0x2f4: {  	s0 =	sadd.s32 s0, s22;
	(xrf0) =	vadd.scan.msk.s32 $0xffff, v44  }
0x2f5: {  	p0 =	slt.s32 s0, $0x80;
	s1 =	smov.u32 s0  }
0x2f6: {  	s1 =	simm.s32 @!p0 $0x80  }
0x2f7: {  	v45 =	vmov s1  }
0x2f8: {  	v22 =	vadd.s32 $0xFFFFFFFF, v45  }
0x2f9: {  	v22 =	vbroadcast v22, $0x0  }
0x2fa: {  	v46, _, _ =	vpop (xrf0)  }
0x2fb: {  	v22 =	vadd.s32 v46, v22  }
0x2fc: {  	vm5 =	vgt.s32 v22, $0x0  }
0x2fd: {  	v22 =	vnsel vm5, $0x0, v22;
	_ =	sdelay $0x3  }
0x2fe: {  	v47 =	vor.u32 $0x60, v1  }
0x2ff: {  	[tilespmem:v22+s30+$0x0] =	vst.idx.msk vm4, v47  }
0x300: {  	v22 =	vld [tilespmem:$0x10870]  }
0x301: {  	v24 =	vld [tilespmem:$0x108F0];
	_ =	sdelay $0x1  }
0x302: {  	v48 =	vld [tilespmem:$0x10970];
	_ =	sdelay $0x1  }
0x303: {  	(v2sf) =	vpush v46, $0xF  }
0x304: {  	v16 =	vmul.f32 v22, v16;
	v18 =	vmul.f32 v24, v18  }
0x305: {  	v49 =	vld [tilespmem:$0x109F0]  }
0x306: {  	v50 =	vmul.f32 v48, v19;
	v16 =	vadd.f32 v18, v16;
	_ =	sdelay $0x1  }
0x307: {  	v16 =	vadd.f32 v50, v16;
	_ =	sdelay $0x1  }
0x308: {  	v17 =	vadd.f32 v49, v17;
	v16 =	vadd.f32 v16, v16  }
0x309: {  	v51 =	vld [tilespmem:$0x10A70]  }
0x30a: {  	v16 =	vsub.f32 v17, v16;
	_ =	sdelay $0x1  }
0x30b: {  	v16 =	vmax.f32 v16, $0.0e+00  }
0x30c: {  	vm4 =	vle.f32 v16, $4.839999970e-02  }
0x30d: {  	vm5 =	vne.s32 v51, v15;
	vm4 =	vmneg vm4  }
0x30e: {  	vm4 =	vmor vm5, vm4  }
0x30f: {  	s23 =	spop (v2sf);
	v15 =	vsel vm4, $0x1, v12  }
0x310: {  	s0 =	sadd.s32 s0, s23;
	(xrf0) =	vadd.scan.msk.s32 $0xffff, v15  }
0x311: {  	p0 =	slt.s32 s0, $0x80  }
0x312: {  	s0 =	simm.s32 @!p0 $0x80  }
0x313: {  	v15 =	vmov s0  }
0x314: {  	v15 =	vadd.s32 $0xFFFFFFFF, v15  }
0x315: {  	v15 =	vbroadcast v15, $0x0  }
0x316: {  	v52, _, _ =	vpop (xrf0)  }
0x317: {  	v53 =	vmov s2;
	v15 =	vadd.s32 v52, v15  }
0x318: {  	v54 =	vsub.s32 v1, v53;
	vm5 =	vgt.s32 v15, $0x0  }
0x319: {  	v15 =	vnsel vm5, $0x0, v15;
	vm5 =	vgt.s32 v54, $0x0  }
0x31a: {  	v17 =	vnsel vm5, $0x0, v54  }
0x31b: {  	v17 =	vmin.u32 v17, $0x7F;
	_ =	sdelay $0x1  }
0x31c: {  	v55 =	vor.u32 $0x70, v1  }
0x31d: {  	[tilespmem:v15+s30+$0x0] =	vst.idx.msk vm4, v55  }
0x31e: {  	v56 =	vsub.s32 v11, v53;
	v15 =	vld [tilespmem:s18+$0x10E80]  }
0x31f: {  	vm4 =	vgt.s32 v56, $0x0;
	v17 =	vld.idx.msk [tilespmem:v17+s30+$0x0], $0xffff  }
0x320: {  	v18 =	vnsel vm4, $0x0, v56  }
0x321: {  	v18 =	vmin.u32 v18, $0x7F  }
0x322: {  	v57 =	vadd.s32 $0x1, v1  }
0x323: {  	vm4 =	vlt.s32 v53, v57  }
0x324: {  	v15 =	vsel vm4, v17, v15  }
0x325: {  	v58 =	vsub.s32 v20, v53;
	[tilespmem:s18+$0x10E80] =	vst v15;
	v15 =	vld [tilespmem:s18+$0x10E90]  }
0x326: {  	vm4 =	vgt.s32 v58, $0x0;
	v18 =	vld.idx.msk [tilespmem:v18+s30+$0x0], $0xffff  }
0x327: {  	v17 =	vnsel vm4, $0x0, v58  }
0x328: {  	v17 =	vmin.u32 v17, $0x7F  }
0x329: {  	v59 =	vadd.s32 $0x11, v1  }
0x32a: {  	vm4 =	vlt.s32 v53, v59  }
0x32b: {  	v15 =	vsel vm4, v18, v15  }
0x32c: {  	v60 =	vsub.s32 v21, v53;
	[tilespmem:s18+$0x10E90] =	vst v15;
	v15 =	vld [tilespmem:s18+$0x10EA0]  }
0x32d: {  	vm4 =	vgt.s32 v60, $0x0;
	v17 =	vld.idx.msk [tilespmem:v17+s30+$0x0], $0xffff  }
0x32e: {  	v18 =	vnsel vm4, $0x0, v60  }
0x32f: {  	v18 =	vmin.u32 v18, $0x7F  }
0x330: {  	v61 =	vadd.s32 $0x21, v1  }
0x331: {  	vm4 =	vlt.s32 v53, v61  }
0x332: {  	v15 =	vsel vm4, v17, v15  }
0x333: {  	[tilespmem:s18+$0x10EA0] =	vst v15;
	v15 =	vld [tilespmem:s18+$0x10EB0]  }
0x334: {  	v62 =	vld.idx.msk [tilespmem:v18+s30+$0x0], $0xffff;
	_ =	sdelay $0x1  }
.Ltmp12:
0x335: {  	_ = 	snop;
	(pc) =	sbr.rel .LBB2_22-.Ltmp12, $4  }
0x336: {  	v63 =	vadd.s32 $0x31, v1  }
0x337: {  	vm4 =	vlt.s32 v53, v63  }
0x338: {  	v15 =	vsel vm4, v62, v15  }
0x339: {  	[tilespmem:s18+$0x10EB0] =	vst v15  }
.LBB2_7:
0x33a: {  	s23 =	smov.u32 s13;
	s17 =	smov.u32 s2  }
.LBB2_11:
0x33b: {  	v28 =	vmul.f32 v28, v21;
	_ =	sdelay $0x1  }
0x33c: {  	v27 =	vmul.f32 v27, v22;
	v28 =	vadd.f32 v28, v29;
	_ =	sdelay $0x1  }
0x33d: {  	v27 =	vadd.f32 v27, v28;
	_ =	sdelay $0x1  }
0x33e: {  	v26 =	vadd.f32 v26, v23;
	v27 =	vadd.f32 v27, v27;
	_ =	sdelay $0x1  }
0x33f: {  	s0 =	sadd.s32 @p2 $0x10, s23;
	v26 =	vsub.f32 v26, v27  }
0x340: {  	s13 =	smov.u32 @p2 s0  }
0x341: {  	v60 =	vor.u32 s13, v1;
	v26 =	vmax.f32 v26, $0.0e+00  }
0x342: {  	vm4 =	vge.s32 v60, v25;
	vm5 =	vle.f32 v26, $4.839999970e-02  }
0x343: {  	vm6 =	vlt.s32 v60, v24;
	vm4 =	vmand vm4, vm5  }
0x344: {  	vm4 =	vmand vm6, vm4  }
0x345: {  	v61 =	vsel vm4, $0x1, v12  }
0x346: {  	(xrf0) =	vadd.scan.msk.s32 $0xffff, v61;
	_ =	sdelay $0x5  }
0x347: {  	s0 =	spop @p2 (v2sf);
	v24, _, _ =	vpop (xrf0)  }
0x348: {  	s0 =	sadd.s32 @p2 s17, s0;
	(v2sf) =	vpush v24, $0xF  }
0x349: {  	s2 =	smov.u32 @p2 s0  }
0x34a: {  	p2 =	slt.s32 s2, $0x3F0;
	s0 =	smov.u32 s2  }
0x34b: {  	s0 =	simm.s32 @!p2 $0x3F0  }
0x34c: {  	v62 =	vmov s0  }
0x34d: {  	v25 =	vadd.s32 $0xFFFFFFFF, v62  }
0x34e: {  	v25 =	vbroadcast v25, $0x0;
	_ =	sdelay $0x1  }
0x34f: {  	v24 =	vadd.s32 v24, v25  }
0x350: {  	vm5 =	vgt.s32 v24, $0x0  }
0x351: {  	v63 =	vcvt.s32.f32 v60;
	v24 =	vnsel vm5, $0x0, v24;
	_ =	sdelay $0x1  }
0x352: {  	v25 =	vmul.f32 $1.000000000e-30, v63  }
0x353: {  	vm5 =	veq.f32 v26, $0.0e+00  }
0x354: {  	v25 =	vsel vm5, v25, v26  }
0x355: {  	[tilespmem:v24+s8+$0x0] =	vst.idx.msk vm4, v25;
	s23 =	spop (v2sf)  }
0x356: {  	[tilespmem:v24+s12+$0x0] =	vst.idx.msk vm4, v60;
	s2 =	sadd.s32 s2, s23  }
.LBB2_4:
0x357: {  	p2 =	seq.s32 s6, s20  }
.Ltmp13:
0x358: {  	_ = 	snop;
	(pc) =	sbr.rel @p2 .LBB2_12-.Ltmp13, $3  }
0x359: {  	_ =	sdelay $0x1  }
0x35a: {  	s14 =	smov.u32 @p1 s6;
	s6 =	smov.u32 @p1 s16;
	s21 =	sadd.s32 $0x2000, s21  }
0x35b: {  	s22 =	sadd.s32 $0xFFFFE000, s22;
	p0 =	por !p0, !p0;
	s16 =	smov.u32 s6  }
.LBB2_5:
0x35c: {  	s0 =	sand.u32 $0x1, s1  }
0x35d: {  	s6 =	smov.u32 s1;
	s1 =	smov.u32 s16;
	p1 =	seq.s32 s0, $0x0  }
0x35e: {  	s1 =	smov.u32 @p1 s14  }
0x35f: {  	p2 =	seq.s32 s1, s6  }
0x360: {  	s1 =	sshll.u32 @!p2 s6, $0xA  }
0x361: {  	s1 =	sand.u32 @!p2 $0x1FFFFC00, s1  }
0x362: {  	s0 =	sshll.u32 s0, $0xD;
	s10 =	simm.s32 @!p2 $0x0;
	s9 =	sadd.s32 @!p2 s3, s1  }
0x363: {  	[tilespmem:s0], [sflag:$0x2] =	stream.linear.gather @!p2 [hbm4b:s9+s10], $0x2000, $0x38;
	[tilespmem:$0x13080] =	vst v63  }
0x364: {  	s9 =	simm.s32 @!p2 $0x2  }
0x365: {  	_ =	swait.ge @!p2 [sflag:s9], $0x2000  }
0x366: {  	[sflag:s9] =	ssyncset.done @!p2 $0x0  }
0x367: {  	s13 =	sor.u32 @!p2 $0x4000, s0;
	s17 =	sadd.s32 @!p2 s4, s1;
	[sflag:s9] =	ssyncadd.s32 @!p2 $0xFFFFE000  }
0x368: {  	[tilespmem:s13], [sflag:$0x2] =	stream.linear.gather @!p2 [hbm4b:s17+s10], $0x2000, $0x38;
	[tilespmem:$0x13080] =	vst v63  }
0x369: {  	_ =	swait.ge @!p2 [sflag:s9], $0x2000  }
0x36a: {  	[sflag:s9] =	ssyncset.done @!p2 $0x0  }
0x36b: {  	s13 =	sor.u32 @!p2 $0x8000, s0;
	s17 =	sadd.s32 @!p2 s5, s1;
	[sflag:s9] =	ssyncadd.s32 @!p2 $0xFFFFE000  }
0x36c: {  	[tilespmem:s13], [sflag:$0x2] =	stream.linear.gather @!p2 [hbm4b:s17+s10], $0x2000, $0x38;
	[tilespmem:$0x13080] =	vst v63  }
0x36d: {  	_ =	swait.ge @!p2 [sflag:s9], $0x2000  }
0x36e: {  	[sflag:s9] =	ssyncset.done @!p2 $0x0  }
0x36f: {  	s0 =	sor.u32 @!p2 $0xC000, s0;
	s1 =	sadd.s32 @!p2 s7, s1;
	[sflag:s9] =	ssyncadd.s32 @!p2 $0xFFFFE000  }
0x370: {  	[tilespmem:s0], [sflag:$0x2] =	stream.linear.gather @!p2 [hbm4b:s1+s10], $0x2000, $0x38;
	[tilespmem:$0x13080] =	vst v63  }
0x371: {  	s10 =	sshll.u32 s6, $0xD;
	s1 =	sadd.s32 $0x1, s6  }
0x372: {  	p3 =	sgt.s32 s18, s10;
	s17 =	sshll.u32 s1, $0xD  }
0x373: {  	s10 =	smov.u32 @p3 s18;
	p3 =	slt.s32 s19, s17  }
0x374: {  	s17 =	smov.u32 @p3 s19;
	s13 =	sand.u32 $0xFFFFFFF0, s10  }
0x375: {  	s0 =	ssub.s32 s17, s13  }
0x376: {  	s0 =	sadd.s32 $0xF, s0  }
0x377: {  	p3 =	sgt.s32 s0, $0x0  }
0x378: {  	p4 =	slt.s32 s0, $0x1;
	s0 =	simm.s32 @!p3 $0x0  }
0x379: {  	s23 =	sand.u32 $0xF, s0  }
0x37a: {  	p6 =	sne.s32 s23, $0x0  }
0x37b: {  	p3 =	por !p4, !p6  }
0x37c: {  	s13 =	simm.s32 $0x1;
	p3 =	por !p3, !p3  }
0x37d: {  	s0 =	sshrl.u32 s0, $0x4;
	s13 =	simm.s32 @!p3 $0x0  }
0x37e: {  	s0 =	ssub.s32 s0, s13  }
0x37f: {  	p3 =	slt.s32 s0, $0x1  }
.Ltmp14:
0x380: {  	_ = 	snop;
	(pc) =	sbr.rel @p3 .LBB2_4-.Ltmp14, $4  }
0x381: {  	_ = 	snop  }
0x382: {  	_ =	swait.ge @!p2 [sflag:s9], $0x2000  }
0x383: {  	[sflag:s9] =	ssyncset.done @!p2 $0x0  }
0x384: {  	[sflag:s9] =	ssyncadd.s32 @!p2 $0xFFFFE000  }
0x385: {  	p2 =	sgt.s32 s18, s21;
	s13 =	smov.u32 s21;
	s9 =	simm.s32 $0x1  }
0x386: {  	s13 =	smov.u32 @p2 s18;
	s9 =	simm.s32 @!p0 $0x0  }
0x387: {  	s23 =	sadd.s32 s22, s13;
	s9 =	sshll.u32 s9, $0xD  }
0x388: {  	s9 =	sadd.s32 s9, s23  }
0x389: {  	s23 =	sand.u32 $0xFFFFFFF0, s9  }
0x38a: {  	p3 =	sgt.s32 s0, $0x1;
	v29 =	vld [tilespmem:s23+$0x0]  }
.Ltmp15:
0x38b: {  	v28 =	vld [tilespmem:s23+$0x4000];
	(pc) =	sbr.rel @!p3 .LBB2_7-.Ltmp15, $3  }
0x38c: {  	_ = 	snop  }
0x38d: {  	v27 =	vld [tilespmem:s23+$0x8000];
	_ =	sdelay $0x1  }
0x38e: {  	v25 =	vmov s10;
	v24 =	vmov s17;
	p2 =	por $0x0, $0x0;
	s13 =	sand.u32 $0xFFFFFFF0, s13;
	v26 =	vld [tilespmem:s23+$0xC000];
	v29 =	vmul.f32 v29, v20  }
0x38f: {  	v28 =	vmul.f32 v28, v21;
	_ =	sdelay $0x1  }
0x390: {  	v27 =	vmul.f32 v27, v22;
	v28 =	vadd.f32 v28, v29;
	_ =	sdelay $0x1  }
0x391: {  	v27 =	vadd.f32 v27, v28;
	_ =	sdelay $0x1  }
0x392: {  	v26 =	vadd.f32 v26, v23;
	v27 =	vadd.f32 v27, v27;
	_ =	sdelay $0x1  }
0x393: {  	v26 =	vsub.f32 v26, v27;
	_ =	sdelay $0x1  }
0x394: {  	v27 =	vor.u32 s13, v1;
	v26 =	vmax.f32 v26, $0.0e+00  }
0x395: {  	vm4 =	vge.s32 v27, v25;
	vm5 =	vle.f32 v26, $4.839999970e-02  }
0x396: {  	vm6 =	vlt.s32 v27, v24;
	vm4 =	vmand vm4, vm5  }
0x397: {  	vm4 =	vmand vm6, vm4  }
0x398: {  	v28 =	vsel vm4, $0x1, v12  }
0x399: {  	(xrf0) =	vadd.scan.msk.s32 $0xffff, v28  }
0x39a: {  	p2 =	slt.s32 s2, $0x3F0;
	s10 =	smov.u32 s2  }
0x39b: {  	s10 =	simm.s32 @!p2 $0x3F0  }
0x39c: {  	v28 =	vmov s10  }
0x39d: {  	v28 =	vadd.s32 $0xFFFFFFFF, v28  }
0x39e: {  	v28 =	vbroadcast v28, $0x0  }
0x39f: {  	v29, _, _ =	vpop (xrf0)  }
0x3a0: {  	v28 =	vadd.s32 v29, v28;
	(v2sf) =	vpush v29, $0xF  }
0x3a1: {  	vm5 =	vgt.s32 v28, $0x0  }
0x3a2: {  	v30 =	vcvt.s32.f32 v27;
	v28 =	vnsel vm5, $0x0, v28;
	_ =	sdelay $0x1  }
0x3a3: {  	v30 =	vmul.f32 $1.000000000e-30, v30  }
0x3a4: {  	vm5 =	veq.f32 v26, $0.0e+00  }
0x3a5: {  	v26 =	vsel vm5, v30, v26  }
0x3a6: {  	s9 =	sadd.s32 $0x10, s9;
	[tilespmem:v28+s8+$0x0] =	vst.idx.msk vm4, v26  }
0x3a7: {  	s17 =	sand.u32 $0xFFFFFFF0, s9;
	[tilespmem:v28+s12+$0x0] =	vst.idx.msk vm4, v27  }
0x3a8: {  	p3 =	sgt.s32 s0, $0x2;
	v30 =	vld [tilespmem:s17+$0x0]  }
.Ltmp16:
0x3a9: {  	v28 =	vld [tilespmem:s17+$0x4000];
	(pc) =	sbr.rel @!p3 .LBB2_9-.Ltmp16, $3  }
0x3aa: {  	v27 =	vld [tilespmem:s17+$0x8000];
	_ =	sdelay $0x1  }
0x3ab: {  	s23 =	smov.u32 s13  }
0x3ac: {  	p2 =	por $0x1, $0x1;
	s10 =	simm.s32 $0x2;
	v26 =	vld [tilespmem:s17+$0xC000];
	s17 =	smov.u32 s2;
	v29 =	vmul.f32 v30, v20  }
.LBB2_10:
0x3ad: {  	s10 =	sadd.s32 $0x1, s10;
	v28 =	vmul.f32 v28, v21;
	s23 =	sadd.s32 $0x10, s23;
	s11 =	spop (v2sf)  }
0x3ae: {  	v27 =	vmul.f32 v27, v22;
	p3 =	slt.s32 s10, s0;
	s17 =	sadd.s32 s17, s11  }
0x3af: {  	v28 =	vadd.f32 v28, v29;
	p4 =	slt.s32 s17, $0x3F0;
	s11 =	smov.u32 s17  }
0x3b0: {  	s11 =	simm.s32 @!p4 $0x3F0  }
0x3b1: {  	v27 =	vadd.f32 v27, v28;
	v28 =	vmov s11  }
0x3b2: {  	v26 =	vadd.f32 v26, v23;
	v28 =	vadd.s32 $0xFFFFFFFF, v28  }
0x3b3: {  	v27 =	vadd.f32 v27, v27  }
0x3b4: {  	v29 =	vor.u32 s23, v1  }
0x3b5: {  	v26 =	vsub.f32 v26, v27;
	v27 =	vcvt.s32.f32 v29;
	_ =	sdelay $0x1  }
0x3b6: {  	vm4 =	vge.s32 v29, v25;
	v26 =	vmax.f32 v26, $0.0e+00;
	v27 =	vmul.f32 $1.000000000e-30, v27  }
0x3b7: {  	vm6 =	vlt.s32 v29, v24;
	vm5 =	vle.f32 v26, $4.839999970e-02;
	vm7 =	veq.f32 v26, $0.0e+00  }
0x3b8: {  	vm4 =	vmand vm4, vm5;
	v26 =	vsel vm7, v27, v26  }
0x3b9: {  	vm4 =	vmand vm6, vm4  }
0x3ba: {  	v27 =	vsel vm4, $0x1, v12  }
0x3bb: {  	(xrf0) =	vadd.scan.msk.s32 $0xffff, v27;
	_ =	sdelay $0x4  }
0x3bc: {  	v27 =	vbroadcast v28, $0x0  }
0x3bd: {  	v28, _, _ =	vpop (xrf0)  }
0x3be: {  	v27 =	vadd.s32 v28, v27;
	(v2sf) =	vpush v28, $0xF  }
0x3bf: {  	vm5 =	vgt.s32 v27, $0x0  }
0x3c0: {  	v27 =	vnsel vm5, $0x0, v27;
	_ =	sdelay $0x4  }
0x3c1: {  	s9 =	sadd.s32 $0x10, s9;
	[tilespmem:v27+s8+$0x0] =	vst.idx.msk vm4, v26  }
0x3c2: {  	s11 =	sand.u32 $0xFFFFFFF0, s9;
	[tilespmem:v27+s12+$0x0] =	vst.idx.msk vm4, v29  }
0x3c3: {  	v29 =	vld [tilespmem:s11+$0x0]  }
.Ltmp17:
0x3c4: {  	v28 =	vld [tilespmem:s11+$0x4000];
	(pc) =	sbr.rel @p3 .LBB2_10-.Ltmp17, $3  }
0x3c5: {  	v27 =	vld [tilespmem:s11+$0x8000]  }
0x3c6: {  	v26 =	vld [tilespmem:s11+$0xC000];
	_ =	sdelay $0x1  }
0x3c7: {  	v29 =	vmul.f32 v29, v20  }
.Ltmp18:
0x3c8: {  	_ = 	snop;
	(pc) =	sbr.rel .LBB2_11-.Ltmp18, $1  }
0x3c9: {  	_ =	sdelay $0x3  }
.LBB2_9:
.Ltmp19:
0x3ca: {  	(pc) =	sbr.rel .LBB2_11-.Ltmp19, $2  }
0x3cb: {  	_ =	sdelay $0x2  }
0x3cc: {  	s23 =	smov.u32 s13;
	s17 =	smov.u32 s2  }
.LBB2_15:
.Ltmp20:
0x3cd: {  	(pc) =	sbr.rel .LBB2_19-.Ltmp20, $3  }
0x3ce: {  	_ =	sdelay $0x1  }
0x3cf: {  	v28 =	vimm.f32 $+Inf;
	v32 =	vimm.f32 $+Inf;
	v25 =	vimm.s32 $0x0  }
0x3d0: {  	v30 =	vimm.s32 $0x0;
	v29 =	vimm.s32 $0x0;
	v33 =	vimm.f32 $+Inf  }
.LBB2_17:
.Ltmp21:
0x3d1: {  	(pc) =	sbr.rel .LBB2_19-.Ltmp21, $3  }
0x3d2: {  	_ =	sdelay $0x1  }
0x3d3: {  	v28 =	vimm.f32 $+Inf;
	v32 =	vimm.f32 $+Inf;
	v25 =	vimm.s32 $0x0  }
0x3d4: {  	v30 =	vimm.s32 $0x0;
	v29 =	vimm.s32 $0x0;
	v33 =	vimm.f32 $+Inf  }
.LBB2_24:
0x3d5: {  	_ =	sfence.sel $0x180000  }
0x3d6: {  	[bflag:$0x0] =	sbarrier.arrive $0xFFFF  }
0x3d7: {  	_ =	strace $0x90000047  }
0x3d8: {  	s0 =	stileid.u32;
	[bflag:$0x2] =	sbarrier.arrive $0xFFFF  }
0x3d9: {  	p0 =	sne.s32 s0, $0x0;
	s0 =	rddreg [dreg:$0x7]  }
0x3da: {  	s0 =	sadd.s32 @!p0 $0x100000, s0  }
0x3db: {  	[sflag:s0] =	ssyncadd.tile.s32 @!p0 $0x1;
	_ =	shalt  }
.Lfunc_end2:
_tile_overlayer_lowered:
.L_overlay_start_2:
0x3dc: {  	(tag) =	ssettag $0x2  }
0x3dd: {  	s0 =	rddreg [dreg:$0x0];
	s2 =	stileid.u32  }
0x3de: {  	s1 =	rddreg [dreg:$0x1];
	p0 =	sne.s32 s2, $0x0  }
0x3df: {  	s3 =	rddreg [dreg:$0x2];
	[bflag:$0x3] =	sbarrier.arrive $0xFFFF;
	s2 =	simm.s32 @!p0 $0x1C02  }
0x3e0: {  	[timem:s3], [sflag:s2] =	dma.local @!p0 [hbm:s0], s1  }
0x3e1: {  	s0 =	simm.s32 @!p0 $0x2  }
0x3e2: {  	_ =	swait.ge @!p0 [sflag:s0], s1  }
0x3e3: {  	s1 =	ssub.s32 @!p0 $0x0, s1;
	[sflag:s0] =	ssyncset.done @!p0 $0x0  }
0x3e4: {  	[sflag:s0] =	ssyncadd.s32 @!p0 s1  }
0x3e5: {  	[bflag:$0x3] =	sbarrier.arrive $0xFFFF  }
0x3e6: {  	_ =	shalt  }

</sc_bundles>
